<compile_context>
chip_gen: v7x
topology: tpu7x:2x2x1
jax: 0.10.2.dev20260603
libtpu: 0.0.44.dev20260713+nightly
codegen_flags: <defaults>
</compile_context>

<pallas_src>
import jax
import jax.numpy as jnp
from jax import lax
from jax.experimental import pallas as pl
from jax.experimental.pallas import tpu as pltpu
from jax.experimental.pallas import tpu_sc as plsc

NUM_BILLS = 1000000
NUM_LEGS = 100000
BILL_STRIDE = 1007616
LEG_STRIDE = 102400
BILL_BLK = BILL_STRIDE // 3
LEG_BLK = LEG_STRIDE // 1

BATCH = 16384
LATENT_DIM = 16
ROWS = LATENT_DIM + 1
NUM_WORKERS = 32
PAIRS_PER_WORKER = BATCH // NUM_WORKERS
CHUNK = 128
CHUNKS_PER_WORKER = PAIRS_PER_WORKER // CHUNK
GROUPS = PAIRS_PER_WORKER // 16


def _flatten_body(t_ref, b_ref, out_ref):
    d = pl.program_id(1)

    @pl.when(d < LATENT_DIM)
    def _():
        out_ref[...] = t_ref[d, :]

    @pl.when(d == LATENT_DIM)
    def _():
        out_ref[...] = b_ref[0, :]


BCH = 131072
BCHUNKS = 8
LCH = 102400


def _split_body(t_ref, b_ref, *out_refs):
    for d in range(LATENT_DIM):
        out_refs[d][...] = t_ref[d, :]
    out_refs[LATENT_DIM][...] = b_ref[0, :]


def _columns(table_t, bias_t, ch, chunks):
    return pl.pallas_call(
        _split_body,
        grid=(chunks,),
        in_specs=[
            pl.BlockSpec((LATENT_DIM, ch), lambda j: (0, j)),
            pl.BlockSpec((1, ch), lambda j: (0, j)),
        ],
        out_specs=[pl.BlockSpec((ch,), lambda j: (j,))
                   for _ in range(ROWS)],
        out_shape=[jax.ShapeDtypeStruct((chunks * ch,), jnp.float32)
                   for _ in range(ROWS)],
    )(table_t, bias_t)


def _dim_major_flat(table_t, bias_t, blk, blocks_per_row, stride):
    return pl.pallas_call(
        _flatten_body,
        grid=(blocks_per_row, ROWS),
        compiler_params=pltpu.CompilerParams(
            vmem_limit_bytes=120 * 1024 * 1024),
        in_specs=[
            pl.BlockSpec((LATENT_DIM, blk), lambda j, d: (0, j)),
            pl.BlockSpec((1, blk), lambda j, d: (0, j)),
        ],
        out_specs=pl.BlockSpec(
            (blk,), lambda j, d: (d * blocks_per_row + j,)),
        out_shape=jax.ShapeDtypeStruct((ROWS * stride,), jnp.float32),
    )(table_t, bias_t)


def _sc_body(bids, lids, gb, *rest):
    (lt0, lt1, lt2, lt3, lt4, lt5, lt6, lt7, lt8, lt9, lt10, lt11, lt12,
     lt13, lt14, lt15, lt16,
     bt0, bt1, bt2, bt3, bt4, bt5, bt6, bt7, bt8, bt9, bt10, bt11, bt12,
     bt13, bt14, bt15, bt16, out_hbm,
     bidx, lidx, bcols, lcols, bb_v, lb_v, gb_v,
     out_v, sem, sem2, sem3, sem4) = rest
    lts = (lt0, lt1, lt2, lt3, lt4, lt5, lt6, lt7, lt8, lt9, lt10, lt11,
           lt12, lt13, lt14, lt15, lt16)
    bts = (bt0, bt1, bt2, bt3, bt4, bt5, bt6, bt7, bt8, bt9, bt10, bt11,
           bt12, bt13, bt14, bt15, bt16)
    sems = (sem, sem2, sem3, sem4)
    wid = lax.axis_index("s") * 2 + lax.axis_index("c")
    base = wid * PAIRS_PER_WORKER

    pltpu.sync_copy(bids.at[pl.ds(base, PAIRS_PER_WORKER)], bidx)
    pltpu.sync_copy(lids.at[pl.ds(base, PAIRS_PER_WORKER)], lidx)
    pltpu.sync_copy(gb, gb_v)

    def fire(d, s):
        copies = []
        for c in range(CHUNKS_PER_WORKER):
            sl = pl.ds(c * CHUNK, CHUNK)
            bdst = bb_v.at[sl] if d == LATENT_DIM else bcols.at[d, sl]
            ldst = lb_v.at[sl] if d == LATENT_DIM else lcols.at[d, sl]
            copies.append(pltpu.async_copy(bts[d].at[bidx.at[sl]], bdst, s))
            copies.append(pltpu.async_copy(lts[d].at[lidx.at[sl]], ldst, s))
        return copies

    inflight = {}
    for d in range(ROWS):
        inflight[d] = fire(d, sems[d % 4])
        if d >= 4:
            for cp in inflight.pop(d - 4):
                cp.wait()
    for d in sorted(inflight):
        for cp in inflight[d]:
            cp.wait()

    gbv = gb_v[...]

    def group(g, _):
        sl = pl.ds(g * 16, 16)
        acc = bcols[0, sl] * lcols[0, sl]
        for d in range(1, LATENT_DIM):
            acc = acc + bcols[d, sl] * lcols[d, sl]
        x = gbv + bb_v[sl] + lb_v[sl] + acc
        out_v[sl] = 1.0 / (1.0 + jnp.exp(-x))
        return 0

    lax.fori_loop(0, GROUPS, group, 0, unroll=False)

    pltpu.sync_copy(out_v, out_hbm.at[pl.ds(base, PAIRS_PER_WORKER)])


@jax.jit
def _predict(bids, lids, gb, leg_bias_t, bill_bias_t, leg_emb_t, bill_emb_t):
    leg_cols = _columns(leg_emb_t, leg_bias_t, LCH, 1)
    bill_cols = _columns(bill_emb_t, bill_bias_t, BCH, BCHUNKS)

    mesh = plsc.VectorSubcoreMesh(core_axis_name="c", subcore_axis_name="s")
    k = pl.kernel(
        _sc_body,
        out_type=jax.ShapeDtypeStruct((BATCH,), jnp.float32),
        mesh=mesh,
        compiler_params=pltpu.CompilerParams(needs_layout_passes=False,
                                             use_tc_tiling_on_sc=False),
        scratch_types=[
            pltpu.VMEM((PAIRS_PER_WORKER,), jnp.int32),
            pltpu.VMEM((PAIRS_PER_WORKER,), jnp.int32),
            pltpu.VMEM((LATENT_DIM, PAIRS_PER_WORKER), jnp.float32),
            pltpu.VMEM((LATENT_DIM, PAIRS_PER_WORKER), jnp.float32),
            pltpu.VMEM((PAIRS_PER_WORKER,), jnp.float32),
            pltpu.VMEM((PAIRS_PER_WORKER,), jnp.float32),
            pltpu.VMEM((16,), jnp.float32),
            pltpu.VMEM((PAIRS_PER_WORKER,), jnp.float32),
            pltpu.SemaphoreType.DMA,
            pltpu.SemaphoreType.DMA,
            pltpu.SemaphoreType.DMA,
            pltpu.SemaphoreType.DMA,
        ],
    )
    return k(bids, lids, gb, *leg_cols, *bill_cols)


def kernel(bill_ids, legislator_ids, global_bias, legislator_bias, bill_bias,
           legislator_embedding, bill_embedding):
    bids = bill_ids.astype(jnp.int32)
    lids = legislator_ids.astype(jnp.int32)
    gb = jnp.broadcast_to(jnp.reshape(global_bias, (1,)), (16,))
    leg_bias_t = jnp.transpose(legislator_bias)
    bill_bias_t = jnp.transpose(bill_bias)
    leg_emb_t = jnp.transpose(legislator_embedding)
    bill_emb_t = jnp.transpose(bill_embedding)
    return _predict(bids, lids, gb, leg_bias_t, bill_bias_t,
                    leg_emb_t, bill_emb_t)

# --- scband reference (transcript-rebuilt; emitter-appended) ---
"""Pipeline reference for scband-vote-predictor-49065706390305 (READ-ONLY COPY).

The authoritative reference and input builder live on the scoring server;
editing this copy changes nothing except your own understanding.
"""

import jax, jax.numpy as jnp
import numpy as np

NUM_BILLS = 1000000
NUM_LEGISLATORS = 100000
LATENT_DIM = 16
BATCH = 16384


def setup_inputs(seed: int = 0) -> dict:
    key = jax.random.key(seed)
    k1, k2, k3, k4, k5, k6 = jax.random.split(key, 6)
    bill_ids = jax.random.randint(k1, (BATCH,), 0, NUM_BILLS, dtype=jnp.int64 if jax.config.read('jax_enable_x64') else jnp.int32)
    legislator_ids = jax.random.randint(k2, (BATCH,), 0, NUM_LEGISLATORS, dtype=jnp.int64 if jax.config.read('jax_enable_x64') else jnp.int32)
    global_bias = jnp.zeros((1,), dtype=jnp.float32)
    legislator_bias = jax.random.normal(k3, (NUM_LEGISLATORS, 1), dtype=jnp.float32) * 0.01
    bill_bias = jax.random.normal(k4, (NUM_BILLS, 1), dtype=jnp.float32) * 0.01
    legislator_embedding = jax.random.normal(k5, (NUM_LEGISLATORS, LATENT_DIM), dtype=jnp.float32) * 0.01
    bill_embedding = jax.random.normal(k6, (NUM_BILLS, LATENT_DIM), dtype=jnp.float32) * 0.01
    return {
        'bill_ids': bill_ids,
        'legislator_ids': legislator_ids,
        'global_bias': global_bias,
        'legislator_bias': legislator_bias,
        'bill_bias': bill_bias,
        'legislator_embedding': legislator_embedding,
        'bill_embedding': bill_embedding,
    }


def reference(bill_ids, legislator_ids, global_bias, legislator_bias, bill_bias, legislator_embedding, bill_embedding):
    leg_b = jnp.take(legislator_bias, legislator_ids, axis=0)[:, 0]
    bill_b = jnp.take(bill_bias, bill_ids, axis=0)[:, 0]
    leg_e = jnp.take(legislator_embedding, legislator_ids, axis=0)
    bill_e = jnp.take(bill_embedding, bill_ids, axis=0)
    interaction = jnp.sum(leg_e * bill_e, axis=1)
    logits = global_bias + leg_b + bill_b + interaction
    return jax.nn.sigmoid(logits)

if __name__ == "__main__":
    import jax
    _d = setup_inputs()
    print(jax.jit(kernel)(*tuple(_d.values())))

</pallas_src>

<mosaic_0001>
#map = affine_map<(d0, d1) -> (0)>
module attributes {stable_mosaic.version = 14 : i64} {
  func.func @_sc_body(%arg0: i32, %arg1: i32, %arg2: memref<16384xi32, #tpu.memory_space<hbm>>, %arg3: memref<16384xi32, #tpu.memory_space<hbm>>, %arg4: memref<16xf32, #tpu.memory_space<hbm>>, %arg5: memref<102400xf32, #tpu.memory_space<hbm>>, %arg6: memref<102400xf32, #tpu.memory_space<hbm>>, %arg7: memref<102400xf32, #tpu.memory_space<hbm>>, %arg8: memref<102400xf32, #tpu.memory_space<hbm>>, %arg9: memref<102400xf32, #tpu.memory_space<hbm>>, %arg10: memref<102400xf32, #tpu.memory_space<hbm>>, %arg11: memref<102400xf32, #tpu.memory_space<hbm>>, %arg12: memref<102400xf32, #tpu.memory_space<hbm>>, %arg13: memref<102400xf32, #tpu.memory_space<hbm>>, %arg14: memref<102400xf32, #tpu.memory_space<hbm>>, %arg15: memref<102400xf32, #tpu.memory_space<hbm>>, %arg16: memref<102400xf32, #tpu.memory_space<hbm>>, %arg17: memref<102400xf32, #tpu.memory_space<hbm>>, %arg18: memref<102400xf32, #tpu.memory_space<hbm>>, %arg19: memref<102400xf32, #tpu.memory_space<hbm>>, %arg20: memref<102400xf32, #tpu.memory_space<hbm>>, %arg21: memref<102400xf32, #tpu.memory_space<hbm>>, %arg22: memref<1048576xf32, #tpu.memory_space<hbm>>, %arg23: memref<1048576xf32, #tpu.memory_space<hbm>>, %arg24: memref<1048576xf32, #tpu.memory_space<hbm>>, %arg25: memref<1048576xf32, #tpu.memory_space<hbm>>, %arg26: memref<1048576xf32, #tpu.memory_space<hbm>>, %arg27: memref<1048576xf32, #tpu.memory_space<hbm>>, %arg28: memref<1048576xf32, #tpu.memory_space<hbm>>, %arg29: memref<1048576xf32, #tpu.memory_space<hbm>>, %arg30: memref<1048576xf32, #tpu.memory_space<hbm>>, %arg31: memref<1048576xf32, #tpu.memory_space<hbm>>, %arg32: memref<1048576xf32, #tpu.memory_space<hbm>>, %arg33: memref<1048576xf32, #tpu.memory_space<hbm>>, %arg34: memref<1048576xf32, #tpu.memory_space<hbm>>, %arg35: memref<1048576xf32, #tpu.memory_space<hbm>>, %arg36: memref<1048576xf32, #tpu.memory_space<hbm>>, %arg37: memref<1048576xf32, #tpu.memory_space<hbm>>, %arg38: memref<1048576xf32, #tpu.memory_space<hbm>>, %arg39: memref<16384xf32, #tpu.memory_space<hbm>>, %arg40: memref<512xi32, #tpu.memory_space<vmem>>, %arg41: memref<512xi32, #tpu.memory_space<vmem>>, %arg42: memref<16x512xf32, #tpu.memory_space<vmem>>, %arg43: memref<16x512xf32, #tpu.memory_space<vmem>>, %arg44: memref<512xf32, #tpu.memory_space<vmem>>, %arg45: memref<512xf32, #tpu.memory_space<vmem>>, %arg46: memref<16xf32, #tpu.memory_space<vmem>>, %arg47: memref<512xf32, #tpu.memory_space<vmem>>, %arg48: memref<!tpu.dma_semaphore, #tpu.memory_space<semaphore_mem>>, %arg49: memref<!tpu.dma_semaphore, #tpu.memory_space<semaphore_mem>>, %arg50: memref<!tpu.dma_semaphore, #tpu.memory_space<semaphore_mem>>, %arg51: memref<!tpu.dma_semaphore, #tpu.memory_space<semaphore_mem>>) attributes {dimension_semantics = [#tpu.dimension_semantics<core_parallel>, #tpu.dimension_semantics<subcore_parallel>], iteration_bounds = array<i64: 2, 16>, scalar_prefetch = 0 : i64, scratch_operands = 12 : i64, tpu.core_type = #tpu.core_type<sc_vector_subcore>, window_params = [{transform_indices = #map}, {transform_indices = #map}, {transform_indices = #map}, {transform_indices = #map}, {transform_indices = #map}, {transform_indices = #map}, {transform_indices = #map}, {transform_indices = #map}, {transform_indices = #map}, {transform_indices = #map}, {transform_indices = #map}, {transform_indices = #map}, {transform_indices = #map}, {transform_indices = #map}, {transform_indices = #map}, {transform_indices = #map}, {transform_indices = #map}, {transform_indices = #map}, {transform_indices = #map}, {transform_indices = #map}, {transform_indices = #map}, {transform_indices = #map}, {transform_indices = #map}, {transform_indices = #map}, {transform_indices = #map}, {transform_indices = #map}, {transform_indices = #map}, {transform_indices = #map}, {transform_indices = #map}, {transform_indices = #map}, {transform_indices = #map}, {transform_indices = #map}, {transform_indices = #map}, {transform_indices = #map}, {transform_indices = #map}, {transform_indices = #map}, {transform_indices = #map}, {transform_indices = #map}]} {
    %mul3A = arith.constant 2 : i32
    %mul3A_0 = arith.muli %arg1, %mul3A : i32
    %add3A = arith.addi %mul3A_0, %arg0 : i32
    %mul3A_1 = arith.constant 512 : i32
    %mul3A_2 = arith.muli %add3A, %mul3A_1 : i32
    "tpu.region"() ({
      %run_scoped3A = tpu.sem_alloc : memref<!tpu.dma_semaphore, #tpu.memory_space<semaphore_mem>>
      %dma_start3A_2152 = tpu.memref_slice %arg2[%mul3A_2] : memref<16384xi32, #tpu.memory_space<hbm>> -> memref<512xi32, #tpu.memory_space<hbm>>
      %dma_start3A_2153 = tpu.memref_slice %arg2[%mul3A_2] : memref<16384xi32, #tpu.memory_space<hbm>> -> memref<512xi32, #tpu.memory_space<hbm>>
      tpu.enqueue_dma source(%dma_start3A_2153 : memref<512xi32, #tpu.memory_space<hbm>>) target(%arg40 : memref<512xi32, #tpu.memory_space<vmem>>) target_semaphore(%run_scoped3A : memref<!tpu.dma_semaphore, #tpu.memory_space<semaphore_mem>>)
      %dma_wait3A_2154 = tpu.memref_slice %arg2[%mul3A_2] : memref<16384xi32, #tpu.memory_space<hbm>> -> memref<512xi32, #tpu.memory_space<hbm>>
      %dma_wait3A_2155 = tpu.memref_slice %arg2[%mul3A_2] : memref<16384xi32, #tpu.memory_space<hbm>> -> memref<512xi32, #tpu.memory_space<hbm>>
      tpu.wait_dma2 semaphore(%run_scoped3A : memref<!tpu.dma_semaphore, #tpu.memory_space<semaphore_mem>>) src(%dma_wait3A_2155 : memref<512xi32, #tpu.memory_space<hbm>>) dst(%arg40 : memref<512xi32, #tpu.memory_space<vmem>>)
      tpu.yield
    }) : () -> ()
    "tpu.region"() ({
      %run_scoped3A = tpu.sem_alloc : memref<!tpu.dma_semaphore, #tpu.memory_space<semaphore_mem>>
      %dma_start3A_2152 = tpu.memref_slice %arg3[%mul3A_2] : memref<16384xi32, #tpu.memory_space<hbm>> -> memref<512xi32, #tpu.memory_space<hbm>>
      %dma_start3A_2153 = tpu.memref_slice %arg3[%mul3A_2] : memref<16384xi32, #tpu.memory_space<hbm>> -> memref<512xi32, #tpu.memory_space<hbm>>
      tpu.enqueue_dma source(%dma_start3A_2153 : memref<512xi32, #tpu.memory_space<hbm>>) target(%arg41 : memref<512xi32, #tpu.memory_space<vmem>>) target_semaphore(%run_scoped3A : memref<!tpu.dma_semaphore, #tpu.memory_space<semaphore_mem>>)
      %dma_wait3A_2154 = tpu.memref_slice %arg3[%mul3A_2] : memref<16384xi32, #tpu.memory_space<hbm>> -> memref<512xi32, #tpu.memory_space<hbm>>
      %dma_wait3A_2155 = tpu.memref_slice %arg3[%mul3A_2] : memref<16384xi32, #tpu.memory_space<hbm>> -> memref<512xi32, #tpu.memory_space<hbm>>
      tpu.wait_dma2 semaphore(%run_scoped3A : memref<!tpu.dma_semaphore, #tpu.memory_space<semaphore_mem>>) src(%dma_wait3A_2155 : memref<512xi32, #tpu.memory_space<hbm>>) dst(%arg41 : memref<512xi32, #tpu.memory_space<vmem>>)
      tpu.yield
    }) : () -> ()
    "tpu.region"() ({
      %run_scoped3A = tpu.sem_alloc : memref<!tpu.dma_semaphore, #tpu.memory_space<semaphore_mem>>
      tpu.enqueue_dma source(%arg4 : memref<16xf32, #tpu.memory_space<hbm>>) target(%arg46 : memref<16xf32, #tpu.memory_space<vmem>>) target_semaphore(%run_scoped3A : memref<!tpu.dma_semaphore, #tpu.memory_space<semaphore_mem>>)
      tpu.wait_dma2 semaphore(%run_scoped3A : memref<!tpu.dma_semaphore, #tpu.memory_space<semaphore_mem>>) src(%arg4 : memref<16xf32, #tpu.memory_space<hbm>>) dst(%arg46 : memref<16xf32, #tpu.memory_space<vmem>>)
      tpu.yield
    }) : () -> ()
    %dma_start3A = arith.constant 0 : i32
    %dma_start3A_3 = arith.constant 0 : i32
    %dma_start3A_4 = tpu.memref_slice %arg42[%dma_start3A, %dma_start3A_3] : memref<16x512xf32, #tpu.memory_space<vmem>> -> memref<1x128xf32, #tpu.memory_space<vmem>>
    %dma_start3A_5 = tpu.memref_squeeze %dma_start3A_4 : memref<1x128xf32, #tpu.memory_space<vmem>> -> memref<128xf32, #tpu.memory_space<vmem>>
    %dma_start3A_6 = arith.constant 0 : i32
    %dma_start3A_7 = tpu.memref_slice %arg40[%dma_start3A_6] : memref<512xi32, #tpu.memory_space<vmem>> -> memref<128xi32, #tpu.memory_space<vmem>>
    %dma_start3A_8 = arith.constant 0 : i32
    %dma_start3A_9 = tpu.memref_slice %arg22[%dma_start3A_8] : memref<1048576xf32, #tpu.memory_space<hbm>> -> memref<1048576xf32, #tpu.memory_space<hbm>>
    tpu.enqueue_indirect_dma source(%dma_start3A_9 : memref<1048576xf32, #tpu.memory_space<hbm>>) target(%dma_start3A_5 : memref<128xf32, #tpu.memory_space<vmem>>) offsets(%dma_start3A_7 : memref<128xi32, #tpu.memory_space<vmem>>) semaphore(%arg48 : memref<!tpu.dma_semaphore, #tpu.memory_space<semaphore_mem>>)
    %dma_start3A_10 = arith.constant 0 : i32
    %dma_start3A_11 = arith.constant 0 : i32
    %dma_start3A_12 = tpu.memref_slice %arg43[%dma_start3A_10, %dma_start3A_11] : memref<16x512xf32, #tpu.memory_space<vmem>> -> memref<1x128xf32, #tpu.memory_space<vmem>>
    %dma_start3A_13 = tpu.memref_squeeze %dma_start3A_12 : memref<1x128xf32, #tpu.memory_space<vmem>> -> memref<128xf32, #tpu.memory_space<vmem>>
    %dma_start3A_14 = arith.constant 0 : i32
    %dma_start3A_15 = tpu.memref_slice %arg41[%dma_start3A_14] : memref<512xi32, #tpu.memory_space<vmem>> -> memref<128xi32, #tpu.memory_space<vmem>>
    %dma_start3A_16 = arith.constant 0 : i32
    %dma_start3A_17 = tpu.memref_slice %arg5[%dma_start3A_16] : memref<102400xf32, #tpu.memory_space<hbm>> -> memref<102400xf32, #tpu.memory_space<hbm>>
    tpu.enqueue_indirect_dma source(%dma_start3A_17 : memref<102400xf32, #tpu.memory_space<hbm>>) target(%dma_start3A_13 : memref<128xf32, #tpu.memory_space<vmem>>) offsets(%dma_start3A_15 : memref<128xi32, #tpu.memory_space<vmem>>) semaphore(%arg48 : memref<!tpu.dma_semaphore, #tpu.memory_space<semaphore_mem>>)
    %dma_start3A_18 = arith.constant 0 : i32
    %dma_start3A_19 = arith.constant 128 : i32
    %dma_start3A_20 = tpu.memref_slice %arg42[%dma_start3A_18, %dma_start3A_19] : memref<16x512xf32, #tpu.memory_space<vmem>> -> memref<1x128xf32, #tpu.memory_space<vmem>>
    %dma_start3A_21 = tpu.memref_squeeze %dma_start3A_20 : memref<1x128xf32, #tpu.memory_space<vmem>> -> memref<128xf32, #tpu.memory_space<vmem>>
    %dma_start3A_22 = arith.constant 128 : i32
    %dma_start3A_23 = tpu.memref_slice %arg40[%dma_start3A_22] : memref<512xi32, #tpu.memory_space<vmem>> -> memref<128xi32, #tpu.memory_space<vmem>>
    %dma_start3A_24 = arith.constant 0 : i32
    %dma_start3A_25 = tpu.memref_slice %arg22[%dma_start3A_24] : memref<1048576xf32, #tpu.memory_space<hbm>> -> memref<1048576xf32, #tpu.memory_space<hbm>>
    tpu.enqueue_indirect_dma source(%dma_start3A_25 : memref<1048576xf32, #tpu.memory_space<hbm>>) target(%dma_start3A_21 : memref<128xf32, #tpu.memory_space<vmem>>) offsets(%dma_start3A_23 : memref<128xi32, #tpu.memory_space<vmem>>) semaphore(%arg48 : memref<!tpu.dma_semaphore, #tpu.memory_space<semaphore_mem>>)
    %dma_start3A_26 = arith.constant 0 : i32
    %dma_start3A_27 = arith.constant 128 : i32
    %dma_start3A_28 = tpu.memref_slice %arg43[%dma_start3A_26, %dma_start3A_27] : memref<16x512xf32, #tpu.memory_space<vmem>> -> memref<1x128xf32, #tpu.memory_space<vmem>>
    %dma_start3A_29 = tpu.memref_squeeze %dma_start3A_28 : memref<1x128xf32, #tpu.memory_space<vmem>> -> memref<128xf32, #tpu.memory_space<vmem>>
    %dma_start3A_30 = arith.constant 128 : i32
    %dma_start3A_31 = tpu.memref_slice %arg41[%dma_start3A_30] : memref<512xi32, #tpu.memory_space<vmem>> -> memref<128xi32, #tpu.memory_space<vmem>>
    %dma_start3A_32 = arith.constant 0 : i32
    %dma_start3A_33 = tpu.memref_slice %arg5[%dma_start3A_32] : memref<102400xf32, #tpu.memory_space<hbm>> -> memref<102400xf32, #tpu.memory_space<hbm>>
    tpu.enqueue_indirect_dma source(%dma_start3A_33 : memref<102400xf32, #tpu.memory_space<hbm>>) target(%dma_start3A_29 : memref<128xf32, #tpu.memory_space<vmem>>) offsets(%dma_start3A_31 : memref<128xi32, #tpu.memory_space<vmem>>) semaphore(%arg48 : memref<!tpu.dma_semaphore, #tpu.memory_space<semaphore_mem>>)
    %dma_start3A_34 = arith.constant 0 : i32
    %dma_start3A_35 = arith.constant 256 : i32
    %dma_start3A_36 = tpu.memref_slice %arg42[%dma_start3A_34, %dma_start3A_35] : memref<16x512xf32, #tpu.memory_space<vmem>> -> memref<1x128xf32, #tpu.memory_space<vmem>>
    %dma_start3A_37 = tpu.memref_squeeze %dma_start3A_36 : memref<1x128xf32, #tpu.memory_space<vmem>> -> memref<128xf32, #tpu.memory_space<vmem>>
    %dma_start3A_38 = arith.constant 256 : i32
    %dma_start3A_39 = tpu.memref_slice %arg40[%dma_start3A_38] : memref<512xi32, #tpu.memory_space<vmem>> -> memref<128xi32, #tpu.memory_space<vmem>>
    %dma_start3A_40 = arith.constant 0 : i32
    %dma_start3A_41 = tpu.memref_slice %arg22[%dma_start3A_40] : memref<1048576xf32, #tpu.memory_space<hbm>> -> memref<1048576xf32, #tpu.memory_space<hbm>>
    tpu.enqueue_indirect_dma source(%dma_start3A_41 : memref<1048576xf32, #tpu.memory_space<hbm>>) target(%dma_start3A_37 : memref<128xf32, #tpu.memory_space<vmem>>) offsets(%dma_start3A_39 : memref<128xi32, #tpu.memory_space<vmem>>) semaphore(%arg48 : memref<!tpu.dma_semaphore, #tpu.memory_space<semaphore_mem>>)
    %dma_start3A_42 = arith.constant 0 : i32
    %dma_start3A_43 = arith.constant 256 : i32
    %dma_start3A_44 = tpu.memref_slice %arg43[%dma_start3A_42, %dma_start3A_43] : memref<16x512xf32, #tpu.memory_space<vmem>> -> memref<1x128xf32, #tpu.memory_space<vmem>>
    %dma_start3A_45 = tpu.memref_squeeze %dma_start3A_44 : memref<1x128xf32, #tpu.memory_space<vmem>> -> memref<128xf32, #tpu.memory_space<vmem>>
    %dma_start3A_46 = arith.constant 256 : i32
    %dma_start3A_47 = tpu.memref_slice %arg41[%dma_start3A_46] : memref<512xi32, #tpu.memory_space<vmem>> -> memref<128xi32, #tpu.memory_space<vmem>>
    %dma_start3A_48 = arith.constant 0 : i32
    %dma_start3A_49 = tpu.memref_slice %arg5[%dma_start3A_48] : memref<102400xf32, #tpu.memory_space<hbm>> -> memref<102400xf32, #tpu.memory_space<hbm>>
    tpu.enqueue_indirect_dma source(%dma_start3A_49 : memref<102400xf32, #tpu.memory_space<hbm>>) target(%dma_start3A_45 : memref<128xf32, #tpu.memory_space<vmem>>) offsets(%dma_start3A_47 : memref<128xi32, #tpu.memory_space<vmem>>) semaphore(%arg48 : memref<!tpu.dma_semaphore, #tpu.memory_space<semaphore_mem>>)
    %dma_start3A_50 = arith.constant 0 : i32
    %dma_start3A_51 = arith.constant 384 : i32
    %dma_start3A_52 = tpu.memref_slice %arg42[%dma_start3A_50, %dma_start3A_51] : memref<16x512xf32, #tpu.memory_space<vmem>> -> memref<1x128xf32, #tpu.memory_space<vmem>>
    %dma_start3A_53 = tpu.memref_squeeze %dma_start3A_52 : memref<1x128xf32, #tpu.memory_space<vmem>> -> memref<128xf32, #tpu.memory_space<vmem>>
    %dma_start3A_54 = arith.constant 384 : i32
    %dma_start3A_55 = tpu.memref_slice %arg40[%dma_start3A_54] : memref<512xi32, #tpu.memory_space<vmem>> -> memref<128xi32, #tpu.memory_space<vmem>>
    %dma_start3A_56 = arith.constant 0 : i32
    %dma_start3A_57 = tpu.memref_slice %arg22[%dma_start3A_56] : memref<1048576xf32, #tpu.memory_space<hbm>> -> memref<1048576xf32, #tpu.memory_space<hbm>>
    tpu.enqueue_indirect_dma source(%dma_start3A_57 : memref<1048576xf32, #tpu.memory_space<hbm>>) target(%dma_start3A_53 : memref<128xf32, #tpu.memory_space<vmem>>) offsets(%dma_start3A_55 : memref<128xi32, #tpu.memory_space<vmem>>) semaphore(%arg48 : memref<!tpu.dma_semaphore, #tpu.memory_space<semaphore_mem>>)
    %dma_start3A_58 = arith.constant 0 : i32
    %dma_start3A_59 = arith.constant 384 : i32
    %dma_start3A_60 = tpu.memref_slice %arg43[%dma_start3A_58, %dma_start3A_59] : memref<16x512xf32, #tpu.memory_space<vmem>> -> memref<1x128xf32, #tpu.memory_space<vmem>>
    %dma_start3A_61 = tpu.memref_squeeze %dma_start3A_60 : memref<1x128xf32, #tpu.memory_space<vmem>> -> memref<128xf32, #tpu.memory_space<vmem>>
    %dma_start3A_62 = arith.constant 384 : i32
    %dma_start3A_63 = tpu.memref_slice %arg41[%dma_start3A_62] : memref<512xi32, #tpu.memory_space<vmem>> -> memref<128xi32, #tpu.memory_space<vmem>>
    %dma_start3A_64 = arith.constant 0 : i32
    %dma_start3A_65 = tpu.memref_slice %arg5[%dma_start3A_64] : memref<102400xf32, #tpu.memory_space<hbm>> -> memref<102400xf32, #tpu.memory_space<hbm>>
    tpu.enqueue_indirect_dma source(%dma_start3A_65 : memref<102400xf32, #tpu.memory_space<hbm>>) target(%dma_start3A_61 : memref<128xf32, #tpu.memory_space<vmem>>) offsets(%dma_start3A_63 : memref<128xi32, #tpu.memory_space<vmem>>) semaphore(%arg48 : memref<!tpu.dma_semaphore, #tpu.memory_space<semaphore_mem>>)
    %dma_start3A_66 = arith.constant 1 : i32
    %dma_start3A_67 = arith.constant 0 : i32
    %dma_start3A_68 = tpu.memref_slice %arg42[%dma_start3A_66, %dma_start3A_67] : memref<16x512xf32, #tpu.memory_space<vmem>> -> memref<1x128xf32, #tpu.memory_space<vmem>>
    %dma_start3A_69 = tpu.memref_squeeze %dma_start3A_68 : memref<1x128xf32, #tpu.memory_space<vmem>> -> memref<128xf32, #tpu.memory_space<vmem>>
    %dma_start3A_70 = arith.constant 0 : i32
    %dma_start3A_71 = tpu.memref_slice %arg40[%dma_start3A_70] : memref<512xi32, #tpu.memory_space<vmem>> -> memref<128xi32, #tpu.memory_space<vmem>>
    %dma_start3A_72 = arith.constant 0 : i32
    %dma_start3A_73 = tpu.memref_slice %arg23[%dma_start3A_72] : memref<1048576xf32, #tpu.memory_space<hbm>> -> memref<1048576xf32, #tpu.memory_space<hbm>>
    tpu.enqueue_indirect_dma source(%dma_start3A_73 : memref<1048576xf32, #tpu.memory_space<hbm>>) target(%dma_start3A_69 : memref<128xf32, #tpu.memory_space<vmem>>) offsets(%dma_start3A_71 : memref<128xi32, #tpu.memory_space<vmem>>) semaphore(%arg49 : memref<!tpu.dma_semaphore, #tpu.memory_space<semaphore_mem>>)
    %dma_start3A_74 = arith.constant 1 : i32
    %dma_start3A_75 = arith.constant 0 : i32
    %dma_start3A_76 = tpu.memref_slice %arg43[%dma_start3A_74, %dma_start3A_75] : memref<16x512xf32, #tpu.memory_space<vmem>> -> memref<1x128xf32, #tpu.memory_space<vmem>>
    %dma_start3A_77 = tpu.memref_squeeze %dma_start3A_76 : memref<1x128xf32, #tpu.memory_space<vmem>> -> memref<128xf32, #tpu.memory_space<vmem>>
    %dma_start3A_78 = arith.constant 0 : i32
    %dma_start3A_79 = tpu.memref_slice %arg41[%dma_start3A_78] : memref<512xi32, #tpu.memory_space<vmem>> -> memref<128xi32, #tpu.memory_space<vmem>>
    %dma_start3A_80 = arith.constant 0 : i32
    %dma_start3A_81 = tpu.memref_slice %arg6[%dma_start3A_80] : memref<102400xf32, #tpu.memory_space<hbm>> -> memref<102400xf32, #tpu.memory_space<hbm>>
    tpu.enqueue_indirect_dma source(%dma_start3A_81 : memref<102400xf32, #tpu.memory_space<hbm>>) target(%dma_start3A_77 : memref<128xf32, #tpu.memory_space<vmem>>) offsets(%dma_start3A_79 : memref<128xi32, #tpu.memory_space<vmem>>) semaphore(%arg49 : memref<!tpu.dma_semaphore, #tpu.memory_space<semaphore_mem>>)
    %dma_start3A_82 = arith.constant 1 : i32
    %dma_start3A_83 = arith.constant 128 : i32
    %dma_start3A_84 = tpu.memref_slice %arg42[%dma_start3A_82, %dma_start3A_83] : memref<16x512xf32, #tpu.memory_space<vmem>> -> memref<1x128xf32, #tpu.memory_space<vmem>>
    %dma_start3A_85 = tpu.memref_squeeze %dma_start3A_84 : memref<1x128xf32, #tpu.memory_space<vmem>> -> memref<128xf32, #tpu.memory_space<vmem>>
    %dma_start3A_86 = arith.constant 128 : i32
    %dma_start3A_87 = tpu.memref_slice %arg40[%dma_start3A_86] : memref<512xi32, #tpu.memory_space<vmem>> -> memref<128xi32, #tpu.memory_space<vmem>>
    %dma_start3A_88 = arith.constant 0 : i32
    %dma_start3A_89 = tpu.memref_slice %arg23[%dma_start3A_88] : memref<1048576xf32, #tpu.memory_space<hbm>> -> memref<1048576xf32, #tpu.memory_space<hbm>>
    tpu.enqueue_indirect_dma source(%dma_start3A_89 : memref<1048576xf32, #tpu.memory_space<hbm>>) target(%dma_start3A_85 : memref<128xf32, #tpu.memory_space<vmem>>) offsets(%dma_start3A_87 : memref<128xi32, #tpu.memory_space<vmem>>) semaphore(%arg49 : memref<!tpu.dma_semaphore, #tpu.memory_space<semaphore_mem>>)
    %dma_start3A_90 = arith.constant 1 : i32
    %dma_start3A_91 = arith.constant 128 : i32
    %dma_start3A_92 = tpu.memref_slice %arg43[%dma_start3A_90, %dma_start3A_91] : memref<16x512xf32, #tpu.memory_space<vmem>> -> memref<1x128xf32, #tpu.memory_space<vmem>>
    %dma_start3A_93 = tpu.memref_squeeze %dma_start3A_92 : memref<1x128xf32, #tpu.memory_space<vmem>> -> memref<128xf32, #tpu.memory_space<vmem>>
    %dma_start3A_94 = arith.constant 128 : i32
    %dma_start3A_95 = tpu.memref_slice %arg41[%dma_start3A_94] : memref<512xi32, #tpu.memory_space<vmem>> -> memref<128xi32, #tpu.memory_space<vmem>>
    %dma_start3A_96 = arith.constant 0 : i32
    %dma_start3A_97 = tpu.memref_slice %arg6[%dma_start3A_96] : memref<102400xf32, #tpu.memory_space<hbm>> -> memref<102400xf32, #tpu.memory_space<hbm>>
    tpu.enqueue_indirect_dma source(%dma_start3A_97 : memref<102400xf32, #tpu.memory_space<hbm>>) target(%dma_start3A_93 : memref<128xf32, #tpu.memory_space<vmem>>) offsets(%dma_start3A_95 : memref<128xi32, #tpu.memory_space<vmem>>) semaphore(%arg49 : memref<!tpu.dma_semaphore, #tpu.memory_space<semaphore_mem>>)
    %dma_start3A_98 = arith.constant 1 : i32
    %dma_start3A_99 = arith.constant 256 : i32
    %dma_start3A_100 = tpu.memref_slice %arg42[%dma_start3A_98, %dma_start3A_99] : memref<16x512xf32, #tpu.memory_space<vmem>> -> memref<1x128xf32, #tpu.memory_space<vmem>>
    %dma_start3A_101 = tpu.memref_squeeze %dma_start3A_100 : memref<1x128xf32, #tpu.memory_space<vmem>> -> memref<128xf32, #tpu.memory_space<vmem>>
    %dma_start3A_102 = arith.constant 256 : i32
    %dma_start3A_103 = tpu.memref_slice %arg40[%dma_start3A_102] : memref<512xi32, #tpu.memory_space<vmem>> -> memref<128xi32, #tpu.memory_space<vmem>>
    %dma_start3A_104 = arith.constant 0 : i32
    %dma_start3A_105 = tpu.memref_slice %arg23[%dma_start3A_104] : memref<1048576xf32, #tpu.memory_space<hbm>> -> memref<1048576xf32, #tpu.memory_space<hbm>>
    tpu.enqueue_indirect_dma source(%dma_start3A_105 : memref<1048576xf32, #tpu.memory_space<hbm>>) target(%dma_start3A_101 : memref<128xf32, #tpu.memory_space<vmem>>) offsets(%dma_start3A_103 : memref<128xi32, #tpu.memory_space<vmem>>) semaphore(%arg49 : memref<!tpu.dma_semaphore, #tpu.memory_space<semaphore_mem>>)
    %dma_start3A_106 = arith.constant 1 : i32
    %dma_start3A_107 = arith.constant 256 : i32
    %dma_start3A_108 = tpu.memref_slice %arg43[%dma_start3A_106, %dma_start3A_107] : memref<16x512xf32, #tpu.memory_space<vmem>> -> memref<1x128xf32, #tpu.memory_space<vmem>>
    %dma_start3A_109 = tpu.memref_squeeze %dma_start3A_108 : memref<1x128xf32, #tpu.memory_space<vmem>> -> memref<128xf32, #tpu.memory_space<vmem>>
    %dma_start3A_110 = arith.constant 256 : i32
    %dma_start3A_111 = tpu.memref_slice %arg41[%dma_start3A_110] : memref<512xi32, #tpu.memory_space<vmem>> -> memref<128xi32, #tpu.memory_space<vmem>>
    %dma_start3A_112 = arith.constant 0 : i32
    %dma_start3A_113 = tpu.memref_slice %arg6[%dma_start3A_112] : memref<102400xf32, #tpu.memory_space<hbm>> -> memref<102400xf32, #tpu.memory_space<hbm>>
    tpu.enqueue_indirect_dma source(%dma_start3A_113 : memref<102400xf32, #tpu.memory_space<hbm>>) target(%dma_start3A_109 : memref<128xf32, #tpu.memory_space<vmem>>) offsets(%dma_start3A_111 : memref<128xi32, #tpu.memory_space<vmem>>) semaphore(%arg49 : memref<!tpu.dma_semaphore, #tpu.memory_space<semaphore_mem>>)
    %dma_start3A_114 = arith.constant 1 : i32
    %dma_start3A_115 = arith.constant 384 : i32
    %dma_start3A_116 = tpu.memref_slice %arg42[%dma_start3A_114, %dma_start3A_115] : memref<16x512xf32, #tpu.memory_space<vmem>> -> memref<1x128xf32, #tpu.memory_space<vmem>>
    %dma_start3A_117 = tpu.memref_squeeze %dma_start3A_116 : memref<1x128xf32, #tpu.memory_space<vmem>> -> memref<128xf32, #tpu.memory_space<vmem>>
    %dma_start3A_118 = arith.constant 384 : i32
    %dma_start3A_119 = tpu.memref_slice %arg40[%dma_start3A_118] : memref<512xi32, #tpu.memory_space<vmem>> -> memref<128xi32, #tpu.memory_space<vmem>>
    %dma_start3A_120 = arith.constant 0 : i32
    %dma_start3A_121 = tpu.memref_slice %arg23[%dma_start3A_120] : memref<1048576xf32, #tpu.memory_space<hbm>> -> memref<1048576xf32, #tpu.memory_space<hbm>>
    tpu.enqueue_indirect_dma source(%dma_start3A_121 : memref<1048576xf32, #tpu.memory_space<hbm>>) target(%dma_start3A_117 : memref<128xf32, #tpu.memory_space<vmem>>) offsets(%dma_start3A_119 : memref<128xi32, #tpu.memory_space<vmem>>) semaphore(%arg49 : memref<!tpu.dma_semaphore, #tpu.memory_space<semaphore_mem>>)
    %dma_start3A_122 = arith.constant 1 : i32
    %dma_start3A_123 = arith.constant 384 : i32
    %dma_start3A_124 = tpu.memref_slice %arg43[%dma_start3A_122, %dma_start3A_123] : memref<16x512xf32, #tpu.memory_space<vmem>> -> memref<1x128xf32, #tpu.memory_space<vmem>>
    %dma_start3A_125 = tpu.memref_squeeze %dma_start3A_124 : memref<1x128xf32, #tpu.memory_space<vmem>> -> memref<128xf32, #tpu.memory_space<vmem>>
    %dma_start3A_126 = arith.constant 384 : i32
    %dma_start3A_127 = tpu.memref_slice %arg41[%dma_start3A_126] : memref<512xi32, #tpu.memory_space<vmem>> -> memref<128xi32, #tpu.memory_space<vmem>>
    %dma_start3A_128 = arith.constant 0 : i32
    %dma_start3A_129 = tpu.memref_slice %arg6[%dma_start3A_128] : memref<102400xf32, #tpu.memory_space<hbm>> -> memref<102400xf32, #tpu.memory_space<hbm>>
    tpu.enqueue_indirect_dma source(%dma_start3A_129 : memref<102400xf32, #tpu.memory_space<hbm>>) target(%dma_start3A_125 : memref<128xf32, #tpu.memory_space<vmem>>) offsets(%dma_start3A_127 : memref<128xi32, #tpu.memory_space<vmem>>) semaphore(%arg49 : memref<!tpu.dma_semaphore, #tpu.memory_space<semaphore_mem>>)
    %dma_start3A_130 = arith.constant 2 : i32
    %dma_start3A_131 = arith.constant 0 : i32
    %dma_start3A_132 = tpu.memref_slice %arg42[%dma_start3A_130, %dma_start3A_131] : memref<16x512xf32, #tpu.memory_space<vmem>> -> memref<1x128xf32, #tpu.memory_space<vmem>>
    %dma_start3A_133 = tpu.memref_squeeze %dma_start3A_132 : memref<1x128xf32, #tpu.memory_space<vmem>> -> memref<128xf32, #tpu.memory_space<vmem>>
    %dma_start3A_134 = arith.constant 0 : i32
    %dma_start3A_135 = tpu.memref_slice %arg40[%dma_start3A_134] : memref<512xi32, #tpu.memory_space<vmem>> -> memref<128xi32, #tpu.memory_space<vmem>>
    %dma_start3A_136 = arith.constant 0 : i32
    %dma_start3A_137 = tpu.memref_slice %arg24[%dma_start3A_136] : memref<1048576xf32, #tpu.memory_space<hbm>> -> memref<1048576xf32, #tpu.memory_space<hbm>>
    tpu.enqueue_indirect_dma source(%dma_start3A_137 : memref<1048576xf32, #tpu.memory_space<hbm>>) target(%dma_start3A_133 : memref<128xf32, #tpu.memory_space<vmem>>) offsets(%dma_start3A_135 : memref<128xi32, #tpu.memory_space<vmem>>) semaphore(%arg50 : memref<!tpu.dma_semaphore, #tpu.memory_space<semaphore_mem>>)
    %dma_start3A_138 = arith.constant 2 : i32
    %dma_start3A_139 = arith.constant 0 : i32
    %dma_start3A_140 = tpu.memref_slice %arg43[%dma_start3A_138, %dma_start3A_139] : memref<16x512xf32, #tpu.memory_space<vmem>> -> memref<1x128xf32, #tpu.memory_space<vmem>>
    %dma_start3A_141 = tpu.memref_squeeze %dma_start3A_140 : memref<1x128xf32, #tpu.memory_space<vmem>> -> memref<128xf32, #tpu.memory_space<vmem>>
    %dma_start3A_142 = arith.constant 0 : i32
    %dma_start3A_143 = tpu.memref_slice %arg41[%dma_start3A_142] : memref<512xi32, #tpu.memory_space<vmem>> -> memref<128xi32, #tpu.memory_space<vmem>>
    %dma_start3A_144 = arith.constant 0 : i32
    %dma_start3A_145 = tpu.memref_slice %arg7[%dma_start3A_144] : memref<102400xf32, #tpu.memory_space<hbm>> -> memref<102400xf32, #tpu.memory_space<hbm>>
    tpu.enqueue_indirect_dma source(%dma_start3A_145 : memref<102400xf32, #tpu.memory_space<hbm>>) target(%dma_start3A_141 : memref<128xf32, #tpu.memory_space<vmem>>) offsets(%dma_start3A_143 : memref<128xi32, #tpu.memory_space<vmem>>) semaphore(%arg50 : memref<!tpu.dma_semaphore, #tpu.memory_space<semaphore_mem>>)
    %dma_start3A_146 = arith.constant 2 : i32
    %dma_start3A_147 = arith.constant 128 : i32
    %dma_start3A_148 = tpu.memref_slice %arg42[%dma_start3A_146, %dma_start3A_147] : memref<16x512xf32, #tpu.memory_space<vmem>> -> memref<1x128xf32, #tpu.memory_space<vmem>>
    %dma_start3A_149 = tpu.memref_squeeze %dma_start3A_148 : memref<1x128xf32, #tpu.memory_space<vmem>> -> memref<128xf32, #tpu.memory_space<vmem>>
    %dma_start3A_150 = arith.constant 128 : i32
    %dma_start3A_151 = tpu.memref_slice %arg40[%dma_start3A_150] : memref<512xi32, #tpu.memory_space<vmem>> -> memref<128xi32, #tpu.memory_space<vmem>>
    %dma_start3A_152 = arith.constant 0 : i32
    %dma_start3A_153 = tpu.memref_slice %arg24[%dma_start3A_152] : memref<1048576xf32, #tpu.memory_space<hbm>> -> memref<1048576xf32, #tpu.memory_space<hbm>>
    tpu.enqueue_indirect_dma source(%dma_start3A_153 : memref<1048576xf32, #tpu.memory_space<hbm>>) target(%dma_start3A_149 : memref<128xf32, #tpu.memory_space<vmem>>) offsets(%dma_start3A_151 : memref<128xi32, #tpu.memory_space<vmem>>) semaphore(%arg50 : memref<!tpu.dma_semaphore, #tpu.memory_space<semaphore_mem>>)
    %dma_start3A_154 = arith.constant 2 : i32
    %dma_start3A_155 = arith.constant 128 : i32
    %dma_start3A_156 = tpu.memref_slice %arg43[%dma_start3A_154, %dma_start3A_155] : memref<16x512xf32, #tpu.memory_space<vmem>> -> memref<1x128xf32, #tpu.memory_space<vmem>>
    %dma_start3A_157 = tpu.memref_squeeze %dma_start3A_156 : memref<1x128xf32, #tpu.memory_space<vmem>> -> memref<128xf32, #tpu.memory_space<vmem>>
    %dma_start3A_158 = arith.constant 128 : i32
    %dma_start3A_159 = tpu.memref_slice %arg41[%dma_start3A_158] : memref<512xi32, #tpu.memory_space<vmem>> -> memref<128xi32, #tpu.memory_space<vmem>>
    %dma_start3A_160 = arith.constant 0 : i32
    %dma_start3A_161 = tpu.memref_slice %arg7[%dma_start3A_160] : memref<102400xf32, #tpu.memory_space<hbm>> -> memref<102400xf32, #tpu.memory_space<hbm>>
    tpu.enqueue_indirect_dma source(%dma_start3A_161 : memref<102400xf32, #tpu.memory_space<hbm>>) target(%dma_start3A_157 : memref<128xf32, #tpu.memory_space<vmem>>) offsets(%dma_start3A_159 : memref<128xi32, #tpu.memory_space<vmem>>) semaphore(%arg50 : memref<!tpu.dma_semaphore, #tpu.memory_space<semaphore_mem>>)
    %dma_start3A_162 = arith.constant 2 : i32
    %dma_start3A_163 = arith.constant 256 : i32
    %dma_start3A_164 = tpu.memref_slice %arg42[%dma_start3A_162, %dma_start3A_163] : memref<16x512xf32, #tpu.memory_space<vmem>> -> memref<1x128xf32, #tpu.memory_space<vmem>>
    %dma_start3A_165 = tpu.memref_squeeze %dma_start3A_164 : memref<1x128xf32, #tpu.memory_space<vmem>> -> memref<128xf32, #tpu.memory_space<vmem>>
    %dma_start3A_166 = arith.constant 256 : i32
    %dma_start3A_167 = tpu.memref_slice %arg40[%dma_start3A_166] : memref<512xi32, #tpu.memory_space<vmem>> -> memref<128xi32, #tpu.memory_space<vmem>>
    %dma_start3A_168 = arith.constant 0 : i32
    %dma_start3A_169 = tpu.memref_slice %arg24[%dma_start3A_168] : memref<1048576xf32, #tpu.memory_space<hbm>> -> memref<1048576xf32, #tpu.memory_space<hbm>>
    tpu.enqueue_indirect_dma source(%dma_start3A_169 : memref<1048576xf32, #tpu.memory_space<hbm>>) target(%dma_start3A_165 : memref<128xf32, #tpu.memory_space<vmem>>) offsets(%dma_start3A_167 : memref<128xi32, #tpu.memory_space<vmem>>) semaphore(%arg50 : memref<!tpu.dma_semaphore, #tpu.memory_space<semaphore_mem>>)
    %dma_start3A_170 = arith.constant 2 : i32
    %dma_start3A_171 = arith.constant 256 : i32
    %dma_start3A_172 = tpu.memref_slice %arg43[%dma_start3A_170, %dma_start3A_171] : memref<16x512xf32, #tpu.memory_space<vmem>> -> memref<1x128xf32, #tpu.memory_space<vmem>>
    %dma_start3A_173 = tpu.memref_squeeze %dma_start3A_172 : memref<1x128xf32, #tpu.memory_space<vmem>> -> memref<128xf32, #tpu.memory_space<vmem>>
    %dma_start3A_174 = arith.constant 256 : i32
    %dma_start3A_175 = tpu.memref_slice %arg41[%dma_start3A_174] : memref<512xi32, #tpu.memory_space<vmem>> -> memref<128xi32, #tpu.memory_space<vmem>>
    %dma_start3A_176 = arith.constant 0 : i32
    %dma_start3A_177 = tpu.memref_slice %arg7[%dma_start3A_176] : memref<102400xf32, #tpu.memory_space<hbm>> -> memref<102400xf32, #tpu.memory_space<hbm>>
    tpu.enqueue_indirect_dma source(%dma_start3A_177 : memref<102400xf32, #tpu.memory_space<hbm>>) target(%dma_start3A_173 : memref<128xf32, #tpu.memory_space<vmem>>) offsets(%dma_start3A_175 : memref<128xi32, #tpu.memory_space<vmem>>) semaphore(%arg50 : memref<!tpu.dma_semaphore, #tpu.memory_space<semaphore_mem>>)
    %dma_start3A_178 = arith.constant 2 : i32
    %dma_start3A_179 = arith.constant 384 : i32
    %dma_start3A_180 = tpu.memref_slice %arg42[%dma_start3A_178, %dma_start3A_179] : memref<16x512xf32, #tpu.memory_space<vmem>> -> memref<1x128xf32, #tpu.memory_space<vmem>>
    %dma_start3A_181 = tpu.memref_squeeze %dma_start3A_180 : memref<1x128xf32, #tpu.memory_space<vmem>> -> memref<128xf32, #tpu.memory_space<vmem>>
    %dma_start3A_182 = arith.constant 384 : i32
    %dma_start3A_183 = tpu.memref_slice %arg40[%dma_start3A_182] : memref<512xi32, #tpu.memory_space<vmem>> -> memref<128xi32, #tpu.memory_space<vmem>>
    %dma_start3A_184 = arith.constant 0 : i32
    %dma_start3A_185 = tpu.memref_slice %arg24[%dma_start3A_184] : memref<1048576xf32, #tpu.memory_space<hbm>> -> memref<1048576xf32, #tpu.memory_space<hbm>>
    tpu.enqueue_indirect_dma source(%dma_start3A_185 : memref<1048576xf32, #tpu.memory_space<hbm>>) target(%dma_start3A_181 : memref<128xf32, #tpu.memory_space<vmem>>) offsets(%dma_start3A_183 : memref<128xi32, #tpu.memory_space<vmem>>) semaphore(%arg50 : memref<!tpu.dma_semaphore, #tpu.memory_space<semaphore_mem>>)
    %dma_start3A_186 = arith.constant 2 : i32
    %dma_start3A_187 = arith.constant 384 : i32
    %dma_start3A_188 = tpu.memref_slice %arg43[%dma_start3A_186, %dma_start3A_187] : memref<16x512xf32, #tpu.memory_space<vmem>> -> memref<1x128xf32, #tpu.memory_space<vmem>>
    %dma_start3A_189 = tpu.memref_squeeze %dma_start3A_188 : memref<1x128xf32, #tpu.memory_space<vmem>> -> memref<128xf32, #tpu.memory_space<vmem>>
    %dma_start3A_190 = arith.constant 384 : i32
    %dma_start3A_191 = tpu.memref_slice %arg41[%dma_start3A_190] : memref<512xi32, #tpu.memory_space<vmem>> -> memref<128xi32, #tpu.memory_space<vmem>>
    %dma_start3A_192 = arith.constant 0 : i32
    %dma_start3A_193 = tpu.memref_slice %arg7[%dma_start3A_192] : memref<102400xf32, #tpu.memory_space<hbm>> -> memref<102400xf32, #tpu.memory_space<hbm>>
    tpu.enqueue_indirect_dma source(%dma_start3A_193 : memref<102400xf32, #tpu.memory_space<hbm>>) target(%dma_start3A_189 : memref<128xf32, #tpu.memory_space<vmem>>) offsets(%dma_start3A_191 : memref<128xi32, #tpu.memory_space<vmem>>) semaphore(%arg50 : memref<!tpu.dma_semaphore, #tpu.memory_space<semaphore_mem>>)
    %dma_start3A_194 = arith.constant 3 : i32
    %dma_start3A_195 = arith.constant 0 : i32
    %dma_start3A_196 = tpu.memref_slice %arg42[%dma_start3A_194, %dma_start3A_195] : memref<16x512xf32, #tpu.memory_space<vmem>> -> memref<1x128xf32, #tpu.memory_space<vmem>>
    %dma_start3A_197 = tpu.memref_squeeze %dma_start3A_196 : memref<1x128xf32, #tpu.memory_space<vmem>> -> memref<128xf32, #tpu.memory_space<vmem>>
    %dma_start3A_198 = arith.constant 0 : i32
    %dma_start3A_199 = tpu.memref_slice %arg40[%dma_start3A_198] : memref<512xi32, #tpu.memory_space<vmem>> -> memref<128xi32, #tpu.memory_space<vmem>>
    %dma_start3A_200 = arith.constant 0 : i32
    %dma_start3A_201 = tpu.memref_slice %arg25[%dma_start3A_200] : memref<1048576xf32, #tpu.memory_space<hbm>> -> memref<1048576xf32, #tpu.memory_space<hbm>>
    tpu.enqueue_indirect_dma source(%dma_start3A_201 : memref<1048576xf32, #tpu.memory_space<hbm>>) target(%dma_start3A_197 : memref<128xf32, #tpu.memory_space<vmem>>) offsets(%dma_start3A_199 : memref<128xi32, #tpu.memory_space<vmem>>) semaphore(%arg51 : memref<!tpu.dma_semaphore, #tpu.memory_space<semaphore_mem>>)
    %dma_start3A_202 = arith.constant 3 : i32
    %dma_start3A_203 = arith.constant 0 : i32
    %dma_start3A_204 = tpu.memref_slice %arg43[%dma_start3A_202, %dma_start3A_203] : memref<16x512xf32, #tpu.memory_space<vmem>> -> memref<1x128xf32, #tpu.memory_space<vmem>>
    %dma_start3A_205 = tpu.memref_squeeze %dma_start3A_204 : memref<1x128xf32, #tpu.memory_space<vmem>> -> memref<128xf32, #tpu.memory_space<vmem>>
    %dma_start3A_206 = arith.constant 0 : i32
    %dma_start3A_207 = tpu.memref_slice %arg41[%dma_start3A_206] : memref<512xi32, #tpu.memory_space<vmem>> -> memref<128xi32, #tpu.memory_space<vmem>>
    %dma_start3A_208 = arith.constant 0 : i32
    %dma_start3A_209 = tpu.memref_slice %arg8[%dma_start3A_208] : memref<102400xf32, #tpu.memory_space<hbm>> -> memref<102400xf32, #tpu.memory_space<hbm>>
    tpu.enqueue_indirect_dma source(%dma_start3A_209 : memref<102400xf32, #tpu.memory_space<hbm>>) target(%dma_start3A_205 : memref<128xf32, #tpu.memory_space<vmem>>) offsets(%dma_start3A_207 : memref<128xi32, #tpu.memory_space<vmem>>) semaphore(%arg51 : memref<!tpu.dma_semaphore, #tpu.memory_space<semaphore_mem>>)
    %dma_start3A_210 = arith.constant 3 : i32
    %dma_start3A_211 = arith.constant 128 : i32
    %dma_start3A_212 = tpu.memref_slice %arg42[%dma_start3A_210, %dma_start3A_211] : memref<16x512xf32, #tpu.memory_space<vmem>> -> memref<1x128xf32, #tpu.memory_space<vmem>>
    %dma_start3A_213 = tpu.memref_squeeze %dma_start3A_212 : memref<1x128xf32, #tpu.memory_space<vmem>> -> memref<128xf32, #tpu.memory_space<vmem>>
    %dma_start3A_214 = arith.constant 128 : i32
    %dma_start3A_215 = tpu.memref_slice %arg40[%dma_start3A_214] : memref<512xi32, #tpu.memory_space<vmem>> -> memref<128xi32, #tpu.memory_space<vmem>>
    %dma_start3A_216 = arith.constant 0 : i32
    %dma_start3A_217 = tpu.memref_slice %arg25[%dma_start3A_216] : memref<1048576xf32, #tpu.memory_space<hbm>> -> memref<1048576xf32, #tpu.memory_space<hbm>>
    tpu.enqueue_indirect_dma source(%dma_start3A_217 : memref<1048576xf32, #tpu.memory_space<hbm>>) target(%dma_start3A_213 : memref<128xf32, #tpu.memory_space<vmem>>) offsets(%dma_start3A_215 : memref<128xi32, #tpu.memory_space<vmem>>) semaphore(%arg51 : memref<!tpu.dma_semaphore, #tpu.memory_space<semaphore_mem>>)
    %dma_start3A_218 = arith.constant 3 : i32
    %dma_start3A_219 = arith.constant 128 : i32
    %dma_start3A_220 = tpu.memref_slice %arg43[%dma_start3A_218, %dma_start3A_219] : memref<16x512xf32, #tpu.memory_space<vmem>> -> memref<1x128xf32, #tpu.memory_space<vmem>>
    %dma_start3A_221 = tpu.memref_squeeze %dma_start3A_220 : memref<1x128xf32, #tpu.memory_space<vmem>> -> memref<128xf32, #tpu.memory_space<vmem>>
    %dma_start3A_222 = arith.constant 128 : i32
    %dma_start3A_223 = tpu.memref_slice %arg41[%dma_start3A_222] : memref<512xi32, #tpu.memory_space<vmem>> -> memref<128xi32, #tpu.memory_space<vmem>>
    %dma_start3A_224 = arith.constant 0 : i32
    %dma_start3A_225 = tpu.memref_slice %arg8[%dma_start3A_224] : memref<102400xf32, #tpu.memory_space<hbm>> -> memref<102400xf32, #tpu.memory_space<hbm>>
    tpu.enqueue_indirect_dma source(%dma_start3A_225 : memref<102400xf32, #tpu.memory_space<hbm>>) target(%dma_start3A_221 : memref<128xf32, #tpu.memory_space<vmem>>) offsets(%dma_start3A_223 : memref<128xi32, #tpu.memory_space<vmem>>) semaphore(%arg51 : memref<!tpu.dma_semaphore, #tpu.memory_space<semaphore_mem>>)
    %dma_start3A_226 = arith.constant 3 : i32
    %dma_start3A_227 = arith.constant 256 : i32
    %dma_start3A_228 = tpu.memref_slice %arg42[%dma_start3A_226, %dma_start3A_227] : memref<16x512xf32, #tpu.memory_space<vmem>> -> memref<1x128xf32, #tpu.memory_space<vmem>>
    %dma_start3A_229 = tpu.memref_squeeze %dma_start3A_228 : memref<1x128xf32, #tpu.memory_space<vmem>> -> memref<128xf32, #tpu.memory_space<vmem>>
    %dma_start3A_230 = arith.constant 256 : i32
    %dma_start3A_231 = tpu.memref_slice %arg40[%dma_start3A_230] : memref<512xi32, #tpu.memory_space<vmem>> -> memref<128xi32, #tpu.memory_space<vmem>>
    %dma_start3A_232 = arith.constant 0 : i32
    %dma_start3A_233 = tpu.memref_slice %arg25[%dma_start3A_232] : memref<1048576xf32, #tpu.memory_space<hbm>> -> memref<1048576xf32, #tpu.memory_space<hbm>>
    tpu.enqueue_indirect_dma source(%dma_start3A_233 : memref<1048576xf32, #tpu.memory_space<hbm>>) target(%dma_start3A_229 : memref<128xf32, #tpu.memory_space<vmem>>) offsets(%dma_start3A_231 : memref<128xi32, #tpu.memory_space<vmem>>) semaphore(%arg51 : memref<!tpu.dma_semaphore, #tpu.memory_space<semaphore_mem>>)
    %dma_start3A_234 = arith.constant 3 : i32
    %dma_start3A_235 = arith.constant 256 : i32
    %dma_start3A_236 = tpu.memref_slice %arg43[%dma_start3A_234, %dma_start3A_235] : memref<16x512xf32, #tpu.memory_space<vmem>> -> memref<1x128xf32, #tpu.memory_space<vmem>>
    %dma_start3A_237 = tpu.memref_squeeze %dma_start3A_236 : memref<1x128xf32, #tpu.memory_space<vmem>> -> memref<128xf32, #tpu.memory_space<vmem>>
    %dma_start3A_238 = arith.constant 256 : i32
    %dma_start3A_239 = tpu.memref_slice %arg41[%dma_start3A_238] : memref<512xi32, #tpu.memory_space<vmem>> -> memref<128xi32, #tpu.memory_space<vmem>>
    %dma_start3A_240 = arith.constant 0 : i32
    %dma_start3A_241 = tpu.memref_slice %arg8[%dma_start3A_240] : memref<102400xf32, #tpu.memory_space<hbm>> -> memref<102400xf32, #tpu.memory_space<hbm>>
    tpu.enqueue_indirect_dma source(%dma_start3A_241 : memref<102400xf32, #tpu.memory_space<hbm>>) target(%dma_start3A_237 : memref<128xf32, #tpu.memory_space<vmem>>) offsets(%dma_start3A_239 : memref<128xi32, #tpu.memory_space<vmem>>) semaphore(%arg51 : memref<!tpu.dma_semaphore, #tpu.memory_space<semaphore_mem>>)
    %dma_start3A_242 = arith.constant 3 : i32
    %dma_start3A_243 = arith.constant 384 : i32
    %dma_start3A_244 = tpu.memref_slice %arg42[%dma_start3A_242, %dma_start3A_243] : memref<16x512xf32, #tpu.memory_space<vmem>> -> memref<1x128xf32, #tpu.memory_space<vmem>>
    %dma_start3A_245 = tpu.memref_squeeze %dma_start3A_244 : memref<1x128xf32, #tpu.memory_space<vmem>> -> memref<128xf32, #tpu.memory_space<vmem>>
    %dma_start3A_246 = arith.constant 384 : i32
    %dma_start3A_247 = tpu.memref_slice %arg40[%dma_start3A_246] : memref<512xi32, #tpu.memory_space<vmem>> -> memref<128xi32, #tpu.memory_space<vmem>>
    %dma_start3A_248 = arith.constant 0 : i32
    %dma_start3A_249 = tpu.memref_slice %arg25[%dma_start3A_248] : memref<1048576xf32, #tpu.memory_space<hbm>> -> memref<1048576xf32, #tpu.memory_space<hbm>>
    tpu.enqueue_indirect_dma source(%dma_start3A_249 : memref<1048576xf32, #tpu.memory_space<hbm>>) target(%dma_start3A_245 : memref<128xf32, #tpu.memory_space<vmem>>) offsets(%dma_start3A_247 : memref<128xi32, #tpu.memory_space<vmem>>) semaphore(%arg51 : memref<!tpu.dma_semaphore, #tpu.memory_space<semaphore_mem>>)
    %dma_start3A_250 = arith.constant 3 : i32
    %dma_start3A_251 = arith.constant 384 : i32
    %dma_start3A_252 = tpu.memref_slice %arg43[%dma_start3A_250, %dma_start3A_251] : memref<16x512xf32, #tpu.memory_space<vmem>> -> memref<1x128xf32, #tpu.memory_space<vmem>>
    %dma_start3A_253 = tpu.memref_squeeze %dma_start3A_252 : memref<1x128xf32, #tpu.memory_space<vmem>> -> memref<128xf32, #tpu.memory_space<vmem>>
    %dma_start3A_254 = arith.constant 384 : i32
    %dma_start3A_255 = tpu.memref_slice %arg41[%dma_start3A_254] : memref<512xi32, #tpu.memory_space<vmem>> -> memref<128xi32, #tpu.memory_space<vmem>>
    %dma_start3A_256 = arith.constant 0 : i32
    %dma_start3A_257 = tpu.memref_slice %arg8[%dma_start3A_256] : memref<102400xf32, #tpu.memory_space<hbm>> -> memref<102400xf32, #tpu.memory_space<hbm>>
    tpu.enqueue_indirect_dma source(%dma_start3A_257 : memref<102400xf32, #tpu.memory_space<hbm>>) target(%dma_start3A_253 : memref<128xf32, #tpu.memory_space<vmem>>) offsets(%dma_start3A_255 : memref<128xi32, #tpu.memory_space<vmem>>) semaphore(%arg51 : memref<!tpu.dma_semaphore, #tpu.memory_space<semaphore_mem>>)
    %dma_start3A_258 = arith.constant 4 : i32
    %dma_start3A_259 = arith.constant 0 : i32
    %dma_start3A_260 = tpu.memref_slice %arg42[%dma_start3A_258, %dma_start3A_259] : memref<16x512xf32, #tpu.memory_space<vmem>> -> memref<1x128xf32, #tpu.memory_space<vmem>>
    %dma_start3A_261 = tpu.memref_squeeze %dma_start3A_260 : memref<1x128xf32, #tpu.memory_space<vmem>> -> memref<128xf32, #tpu.memory_space<vmem>>
    %dma_start3A_262 = arith.constant 0 : i32
    %dma_start3A_263 = tpu.memref_slice %arg40[%dma_start3A_262] : memref<512xi32, #tpu.memory_space<vmem>> -> memref<128xi32, #tpu.memory_space<vmem>>
    %dma_start3A_264 = arith.constant 0 : i32
    %dma_start3A_265 = tpu.memref_slice %arg26[%dma_start3A_264] : memref<1048576xf32, #tpu.memory_space<hbm>> -> memref<1048576xf32, #tpu.memory_space<hbm>>
    tpu.enqueue_indirect_dma source(%dma_start3A_265 : memref<1048576xf32, #tpu.memory_space<hbm>>) target(%dma_start3A_261 : memref<128xf32, #tpu.memory_space<vmem>>) offsets(%dma_start3A_263 : memref<128xi32, #tpu.memory_space<vmem>>) semaphore(%arg48 : memref<!tpu.dma_semaphore, #tpu.memory_space<semaphore_mem>>)
    %dma_start3A_266 = arith.constant 4 : i32
    %dma_start3A_267 = arith.constant 0 : i32
    %dma_start3A_268 = tpu.memref_slice %arg43[%dma_start3A_266, %dma_start3A_267] : memref<16x512xf32, #tpu.memory_space<vmem>> -> memref<1x128xf32, #tpu.memory_space<vmem>>
    %dma_start3A_269 = tpu.memref_squeeze %dma_start3A_268 : memref<1x128xf32, #tpu.memory_space<vmem>> -> memref<128xf32, #tpu.memory_space<vmem>>
    %dma_start3A_270 = arith.constant 0 : i32
    %dma_start3A_271 = tpu.memref_slice %arg41[%dma_start3A_270] : memref<512xi32, #tpu.memory_space<vmem>> -> memref<128xi32, #tpu.memory_space<vmem>>
    %dma_start3A_272 = arith.constant 0 : i32
    %dma_start3A_273 = tpu.memref_slice %arg9[%dma_start3A_272] : memref<102400xf32, #tpu.memory_space<hbm>> -> memref<102400xf32, #tpu.memory_space<hbm>>
    tpu.enqueue_indirect_dma source(%dma_start3A_273 : memref<102400xf32, #tpu.memory_space<hbm>>) target(%dma_start3A_269 : memref<128xf32, #tpu.memory_space<vmem>>) offsets(%dma_start3A_271 : memref<128xi32, #tpu.memory_space<vmem>>) semaphore(%arg48 : memref<!tpu.dma_semaphore, #tpu.memory_space<semaphore_mem>>)
    %dma_start3A_274 = arith.constant 4 : i32
    %dma_start3A_275 = arith.constant 128 : i32
    %dma_start3A_276 = tpu.memref_slice %arg42[%dma_start3A_274, %dma_start3A_275] : memref<16x512xf32, #tpu.memory_space<vmem>> -> memref<1x128xf32, #tpu.memory_space<vmem>>
    %dma_start3A_277 = tpu.memref_squeeze %dma_start3A_276 : memref<1x128xf32, #tpu.memory_space<vmem>> -> memref<128xf32, #tpu.memory_space<vmem>>
    %dma_start3A_278 = arith.constant 128 : i32
    %dma_start3A_279 = tpu.memref_slice %arg40[%dma_start3A_278] : memref<512xi32, #tpu.memory_space<vmem>> -> memref<128xi32, #tpu.memory_space<vmem>>
    %dma_start3A_280 = arith.constant 0 : i32
    %dma_start3A_281 = tpu.memref_slice %arg26[%dma_start3A_280] : memref<1048576xf32, #tpu.memory_space<hbm>> -> memref<1048576xf32, #tpu.memory_space<hbm>>
    tpu.enqueue_indirect_dma source(%dma_start3A_281 : memref<1048576xf32, #tpu.memory_space<hbm>>) target(%dma_start3A_277 : memref<128xf32, #tpu.memory_space<vmem>>) offsets(%dma_start3A_279 : memref<128xi32, #tpu.memory_space<vmem>>) semaphore(%arg48 : memref<!tpu.dma_semaphore, #tpu.memory_space<semaphore_mem>>)
    %dma_start3A_282 = arith.constant 4 : i32
    %dma_start3A_283 = arith.constant 128 : i32
    %dma_start3A_284 = tpu.memref_slice %arg43[%dma_start3A_282, %dma_start3A_283] : memref<16x512xf32, #tpu.memory_space<vmem>> -> memref<1x128xf32, #tpu.memory_space<vmem>>
    %dma_start3A_285 = tpu.memref_squeeze %dma_start3A_284 : memref<1x128xf32, #tpu.memory_space<vmem>> -> memref<128xf32, #tpu.memory_space<vmem>>
    %dma_start3A_286 = arith.constant 128 : i32
    %dma_start3A_287 = tpu.memref_slice %arg41[%dma_start3A_286] : memref<512xi32, #tpu.memory_space<vmem>> -> memref<128xi32, #tpu.memory_space<vmem>>
    %dma_start3A_288 = arith.constant 0 : i32
    %dma_start3A_289 = tpu.memref_slice %arg9[%dma_start3A_288] : memref<102400xf32, #tpu.memory_space<hbm>> -> memref<102400xf32, #tpu.memory_space<hbm>>
    tpu.enqueue_indirect_dma source(%dma_start3A_289 : memref<102400xf32, #tpu.memory_space<hbm>>) target(%dma_start3A_285 : memref<128xf32, #tpu.memory_space<vmem>>) offsets(%dma_start3A_287 : memref<128xi32, #tpu.memory_space<vmem>>) semaphore(%arg48 : memref<!tpu.dma_semaphore, #tpu.memory_space<semaphore_mem>>)
    %dma_start3A_290 = arith.constant 4 : i32
    %dma_start3A_291 = arith.constant 256 : i32
    %dma_start3A_292 = tpu.memref_slice %arg42[%dma_start3A_290, %dma_start3A_291] : memref<16x512xf32, #tpu.memory_space<vmem>> -> memref<1x128xf32, #tpu.memory_space<vmem>>
    %dma_start3A_293 = tpu.memref_squeeze %dma_start3A_292 : memref<1x128xf32, #tpu.memory_space<vmem>> -> memref<128xf32, #tpu.memory_space<vmem>>
    %dma_start3A_294 = arith.constant 256 : i32
    %dma_start3A_295 = tpu.memref_slice %arg40[%dma_start3A_294] : memref<512xi32, #tpu.memory_space<vmem>> -> memref<128xi32, #tpu.memory_space<vmem>>
    %dma_start3A_296 = arith.constant 0 : i32
    %dma_start3A_297 = tpu.memref_slice %arg26[%dma_start3A_296] : memref<1048576xf32, #tpu.memory_space<hbm>> -> memref<1048576xf32, #tpu.memory_space<hbm>>
    tpu.enqueue_indirect_dma source(%dma_start3A_297 : memref<1048576xf32, #tpu.memory_space<hbm>>) target(%dma_start3A_293 : memref<128xf32, #tpu.memory_space<vmem>>) offsets(%dma_start3A_295 : memref<128xi32, #tpu.memory_space<vmem>>) semaphore(%arg48 : memref<!tpu.dma_semaphore, #tpu.memory_space<semaphore_mem>>)
    %dma_start3A_298 = arith.constant 4 : i32
    %dma_start3A_299 = arith.constant 256 : i32
    %dma_start3A_300 = tpu.memref_slice %arg43[%dma_start3A_298, %dma_start3A_299] : memref<16x512xf32, #tpu.memory_space<vmem>> -> memref<1x128xf32, #tpu.memory_space<vmem>>
    %dma_start3A_301 = tpu.memref_squeeze %dma_start3A_300 : memref<1x128xf32, #tpu.memory_space<vmem>> -> memref<128xf32, #tpu.memory_space<vmem>>
    %dma_start3A_302 = arith.constant 256 : i32
    %dma_start3A_303 = tpu.memref_slice %arg41[%dma_start3A_302] : memref<512xi32, #tpu.memory_space<vmem>> -> memref<128xi32, #tpu.memory_space<vmem>>
    %dma_start3A_304 = arith.constant 0 : i32
    %dma_start3A_305 = tpu.memref_slice %arg9[%dma_start3A_304] : memref<102400xf32, #tpu.memory_space<hbm>> -> memref<102400xf32, #tpu.memory_space<hbm>>
    tpu.enqueue_indirect_dma source(%dma_start3A_305 : memref<102400xf32, #tpu.memory_space<hbm>>) target(%dma_start3A_301 : memref<128xf32, #tpu.memory_space<vmem>>) offsets(%dma_start3A_303 : memref<128xi32, #tpu.memory_space<vmem>>) semaphore(%arg48 : memref<!tpu.dma_semaphore, #tpu.memory_space<semaphore_mem>>)
    %dma_start3A_306 = arith.constant 4 : i32
    %dma_start3A_307 = arith.constant 384 : i32
    %dma_start3A_308 = tpu.memref_slice %arg42[%dma_start3A_306, %dma_start3A_307] : memref<16x512xf32, #tpu.memory_space<vmem>> -> memref<1x128xf32, #tpu.memory_space<vmem>>
    %dma_start3A_309 = tpu.memref_squeeze %dma_start3A_308 : memref<1x128xf32, #tpu.memory_space<vmem>> -> memref<128xf32, #tpu.memory_space<vmem>>
    %dma_start3A_310 = arith.constant 384 : i32
    %dma_start3A_311 = tpu.memref_slice %arg40[%dma_start3A_310] : memref<512xi32, #tpu.memory_space<vmem>> -> memref<128xi32, #tpu.memory_space<vmem>>
    %dma_start3A_312 = arith.constant 0 : i32
    %dma_start3A_313 = tpu.memref_slice %arg26[%dma_start3A_312] : memref<1048576xf32, #tpu.memory_space<hbm>> -> memref<1048576xf32, #tpu.memory_space<hbm>>
    tpu.enqueue_indirect_dma source(%dma_start3A_313 : memref<1048576xf32, #tpu.memory_space<hbm>>) target(%dma_start3A_309 : memref<128xf32, #tpu.memory_space<vmem>>) offsets(%dma_start3A_311 : memref<128xi32, #tpu.memory_space<vmem>>) semaphore(%arg48 : memref<!tpu.dma_semaphore, #tpu.memory_space<semaphore_mem>>)
    %dma_start3A_314 = arith.constant 4 : i32
    %dma_start3A_315 = arith.constant 384 : i32
    %dma_start3A_316 = tpu.memref_slice %arg43[%dma_start3A_314, %dma_start3A_315] : memref<16x512xf32, #tpu.memory_space<vmem>> -> memref<1x128xf32, #tpu.memory_space<vmem>>
    %dma_start3A_317 = tpu.memref_squeeze %dma_start3A_316 : memref<1x128xf32, #tpu.memory_space<vmem>> -> memref<128xf32, #tpu.memory_space<vmem>>
    %dma_start3A_318 = arith.constant 384 : i32
    %dma_start3A_319 = tpu.memref_slice %arg41[%dma_start3A_318] : memref<512xi32, #tpu.memory_space<vmem>> -> memref<128xi32, #tpu.memory_space<vmem>>
    %dma_start3A_320 = arith.constant 0 : i32
    %dma_start3A_321 = tpu.memref_slice %arg9[%dma_start3A_320] : memref<102400xf32, #tpu.memory_space<hbm>> -> memref<102400xf32, #tpu.memory_space<hbm>>
    tpu.enqueue_indirect_dma source(%dma_start3A_321 : memref<102400xf32, #tpu.memory_space<hbm>>) target(%dma_start3A_317 : memref<128xf32, #tpu.memory_space<vmem>>) offsets(%dma_start3A_319 : memref<128xi32, #tpu.memory_space<vmem>>) semaphore(%arg48 : memref<!tpu.dma_semaphore, #tpu.memory_space<semaphore_mem>>)
    %dma_wait3A = arith.constant 0 : i32
    %dma_wait3A_322 = arith.constant 0 : i32
    %dma_wait3A_323 = tpu.memref_slice %arg42[%dma_wait3A, %dma_wait3A_322] : memref<16x512xf32, #tpu.memory_space<vmem>> -> memref<1x128xf32, #tpu.memory_space<vmem>>
    %dma_wait3A_324 = tpu.memref_squeeze %dma_wait3A_323 : memref<1x128xf32, #tpu.memory_space<vmem>> -> memref<128xf32, #tpu.memory_space<vmem>>
    %dma_wait3A_325 = arith.constant 0 : i32
    %dma_wait3A_326 = tpu.memref_slice %arg40[%dma_wait3A_325] : memref<512xi32, #tpu.memory_space<vmem>> -> memref<128xi32, #tpu.memory_space<vmem>>
    %dma_wait3A_327 = arith.constant 0 : i32
    %dma_wait3A_328 = tpu.memref_slice %arg22[%dma_wait3A_327] : memref<1048576xf32, #tpu.memory_space<hbm>> -> memref<1048576xf32, #tpu.memory_space<hbm>>
    tpu.wait_indirect_dma semaphore(%arg48 : memref<!tpu.dma_semaphore, #tpu.memory_space<semaphore_mem>>) src(%dma_wait3A_328 : memref<1048576xf32, #tpu.memory_space<hbm>>) dst(%dma_wait3A_324 : memref<128xf32, #tpu.memory_space<vmem>>)
    %dma_wait3A_329 = arith.constant 0 : i32
    %dma_wait3A_330 = arith.constant 0 : i32
    %dma_wait3A_331 = tpu.memref_slice %arg43[%dma_wait3A_329, %dma_wait3A_330] : memref<16x512xf32, #tpu.memory_space<vmem>> -> memref<1x128xf32, #tpu.memory_space<vmem>>
    %dma_wait3A_332 = tpu.memref_squeeze %dma_wait3A_331 : memref<1x128xf32, #tpu.memory_space<vmem>> -> memref<128xf32, #tpu.memory_space<vmem>>
    %dma_wait3A_333 = arith.constant 0 : i32
    %dma_wait3A_334 = tpu.memref_slice %arg41[%dma_wait3A_333] : memref<512xi32, #tpu.memory_space<vmem>> -> memref<128xi32, #tpu.memory_space<vmem>>
    %dma_wait3A_335 = arith.constant 0 : i32
    %dma_wait3A_336 = tpu.memref_slice %arg5[%dma_wait3A_335] : memref<102400xf32, #tpu.memory_space<hbm>> -> memref<102400xf32, #tpu.memory_space<hbm>>
    tpu.wait_indirect_dma semaphore(%arg48 : memref<!tpu.dma_semaphore, #tpu.memory_space<semaphore_mem>>) src(%dma_wait3A_336 : memref<102400xf32, #tpu.memory_space<hbm>>) dst(%dma_wait3A_332 : memref<128xf32, #tpu.memory_space<vmem>>)
    %dma_wait3A_337 = arith.constant 0 : i32
    %dma_wait3A_338 = arith.constant 128 : i32
    %dma_wait3A_339 = tpu.memref_slice %arg42[%dma_wait3A_337, %dma_wait3A_338] : memref<16x512xf32, #tpu.memory_space<vmem>> -> memref<1x128xf32, #tpu.memory_space<vmem>>
    %dma_wait3A_340 = tpu.memref_squeeze %dma_wait3A_339 : memref<1x128xf32, #tpu.memory_space<vmem>> -> memref<128xf32, #tpu.memory_space<vmem>>
    %dma_wait3A_341 = arith.constant 128 : i32
    %dma_wait3A_342 = tpu.memref_slice %arg40[%dma_wait3A_341] : memref<512xi32, #tpu.memory_space<vmem>> -> memref<128xi32, #tpu.memory_space<vmem>>
    %dma_wait3A_343 = arith.constant 0 : i32
    %dma_wait3A_344 = tpu.memref_slice %arg22[%dma_wait3A_343] : memref<1048576xf32, #tpu.memory_space<hbm>> -> memref<1048576xf32, #tpu.memory_space<hbm>>
    tpu.wait_indirect_dma semaphore(%arg48 : memref<!tpu.dma_semaphore, #tpu.memory_space<semaphore_mem>>) src(%dma_wait3A_344 : memref<1048576xf32, #tpu.memory_space<hbm>>) dst(%dma_wait3A_340 : memref<128xf32, #tpu.memory_space<vmem>>)
    %dma_wait3A_345 = arith.constant 0 : i32
    %dma_wait3A_346 = arith.constant 128 : i32
    %dma_wait3A_347 = tpu.memref_slice %arg43[%dma_wait3A_345, %dma_wait3A_346] : memref<16x512xf32, #tpu.memory_space<vmem>> -> memref<1x128xf32, #tpu.memory_space<vmem>>
    %dma_wait3A_348 = tpu.memref_squeeze %dma_wait3A_347 : memref<1x128xf32, #tpu.memory_space<vmem>> -> memref<128xf32, #tpu.memory_space<vmem>>
    %dma_wait3A_349 = arith.constant 128 : i32
    %dma_wait3A_350 = tpu.memref_slice %arg41[%dma_wait3A_349] : memref<512xi32, #tpu.memory_space<vmem>> -> memref<128xi32, #tpu.memory_space<vmem>>
    %dma_wait3A_351 = arith.constant 0 : i32
    %dma_wait3A_352 = tpu.memref_slice %arg5[%dma_wait3A_351] : memref<102400xf32, #tpu.memory_space<hbm>> -> memref<102400xf32, #tpu.memory_space<hbm>>
    tpu.wait_indirect_dma semaphore(%arg48 : memref<!tpu.dma_semaphore, #tpu.memory_space<semaphore_mem>>) src(%dma_wait3A_352 : memref<102400xf32, #tpu.memory_space<hbm>>) dst(%dma_wait3A_348 : memref<128xf32, #tpu.memory_space<vmem>>)
    %dma_wait3A_353 = arith.constant 0 : i32
    %dma_wait3A_354 = arith.constant 256 : i32
    %dma_wait3A_355 = tpu.memref_slice %arg42[%dma_wait3A_353, %dma_wait3A_354] : memref<16x512xf32, #tpu.memory_space<vmem>> -> memref<1x128xf32, #tpu.memory_space<vmem>>
    %dma_wait3A_356 = tpu.memref_squeeze %dma_wait3A_355 : memref<1x128xf32, #tpu.memory_space<vmem>> -> memref<128xf32, #tpu.memory_space<vmem>>
    %dma_wait3A_357 = arith.constant 256 : i32
    %dma_wait3A_358 = tpu.memref_slice %arg40[%dma_wait3A_357] : memref<512xi32, #tpu.memory_space<vmem>> -> memref<128xi32, #tpu.memory_space<vmem>>
    %dma_wait3A_359 = arith.constant 0 : i32
    %dma_wait3A_360 = tpu.memref_slice %arg22[%dma_wait3A_359] : memref<1048576xf32, #tpu.memory_space<hbm>> -> memref<1048576xf32, #tpu.memory_space<hbm>>
    tpu.wait_indirect_dma semaphore(%arg48 : memref<!tpu.dma_semaphore, #tpu.memory_space<semaphore_mem>>) src(%dma_wait3A_360 : memref<1048576xf32, #tpu.memory_space<hbm>>) dst(%dma_wait3A_356 : memref<128xf32, #tpu.memory_space<vmem>>)
    %dma_wait3A_361 = arith.constant 0 : i32
    %dma_wait3A_362 = arith.constant 256 : i32
    %dma_wait3A_363 = tpu.memref_slice %arg43[%dma_wait3A_361, %dma_wait3A_362] : memref<16x512xf32, #tpu.memory_space<vmem>> -> memref<1x128xf32, #tpu.memory_space<vmem>>
    %dma_wait3A_364 = tpu.memref_squeeze %dma_wait3A_363 : memref<1x128xf32, #tpu.memory_space<vmem>> -> memref<128xf32, #tpu.memory_space<vmem>>
    %dma_wait3A_365 = arith.constant 256 : i32
    %dma_wait3A_366 = tpu.memref_slice %arg41[%dma_wait3A_365] : memref<512xi32, #tpu.memory_space<vmem>> -> memref<128xi32, #tpu.memory_space<vmem>>
    %dma_wait3A_367 = arith.constant 0 : i32
    %dma_wait3A_368 = tpu.memref_slice %arg5[%dma_wait3A_367] : memref<102400xf32, #tpu.memory_space<hbm>> -> memref<102400xf32, #tpu.memory_space<hbm>>
    tpu.wait_indirect_dma semaphore(%arg48 : memref<!tpu.dma_semaphore, #tpu.memory_space<semaphore_mem>>) src(%dma_wait3A_368 : memref<102400xf32, #tpu.memory_space<hbm>>) dst(%dma_wait3A_364 : memref<128xf32, #tpu.memory_space<vmem>>)
    %dma_wait3A_369 = arith.constant 0 : i32
    %dma_wait3A_370 = arith.constant 384 : i32
    %dma_wait3A_371 = tpu.memref_slice %arg42[%dma_wait3A_369, %dma_wait3A_370] : memref<16x512xf32, #tpu.memory_space<vmem>> -> memref<1x128xf32, #tpu.memory_space<vmem>>
    %dma_wait3A_372 = tpu.memref_squeeze %dma_wait3A_371 : memref<1x128xf32, #tpu.memory_space<vmem>> -> memref<128xf32, #tpu.memory_space<vmem>>
    %dma_wait3A_373 = arith.constant 384 : i32
    %dma_wait3A_374 = tpu.memref_slice %arg40[%dma_wait3A_373] : memref<512xi32, #tpu.memory_space<vmem>> -> memref<128xi32, #tpu.memory_space<vmem>>
    %dma_wait3A_375 = arith.constant 0 : i32
    %dma_wait3A_376 = tpu.memref_slice %arg22[%dma_wait3A_375] : memref<1048576xf32, #tpu.memory_space<hbm>> -> memref<1048576xf32, #tpu.memory_space<hbm>>
    tpu.wait_indirect_dma semaphore(%arg48 : memref<!tpu.dma_semaphore, #tpu.memory_space<semaphore_mem>>) src(%dma_wait3A_376 : memref<1048576xf32, #tpu.memory_space<hbm>>) dst(%dma_wait3A_372 : memref<128xf32, #tpu.memory_space<vmem>>)
    %dma_wait3A_377 = arith.constant 0 : i32
    %dma_wait3A_378 = arith.constant 384 : i32
    %dma_wait3A_379 = tpu.memref_slice %arg43[%dma_wait3A_377, %dma_wait3A_378] : memref<16x512xf32, #tpu.memory_space<vmem>> -> memref<1x128xf32, #tpu.memory_space<vmem>>
    %dma_wait3A_380 = tpu.memref_squeeze %dma_wait3A_379 : memref<1x128xf32, #tpu.memory_space<vmem>> -> memref<128xf32, #tpu.memory_space<vmem>>
    %dma_wait3A_381 = arith.constant 384 : i32
    %dma_wait3A_382 = tpu.memref_slice %arg41[%dma_wait3A_381] : memref<512xi32, #tpu.memory_space<vmem>> -> memref<128xi32, #tpu.memory_space<vmem>>
    %dma_wait3A_383 = arith.constant 0 : i32
    %dma_wait3A_384 = tpu.memref_slice %arg5[%dma_wait3A_383] : memref<102400xf32, #tpu.memory_space<hbm>> -> memref<102400xf32, #tpu.memory_space<hbm>>
    tpu.wait_indirect_dma semaphore(%arg48 : memref<!tpu.dma_semaphore, #tpu.memory_space<semaphore_mem>>) src(%dma_wait3A_384 : memref<102400xf32, #tpu.memory_space<hbm>>) dst(%dma_wait3A_380 : memref<128xf32, #tpu.memory_space<vmem>>)
    %dma_start3A_385 = arith.constant 5 : i32
    %dma_start3A_386 = arith.constant 0 : i32
    %dma_start3A_387 = tpu.memref_slice %arg42[%dma_start3A_385, %dma_start3A_386] : memref<16x512xf32, #tpu.memory_space<vmem>> -> memref<1x128xf32, #tpu.memory_space<vmem>>
    %dma_start3A_388 = tpu.memref_squeeze %dma_start3A_387 : memref<1x128xf32, #tpu.memory_space<vmem>> -> memref<128xf32, #tpu.memory_space<vmem>>
    %dma_start3A_389 = arith.constant 0 : i32
    %dma_start3A_390 = tpu.memref_slice %arg40[%dma_start3A_389] : memref<512xi32, #tpu.memory_space<vmem>> -> memref<128xi32, #tpu.memory_space<vmem>>
    %dma_start3A_391 = arith.constant 0 : i32
    %dma_start3A_392 = tpu.memref_slice %arg27[%dma_start3A_391] : memref<1048576xf32, #tpu.memory_space<hbm>> -> memref<1048576xf32, #tpu.memory_space<hbm>>
    tpu.enqueue_indirect_dma source(%dma_start3A_392 : memref<1048576xf32, #tpu.memory_space<hbm>>) target(%dma_start3A_388 : memref<128xf32, #tpu.memory_space<vmem>>) offsets(%dma_start3A_390 : memref<128xi32, #tpu.memory_space<vmem>>) semaphore(%arg49 : memref<!tpu.dma_semaphore, #tpu.memory_space<semaphore_mem>>)
    %dma_start3A_393 = arith.constant 5 : i32
    %dma_start3A_394 = arith.constant 0 : i32
    %dma_start3A_395 = tpu.memref_slice %arg43[%dma_start3A_393, %dma_start3A_394] : memref<16x512xf32, #tpu.memory_space<vmem>> -> memref<1x128xf32, #tpu.memory_space<vmem>>
    %dma_start3A_396 = tpu.memref_squeeze %dma_start3A_395 : memref<1x128xf32, #tpu.memory_space<vmem>> -> memref<128xf32, #tpu.memory_space<vmem>>
    %dma_start3A_397 = arith.constant 0 : i32
    %dma_start3A_398 = tpu.memref_slice %arg41[%dma_start3A_397] : memref<512xi32, #tpu.memory_space<vmem>> -> memref<128xi32, #tpu.memory_space<vmem>>
    %dma_start3A_399 = arith.constant 0 : i32
    %dma_start3A_400 = tpu.memref_slice %arg10[%dma_start3A_399] : memref<102400xf32, #tpu.memory_space<hbm>> -> memref<102400xf32, #tpu.memory_space<hbm>>
    tpu.enqueue_indirect_dma source(%dma_start3A_400 : memref<102400xf32, #tpu.memory_space<hbm>>) target(%dma_start3A_396 : memref<128xf32, #tpu.memory_space<vmem>>) offsets(%dma_start3A_398 : memref<128xi32, #tpu.memory_space<vmem>>) semaphore(%arg49 : memref<!tpu.dma_semaphore, #tpu.memory_space<semaphore_mem>>)
    %dma_start3A_401 = arith.constant 5 : i32
    %dma_start3A_402 = arith.constant 128 : i32
    %dma_start3A_403 = tpu.memref_slice %arg42[%dma_start3A_401, %dma_start3A_402] : memref<16x512xf32, #tpu.memory_space<vmem>> -> memref<1x128xf32, #tpu.memory_space<vmem>>
    %dma_start3A_404 = tpu.memref_squeeze %dma_start3A_403 : memref<1x128xf32, #tpu.memory_space<vmem>> -> memref<128xf32, #tpu.memory_space<vmem>>
    %dma_start3A_405 = arith.constant 128 : i32
    %dma_start3A_406 = tpu.memref_slice %arg40[%dma_start3A_405] : memref<512xi32, #tpu.memory_space<vmem>> -> memref<128xi32, #tpu.memory_space<vmem>>
    %dma_start3A_407 = arith.constant 0 : i32
    %dma_start3A_408 = tpu.memref_slice %arg27[%dma_start3A_407] : memref<1048576xf32, #tpu.memory_space<hbm>> -> memref<1048576xf32, #tpu.memory_space<hbm>>
    tpu.enqueue_indirect_dma source(%dma_start3A_408 : memref<1048576xf32, #tpu.memory_space<hbm>>) target(%dma_start3A_404 : memref<128xf32, #tpu.memory_space<vmem>>) offsets(%dma_start3A_406 : memref<128xi32, #tpu.memory_space<vmem>>) semaphore(%arg49 : memref<!tpu.dma_semaphore, #tpu.memory_space<semaphore_mem>>)
    %dma_start3A_409 = arith.constant 5 : i32
    %dma_start3A_410 = arith.constant 128 : i32
    %dma_start3A_411 = tpu.memref_slice %arg43[%dma_start3A_409, %dma_start3A_410] : memref<16x512xf32, #tpu.memory_space<vmem>> -> memref<1x128xf32, #tpu.memory_space<vmem>>
    %dma_start3A_412 = tpu.memref_squeeze %dma_start3A_411 : memref<1x128xf32, #tpu.memory_space<vmem>> -> memref<128xf32, #tpu.memory_space<vmem>>
    %dma_start3A_413 = arith.constant 128 : i32
    %dma_start3A_414 = tpu.memref_slice %arg41[%dma_start3A_413] : memref<512xi32, #tpu.memory_space<vmem>> -> memref<128xi32, #tpu.memory_space<vmem>>
    %dma_start3A_415 = arith.constant 0 : i32
    %dma_start3A_416 = tpu.memref_slice %arg10[%dma_start3A_415] : memref<102400xf32, #tpu.memory_space<hbm>> -> memref<102400xf32, #tpu.memory_space<hbm>>
    tpu.enqueue_indirect_dma source(%dma_start3A_416 : memref<102400xf32, #tpu.memory_space<hbm>>) target(%dma_start3A_412 : memref<128xf32, #tpu.memory_space<vmem>>) offsets(%dma_start3A_414 : memref<128xi32, #tpu.memory_space<vmem>>) semaphore(%arg49 : memref<!tpu.dma_semaphore, #tpu.memory_space<semaphore_mem>>)
    %dma_start3A_417 = arith.constant 5 : i32
    %dma_start3A_418 = arith.constant 256 : i32
    %dma_start3A_419 = tpu.memref_slice %arg42[%dma_start3A_417, %dma_start3A_418] : memref<16x512xf32, #tpu.memory_space<vmem>> -> memref<1x128xf32, #tpu.memory_space<vmem>>
    %dma_start3A_420 = tpu.memref_squeeze %dma_start3A_419 : memref<1x128xf32, #tpu.memory_space<vmem>> -> memref<128xf32, #tpu.memory_space<vmem>>
    %dma_start3A_421 = arith.constant 256 : i32
    %dma_start3A_422 = tpu.memref_slice %arg40[%dma_start3A_421] : memref<512xi32, #tpu.memory_space<vmem>> -> memref<128xi32, #tpu.memory_space<vmem>>
    %dma_start3A_423 = arith.constant 0 : i32
    %dma_start3A_424 = tpu.memref_slice %arg27[%dma_start3A_423] : memref<1048576xf32, #tpu.memory_space<hbm>> -> memref<1048576xf32, #tpu.memory_space<hbm>>
    tpu.enqueue_indirect_dma source(%dma_start3A_424 : memref<1048576xf32, #tpu.memory_space<hbm>>) target(%dma_start3A_420 : memref<128xf32, #tpu.memory_space<vmem>>) offsets(%dma_start3A_422 : memref<128xi32, #tpu.memory_space<vmem>>) semaphore(%arg49 : memref<!tpu.dma_semaphore, #tpu.memory_space<semaphore_mem>>)
    %dma_start3A_425 = arith.constant 5 : i32
    %dma_start3A_426 = arith.constant 256 : i32
    %dma_start3A_427 = tpu.memref_slice %arg43[%dma_start3A_425, %dma_start3A_426] : memref<16x512xf32, #tpu.memory_space<vmem>> -> memref<1x128xf32, #tpu.memory_space<vmem>>
    %dma_start3A_428 = tpu.memref_squeeze %dma_start3A_427 : memref<1x128xf32, #tpu.memory_space<vmem>> -> memref<128xf32, #tpu.memory_space<vmem>>
    %dma_start3A_429 = arith.constant 256 : i32
    %dma_start3A_430 = tpu.memref_slice %arg41[%dma_start3A_429] : memref<512xi32, #tpu.memory_space<vmem>> -> memref<128xi32, #tpu.memory_space<vmem>>
    %dma_start3A_431 = arith.constant 0 : i32
    %dma_start3A_432 = tpu.memref_slice %arg10[%dma_start3A_431] : memref<102400xf32, #tpu.memory_space<hbm>> -> memref<102400xf32, #tpu.memory_space<hbm>>
    tpu.enqueue_indirect_dma source(%dma_start3A_432 : memref<102400xf32, #tpu.memory_space<hbm>>) target(%dma_start3A_428 : memref<128xf32, #tpu.memory_space<vmem>>) offsets(%dma_start3A_430 : memref<128xi32, #tpu.memory_space<vmem>>) semaphore(%arg49 : memref<!tpu.dma_semaphore, #tpu.memory_space<semaphore_mem>>)
    %dma_start3A_433 = arith.constant 5 : i32
    %dma_start3A_434 = arith.constant 384 : i32
    %dma_start3A_435 = tpu.memref_slice %arg42[%dma_start3A_433, %dma_start3A_434] : memref<16x512xf32, #tpu.memory_space<vmem>> -> memref<1x128xf32, #tpu.memory_space<vmem>>
    %dma_start3A_436 = tpu.memref_squeeze %dma_start3A_435 : memref<1x128xf32, #tpu.memory_space<vmem>> -> memref<128xf32, #tpu.memory_space<vmem>>
    %dma_start3A_437 = arith.constant 384 : i32
    %dma_start3A_438 = tpu.memref_slice %arg40[%dma_start3A_437] : memref<512xi32, #tpu.memory_space<vmem>> -> memref<128xi32, #tpu.memory_space<vmem>>
    %dma_start3A_439 = arith.constant 0 : i32
    %dma_start3A_440 = tpu.memref_slice %arg27[%dma_start3A_439] : memref<1048576xf32, #tpu.memory_space<hbm>> -> memref<1048576xf32, #tpu.memory_space<hbm>>
    tpu.enqueue_indirect_dma source(%dma_start3A_440 : memref<1048576xf32, #tpu.memory_space<hbm>>) target(%dma_start3A_436 : memref<128xf32, #tpu.memory_space<vmem>>) offsets(%dma_start3A_438 : memref<128xi32, #tpu.memory_space<vmem>>) semaphore(%arg49 : memref<!tpu.dma_semaphore, #tpu.memory_space<semaphore_mem>>)
    %dma_start3A_441 = arith.constant 5 : i32
    %dma_start3A_442 = arith.constant 384 : i32
    %dma_start3A_443 = tpu.memref_slice %arg43[%dma_start3A_441, %dma_start3A_442] : memref<16x512xf32, #tpu.memory_space<vmem>> -> memref<1x128xf32, #tpu.memory_space<vmem>>
    %dma_start3A_444 = tpu.memref_squeeze %dma_start3A_443 : memref<1x128xf32, #tpu.memory_space<vmem>> -> memref<128xf32, #tpu.memory_space<vmem>>
    %dma_start3A_445 = arith.constant 384 : i32
    %dma_start3A_446 = tpu.memref_slice %arg41[%dma_start3A_445] : memref<512xi32, #tpu.memory_space<vmem>> -> memref<128xi32, #tpu.memory_space<vmem>>
    %dma_start3A_447 = arith.constant 0 : i32
    %dma_start3A_448 = tpu.memref_slice %arg10[%dma_start3A_447] : memref<102400xf32, #tpu.memory_space<hbm>> -> memref<102400xf32, #tpu.memory_space<hbm>>
    tpu.enqueue_indirect_dma source(%dma_start3A_448 : memref<102400xf32, #tpu.memory_space<hbm>>) target(%dma_start3A_444 : memref<128xf32, #tpu.memory_space<vmem>>) offsets(%dma_start3A_446 : memref<128xi32, #tpu.memory_space<vmem>>) semaphore(%arg49 : memref<!tpu.dma_semaphore, #tpu.memory_space<semaphore_mem>>)
    %dma_wait3A_449 = arith.constant 1 : i32
    %dma_wait3A_450 = arith.constant 0 : i32
    %dma_wait3A_451 = tpu.memref_slice %arg42[%dma_wait3A_449, %dma_wait3A_450] : memref<16x512xf32, #tpu.memory_space<vmem>> -> memref<1x128xf32, #tpu.memory_space<vmem>>
    %dma_wait3A_452 = tpu.memref_squeeze %dma_wait3A_451 : memref<1x128xf32, #tpu.memory_space<vmem>> -> memref<128xf32, #tpu.memory_space<vmem>>
    %dma_wait3A_453 = arith.constant 0 : i32
    %dma_wait3A_454 = tpu.memref_slice %arg40[%dma_wait3A_453] : memref<512xi32, #tpu.memory_space<vmem>> -> memref<128xi32, #tpu.memory_space<vmem>>
    %dma_wait3A_455 = arith.constant 0 : i32
    %dma_wait3A_456 = tpu.memref_slice %arg23[%dma_wait3A_455] : memref<1048576xf32, #tpu.memory_space<hbm>> -> memref<1048576xf32, #tpu.memory_space<hbm>>
    tpu.wait_indirect_dma semaphore(%arg49 : memref<!tpu.dma_semaphore, #tpu.memory_space<semaphore_mem>>) src(%dma_wait3A_456 : memref<1048576xf32, #tpu.memory_space<hbm>>) dst(%dma_wait3A_452 : memref<128xf32, #tpu.memory_space<vmem>>)
    %dma_wait3A_457 = arith.constant 1 : i32
    %dma_wait3A_458 = arith.constant 0 : i32
    %dma_wait3A_459 = tpu.memref_slice %arg43[%dma_wait3A_457, %dma_wait3A_458] : memref<16x512xf32, #tpu.memory_space<vmem>> -> memref<1x128xf32, #tpu.memory_space<vmem>>
    %dma_wait3A_460 = tpu.memref_squeeze %dma_wait3A_459 : memref<1x128xf32, #tpu.memory_space<vmem>> -> memref<128xf32, #tpu.memory_space<vmem>>
    %dma_wait3A_461 = arith.constant 0 : i32
    %dma_wait3A_462 = tpu.memref_slice %arg41[%dma_wait3A_461] : memref<512xi32, #tpu.memory_space<vmem>> -> memref<128xi32, #tpu.memory_space<vmem>>
    %dma_wait3A_463 = arith.constant 0 : i32
    %dma_wait3A_464 = tpu.memref_slice %arg6[%dma_wait3A_463] : memref<102400xf32, #tpu.memory_space<hbm>> -> memref<102400xf32, #tpu.memory_space<hbm>>
    tpu.wait_indirect_dma semaphore(%arg49 : memref<!tpu.dma_semaphore, #tpu.memory_space<semaphore_mem>>) src(%dma_wait3A_464 : memref<102400xf32, #tpu.memory_space<hbm>>) dst(%dma_wait3A_460 : memref<128xf32, #tpu.memory_space<vmem>>)
    %dma_wait3A_465 = arith.constant 1 : i32
    %dma_wait3A_466 = arith.constant 128 : i32
    %dma_wait3A_467 = tpu.memref_slice %arg42[%dma_wait3A_465, %dma_wait3A_466] : memref<16x512xf32, #tpu.memory_space<vmem>> -> memref<1x128xf32, #tpu.memory_space<vmem>>
    %dma_wait3A_468 = tpu.memref_squeeze %dma_wait3A_467 : memref<1x128xf32, #tpu.memory_space<vmem>> -> memref<128xf32, #tpu.memory_space<vmem>>
    %dma_wait3A_469 = arith.constant 128 : i32
    %dma_wait3A_470 = tpu.memref_slice %arg40[%dma_wait3A_469] : memref<512xi32, #tpu.memory_space<vmem>> -> memref<128xi32, #tpu.memory_space<vmem>>
    %dma_wait3A_471 = arith.constant 0 : i32
    %dma_wait3A_472 = tpu.memref_slice %arg23[%dma_wait3A_471] : memref<1048576xf32, #tpu.memory_space<hbm>> -> memref<1048576xf32, #tpu.memory_space<hbm>>
    tpu.wait_indirect_dma semaphore(%arg49 : memref<!tpu.dma_semaphore, #tpu.memory_space<semaphore_mem>>) src(%dma_wait3A_472 : memref<1048576xf32, #tpu.memory_space<hbm>>) dst(%dma_wait3A_468 : memref<128xf32, #tpu.memory_space<vmem>>)
    %dma_wait3A_473 = arith.constant 1 : i32
    %dma_wait3A_474 = arith.constant 128 : i32
    %dma_wait3A_475 = tpu.memref_slice %arg43[%dma_wait3A_473, %dma_wait3A_474] : memref<16x512xf32, #tpu.memory_space<vmem>> -> memref<1x128xf32, #tpu.memory_space<vmem>>
    %dma_wait3A_476 = tpu.memref_squeeze %dma_wait3A_475 : memref<1x128xf32, #tpu.memory_space<vmem>> -> memref<128xf32, #tpu.memory_space<vmem>>
    %dma_wait3A_477 = arith.constant 128 : i32
    %dma_wait3A_478 = tpu.memref_slice %arg41[%dma_wait3A_477] : memref<512xi32, #tpu.memory_space<vmem>> -> memref<128xi32, #tpu.memory_space<vmem>>
    %dma_wait3A_479 = arith.constant 0 : i32
    %dma_wait3A_480 = tpu.memref_slice %arg6[%dma_wait3A_479] : memref<102400xf32, #tpu.memory_space<hbm>> -> memref<102400xf32, #tpu.memory_space<hbm>>
    tpu.wait_indirect_dma semaphore(%arg49 : memref<!tpu.dma_semaphore, #tpu.memory_space<semaphore_mem>>) src(%dma_wait3A_480 : memref<102400xf32, #tpu.memory_space<hbm>>) dst(%dma_wait3A_476 : memref<128xf32, #tpu.memory_space<vmem>>)
    %dma_wait3A_481 = arith.constant 1 : i32
    %dma_wait3A_482 = arith.constant 256 : i32
    %dma_wait3A_483 = tpu.memref_slice %arg42[%dma_wait3A_481, %dma_wait3A_482] : memref<16x512xf32, #tpu.memory_space<vmem>> -> memref<1x128xf32, #tpu.memory_space<vmem>>
    %dma_wait3A_484 = tpu.memref_squeeze %dma_wait3A_483 : memref<1x128xf32, #tpu.memory_space<vmem>> -> memref<128xf32, #tpu.memory_space<vmem>>
    %dma_wait3A_485 = arith.constant 256 : i32
    %dma_wait3A_486 = tpu.memref_slice %arg40[%dma_wait3A_485] : memref<512xi32, #tpu.memory_space<vmem>> -> memref<128xi32, #tpu.memory_space<vmem>>
    %dma_wait3A_487 = arith.constant 0 : i32
    %dma_wait3A_488 = tpu.memref_slice %arg23[%dma_wait3A_487] : memref<1048576xf32, #tpu.memory_space<hbm>> -> memref<1048576xf32, #tpu.memory_space<hbm>>
    tpu.wait_indirect_dma semaphore(%arg49 : memref<!tpu.dma_semaphore, #tpu.memory_space<semaphore_mem>>) src(%dma_wait3A_488 : memref<1048576xf32, #tpu.memory_space<hbm>>) dst(%dma_wait3A_484 : memref<128xf32, #tpu.memory_space<vmem>>)
    %dma_wait3A_489 = arith.constant 1 : i32
    %dma_wait3A_490 = arith.constant 256 : i32
    %dma_wait3A_491 = tpu.memref_slice %arg43[%dma_wait3A_489, %dma_wait3A_490] : memref<16x512xf32, #tpu.memory_space<vmem>> -> memref<1x128xf32, #tpu.memory_space<vmem>>
    %dma_wait3A_492 = tpu.memref_squeeze %dma_wait3A_491 : memref<1x128xf32, #tpu.memory_space<vmem>> -> memref<128xf32, #tpu.memory_space<vmem>>
    %dma_wait3A_493 = arith.constant 256 : i32
    %dma_wait3A_494 = tpu.memref_slice %arg41[%dma_wait3A_493] : memref<512xi32, #tpu.memory_space<vmem>> -> memref<128xi32, #tpu.memory_space<vmem>>
    %dma_wait3A_495 = arith.constant 0 : i32
    %dma_wait3A_496 = tpu.memref_slice %arg6[%dma_wait3A_495] : memref<102400xf32, #tpu.memory_space<hbm>> -> memref<102400xf32, #tpu.memory_space<hbm>>
    tpu.wait_indirect_dma semaphore(%arg49 : memref<!tpu.dma_semaphore, #tpu.memory_space<semaphore_mem>>) src(%dma_wait3A_496 : memref<102400xf32, #tpu.memory_space<hbm>>) dst(%dma_wait3A_492 : memref<128xf32, #tpu.memory_space<vmem>>)
    %dma_wait3A_497 = arith.constant 1 : i32
    %dma_wait3A_498 = arith.constant 384 : i32
    %dma_wait3A_499 = tpu.memref_slice %arg42[%dma_wait3A_497, %dma_wait3A_498] : memref<16x512xf32, #tpu.memory_space<vmem>> -> memref<1x128xf32, #tpu.memory_space<vmem>>
    %dma_wait3A_500 = tpu.memref_squeeze %dma_wait3A_499 : memref<1x128xf32, #tpu.memory_space<vmem>> -> memref<128xf32, #tpu.memory_space<vmem>>
    %dma_wait3A_501 = arith.constant 384 : i32
    %dma_wait3A_502 = tpu.memref_slice %arg40[%dma_wait3A_501] : memref<512xi32, #tpu.memory_space<vmem>> -> memref<128xi32, #tpu.memory_space<vmem>>
    %dma_wait3A_503 = arith.constant 0 : i32
    %dma_wait3A_504 = tpu.memref_slice %arg23[%dma_wait3A_503] : memref<1048576xf32, #tpu.memory_space<hbm>> -> memref<1048576xf32, #tpu.memory_space<hbm>>
    tpu.wait_indirect_dma semaphore(%arg49 : memref<!tpu.dma_semaphore, #tpu.memory_space<semaphore_mem>>) src(%dma_wait3A_504 : memref<1048576xf32, #tpu.memory_space<hbm>>) dst(%dma_wait3A_500 : memref<128xf32, #tpu.memory_space<vmem>>)
    %dma_wait3A_505 = arith.constant 1 : i32
    %dma_wait3A_506 = arith.constant 384 : i32
    %dma_wait3A_507 = tpu.memref_slice %arg43[%dma_wait3A_505, %dma_wait3A_506] : memref<16x512xf32, #tpu.memory_space<vmem>> -> memref<1x128xf32, #tpu.memory_space<vmem>>
    %dma_wait3A_508 = tpu.memref_squeeze %dma_wait3A_507 : memref<1x128xf32, #tpu.memory_space<vmem>> -> memref<128xf32, #tpu.memory_space<vmem>>
    %dma_wait3A_509 = arith.constant 384 : i32
    %dma_wait3A_510 = tpu.memref_slice %arg41[%dma_wait3A_509] : memref<512xi32, #tpu.memory_space<vmem>> -> memref<128xi32, #tpu.memory_space<vmem>>
    %dma_wait3A_511 = arith.constant 0 : i32
    %dma_wait3A_512 = tpu.memref_slice %arg6[%dma_wait3A_511] : memref<102400xf32, #tpu.memory_space<hbm>> -> memref<102400xf32, #tpu.memory_space<hbm>>
    tpu.wait_indirect_dma semaphore(%arg49 : memref<!tpu.dma_semaphore, #tpu.memory_space<semaphore_mem>>) src(%dma_wait3A_512 : memref<102400xf32, #tpu.memory_space<hbm>>) dst(%dma_wait3A_508 : memref<128xf32, #tpu.memory_space<vmem>>)
    %dma_start3A_513 = arith.constant 6 : i32
    %dma_start3A_514 = arith.constant 0 : i32
    %dma_start3A_515 = tpu.memref_slice %arg42[%dma_start3A_513, %dma_start3A_514] : memref<16x512xf32, #tpu.memory_space<vmem>> -> memref<1x128xf32, #tpu.memory_space<vmem>>
    %dma_start3A_516 = tpu.memref_squeeze %dma_start3A_515 : memref<1x128xf32, #tpu.memory_space<vmem>> -> memref<128xf32, #tpu.memory_space<vmem>>
    %dma_start3A_517 = arith.constant 0 : i32
    %dma_start3A_518 = tpu.memref_slice %arg40[%dma_start3A_517] : memref<512xi32, #tpu.memory_space<vmem>> -> memref<128xi32, #tpu.memory_space<vmem>>
    %dma_start3A_519 = arith.constant 0 : i32
    %dma_start3A_520 = tpu.memref_slice %arg28[%dma_start3A_519] : memref<1048576xf32, #tpu.memory_space<hbm>> -> memref<1048576xf32, #tpu.memory_space<hbm>>
    tpu.enqueue_indirect_dma source(%dma_start3A_520 : memref<1048576xf32, #tpu.memory_space<hbm>>) target(%dma_start3A_516 : memref<128xf32, #tpu.memory_space<vmem>>) offsets(%dma_start3A_518 : memref<128xi32, #tpu.memory_space<vmem>>) semaphore(%arg50 : memref<!tpu.dma_semaphore, #tpu.memory_space<semaphore_mem>>)
    %dma_start3A_521 = arith.constant 6 : i32
    %dma_start3A_522 = arith.constant 0 : i32
    %dma_start3A_523 = tpu.memref_slice %arg43[%dma_start3A_521, %dma_start3A_522] : memref<16x512xf32, #tpu.memory_space<vmem>> -> memref<1x128xf32, #tpu.memory_space<vmem>>
    %dma_start3A_524 = tpu.memref_squeeze %dma_start3A_523 : memref<1x128xf32, #tpu.memory_space<vmem>> -> memref<128xf32, #tpu.memory_space<vmem>>
    %dma_start3A_525 = arith.constant 0 : i32
    %dma_start3A_526 = tpu.memref_slice %arg41[%dma_start3A_525] : memref<512xi32, #tpu.memory_space<vmem>> -> memref<128xi32, #tpu.memory_space<vmem>>
    %dma_start3A_527 = arith.constant 0 : i32
    %dma_start3A_528 = tpu.memref_slice %arg11[%dma_start3A_527] : memref<102400xf32, #tpu.memory_space<hbm>> -> memref<102400xf32, #tpu.memory_space<hbm>>
    tpu.enqueue_indirect_dma source(%dma_start3A_528 : memref<102400xf32, #tpu.memory_space<hbm>>) target(%dma_start3A_524 : memref<128xf32, #tpu.memory_space<vmem>>) offsets(%dma_start3A_526 : memref<128xi32, #tpu.memory_space<vmem>>) semaphore(%arg50 : memref<!tpu.dma_semaphore, #tpu.memory_space<semaphore_mem>>)
    %dma_start3A_529 = arith.constant 6 : i32
    %dma_start3A_530 = arith.constant 128 : i32
    %dma_start3A_531 = tpu.memref_slice %arg42[%dma_start3A_529, %dma_start3A_530] : memref<16x512xf32, #tpu.memory_space<vmem>> -> memref<1x128xf32, #tpu.memory_space<vmem>>
    %dma_start3A_532 = tpu.memref_squeeze %dma_start3A_531 : memref<1x128xf32, #tpu.memory_space<vmem>> -> memref<128xf32, #tpu.memory_space<vmem>>
    %dma_start3A_533 = arith.constant 128 : i32
    %dma_start3A_534 = tpu.memref_slice %arg40[%dma_start3A_533] : memref<512xi32, #tpu.memory_space<vmem>> -> memref<128xi32, #tpu.memory_space<vmem>>
    %dma_start3A_535 = arith.constant 0 : i32
    %dma_start3A_536 = tpu.memref_slice %arg28[%dma_start3A_535] : memref<1048576xf32, #tpu.memory_space<hbm>> -> memref<1048576xf32, #tpu.memory_space<hbm>>
    tpu.enqueue_indirect_dma source(%dma_start3A_536 : memref<1048576xf32, #tpu.memory_space<hbm>>) target(%dma_start3A_532 : memref<128xf32, #tpu.memory_space<vmem>>) offsets(%dma_start3A_534 : memref<128xi32, #tpu.memory_space<vmem>>) semaphore(%arg50 : memref<!tpu.dma_semaphore, #tpu.memory_space<semaphore_mem>>)
    %dma_start3A_537 = arith.constant 6 : i32
    %dma_start3A_538 = arith.constant 128 : i32
    %dma_start3A_539 = tpu.memref_slice %arg43[%dma_start3A_537, %dma_start3A_538] : memref<16x512xf32, #tpu.memory_space<vmem>> -> memref<1x128xf32, #tpu.memory_space<vmem>>
    %dma_start3A_540 = tpu.memref_squeeze %dma_start3A_539 : memref<1x128xf32, #tpu.memory_space<vmem>> -> memref<128xf32, #tpu.memory_space<vmem>>
    %dma_start3A_541 = arith.constant 128 : i32
    %dma_start3A_542 = tpu.memref_slice %arg41[%dma_start3A_541] : memref<512xi32, #tpu.memory_space<vmem>> -> memref<128xi32, #tpu.memory_space<vmem>>
    %dma_start3A_543 = arith.constant 0 : i32
    %dma_start3A_544 = tpu.memref_slice %arg11[%dma_start3A_543] : memref<102400xf32, #tpu.memory_space<hbm>> -> memref<102400xf32, #tpu.memory_space<hbm>>
    tpu.enqueue_indirect_dma source(%dma_start3A_544 : memref<102400xf32, #tpu.memory_space<hbm>>) target(%dma_start3A_540 : memref<128xf32, #tpu.memory_space<vmem>>) offsets(%dma_start3A_542 : memref<128xi32, #tpu.memory_space<vmem>>) semaphore(%arg50 : memref<!tpu.dma_semaphore, #tpu.memory_space<semaphore_mem>>)
    %dma_start3A_545 = arith.constant 6 : i32
    %dma_start3A_546 = arith.constant 256 : i32
    %dma_start3A_547 = tpu.memref_slice %arg42[%dma_start3A_545, %dma_start3A_546] : memref<16x512xf32, #tpu.memory_space<vmem>> -> memref<1x128xf32, #tpu.memory_space<vmem>>
    %dma_start3A_548 = tpu.memref_squeeze %dma_start3A_547 : memref<1x128xf32, #tpu.memory_space<vmem>> -> memref<128xf32, #tpu.memory_space<vmem>>
    %dma_start3A_549 = arith.constant 256 : i32
    %dma_start3A_550 = tpu.memref_slice %arg40[%dma_start3A_549] : memref<512xi32, #tpu.memory_space<vmem>> -> memref<128xi32, #tpu.memory_space<vmem>>
    %dma_start3A_551 = arith.constant 0 : i32
    %dma_start3A_552 = tpu.memref_slice %arg28[%dma_start3A_551] : memref<1048576xf32, #tpu.memory_space<hbm>> -> memref<1048576xf32, #tpu.memory_space<hbm>>
    tpu.enqueue_indirect_dma source(%dma_start3A_552 : memref<1048576xf32, #tpu.memory_space<hbm>>) target(%dma_start3A_548 : memref<128xf32, #tpu.memory_space<vmem>>) offsets(%dma_start3A_550 : memref<128xi32, #tpu.memory_space<vmem>>) semaphore(%arg50 : memref<!tpu.dma_semaphore, #tpu.memory_space<semaphore_mem>>)
    %dma_start3A_553 = arith.constant 6 : i32
    %dma_start3A_554 = arith.constant 256 : i32
    %dma_start3A_555 = tpu.memref_slice %arg43[%dma_start3A_553, %dma_start3A_554] : memref<16x512xf32, #tpu.memory_space<vmem>> -> memref<1x128xf32, #tpu.memory_space<vmem>>
    %dma_start3A_556 = tpu.memref_squeeze %dma_start3A_555 : memref<1x128xf32, #tpu.memory_space<vmem>> -> memref<128xf32, #tpu.memory_space<vmem>>
    %dma_start3A_557 = arith.constant 256 : i32
    %dma_start3A_558 = tpu.memref_slice %arg41[%dma_start3A_557] : memref<512xi32, #tpu.memory_space<vmem>> -> memref<128xi32, #tpu.memory_space<vmem>>
    %dma_start3A_559 = arith.constant 0 : i32
    %dma_start3A_560 = tpu.memref_slice %arg11[%dma_start3A_559] : memref<102400xf32, #tpu.memory_space<hbm>> -> memref<102400xf32, #tpu.memory_space<hbm>>
    tpu.enqueue_indirect_dma source(%dma_start3A_560 : memref<102400xf32, #tpu.memory_space<hbm>>) target(%dma_start3A_556 : memref<128xf32, #tpu.memory_space<vmem>>) offsets(%dma_start3A_558 : memref<128xi32, #tpu.memory_space<vmem>>) semaphore(%arg50 : memref<!tpu.dma_semaphore, #tpu.memory_space<semaphore_mem>>)
    %dma_start3A_561 = arith.constant 6 : i32
    %dma_start3A_562 = arith.constant 384 : i32
    %dma_start3A_563 = tpu.memref_slice %arg42[%dma_start3A_561, %dma_start3A_562] : memref<16x512xf32, #tpu.memory_space<vmem>> -> memref<1x128xf32, #tpu.memory_space<vmem>>
    %dma_start3A_564 = tpu.memref_squeeze %dma_start3A_563 : memref<1x128xf32, #tpu.memory_space<vmem>> -> memref<128xf32, #tpu.memory_space<vmem>>
    %dma_start3A_565 = arith.constant 384 : i32
    %dma_start3A_566 = tpu.memref_slice %arg40[%dma_start3A_565] : memref<512xi32, #tpu.memory_space<vmem>> -> memref<128xi32, #tpu.memory_space<vmem>>
    %dma_start3A_567 = arith.constant 0 : i32
    %dma_start3A_568 = tpu.memref_slice %arg28[%dma_start3A_567] : memref<1048576xf32, #tpu.memory_space<hbm>> -> memref<1048576xf32, #tpu.memory_space<hbm>>
    tpu.enqueue_indirect_dma source(%dma_start3A_568 : memref<1048576xf32, #tpu.memory_space<hbm>>) target(%dma_start3A_564 : memref<128xf32, #tpu.memory_space<vmem>>) offsets(%dma_start3A_566 : memref<128xi32, #tpu.memory_space<vmem>>) semaphore(%arg50 : memref<!tpu.dma_semaphore, #tpu.memory_space<semaphore_mem>>)
    %dma_start3A_569 = arith.constant 6 : i32
    %dma_start3A_570 = arith.constant 384 : i32
    %dma_start3A_571 = tpu.memref_slice %arg43[%dma_start3A_569, %dma_start3A_570] : memref<16x512xf32, #tpu.memory_space<vmem>> -> memref<1x128xf32, #tpu.memory_space<vmem>>
    %dma_start3A_572 = tpu.memref_squeeze %dma_start3A_571 : memref<1x128xf32, #tpu.memory_space<vmem>> -> memref<128xf32, #tpu.memory_space<vmem>>
    %dma_start3A_573 = arith.constant 384 : i32
    %dma_start3A_574 = tpu.memref_slice %arg41[%dma_start3A_573] : memref<512xi32, #tpu.memory_space<vmem>> -> memref<128xi32, #tpu.memory_space<vmem>>
    %dma_start3A_575 = arith.constant 0 : i32
    %dma_start3A_576 = tpu.memref_slice %arg11[%dma_start3A_575] : memref<102400xf32, #tpu.memory_space<hbm>> -> memref<102400xf32, #tpu.memory_space<hbm>>
    tpu.enqueue_indirect_dma source(%dma_start3A_576 : memref<102400xf32, #tpu.memory_space<hbm>>) target(%dma_start3A_572 : memref<128xf32, #tpu.memory_space<vmem>>) offsets(%dma_start3A_574 : memref<128xi32, #tpu.memory_space<vmem>>) semaphore(%arg50 : memref<!tpu.dma_semaphore, #tpu.memory_space<semaphore_mem>>)
    %dma_wait3A_577 = arith.constant 2 : i32
    %dma_wait3A_578 = arith.constant 0 : i32
    %dma_wait3A_579 = tpu.memref_slice %arg42[%dma_wait3A_577, %dma_wait3A_578] : memref<16x512xf32, #tpu.memory_space<vmem>> -> memref<1x128xf32, #tpu.memory_space<vmem>>
    %dma_wait3A_580 = tpu.memref_squeeze %dma_wait3A_579 : memref<1x128xf32, #tpu.memory_space<vmem>> -> memref<128xf32, #tpu.memory_space<vmem>>
    %dma_wait3A_581 = arith.constant 0 : i32
    %dma_wait3A_582 = tpu.memref_slice %arg40[%dma_wait3A_581] : memref<512xi32, #tpu.memory_space<vmem>> -> memref<128xi32, #tpu.memory_space<vmem>>
    %dma_wait3A_583 = arith.constant 0 : i32
    %dma_wait3A_584 = tpu.memref_slice %arg24[%dma_wait3A_583] : memref<1048576xf32, #tpu.memory_space<hbm>> -> memref<1048576xf32, #tpu.memory_space<hbm>>
    tpu.wait_indirect_dma semaphore(%arg50 : memref<!tpu.dma_semaphore, #tpu.memory_space<semaphore_mem>>) src(%dma_wait3A_584 : memref<1048576xf32, #tpu.memory_space<hbm>>) dst(%dma_wait3A_580 : memref<128xf32, #tpu.memory_space<vmem>>)
    %dma_wait3A_585 = arith.constant 2 : i32
    %dma_wait3A_586 = arith.constant 0 : i32
    %dma_wait3A_587 = tpu.memref_slice %arg43[%dma_wait3A_585, %dma_wait3A_586] : memref<16x512xf32, #tpu.memory_space<vmem>> -> memref<1x128xf32, #tpu.memory_space<vmem>>
    %dma_wait3A_588 = tpu.memref_squeeze %dma_wait3A_587 : memref<1x128xf32, #tpu.memory_space<vmem>> -> memref<128xf32, #tpu.memory_space<vmem>>
    %dma_wait3A_589 = arith.constant 0 : i32
    %dma_wait3A_590 = tpu.memref_slice %arg41[%dma_wait3A_589] : memref<512xi32, #tpu.memory_space<vmem>> -> memref<128xi32, #tpu.memory_space<vmem>>
    %dma_wait3A_591 = arith.constant 0 : i32
    %dma_wait3A_592 = tpu.memref_slice %arg7[%dma_wait3A_591] : memref<102400xf32, #tpu.memory_space<hbm>> -> memref<102400xf32, #tpu.memory_space<hbm>>
    tpu.wait_indirect_dma semaphore(%arg50 : memref<!tpu.dma_semaphore, #tpu.memory_space<semaphore_mem>>) src(%dma_wait3A_592 : memref<102400xf32, #tpu.memory_space<hbm>>) dst(%dma_wait3A_588 : memref<128xf32, #tpu.memory_space<vmem>>)
    %dma_wait3A_593 = arith.constant 2 : i32
    %dma_wait3A_594 = arith.constant 128 : i32
    %dma_wait3A_595 = tpu.memref_slice %arg42[%dma_wait3A_593, %dma_wait3A_594] : memref<16x512xf32, #tpu.memory_space<vmem>> -> memref<1x128xf32, #tpu.memory_space<vmem>>
    %dma_wait3A_596 = tpu.memref_squeeze %dma_wait3A_595 : memref<1x128xf32, #tpu.memory_space<vmem>> -> memref<128xf32, #tpu.memory_space<vmem>>
    %dma_wait3A_597 = arith.constant 128 : i32
    %dma_wait3A_598 = tpu.memref_slice %arg40[%dma_wait3A_597] : memref<512xi32, #tpu.memory_space<vmem>> -> memref<128xi32, #tpu.memory_space<vmem>>
    %dma_wait3A_599 = arith.constant 0 : i32
    %dma_wait3A_600 = tpu.memref_slice %arg24[%dma_wait3A_599] : memref<1048576xf32, #tpu.memory_space<hbm>> -> memref<1048576xf32, #tpu.memory_space<hbm>>
    tpu.wait_indirect_dma semaphore(%arg50 : memref<!tpu.dma_semaphore, #tpu.memory_space<semaphore_mem>>) src(%dma_wait3A_600 : memref<1048576xf32, #tpu.memory_space<hbm>>) dst(%dma_wait3A_596 : memref<128xf32, #tpu.memory_space<vmem>>)
    %dma_wait3A_601 = arith.constant 2 : i32
    %dma_wait3A_602 = arith.constant 128 : i32
    %dma_wait3A_603 = tpu.memref_slice %arg43[%dma_wait3A_601, %dma_wait3A_602] : memref<16x512xf32, #tpu.memory_space<vmem>> -> memref<1x128xf32, #tpu.memory_space<vmem>>
    %dma_wait3A_604 = tpu.memref_squeeze %dma_wait3A_603 : memref<1x128xf32, #tpu.memory_space<vmem>> -> memref<128xf32, #tpu.memory_space<vmem>>
    %dma_wait3A_605 = arith.constant 128 : i32
    %dma_wait3A_606 = tpu.memref_slice %arg41[%dma_wait3A_605] : memref<512xi32, #tpu.memory_space<vmem>> -> memref<128xi32, #tpu.memory_space<vmem>>
    %dma_wait3A_607 = arith.constant 0 : i32
    %dma_wait3A_608 = tpu.memref_slice %arg7[%dma_wait3A_607] : memref<102400xf32, #tpu.memory_space<hbm>> -> memref<102400xf32, #tpu.memory_space<hbm>>
    tpu.wait_indirect_dma semaphore(%arg50 : memref<!tpu.dma_semaphore, #tpu.memory_space<semaphore_mem>>) src(%dma_wait3A_608 : memref<102400xf32, #tpu.memory_space<hbm>>) dst(%dma_wait3A_604 : memref<128xf32, #tpu.memory_space<vmem>>)
    %dma_wait3A_609 = arith.constant 2 : i32
    %dma_wait3A_610 = arith.constant 256 : i32
    %dma_wait3A_611 = tpu.memref_slice %arg42[%dma_wait3A_609, %dma_wait3A_610] : memref<16x512xf32, #tpu.memory_space<vmem>> -> memref<1x128xf32, #tpu.memory_space<vmem>>
    %dma_wait3A_612 = tpu.memref_squeeze %dma_wait3A_611 : memref<1x128xf32, #tpu.memory_space<vmem>> -> memref<128xf32, #tpu.memory_space<vmem>>
    %dma_wait3A_613 = arith.constant 256 : i32
    %dma_wait3A_614 = tpu.memref_slice %arg40[%dma_wait3A_613] : memref<512xi32, #tpu.memory_space<vmem>> -> memref<128xi32, #tpu.memory_space<vmem>>
    %dma_wait3A_615 = arith.constant 0 : i32
    %dma_wait3A_616 = tpu.memref_slice %arg24[%dma_wait3A_615] : memref<1048576xf32, #tpu.memory_space<hbm>> -> memref<1048576xf32, #tpu.memory_space<hbm>>
    tpu.wait_indirect_dma semaphore(%arg50 : memref<!tpu.dma_semaphore, #tpu.memory_space<semaphore_mem>>) src(%dma_wait3A_616 : memref<1048576xf32, #tpu.memory_space<hbm>>) dst(%dma_wait3A_612 : memref<128xf32, #tpu.memory_space<vmem>>)
    %dma_wait3A_617 = arith.constant 2 : i32
    %dma_wait3A_618 = arith.constant 256 : i32
    %dma_wait3A_619 = tpu.memref_slice %arg43[%dma_wait3A_617, %dma_wait3A_618] : memref<16x512xf32, #tpu.memory_space<vmem>> -> memref<1x128xf32, #tpu.memory_space<vmem>>
    %dma_wait3A_620 = tpu.memref_squeeze %dma_wait3A_619 : memref<1x128xf32, #tpu.memory_space<vmem>> -> memref<128xf32, #tpu.memory_space<vmem>>
    %dma_wait3A_621 = arith.constant 256 : i32
    %dma_wait3A_622 = tpu.memref_slice %arg41[%dma_wait3A_621] : memref<512xi32, #tpu.memory_space<vmem>> -> memref<128xi32, #tpu.memory_space<vmem>>
    %dma_wait3A_623 = arith.constant 0 : i32
    %dma_wait3A_624 = tpu.memref_slice %arg7[%dma_wait3A_623] : memref<102400xf32, #tpu.memory_space<hbm>> -> memref<102400xf32, #tpu.memory_space<hbm>>
    tpu.wait_indirect_dma semaphore(%arg50 : memref<!tpu.dma_semaphore, #tpu.memory_space<semaphore_mem>>) src(%dma_wait3A_624 : memref<102400xf32, #tpu.memory_space<hbm>>) dst(%dma_wait3A_620 : memref<128xf32, #tpu.memory_space<vmem>>)
    %dma_wait3A_625 = arith.constant 2 : i32
    %dma_wait3A_626 = arith.constant 384 : i32
    %dma_wait3A_627 = tpu.memref_slice %arg42[%dma_wait3A_625, %dma_wait3A_626] : memref<16x512xf32, #tpu.memory_space<vmem>> -> memref<1x128xf32, #tpu.memory_space<vmem>>
    %dma_wait3A_628 = tpu.memref_squeeze %dma_wait3A_627 : memref<1x128xf32, #tpu.memory_space<vmem>> -> memref<128xf32, #tpu.memory_space<vmem>>
    %dma_wait3A_629 = arith.constant 384 : i32
    %dma_wait3A_630 = tpu.memref_slice %arg40[%dma_wait3A_629] : memref<512xi32, #tpu.memory_space<vmem>> -> memref<128xi32, #tpu.memory_space<vmem>>
    %dma_wait3A_631 = arith.constant 0 : i32
    %dma_wait3A_632 = tpu.memref_slice %arg24[%dma_wait3A_631] : memref<1048576xf32, #tpu.memory_space<hbm>> -> memref<1048576xf32, #tpu.memory_space<hbm>>
    tpu.wait_indirect_dma semaphore(%arg50 : memref<!tpu.dma_semaphore, #tpu.memory_space<semaphore_mem>>) src(%dma_wait3A_632 : memref<1048576xf32, #tpu.memory_space<hbm>>) dst(%dma_wait3A_628 : memref<128xf32, #tpu.memory_space<vmem>>)
    %dma_wait3A_633 = arith.constant 2 : i32
    %dma_wait3A_634 = arith.constant 384 : i32
    %dma_wait3A_635 = tpu.memref_slice %arg43[%dma_wait3A_633, %dma_wait3A_634] : memref<16x512xf32, #tpu.memory_space<vmem>> -> memref<1x128xf32, #tpu.memory_space<vmem>>
    %dma_wait3A_636 = tpu.memref_squeeze %dma_wait3A_635 : memref<1x128xf32, #tpu.memory_space<vmem>> -> memref<128xf32, #tpu.memory_space<vmem>>
    %dma_wait3A_637 = arith.constant 384 : i32
    %dma_wait3A_638 = tpu.memref_slice %arg41[%dma_wait3A_637] : memref<512xi32, #tpu.memory_space<vmem>> -> memref<128xi32, #tpu.memory_space<vmem>>
    %dma_wait3A_639 = arith.constant 0 : i32
    %dma_wait3A_640 = tpu.memref_slice %arg7[%dma_wait3A_639] : memref<102400xf32, #tpu.memory_space<hbm>> -> memref<102400xf32, #tpu.memory_space<hbm>>
    tpu.wait_indirect_dma semaphore(%arg50 : memref<!tpu.dma_semaphore, #tpu.memory_space<semaphore_mem>>) src(%dma_wait3A_640 : memref<102400xf32, #tpu.memory_space<hbm>>) dst(%dma_wait3A_636 : memref<128xf32, #tpu.memory_space<vmem>>)
    %dma_start3A_641 = arith.constant 7 : i32
    %dma_start3A_642 = arith.constant 0 : i32
    %dma_start3A_643 = tpu.memref_slice %arg42[%dma_start3A_641, %dma_start3A_642] : memref<16x512xf32, #tpu.memory_space<vmem>> -> memref<1x128xf32, #tpu.memory_space<vmem>>
    %dma_start3A_644 = tpu.memref_squeeze %dma_start3A_643 : memref<1x128xf32, #tpu.memory_space<vmem>> -> memref<128xf32, #tpu.memory_space<vmem>>
    %dma_start3A_645 = arith.constant 0 : i32
    %dma_start3A_646 = tpu.memref_slice %arg40[%dma_start3A_645] : memref<512xi32, #tpu.memory_space<vmem>> -> memref<128xi32, #tpu.memory_space<vmem>>
    %dma_start3A_647 = arith.constant 0 : i32
    %dma_start3A_648 = tpu.memref_slice %arg29[%dma_start3A_647] : memref<1048576xf32, #tpu.memory_space<hbm>> -> memref<1048576xf32, #tpu.memory_space<hbm>>
    tpu.enqueue_indirect_dma source(%dma_start3A_648 : memref<1048576xf32, #tpu.memory_space<hbm>>) target(%dma_start3A_644 : memref<128xf32, #tpu.memory_space<vmem>>) offsets(%dma_start3A_646 : memref<128xi32, #tpu.memory_space<vmem>>) semaphore(%arg51 : memref<!tpu.dma_semaphore, #tpu.memory_space<semaphore_mem>>)
    %dma_start3A_649 = arith.constant 7 : i32
    %dma_start3A_650 = arith.constant 0 : i32
    %dma_start3A_651 = tpu.memref_slice %arg43[%dma_start3A_649, %dma_start3A_650] : memref<16x512xf32, #tpu.memory_space<vmem>> -> memref<1x128xf32, #tpu.memory_space<vmem>>
    %dma_start3A_652 = tpu.memref_squeeze %dma_start3A_651 : memref<1x128xf32, #tpu.memory_space<vmem>> -> memref<128xf32, #tpu.memory_space<vmem>>
    %dma_start3A_653 = arith.constant 0 : i32
    %dma_start3A_654 = tpu.memref_slice %arg41[%dma_start3A_653] : memref<512xi32, #tpu.memory_space<vmem>> -> memref<128xi32, #tpu.memory_space<vmem>>
    %dma_start3A_655 = arith.constant 0 : i32
    %dma_start3A_656 = tpu.memref_slice %arg12[%dma_start3A_655] : memref<102400xf32, #tpu.memory_space<hbm>> -> memref<102400xf32, #tpu.memory_space<hbm>>
    tpu.enqueue_indirect_dma source(%dma_start3A_656 : memref<102400xf32, #tpu.memory_space<hbm>>) target(%dma_start3A_652 : memref<128xf32, #tpu.memory_space<vmem>>) offsets(%dma_start3A_654 : memref<128xi32, #tpu.memory_space<vmem>>) semaphore(%arg51 : memref<!tpu.dma_semaphore, #tpu.memory_space<semaphore_mem>>)
    %dma_start3A_657 = arith.constant 7 : i32
    %dma_start3A_658 = arith.constant 128 : i32
    %dma_start3A_659 = tpu.memref_slice %arg42[%dma_start3A_657, %dma_start3A_658] : memref<16x512xf32, #tpu.memory_space<vmem>> -> memref<1x128xf32, #tpu.memory_space<vmem>>
    %dma_start3A_660 = tpu.memref_squeeze %dma_start3A_659 : memref<1x128xf32, #tpu.memory_space<vmem>> -> memref<128xf32, #tpu.memory_space<vmem>>
    %dma_start3A_661 = arith.constant 128 : i32
    %dma_start3A_662 = tpu.memref_slice %arg40[%dma_start3A_661] : memref<512xi32, #tpu.memory_space<vmem>> -> memref<128xi32, #tpu.memory_space<vmem>>
    %dma_start3A_663 = arith.constant 0 : i32
    %dma_start3A_664 = tpu.memref_slice %arg29[%dma_start3A_663] : memref<1048576xf32, #tpu.memory_space<hbm>> -> memref<1048576xf32, #tpu.memory_space<hbm>>
    tpu.enqueue_indirect_dma source(%dma_start3A_664 : memref<1048576xf32, #tpu.memory_space<hbm>>) target(%dma_start3A_660 : memref<128xf32, #tpu.memory_space<vmem>>) offsets(%dma_start3A_662 : memref<128xi32, #tpu.memory_space<vmem>>) semaphore(%arg51 : memref<!tpu.dma_semaphore, #tpu.memory_space<semaphore_mem>>)
    %dma_start3A_665 = arith.constant 7 : i32
    %dma_start3A_666 = arith.constant 128 : i32
    %dma_start3A_667 = tpu.memref_slice %arg43[%dma_start3A_665, %dma_start3A_666] : memref<16x512xf32, #tpu.memory_space<vmem>> -> memref<1x128xf32, #tpu.memory_space<vmem>>
    %dma_start3A_668 = tpu.memref_squeeze %dma_start3A_667 : memref<1x128xf32, #tpu.memory_space<vmem>> -> memref<128xf32, #tpu.memory_space<vmem>>
    %dma_start3A_669 = arith.constant 128 : i32
    %dma_start3A_670 = tpu.memref_slice %arg41[%dma_start3A_669] : memref<512xi32, #tpu.memory_space<vmem>> -> memref<128xi32, #tpu.memory_space<vmem>>
    %dma_start3A_671 = arith.constant 0 : i32
    %dma_start3A_672 = tpu.memref_slice %arg12[%dma_start3A_671] : memref<102400xf32, #tpu.memory_space<hbm>> -> memref<102400xf32, #tpu.memory_space<hbm>>
    tpu.enqueue_indirect_dma source(%dma_start3A_672 : memref<102400xf32, #tpu.memory_space<hbm>>) target(%dma_start3A_668 : memref<128xf32, #tpu.memory_space<vmem>>) offsets(%dma_start3A_670 : memref<128xi32, #tpu.memory_space<vmem>>) semaphore(%arg51 : memref<!tpu.dma_semaphore, #tpu.memory_space<semaphore_mem>>)
    %dma_start3A_673 = arith.constant 7 : i32
    %dma_start3A_674 = arith.constant 256 : i32
    %dma_start3A_675 = tpu.memref_slice %arg42[%dma_start3A_673, %dma_start3A_674] : memref<16x512xf32, #tpu.memory_space<vmem>> -> memref<1x128xf32, #tpu.memory_space<vmem>>
    %dma_start3A_676 = tpu.memref_squeeze %dma_start3A_675 : memref<1x128xf32, #tpu.memory_space<vmem>> -> memref<128xf32, #tpu.memory_space<vmem>>
    %dma_start3A_677 = arith.constant 256 : i32
    %dma_start3A_678 = tpu.memref_slice %arg40[%dma_start3A_677] : memref<512xi32, #tpu.memory_space<vmem>> -> memref<128xi32, #tpu.memory_space<vmem>>
    %dma_start3A_679 = arith.constant 0 : i32
    %dma_start3A_680 = tpu.memref_slice %arg29[%dma_start3A_679] : memref<1048576xf32, #tpu.memory_space<hbm>> -> memref<1048576xf32, #tpu.memory_space<hbm>>
    tpu.enqueue_indirect_dma source(%dma_start3A_680 : memref<1048576xf32, #tpu.memory_space<hbm>>) target(%dma_start3A_676 : memref<128xf32, #tpu.memory_space<vmem>>) offsets(%dma_start3A_678 : memref<128xi32, #tpu.memory_space<vmem>>) semaphore(%arg51 : memref<!tpu.dma_semaphore, #tpu.memory_space<semaphore_mem>>)
    %dma_start3A_681 = arith.constant 7 : i32
    %dma_start3A_682 = arith.constant 256 : i32
    %dma_start3A_683 = tpu.memref_slice %arg43[%dma_start3A_681, %dma_start3A_682] : memref<16x512xf32, #tpu.memory_space<vmem>> -> memref<1x128xf32, #tpu.memory_space<vmem>>
    %dma_start3A_684 = tpu.memref_squeeze %dma_start3A_683 : memref<1x128xf32, #tpu.memory_space<vmem>> -> memref<128xf32, #tpu.memory_space<vmem>>
    %dma_start3A_685 = arith.constant 256 : i32
    %dma_start3A_686 = tpu.memref_slice %arg41[%dma_start3A_685] : memref<512xi32, #tpu.memory_space<vmem>> -> memref<128xi32, #tpu.memory_space<vmem>>
    %dma_start3A_687 = arith.constant 0 : i32
    %dma_start3A_688 = tpu.memref_slice %arg12[%dma_start3A_687] : memref<102400xf32, #tpu.memory_space<hbm>> -> memref<102400xf32, #tpu.memory_space<hbm>>
    tpu.enqueue_indirect_dma source(%dma_start3A_688 : memref<102400xf32, #tpu.memory_space<hbm>>) target(%dma_start3A_684 : memref<128xf32, #tpu.memory_space<vmem>>) offsets(%dma_start3A_686 : memref<128xi32, #tpu.memory_space<vmem>>) semaphore(%arg51 : memref<!tpu.dma_semaphore, #tpu.memory_space<semaphore_mem>>)
    %dma_start3A_689 = arith.constant 7 : i32
    %dma_start3A_690 = arith.constant 384 : i32
    %dma_start3A_691 = tpu.memref_slice %arg42[%dma_start3A_689, %dma_start3A_690] : memref<16x512xf32, #tpu.memory_space<vmem>> -> memref<1x128xf32, #tpu.memory_space<vmem>>
    %dma_start3A_692 = tpu.memref_squeeze %dma_start3A_691 : memref<1x128xf32, #tpu.memory_space<vmem>> -> memref<128xf32, #tpu.memory_space<vmem>>
    %dma_start3A_693 = arith.constant 384 : i32
    %dma_start3A_694 = tpu.memref_slice %arg40[%dma_start3A_693] : memref<512xi32, #tpu.memory_space<vmem>> -> memref<128xi32, #tpu.memory_space<vmem>>
    %dma_start3A_695 = arith.constant 0 : i32
    %dma_start3A_696 = tpu.memref_slice %arg29[%dma_start3A_695] : memref<1048576xf32, #tpu.memory_space<hbm>> -> memref<1048576xf32, #tpu.memory_space<hbm>>
    tpu.enqueue_indirect_dma source(%dma_start3A_696 : memref<1048576xf32, #tpu.memory_space<hbm>>) target(%dma_start3A_692 : memref<128xf32, #tpu.memory_space<vmem>>) offsets(%dma_start3A_694 : memref<128xi32, #tpu.memory_space<vmem>>) semaphore(%arg51 : memref<!tpu.dma_semaphore, #tpu.memory_space<semaphore_mem>>)
    %dma_start3A_697 = arith.constant 7 : i32
    %dma_start3A_698 = arith.constant 384 : i32
    %dma_start3A_699 = tpu.memref_slice %arg43[%dma_start3A_697, %dma_start3A_698] : memref<16x512xf32, #tpu.memory_space<vmem>> -> memref<1x128xf32, #tpu.memory_space<vmem>>
    %dma_start3A_700 = tpu.memref_squeeze %dma_start3A_699 : memref<1x128xf32, #tpu.memory_space<vmem>> -> memref<128xf32, #tpu.memory_space<vmem>>
    %dma_start3A_701 = arith.constant 384 : i32
    %dma_start3A_702 = tpu.memref_slice %arg41[%dma_start3A_701] : memref<512xi32, #tpu.memory_space<vmem>> -> memref<128xi32, #tpu.memory_space<vmem>>
    %dma_start3A_703 = arith.constant 0 : i32
    %dma_start3A_704 = tpu.memref_slice %arg12[%dma_start3A_703] : memref<102400xf32, #tpu.memory_space<hbm>> -> memref<102400xf32, #tpu.memory_space<hbm>>
    tpu.enqueue_indirect_dma source(%dma_start3A_704 : memref<102400xf32, #tpu.memory_space<hbm>>) target(%dma_start3A_700 : memref<128xf32, #tpu.memory_space<vmem>>) offsets(%dma_start3A_702 : memref<128xi32, #tpu.memory_space<vmem>>) semaphore(%arg51 : memref<!tpu.dma_semaphore, #tpu.memory_space<semaphore_mem>>)
    %dma_wait3A_705 = arith.constant 3 : i32
    %dma_wait3A_706 = arith.constant 0 : i32
    %dma_wait3A_707 = tpu.memref_slice %arg42[%dma_wait3A_705, %dma_wait3A_706] : memref<16x512xf32, #tpu.memory_space<vmem>> -> memref<1x128xf32, #tpu.memory_space<vmem>>
    %dma_wait3A_708 = tpu.memref_squeeze %dma_wait3A_707 : memref<1x128xf32, #tpu.memory_space<vmem>> -> memref<128xf32, #tpu.memory_space<vmem>>
    %dma_wait3A_709 = arith.constant 0 : i32
    %dma_wait3A_710 = tpu.memref_slice %arg40[%dma_wait3A_709] : memref<512xi32, #tpu.memory_space<vmem>> -> memref<128xi32, #tpu.memory_space<vmem>>
    %dma_wait3A_711 = arith.constant 0 : i32
    %dma_wait3A_712 = tpu.memref_slice %arg25[%dma_wait3A_711] : memref<1048576xf32, #tpu.memory_space<hbm>> -> memref<1048576xf32, #tpu.memory_space<hbm>>
    tpu.wait_indirect_dma semaphore(%arg51 : memref<!tpu.dma_semaphore, #tpu.memory_space<semaphore_mem>>) src(%dma_wait3A_712 : memref<1048576xf32, #tpu.memory_space<hbm>>) dst(%dma_wait3A_708 : memref<128xf32, #tpu.memory_space<vmem>>)
    %dma_wait3A_713 = arith.constant 3 : i32
    %dma_wait3A_714 = arith.constant 0 : i32
    %dma_wait3A_715 = tpu.memref_slice %arg43[%dma_wait3A_713, %dma_wait3A_714] : memref<16x512xf32, #tpu.memory_space<vmem>> -> memref<1x128xf32, #tpu.memory_space<vmem>>
    %dma_wait3A_716 = tpu.memref_squeeze %dma_wait3A_715 : memref<1x128xf32, #tpu.memory_space<vmem>> -> memref<128xf32, #tpu.memory_space<vmem>>
    %dma_wait3A_717 = arith.constant 0 : i32
    %dma_wait3A_718 = tpu.memref_slice %arg41[%dma_wait3A_717] : memref<512xi32, #tpu.memory_space<vmem>> -> memref<128xi32, #tpu.memory_space<vmem>>
    %dma_wait3A_719 = arith.constant 0 : i32
    %dma_wait3A_720 = tpu.memref_slice %arg8[%dma_wait3A_719] : memref<102400xf32, #tpu.memory_space<hbm>> -> memref<102400xf32, #tpu.memory_space<hbm>>
    tpu.wait_indirect_dma semaphore(%arg51 : memref<!tpu.dma_semaphore, #tpu.memory_space<semaphore_mem>>) src(%dma_wait3A_720 : memref<102400xf32, #tpu.memory_space<hbm>>) dst(%dma_wait3A_716 : memref<128xf32, #tpu.memory_space<vmem>>)
    %dma_wait3A_721 = arith.constant 3 : i32
    %dma_wait3A_722 = arith.constant 128 : i32
    %dma_wait3A_723 = tpu.memref_slice %arg42[%dma_wait3A_721, %dma_wait3A_722] : memref<16x512xf32, #tpu.memory_space<vmem>> -> memref<1x128xf32, #tpu.memory_space<vmem>>
    %dma_wait3A_724 = tpu.memref_squeeze %dma_wait3A_723 : memref<1x128xf32, #tpu.memory_space<vmem>> -> memref<128xf32, #tpu.memory_space<vmem>>
    %dma_wait3A_725 = arith.constant 128 : i32
    %dma_wait3A_726 = tpu.memref_slice %arg40[%dma_wait3A_725] : memref<512xi32, #tpu.memory_space<vmem>> -> memref<128xi32, #tpu.memory_space<vmem>>
    %dma_wait3A_727 = arith.constant 0 : i32
    %dma_wait3A_728 = tpu.memref_slice %arg25[%dma_wait3A_727] : memref<1048576xf32, #tpu.memory_space<hbm>> -> memref<1048576xf32, #tpu.memory_space<hbm>>
    tpu.wait_indirect_dma semaphore(%arg51 : memref<!tpu.dma_semaphore, #tpu.memory_space<semaphore_mem>>) src(%dma_wait3A_728 : memref<1048576xf32, #tpu.memory_space<hbm>>) dst(%dma_wait3A_724 : memref<128xf32, #tpu.memory_space<vmem>>)
    %dma_wait3A_729 = arith.constant 3 : i32
    %dma_wait3A_730 = arith.constant 128 : i32
    %dma_wait3A_731 = tpu.memref_slice %arg43[%dma_wait3A_729, %dma_wait3A_730] : memref<16x512xf32, #tpu.memory_space<vmem>> -> memref<1x128xf32, #tpu.memory_space<vmem>>
    %dma_wait3A_732 = tpu.memref_squeeze %dma_wait3A_731 : memref<1x128xf32, #tpu.memory_space<vmem>> -> memref<128xf32, #tpu.memory_space<vmem>>
    %dma_wait3A_733 = arith.constant 128 : i32
    %dma_wait3A_734 = tpu.memref_slice %arg41[%dma_wait3A_733] : memref<512xi32, #tpu.memory_space<vmem>> -> memref<128xi32, #tpu.memory_space<vmem>>
    %dma_wait3A_735 = arith.constant 0 : i32
    %dma_wait3A_736 = tpu.memref_slice %arg8[%dma_wait3A_735] : memref<102400xf32, #tpu.memory_space<hbm>> -> memref<102400xf32, #tpu.memory_space<hbm>>
    tpu.wait_indirect_dma semaphore(%arg51 : memref<!tpu.dma_semaphore, #tpu.memory_space<semaphore_mem>>) src(%dma_wait3A_736 : memref<102400xf32, #tpu.memory_space<hbm>>) dst(%dma_wait3A_732 : memref<128xf32, #tpu.memory_space<vmem>>)
    %dma_wait3A_737 = arith.constant 3 : i32
    %dma_wait3A_738 = arith.constant 256 : i32
    %dma_wait3A_739 = tpu.memref_slice %arg42[%dma_wait3A_737, %dma_wait3A_738] : memref<16x512xf32, #tpu.memory_space<vmem>> -> memref<1x128xf32, #tpu.memory_space<vmem>>
    %dma_wait3A_740 = tpu.memref_squeeze %dma_wait3A_739 : memref<1x128xf32, #tpu.memory_space<vmem>> -> memref<128xf32, #tpu.memory_space<vmem>>
    %dma_wait3A_741 = arith.constant 256 : i32
    %dma_wait3A_742 = tpu.memref_slice %arg40[%dma_wait3A_741] : memref<512xi32, #tpu.memory_space<vmem>> -> memref<128xi32, #tpu.memory_space<vmem>>
    %dma_wait3A_743 = arith.constant 0 : i32
    %dma_wait3A_744 = tpu.memref_slice %arg25[%dma_wait3A_743] : memref<1048576xf32, #tpu.memory_space<hbm>> -> memref<1048576xf32, #tpu.memory_space<hbm>>
    tpu.wait_indirect_dma semaphore(%arg51 : memref<!tpu.dma_semaphore, #tpu.memory_space<semaphore_mem>>) src(%dma_wait3A_744 : memref<1048576xf32, #tpu.memory_space<hbm>>) dst(%dma_wait3A_740 : memref<128xf32, #tpu.memory_space<vmem>>)
    %dma_wait3A_745 = arith.constant 3 : i32
    %dma_wait3A_746 = arith.constant 256 : i32
    %dma_wait3A_747 = tpu.memref_slice %arg43[%dma_wait3A_745, %dma_wait3A_746] : memref<16x512xf32, #tpu.memory_space<vmem>> -> memref<1x128xf32, #tpu.memory_space<vmem>>
    %dma_wait3A_748 = tpu.memref_squeeze %dma_wait3A_747 : memref<1x128xf32, #tpu.memory_space<vmem>> -> memref<128xf32, #tpu.memory_space<vmem>>
    %dma_wait3A_749 = arith.constant 256 : i32
    %dma_wait3A_750 = tpu.memref_slice %arg41[%dma_wait3A_749] : memref<512xi32, #tpu.memory_space<vmem>> -> memref<128xi32, #tpu.memory_space<vmem>>
    %dma_wait3A_751 = arith.constant 0 : i32
    %dma_wait3A_752 = tpu.memref_slice %arg8[%dma_wait3A_751] : memref<102400xf32, #tpu.memory_space<hbm>> -> memref<102400xf32, #tpu.memory_space<hbm>>
    tpu.wait_indirect_dma semaphore(%arg51 : memref<!tpu.dma_semaphore, #tpu.memory_space<semaphore_mem>>) src(%dma_wait3A_752 : memref<102400xf32, #tpu.memory_space<hbm>>) dst(%dma_wait3A_748 : memref<128xf32, #tpu.memory_space<vmem>>)
    %dma_wait3A_753 = arith.constant 3 : i32
    %dma_wait3A_754 = arith.constant 384 : i32
    %dma_wait3A_755 = tpu.memref_slice %arg42[%dma_wait3A_753, %dma_wait3A_754] : memref<16x512xf32, #tpu.memory_space<vmem>> -> memref<1x128xf32, #tpu.memory_space<vmem>>
    %dma_wait3A_756 = tpu.memref_squeeze %dma_wait3A_755 : memref<1x128xf32, #tpu.memory_space<vmem>> -> memref<128xf32, #tpu.memory_space<vmem>>
    %dma_wait3A_757 = arith.constant 384 : i32
    %dma_wait3A_758 = tpu.memref_slice %arg40[%dma_wait3A_757] : memref<512xi32, #tpu.memory_space<vmem>> -> memref<128xi32, #tpu.memory_space<vmem>>
    %dma_wait3A_759 = arith.constant 0 : i32
    %dma_wait3A_760 = tpu.memref_slice %arg25[%dma_wait3A_759] : memref<1048576xf32, #tpu.memory_space<hbm>> -> memref<1048576xf32, #tpu.memory_space<hbm>>
    tpu.wait_indirect_dma semaphore(%arg51 : memref<!tpu.dma_semaphore, #tpu.memory_space<semaphore_mem>>) src(%dma_wait3A_760 : memref<1048576xf32, #tpu.memory_space<hbm>>) dst(%dma_wait3A_756 : memref<128xf32, #tpu.memory_space<vmem>>)
    %dma_wait3A_761 = arith.constant 3 : i32
    %dma_wait3A_762 = arith.constant 384 : i32
    %dma_wait3A_763 = tpu.memref_slice %arg43[%dma_wait3A_761, %dma_wait3A_762] : memref<16x512xf32, #tpu.memory_space<vmem>> -> memref<1x128xf32, #tpu.memory_space<vmem>>
    %dma_wait3A_764 = tpu.memref_squeeze %dma_wait3A_763 : memref<1x128xf32, #tpu.memory_space<vmem>> -> memref<128xf32, #tpu.memory_space<vmem>>
    %dma_wait3A_765 = arith.constant 384 : i32
    %dma_wait3A_766 = tpu.memref_slice %arg41[%dma_wait3A_765] : memref<512xi32, #tpu.memory_space<vmem>> -> memref<128xi32, #tpu.memory_space<vmem>>
    %dma_wait3A_767 = arith.constant 0 : i32
    %dma_wait3A_768 = tpu.memref_slice %arg8[%dma_wait3A_767] : memref<102400xf32, #tpu.memory_space<hbm>> -> memref<102400xf32, #tpu.memory_space<hbm>>
    tpu.wait_indirect_dma semaphore(%arg51 : memref<!tpu.dma_semaphore, #tpu.memory_space<semaphore_mem>>) src(%dma_wait3A_768 : memref<102400xf32, #tpu.memory_space<hbm>>) dst(%dma_wait3A_764 : memref<128xf32, #tpu.memory_space<vmem>>)
    %dma_start3A_769 = arith.constant 8 : i32
    %dma_start3A_770 = arith.constant 0 : i32
    %dma_start3A_771 = tpu.memref_slice %arg42[%dma_start3A_769, %dma_start3A_770] : memref<16x512xf32, #tpu.memory_space<vmem>> -> memref<1x128xf32, #tpu.memory_space<vmem>>
    %dma_start3A_772 = tpu.memref_squeeze %dma_start3A_771 : memref<1x128xf32, #tpu.memory_space<vmem>> -> memref<128xf32, #tpu.memory_space<vmem>>
    %dma_start3A_773 = arith.constant 0 : i32
    %dma_start3A_774 = tpu.memref_slice %arg40[%dma_start3A_773] : memref<512xi32, #tpu.memory_space<vmem>> -> memref<128xi32, #tpu.memory_space<vmem>>
    %dma_start3A_775 = arith.constant 0 : i32
    %dma_start3A_776 = tpu.memref_slice %arg30[%dma_start3A_775] : memref<1048576xf32, #tpu.memory_space<hbm>> -> memref<1048576xf32, #tpu.memory_space<hbm>>
    tpu.enqueue_indirect_dma source(%dma_start3A_776 : memref<1048576xf32, #tpu.memory_space<hbm>>) target(%dma_start3A_772 : memref<128xf32, #tpu.memory_space<vmem>>) offsets(%dma_start3A_774 : memref<128xi32, #tpu.memory_space<vmem>>) semaphore(%arg48 : memref<!tpu.dma_semaphore, #tpu.memory_space<semaphore_mem>>)
    %dma_start3A_777 = arith.constant 8 : i32
    %dma_start3A_778 = arith.constant 0 : i32
    %dma_start3A_779 = tpu.memref_slice %arg43[%dma_start3A_777, %dma_start3A_778] : memref<16x512xf32, #tpu.memory_space<vmem>> -> memref<1x128xf32, #tpu.memory_space<vmem>>
    %dma_start3A_780 = tpu.memref_squeeze %dma_start3A_779 : memref<1x128xf32, #tpu.memory_space<vmem>> -> memref<128xf32, #tpu.memory_space<vmem>>
    %dma_start3A_781 = arith.constant 0 : i32
    %dma_start3A_782 = tpu.memref_slice %arg41[%dma_start3A_781] : memref<512xi32, #tpu.memory_space<vmem>> -> memref<128xi32, #tpu.memory_space<vmem>>
    %dma_start3A_783 = arith.constant 0 : i32
    %dma_start3A_784 = tpu.memref_slice %arg13[%dma_start3A_783] : memref<102400xf32, #tpu.memory_space<hbm>> -> memref<102400xf32, #tpu.memory_space<hbm>>
    tpu.enqueue_indirect_dma source(%dma_start3A_784 : memref<102400xf32, #tpu.memory_space<hbm>>) target(%dma_start3A_780 : memref<128xf32, #tpu.memory_space<vmem>>) offsets(%dma_start3A_782 : memref<128xi32, #tpu.memory_space<vmem>>) semaphore(%arg48 : memref<!tpu.dma_semaphore, #tpu.memory_space<semaphore_mem>>)
    %dma_start3A_785 = arith.constant 8 : i32
    %dma_start3A_786 = arith.constant 128 : i32
    %dma_start3A_787 = tpu.memref_slice %arg42[%dma_start3A_785, %dma_start3A_786] : memref<16x512xf32, #tpu.memory_space<vmem>> -> memref<1x128xf32, #tpu.memory_space<vmem>>
    %dma_start3A_788 = tpu.memref_squeeze %dma_start3A_787 : memref<1x128xf32, #tpu.memory_space<vmem>> -> memref<128xf32, #tpu.memory_space<vmem>>
    %dma_start3A_789 = arith.constant 128 : i32
    %dma_start3A_790 = tpu.memref_slice %arg40[%dma_start3A_789] : memref<512xi32, #tpu.memory_space<vmem>> -> memref<128xi32, #tpu.memory_space<vmem>>
    %dma_start3A_791 = arith.constant 0 : i32
    %dma_start3A_792 = tpu.memref_slice %arg30[%dma_start3A_791] : memref<1048576xf32, #tpu.memory_space<hbm>> -> memref<1048576xf32, #tpu.memory_space<hbm>>
    tpu.enqueue_indirect_dma source(%dma_start3A_792 : memref<1048576xf32, #tpu.memory_space<hbm>>) target(%dma_start3A_788 : memref<128xf32, #tpu.memory_space<vmem>>) offsets(%dma_start3A_790 : memref<128xi32, #tpu.memory_space<vmem>>) semaphore(%arg48 : memref<!tpu.dma_semaphore, #tpu.memory_space<semaphore_mem>>)
    %dma_start3A_793 = arith.constant 8 : i32
    %dma_start3A_794 = arith.constant 128 : i32
    %dma_start3A_795 = tpu.memref_slice %arg43[%dma_start3A_793, %dma_start3A_794] : memref<16x512xf32, #tpu.memory_space<vmem>> -> memref<1x128xf32, #tpu.memory_space<vmem>>
    %dma_start3A_796 = tpu.memref_squeeze %dma_start3A_795 : memref<1x128xf32, #tpu.memory_space<vmem>> -> memref<128xf32, #tpu.memory_space<vmem>>
    %dma_start3A_797 = arith.constant 128 : i32
    %dma_start3A_798 = tpu.memref_slice %arg41[%dma_start3A_797] : memref<512xi32, #tpu.memory_space<vmem>> -> memref<128xi32, #tpu.memory_space<vmem>>
    %dma_start3A_799 = arith.constant 0 : i32
    %dma_start3A_800 = tpu.memref_slice %arg13[%dma_start3A_799] : memref<102400xf32, #tpu.memory_space<hbm>> -> memref<102400xf32, #tpu.memory_space<hbm>>
    tpu.enqueue_indirect_dma source(%dma_start3A_800 : memref<102400xf32, #tpu.memory_space<hbm>>) target(%dma_start3A_796 : memref<128xf32, #tpu.memory_space<vmem>>) offsets(%dma_start3A_798 : memref<128xi32, #tpu.memory_space<vmem>>) semaphore(%arg48 : memref<!tpu.dma_semaphore, #tpu.memory_space<semaphore_mem>>)
    %dma_start3A_801 = arith.constant 8 : i32
    %dma_start3A_802 = arith.constant 256 : i32
    %dma_start3A_803 = tpu.memref_slice %arg42[%dma_start3A_801, %dma_start3A_802] : memref<16x512xf32, #tpu.memory_space<vmem>> -> memref<1x128xf32, #tpu.memory_space<vmem>>
    %dma_start3A_804 = tpu.memref_squeeze %dma_start3A_803 : memref<1x128xf32, #tpu.memory_space<vmem>> -> memref<128xf32, #tpu.memory_space<vmem>>
    %dma_start3A_805 = arith.constant 256 : i32
    %dma_start3A_806 = tpu.memref_slice %arg40[%dma_start3A_805] : memref<512xi32, #tpu.memory_space<vmem>> -> memref<128xi32, #tpu.memory_space<vmem>>
    %dma_start3A_807 = arith.constant 0 : i32
    %dma_start3A_808 = tpu.memref_slice %arg30[%dma_start3A_807] : memref<1048576xf32, #tpu.memory_space<hbm>> -> memref<1048576xf32, #tpu.memory_space<hbm>>
    tpu.enqueue_indirect_dma source(%dma_start3A_808 : memref<1048576xf32, #tpu.memory_space<hbm>>) target(%dma_start3A_804 : memref<128xf32, #tpu.memory_space<vmem>>) offsets(%dma_start3A_806 : memref<128xi32, #tpu.memory_space<vmem>>) semaphore(%arg48 : memref<!tpu.dma_semaphore, #tpu.memory_space<semaphore_mem>>)
    %dma_start3A_809 = arith.constant 8 : i32
    %dma_start3A_810 = arith.constant 256 : i32
    %dma_start3A_811 = tpu.memref_slice %arg43[%dma_start3A_809, %dma_start3A_810] : memref<16x512xf32, #tpu.memory_space<vmem>> -> memref<1x128xf32, #tpu.memory_space<vmem>>
    %dma_start3A_812 = tpu.memref_squeeze %dma_start3A_811 : memref<1x128xf32, #tpu.memory_space<vmem>> -> memref<128xf32, #tpu.memory_space<vmem>>
    %dma_start3A_813 = arith.constant 256 : i32
    %dma_start3A_814 = tpu.memref_slice %arg41[%dma_start3A_813] : memref<512xi32, #tpu.memory_space<vmem>> -> memref<128xi32, #tpu.memory_space<vmem>>
    %dma_start3A_815 = arith.constant 0 : i32
    %dma_start3A_816 = tpu.memref_slice %arg13[%dma_start3A_815] : memref<102400xf32, #tpu.memory_space<hbm>> -> memref<102400xf32, #tpu.memory_space<hbm>>
    tpu.enqueue_indirect_dma source(%dma_start3A_816 : memref<102400xf32, #tpu.memory_space<hbm>>) target(%dma_start3A_812 : memref<128xf32, #tpu.memory_space<vmem>>) offsets(%dma_start3A_814 : memref<128xi32, #tpu.memory_space<vmem>>) semaphore(%arg48 : memref<!tpu.dma_semaphore, #tpu.memory_space<semaphore_mem>>)
    %dma_start3A_817 = arith.constant 8 : i32
    %dma_start3A_818 = arith.constant 384 : i32
    %dma_start3A_819 = tpu.memref_slice %arg42[%dma_start3A_817, %dma_start3A_818] : memref<16x512xf32, #tpu.memory_space<vmem>> -> memref<1x128xf32, #tpu.memory_space<vmem>>
    %dma_start3A_820 = tpu.memref_squeeze %dma_start3A_819 : memref<1x128xf32, #tpu.memory_space<vmem>> -> memref<128xf32, #tpu.memory_space<vmem>>
    %dma_start3A_821 = arith.constant 384 : i32
    %dma_start3A_822 = tpu.memref_slice %arg40[%dma_start3A_821] : memref<512xi32, #tpu.memory_space<vmem>> -> memref<128xi32, #tpu.memory_space<vmem>>
    %dma_start3A_823 = arith.constant 0 : i32
    %dma_start3A_824 = tpu.memref_slice %arg30[%dma_start3A_823] : memref<1048576xf32, #tpu.memory_space<hbm>> -> memref<1048576xf32, #tpu.memory_space<hbm>>
    tpu.enqueue_indirect_dma source(%dma_start3A_824 : memref<1048576xf32, #tpu.memory_space<hbm>>) target(%dma_start3A_820 : memref<128xf32, #tpu.memory_space<vmem>>) offsets(%dma_start3A_822 : memref<128xi32, #tpu.memory_space<vmem>>) semaphore(%arg48 : memref<!tpu.dma_semaphore, #tpu.memory_space<semaphore_mem>>)
    %dma_start3A_825 = arith.constant 8 : i32
    %dma_start3A_826 = arith.constant 384 : i32
    %dma_start3A_827 = tpu.memref_slice %arg43[%dma_start3A_825, %dma_start3A_826] : memref<16x512xf32, #tpu.memory_space<vmem>> -> memref<1x128xf32, #tpu.memory_space<vmem>>
    %dma_start3A_828 = tpu.memref_squeeze %dma_start3A_827 : memref<1x128xf32, #tpu.memory_space<vmem>> -> memref<128xf32, #tpu.memory_space<vmem>>
    %dma_start3A_829 = arith.constant 384 : i32
    %dma_start3A_830 = tpu.memref_slice %arg41[%dma_start3A_829] : memref<512xi32, #tpu.memory_space<vmem>> -> memref<128xi32, #tpu.memory_space<vmem>>
    %dma_start3A_831 = arith.constant 0 : i32
    %dma_start3A_832 = tpu.memref_slice %arg13[%dma_start3A_831] : memref<102400xf32, #tpu.memory_space<hbm>> -> memref<102400xf32, #tpu.memory_space<hbm>>
    tpu.enqueue_indirect_dma source(%dma_start3A_832 : memref<102400xf32, #tpu.memory_space<hbm>>) target(%dma_start3A_828 : memref<128xf32, #tpu.memory_space<vmem>>) offsets(%dma_start3A_830 : memref<128xi32, #tpu.memory_space<vmem>>) semaphore(%arg48 : memref<!tpu.dma_semaphore, #tpu.memory_space<semaphore_mem>>)
    %dma_wait3A_833 = arith.constant 4 : i32
    %dma_wait3A_834 = arith.constant 0 : i32
    %dma_wait3A_835 = tpu.memref_slice %arg42[%dma_wait3A_833, %dma_wait3A_834] : memref<16x512xf32, #tpu.memory_space<vmem>> -> memref<1x128xf32, #tpu.memory_space<vmem>>
    %dma_wait3A_836 = tpu.memref_squeeze %dma_wait3A_835 : memref<1x128xf32, #tpu.memory_space<vmem>> -> memref<128xf32, #tpu.memory_space<vmem>>
    %dma_wait3A_837 = arith.constant 0 : i32
    %dma_wait3A_838 = tpu.memref_slice %arg40[%dma_wait3A_837] : memref<512xi32, #tpu.memory_space<vmem>> -> memref<128xi32, #tpu.memory_space<vmem>>
    %dma_wait3A_839 = arith.constant 0 : i32
    %dma_wait3A_840 = tpu.memref_slice %arg26[%dma_wait3A_839] : memref<1048576xf32, #tpu.memory_space<hbm>> -> memref<1048576xf32, #tpu.memory_space<hbm>>
    tpu.wait_indirect_dma semaphore(%arg48 : memref<!tpu.dma_semaphore, #tpu.memory_space<semaphore_mem>>) src(%dma_wait3A_840 : memref<1048576xf32, #tpu.memory_space<hbm>>) dst(%dma_wait3A_836 : memref<128xf32, #tpu.memory_space<vmem>>)
    %dma_wait3A_841 = arith.constant 4 : i32
    %dma_wait3A_842 = arith.constant 0 : i32
    %dma_wait3A_843 = tpu.memref_slice %arg43[%dma_wait3A_841, %dma_wait3A_842] : memref<16x512xf32, #tpu.memory_space<vmem>> -> memref<1x128xf32, #tpu.memory_space<vmem>>
    %dma_wait3A_844 = tpu.memref_squeeze %dma_wait3A_843 : memref<1x128xf32, #tpu.memory_space<vmem>> -> memref<128xf32, #tpu.memory_space<vmem>>
    %dma_wait3A_845 = arith.constant 0 : i32
    %dma_wait3A_846 = tpu.memref_slice %arg41[%dma_wait3A_845] : memref<512xi32, #tpu.memory_space<vmem>> -> memref<128xi32, #tpu.memory_space<vmem>>
    %dma_wait3A_847 = arith.constant 0 : i32
    %dma_wait3A_848 = tpu.memref_slice %arg9[%dma_wait3A_847] : memref<102400xf32, #tpu.memory_space<hbm>> -> memref<102400xf32, #tpu.memory_space<hbm>>
    tpu.wait_indirect_dma semaphore(%arg48 : memref<!tpu.dma_semaphore, #tpu.memory_space<semaphore_mem>>) src(%dma_wait3A_848 : memref<102400xf32, #tpu.memory_space<hbm>>) dst(%dma_wait3A_844 : memref<128xf32, #tpu.memory_space<vmem>>)
    %dma_wait3A_849 = arith.constant 4 : i32
    %dma_wait3A_850 = arith.constant 128 : i32
    %dma_wait3A_851 = tpu.memref_slice %arg42[%dma_wait3A_849, %dma_wait3A_850] : memref<16x512xf32, #tpu.memory_space<vmem>> -> memref<1x128xf32, #tpu.memory_space<vmem>>
    %dma_wait3A_852 = tpu.memref_squeeze %dma_wait3A_851 : memref<1x128xf32, #tpu.memory_space<vmem>> -> memref<128xf32, #tpu.memory_space<vmem>>
    %dma_wait3A_853 = arith.constant 128 : i32
    %dma_wait3A_854 = tpu.memref_slice %arg40[%dma_wait3A_853] : memref<512xi32, #tpu.memory_space<vmem>> -> memref<128xi32, #tpu.memory_space<vmem>>
    %dma_wait3A_855 = arith.constant 0 : i32
    %dma_wait3A_856 = tpu.memref_slice %arg26[%dma_wait3A_855] : memref<1048576xf32, #tpu.memory_space<hbm>> -> memref<1048576xf32, #tpu.memory_space<hbm>>
    tpu.wait_indirect_dma semaphore(%arg48 : memref<!tpu.dma_semaphore, #tpu.memory_space<semaphore_mem>>) src(%dma_wait3A_856 : memref<1048576xf32, #tpu.memory_space<hbm>>) dst(%dma_wait3A_852 : memref<128xf32, #tpu.memory_space<vmem>>)
    %dma_wait3A_857 = arith.constant 4 : i32
    %dma_wait3A_858 = arith.constant 128 : i32
    %dma_wait3A_859 = tpu.memref_slice %arg43[%dma_wait3A_857, %dma_wait3A_858] : memref<16x512xf32, #tpu.memory_space<vmem>> -> memref<1x128xf32, #tpu.memory_space<vmem>>
    %dma_wait3A_860 = tpu.memref_squeeze %dma_wait3A_859 : memref<1x128xf32, #tpu.memory_space<vmem>> -> memref<128xf32, #tpu.memory_space<vmem>>
    %dma_wait3A_861 = arith.constant 128 : i32
    %dma_wait3A_862 = tpu.memref_slice %arg41[%dma_wait3A_861] : memref<512xi32, #tpu.memory_space<vmem>> -> memref<128xi32, #tpu.memory_space<vmem>>
    %dma_wait3A_863 = arith.constant 0 : i32
    %dma_wait3A_864 = tpu.memref_slice %arg9[%dma_wait3A_863] : memref<102400xf32, #tpu.memory_space<hbm>> -> memref<102400xf32, #tpu.memory_space<hbm>>
    tpu.wait_indirect_dma semaphore(%arg48 : memref<!tpu.dma_semaphore, #tpu.memory_space<semaphore_mem>>) src(%dma_wait3A_864 : memref<102400xf32, #tpu.memory_space<hbm>>) dst(%dma_wait3A_860 : memref<128xf32, #tpu.memory_space<vmem>>)
    %dma_wait3A_865 = arith.constant 4 : i32
    %dma_wait3A_866 = arith.constant 256 : i32
    %dma_wait3A_867 = tpu.memref_slice %arg42[%dma_wait3A_865, %dma_wait3A_866] : memref<16x512xf32, #tpu.memory_space<vmem>> -> memref<1x128xf32, #tpu.memory_space<vmem>>
    %dma_wait3A_868 = tpu.memref_squeeze %dma_wait3A_867 : memref<1x128xf32, #tpu.memory_space<vmem>> -> memref<128xf32, #tpu.memory_space<vmem>>
    %dma_wait3A_869 = arith.constant 256 : i32
    %dma_wait3A_870 = tpu.memref_slice %arg40[%dma_wait3A_869] : memref<512xi32, #tpu.memory_space<vmem>> -> memref<128xi32, #tpu.memory_space<vmem>>
    %dma_wait3A_871 = arith.constant 0 : i32
    %dma_wait3A_872 = tpu.memref_slice %arg26[%dma_wait3A_871] : memref<1048576xf32, #tpu.memory_space<hbm>> -> memref<1048576xf32, #tpu.memory_space<hbm>>
    tpu.wait_indirect_dma semaphore(%arg48 : memref<!tpu.dma_semaphore, #tpu.memory_space<semaphore_mem>>) src(%dma_wait3A_872 : memref<1048576xf32, #tpu.memory_space<hbm>>) dst(%dma_wait3A_868 : memref<128xf32, #tpu.memory_space<vmem>>)
    %dma_wait3A_873 = arith.constant 4 : i32
    %dma_wait3A_874 = arith.constant 256 : i32
    %dma_wait3A_875 = tpu.memref_slice %arg43[%dma_wait3A_873, %dma_wait3A_874] : memref<16x512xf32, #tpu.memory_space<vmem>> -> memref<1x128xf32, #tpu.memory_space<vmem>>
    %dma_wait3A_876 = tpu.memref_squeeze %dma_wait3A_875 : memref<1x128xf32, #tpu.memory_space<vmem>> -> memref<128xf32, #tpu.memory_space<vmem>>
    %dma_wait3A_877 = arith.constant 256 : i32
    %dma_wait3A_878 = tpu.memref_slice %arg41[%dma_wait3A_877] : memref<512xi32, #tpu.memory_space<vmem>> -> memref<128xi32, #tpu.memory_space<vmem>>
    %dma_wait3A_879 = arith.constant 0 : i32
    %dma_wait3A_880 = tpu.memref_slice %arg9[%dma_wait3A_879] : memref<102400xf32, #tpu.memory_space<hbm>> -> memref<102400xf32, #tpu.memory_space<hbm>>
    tpu.wait_indirect_dma semaphore(%arg48 : memref<!tpu.dma_semaphore, #tpu.memory_space<semaphore_mem>>) src(%dma_wait3A_880 : memref<102400xf32, #tpu.memory_space<hbm>>) dst(%dma_wait3A_876 : memref<128xf32, #tpu.memory_space<vmem>>)
    %dma_wait3A_881 = arith.constant 4 : i32
    %dma_wait3A_882 = arith.constant 384 : i32
    %dma_wait3A_883 = tpu.memref_slice %arg42[%dma_wait3A_881, %dma_wait3A_882] : memref<16x512xf32, #tpu.memory_space<vmem>> -> memref<1x128xf32, #tpu.memory_space<vmem>>
    %dma_wait3A_884 = tpu.memref_squeeze %dma_wait3A_883 : memref<1x128xf32, #tpu.memory_space<vmem>> -> memref<128xf32, #tpu.memory_space<vmem>>
    %dma_wait3A_885 = arith.constant 384 : i32
    %dma_wait3A_886 = tpu.memref_slice %arg40[%dma_wait3A_885] : memref<512xi32, #tpu.memory_space<vmem>> -> memref<128xi32, #tpu.memory_space<vmem>>
    %dma_wait3A_887 = arith.constant 0 : i32
    %dma_wait3A_888 = tpu.memref_slice %arg26[%dma_wait3A_887] : memref<1048576xf32, #tpu.memory_space<hbm>> -> memref<1048576xf32, #tpu.memory_space<hbm>>
    tpu.wait_indirect_dma semaphore(%arg48 : memref<!tpu.dma_semaphore, #tpu.memory_space<semaphore_mem>>) src(%dma_wait3A_888 : memref<1048576xf32, #tpu.memory_space<hbm>>) dst(%dma_wait3A_884 : memref<128xf32, #tpu.memory_space<vmem>>)
    %dma_wait3A_889 = arith.constant 4 : i32
    %dma_wait3A_890 = arith.constant 384 : i32
    %dma_wait3A_891 = tpu.memref_slice %arg43[%dma_wait3A_889, %dma_wait3A_890] : memref<16x512xf32, #tpu.memory_space<vmem>> -> memref<1x128xf32, #tpu.memory_space<vmem>>
    %dma_wait3A_892 = tpu.memref_squeeze %dma_wait3A_891 : memref<1x128xf32, #tpu.memory_space<vmem>> -> memref<128xf32, #tpu.memory_space<vmem>>
    %dma_wait3A_893 = arith.constant 384 : i32
    %dma_wait3A_894 = tpu.memref_slice %arg41[%dma_wait3A_893] : memref<512xi32, #tpu.memory_space<vmem>> -> memref<128xi32, #tpu.memory_space<vmem>>
    %dma_wait3A_895 = arith.constant 0 : i32
    %dma_wait3A_896 = tpu.memref_slice %arg9[%dma_wait3A_895] : memref<102400xf32, #tpu.memory_space<hbm>> -> memref<102400xf32, #tpu.memory_space<hbm>>
    tpu.wait_indirect_dma semaphore(%arg48 : memref<!tpu.dma_semaphore, #tpu.memory_space<semaphore_mem>>) src(%dma_wait3A_896 : memref<102400xf32, #tpu.memory_space<hbm>>) dst(%dma_wait3A_892 : memref<128xf32, #tpu.memory_space<vmem>>)
    %dma_start3A_897 = arith.constant 9 : i32
    %dma_start3A_898 = arith.constant 0 : i32
    %dma_start3A_899 = tpu.memref_slice %arg42[%dma_start3A_897, %dma_start3A_898] : memref<16x512xf32, #tpu.memory_space<vmem>> -> memref<1x128xf32, #tpu.memory_space<vmem>>
    %dma_start3A_900 = tpu.memref_squeeze %dma_start3A_899 : memref<1x128xf32, #tpu.memory_space<vmem>> -> memref<128xf32, #tpu.memory_space<vmem>>
    %dma_start3A_901 = arith.constant 0 : i32
    %dma_start3A_902 = tpu.memref_slice %arg40[%dma_start3A_901] : memref<512xi32, #tpu.memory_space<vmem>> -> memref<128xi32, #tpu.memory_space<vmem>>
    %dma_start3A_903 = arith.constant 0 : i32
    %dma_start3A_904 = tpu.memref_slice %arg31[%dma_start3A_903] : memref<1048576xf32, #tpu.memory_space<hbm>> -> memref<1048576xf32, #tpu.memory_space<hbm>>
    tpu.enqueue_indirect_dma source(%dma_start3A_904 : memref<1048576xf32, #tpu.memory_space<hbm>>) target(%dma_start3A_900 : memref<128xf32, #tpu.memory_space<vmem>>) offsets(%dma_start3A_902 : memref<128xi32, #tpu.memory_space<vmem>>) semaphore(%arg49 : memref<!tpu.dma_semaphore, #tpu.memory_space<semaphore_mem>>)
    %dma_start3A_905 = arith.constant 9 : i32
    %dma_start3A_906 = arith.constant 0 : i32
    %dma_start3A_907 = tpu.memref_slice %arg43[%dma_start3A_905, %dma_start3A_906] : memref<16x512xf32, #tpu.memory_space<vmem>> -> memref<1x128xf32, #tpu.memory_space<vmem>>
    %dma_start3A_908 = tpu.memref_squeeze %dma_start3A_907 : memref<1x128xf32, #tpu.memory_space<vmem>> -> memref<128xf32, #tpu.memory_space<vmem>>
    %dma_start3A_909 = arith.constant 0 : i32
    %dma_start3A_910 = tpu.memref_slice %arg41[%dma_start3A_909] : memref<512xi32, #tpu.memory_space<vmem>> -> memref<128xi32, #tpu.memory_space<vmem>>
    %dma_start3A_911 = arith.constant 0 : i32
    %dma_start3A_912 = tpu.memref_slice %arg14[%dma_start3A_911] : memref<102400xf32, #tpu.memory_space<hbm>> -> memref<102400xf32, #tpu.memory_space<hbm>>
    tpu.enqueue_indirect_dma source(%dma_start3A_912 : memref<102400xf32, #tpu.memory_space<hbm>>) target(%dma_start3A_908 : memref<128xf32, #tpu.memory_space<vmem>>) offsets(%dma_start3A_910 : memref<128xi32, #tpu.memory_space<vmem>>) semaphore(%arg49 : memref<!tpu.dma_semaphore, #tpu.memory_space<semaphore_mem>>)
    %dma_start3A_913 = arith.constant 9 : i32
    %dma_start3A_914 = arith.constant 128 : i32
    %dma_start3A_915 = tpu.memref_slice %arg42[%dma_start3A_913, %dma_start3A_914] : memref<16x512xf32, #tpu.memory_space<vmem>> -> memref<1x128xf32, #tpu.memory_space<vmem>>
    %dma_start3A_916 = tpu.memref_squeeze %dma_start3A_915 : memref<1x128xf32, #tpu.memory_space<vmem>> -> memref<128xf32, #tpu.memory_space<vmem>>
    %dma_start3A_917 = arith.constant 128 : i32
    %dma_start3A_918 = tpu.memref_slice %arg40[%dma_start3A_917] : memref<512xi32, #tpu.memory_space<vmem>> -> memref<128xi32, #tpu.memory_space<vmem>>
    %dma_start3A_919 = arith.constant 0 : i32
    %dma_start3A_920 = tpu.memref_slice %arg31[%dma_start3A_919] : memref<1048576xf32, #tpu.memory_space<hbm>> -> memref<1048576xf32, #tpu.memory_space<hbm>>
    tpu.enqueue_indirect_dma source(%dma_start3A_920 : memref<1048576xf32, #tpu.memory_space<hbm>>) target(%dma_start3A_916 : memref<128xf32, #tpu.memory_space<vmem>>) offsets(%dma_start3A_918 : memref<128xi32, #tpu.memory_space<vmem>>) semaphore(%arg49 : memref<!tpu.dma_semaphore, #tpu.memory_space<semaphore_mem>>)
    %dma_start3A_921 = arith.constant 9 : i32
    %dma_start3A_922 = arith.constant 128 : i32
    %dma_start3A_923 = tpu.memref_slice %arg43[%dma_start3A_921, %dma_start3A_922] : memref<16x512xf32, #tpu.memory_space<vmem>> -> memref<1x128xf32, #tpu.memory_space<vmem>>
    %dma_start3A_924 = tpu.memref_squeeze %dma_start3A_923 : memref<1x128xf32, #tpu.memory_space<vmem>> -> memref<128xf32, #tpu.memory_space<vmem>>
    %dma_start3A_925 = arith.constant 128 : i32
    %dma_start3A_926 = tpu.memref_slice %arg41[%dma_start3A_925] : memref<512xi32, #tpu.memory_space<vmem>> -> memref<128xi32, #tpu.memory_space<vmem>>
    %dma_start3A_927 = arith.constant 0 : i32
    %dma_start3A_928 = tpu.memref_slice %arg14[%dma_start3A_927] : memref<102400xf32, #tpu.memory_space<hbm>> -> memref<102400xf32, #tpu.memory_space<hbm>>
    tpu.enqueue_indirect_dma source(%dma_start3A_928 : memref<102400xf32, #tpu.memory_space<hbm>>) target(%dma_start3A_924 : memref<128xf32, #tpu.memory_space<vmem>>) offsets(%dma_start3A_926 : memref<128xi32, #tpu.memory_space<vmem>>) semaphore(%arg49 : memref<!tpu.dma_semaphore, #tpu.memory_space<semaphore_mem>>)
    %dma_start3A_929 = arith.constant 9 : i32
    %dma_start3A_930 = arith.constant 256 : i32
    %dma_start3A_931 = tpu.memref_slice %arg42[%dma_start3A_929, %dma_start3A_930] : memref<16x512xf32, #tpu.memory_space<vmem>> -> memref<1x128xf32, #tpu.memory_space<vmem>>
    %dma_start3A_932 = tpu.memref_squeeze %dma_start3A_931 : memref<1x128xf32, #tpu.memory_space<vmem>> -> memref<128xf32, #tpu.memory_space<vmem>>
    %dma_start3A_933 = arith.constant 256 : i32
    %dma_start3A_934 = tpu.memref_slice %arg40[%dma_start3A_933] : memref<512xi32, #tpu.memory_space<vmem>> -> memref<128xi32, #tpu.memory_space<vmem>>
    %dma_start3A_935 = arith.constant 0 : i32
    %dma_start3A_936 = tpu.memref_slice %arg31[%dma_start3A_935] : memref<1048576xf32, #tpu.memory_space<hbm>> -> memref<1048576xf32, #tpu.memory_space<hbm>>
    tpu.enqueue_indirect_dma source(%dma_start3A_936 : memref<1048576xf32, #tpu.memory_space<hbm>>) target(%dma_start3A_932 : memref<128xf32, #tpu.memory_space<vmem>>) offsets(%dma_start3A_934 : memref<128xi32, #tpu.memory_space<vmem>>) semaphore(%arg49 : memref<!tpu.dma_semaphore, #tpu.memory_space<semaphore_mem>>)
    %dma_start3A_937 = arith.constant 9 : i32
    %dma_start3A_938 = arith.constant 256 : i32
    %dma_start3A_939 = tpu.memref_slice %arg43[%dma_start3A_937, %dma_start3A_938] : memref<16x512xf32, #tpu.memory_space<vmem>> -> memref<1x128xf32, #tpu.memory_space<vmem>>
    %dma_start3A_940 = tpu.memref_squeeze %dma_start3A_939 : memref<1x128xf32, #tpu.memory_space<vmem>> -> memref<128xf32, #tpu.memory_space<vmem>>
    %dma_start3A_941 = arith.constant 256 : i32
    %dma_start3A_942 = tpu.memref_slice %arg41[%dma_start3A_941] : memref<512xi32, #tpu.memory_space<vmem>> -> memref<128xi32, #tpu.memory_space<vmem>>
    %dma_start3A_943 = arith.constant 0 : i32
    %dma_start3A_944 = tpu.memref_slice %arg14[%dma_start3A_943] : memref<102400xf32, #tpu.memory_space<hbm>> -> memref<102400xf32, #tpu.memory_space<hbm>>
    tpu.enqueue_indirect_dma source(%dma_start3A_944 : memref<102400xf32, #tpu.memory_space<hbm>>) target(%dma_start3A_940 : memref<128xf32, #tpu.memory_space<vmem>>) offsets(%dma_start3A_942 : memref<128xi32, #tpu.memory_space<vmem>>) semaphore(%arg49 : memref<!tpu.dma_semaphore, #tpu.memory_space<semaphore_mem>>)
    %dma_start3A_945 = arith.constant 9 : i32
    %dma_start3A_946 = arith.constant 384 : i32
    %dma_start3A_947 = tpu.memref_slice %arg42[%dma_start3A_945, %dma_start3A_946] : memref<16x512xf32, #tpu.memory_space<vmem>> -> memref<1x128xf32, #tpu.memory_space<vmem>>
    %dma_start3A_948 = tpu.memref_squeeze %dma_start3A_947 : memref<1x128xf32, #tpu.memory_space<vmem>> -> memref<128xf32, #tpu.memory_space<vmem>>
    %dma_start3A_949 = arith.constant 384 : i32
    %dma_start3A_950 = tpu.memref_slice %arg40[%dma_start3A_949] : memref<512xi32, #tpu.memory_space<vmem>> -> memref<128xi32, #tpu.memory_space<vmem>>
    %dma_start3A_951 = arith.constant 0 : i32
    %dma_start3A_952 = tpu.memref_slice %arg31[%dma_start3A_951] : memref<1048576xf32, #tpu.memory_space<hbm>> -> memref<1048576xf32, #tpu.memory_space<hbm>>
    tpu.enqueue_indirect_dma source(%dma_start3A_952 : memref<1048576xf32, #tpu.memory_space<hbm>>) target(%dma_start3A_948 : memref<128xf32, #tpu.memory_space<vmem>>) offsets(%dma_start3A_950 : memref<128xi32, #tpu.memory_space<vmem>>) semaphore(%arg49 : memref<!tpu.dma_semaphore, #tpu.memory_space<semaphore_mem>>)
    %dma_start3A_953 = arith.constant 9 : i32
    %dma_start3A_954 = arith.constant 384 : i32
    %dma_start3A_955 = tpu.memref_slice %arg43[%dma_start3A_953, %dma_start3A_954] : memref<16x512xf32, #tpu.memory_space<vmem>> -> memref<1x128xf32, #tpu.memory_space<vmem>>
    %dma_start3A_956 = tpu.memref_squeeze %dma_start3A_955 : memref<1x128xf32, #tpu.memory_space<vmem>> -> memref<128xf32, #tpu.memory_space<vmem>>
    %dma_start3A_957 = arith.constant 384 : i32
    %dma_start3A_958 = tpu.memref_slice %arg41[%dma_start3A_957] : memref<512xi32, #tpu.memory_space<vmem>> -> memref<128xi32, #tpu.memory_space<vmem>>
    %dma_start3A_959 = arith.constant 0 : i32
    %dma_start3A_960 = tpu.memref_slice %arg14[%dma_start3A_959] : memref<102400xf32, #tpu.memory_space<hbm>> -> memref<102400xf32, #tpu.memory_space<hbm>>
    tpu.enqueue_indirect_dma source(%dma_start3A_960 : memref<102400xf32, #tpu.memory_space<hbm>>) target(%dma_start3A_956 : memref<128xf32, #tpu.memory_space<vmem>>) offsets(%dma_start3A_958 : memref<128xi32, #tpu.memory_space<vmem>>) semaphore(%arg49 : memref<!tpu.dma_semaphore, #tpu.memory_space<semaphore_mem>>)
    %dma_wait3A_961 = arith.constant 5 : i32
    %dma_wait3A_962 = arith.constant 0 : i32
    %dma_wait3A_963 = tpu.memref_slice %arg42[%dma_wait3A_961, %dma_wait3A_962] : memref<16x512xf32, #tpu.memory_space<vmem>> -> memref<1x128xf32, #tpu.memory_space<vmem>>
    %dma_wait3A_964 = tpu.memref_squeeze %dma_wait3A_963 : memref<1x128xf32, #tpu.memory_space<vmem>> -> memref<128xf32, #tpu.memory_space<vmem>>
    %dma_wait3A_965 = arith.constant 0 : i32
    %dma_wait3A_966 = tpu.memref_slice %arg40[%dma_wait3A_965] : memref<512xi32, #tpu.memory_space<vmem>> -> memref<128xi32, #tpu.memory_space<vmem>>
    %dma_wait3A_967 = arith.constant 0 : i32
    %dma_wait3A_968 = tpu.memref_slice %arg27[%dma_wait3A_967] : memref<1048576xf32, #tpu.memory_space<hbm>> -> memref<1048576xf32, #tpu.memory_space<hbm>>
    tpu.wait_indirect_dma semaphore(%arg49 : memref<!tpu.dma_semaphore, #tpu.memory_space<semaphore_mem>>) src(%dma_wait3A_968 : memref<1048576xf32, #tpu.memory_space<hbm>>) dst(%dma_wait3A_964 : memref<128xf32, #tpu.memory_space<vmem>>)
    %dma_wait3A_969 = arith.constant 5 : i32
    %dma_wait3A_970 = arith.constant 0 : i32
    %dma_wait3A_971 = tpu.memref_slice %arg43[%dma_wait3A_969, %dma_wait3A_970] : memref<16x512xf32, #tpu.memory_space<vmem>> -> memref<1x128xf32, #tpu.memory_space<vmem>>
    %dma_wait3A_972 = tpu.memref_squeeze %dma_wait3A_971 : memref<1x128xf32, #tpu.memory_space<vmem>> -> memref<128xf32, #tpu.memory_space<vmem>>
    %dma_wait3A_973 = arith.constant 0 : i32
    %dma_wait3A_974 = tpu.memref_slice %arg41[%dma_wait3A_973] : memref<512xi32, #tpu.memory_space<vmem>> -> memref<128xi32, #tpu.memory_space<vmem>>
    %dma_wait3A_975 = arith.constant 0 : i32
    %dma_wait3A_976 = tpu.memref_slice %arg10[%dma_wait3A_975] : memref<102400xf32, #tpu.memory_space<hbm>> -> memref<102400xf32, #tpu.memory_space<hbm>>
    tpu.wait_indirect_dma semaphore(%arg49 : memref<!tpu.dma_semaphore, #tpu.memory_space<semaphore_mem>>) src(%dma_wait3A_976 : memref<102400xf32, #tpu.memory_space<hbm>>) dst(%dma_wait3A_972 : memref<128xf32, #tpu.memory_space<vmem>>)
    %dma_wait3A_977 = arith.constant 5 : i32
    %dma_wait3A_978 = arith.constant 128 : i32
    %dma_wait3A_979 = tpu.memref_slice %arg42[%dma_wait3A_977, %dma_wait3A_978] : memref<16x512xf32, #tpu.memory_space<vmem>> -> memref<1x128xf32, #tpu.memory_space<vmem>>
    %dma_wait3A_980 = tpu.memref_squeeze %dma_wait3A_979 : memref<1x128xf32, #tpu.memory_space<vmem>> -> memref<128xf32, #tpu.memory_space<vmem>>
    %dma_wait3A_981 = arith.constant 128 : i32
    %dma_wait3A_982 = tpu.memref_slice %arg40[%dma_wait3A_981] : memref<512xi32, #tpu.memory_space<vmem>> -> memref<128xi32, #tpu.memory_space<vmem>>
    %dma_wait3A_983 = arith.constant 0 : i32
    %dma_wait3A_984 = tpu.memref_slice %arg27[%dma_wait3A_983] : memref<1048576xf32, #tpu.memory_space<hbm>> -> memref<1048576xf32, #tpu.memory_space<hbm>>
    tpu.wait_indirect_dma semaphore(%arg49 : memref<!tpu.dma_semaphore, #tpu.memory_space<semaphore_mem>>) src(%dma_wait3A_984 : memref<1048576xf32, #tpu.memory_space<hbm>>) dst(%dma_wait3A_980 : memref<128xf32, #tpu.memory_space<vmem>>)
    %dma_wait3A_985 = arith.constant 5 : i32
    %dma_wait3A_986 = arith.constant 128 : i32
    %dma_wait3A_987 = tpu.memref_slice %arg43[%dma_wait3A_985, %dma_wait3A_986] : memref<16x512xf32, #tpu.memory_space<vmem>> -> memref<1x128xf32, #tpu.memory_space<vmem>>
    %dma_wait3A_988 = tpu.memref_squeeze %dma_wait3A_987 : memref<1x128xf32, #tpu.memory_space<vmem>> -> memref<128xf32, #tpu.memory_space<vmem>>
    %dma_wait3A_989 = arith.constant 128 : i32
    %dma_wait3A_990 = tpu.memref_slice %arg41[%dma_wait3A_989] : memref<512xi32, #tpu.memory_space<vmem>> -> memref<128xi32, #tpu.memory_space<vmem>>
    %dma_wait3A_991 = arith.constant 0 : i32
    %dma_wait3A_992 = tpu.memref_slice %arg10[%dma_wait3A_991] : memref<102400xf32, #tpu.memory_space<hbm>> -> memref<102400xf32, #tpu.memory_space<hbm>>
    tpu.wait_indirect_dma semaphore(%arg49 : memref<!tpu.dma_semaphore, #tpu.memory_space<semaphore_mem>>) src(%dma_wait3A_992 : memref<102400xf32, #tpu.memory_space<hbm>>) dst(%dma_wait3A_988 : memref<128xf32, #tpu.memory_space<vmem>>)
    %dma_wait3A_993 = arith.constant 5 : i32
    %dma_wait3A_994 = arith.constant 256 : i32
    %dma_wait3A_995 = tpu.memref_slice %arg42[%dma_wait3A_993, %dma_wait3A_994] : memref<16x512xf32, #tpu.memory_space<vmem>> -> memref<1x128xf32, #tpu.memory_space<vmem>>
    %dma_wait3A_996 = tpu.memref_squeeze %dma_wait3A_995 : memref<1x128xf32, #tpu.memory_space<vmem>> -> memref<128xf32, #tpu.memory_space<vmem>>
    %dma_wait3A_997 = arith.constant 256 : i32
    %dma_wait3A_998 = tpu.memref_slice %arg40[%dma_wait3A_997] : memref<512xi32, #tpu.memory_space<vmem>> -> memref<128xi32, #tpu.memory_space<vmem>>
    %dma_wait3A_999 = arith.constant 0 : i32
    %dma_wait3A_1000 = tpu.memref_slice %arg27[%dma_wait3A_999] : memref<1048576xf32, #tpu.memory_space<hbm>> -> memref<1048576xf32, #tpu.memory_space<hbm>>
    tpu.wait_indirect_dma semaphore(%arg49 : memref<!tpu.dma_semaphore, #tpu.memory_space<semaphore_mem>>) src(%dma_wait3A_1000 : memref<1048576xf32, #tpu.memory_space<hbm>>) dst(%dma_wait3A_996 : memref<128xf32, #tpu.memory_space<vmem>>)
    %dma_wait3A_1001 = arith.constant 5 : i32
    %dma_wait3A_1002 = arith.constant 256 : i32
    %dma_wait3A_1003 = tpu.memref_slice %arg43[%dma_wait3A_1001, %dma_wait3A_1002] : memref<16x512xf32, #tpu.memory_space<vmem>> -> memref<1x128xf32, #tpu.memory_space<vmem>>
    %dma_wait3A_1004 = tpu.memref_squeeze %dma_wait3A_1003 : memref<1x128xf32, #tpu.memory_space<vmem>> -> memref<128xf32, #tpu.memory_space<vmem>>
    %dma_wait3A_1005 = arith.constant 256 : i32
    %dma_wait3A_1006 = tpu.memref_slice %arg41[%dma_wait3A_1005] : memref<512xi32, #tpu.memory_space<vmem>> -> memref<128xi32, #tpu.memory_space<vmem>>
    %dma_wait3A_1007 = arith.constant 0 : i32
    %dma_wait3A_1008 = tpu.memref_slice %arg10[%dma_wait3A_1007] : memref<102400xf32, #tpu.memory_space<hbm>> -> memref<102400xf32, #tpu.memory_space<hbm>>
    tpu.wait_indirect_dma semaphore(%arg49 : memref<!tpu.dma_semaphore, #tpu.memory_space<semaphore_mem>>) src(%dma_wait3A_1008 : memref<102400xf32, #tpu.memory_space<hbm>>) dst(%dma_wait3A_1004 : memref<128xf32, #tpu.memory_space<vmem>>)
    %dma_wait3A_1009 = arith.constant 5 : i32
    %dma_wait3A_1010 = arith.constant 384 : i32
    %dma_wait3A_1011 = tpu.memref_slice %arg42[%dma_wait3A_1009, %dma_wait3A_1010] : memref<16x512xf32, #tpu.memory_space<vmem>> -> memref<1x128xf32, #tpu.memory_space<vmem>>
    %dma_wait3A_1012 = tpu.memref_squeeze %dma_wait3A_1011 : memref<1x128xf32, #tpu.memory_space<vmem>> -> memref<128xf32, #tpu.memory_space<vmem>>
    %dma_wait3A_1013 = arith.constant 384 : i32
    %dma_wait3A_1014 = tpu.memref_slice %arg40[%dma_wait3A_1013] : memref<512xi32, #tpu.memory_space<vmem>> -> memref<128xi32, #tpu.memory_space<vmem>>
    %dma_wait3A_1015 = arith.constant 0 : i32
    %dma_wait3A_1016 = tpu.memref_slice %arg27[%dma_wait3A_1015] : memref<1048576xf32, #tpu.memory_space<hbm>> -> memref<1048576xf32, #tpu.memory_space<hbm>>
    tpu.wait_indirect_dma semaphore(%arg49 : memref<!tpu.dma_semaphore, #tpu.memory_space<semaphore_mem>>) src(%dma_wait3A_1016 : memref<1048576xf32, #tpu.memory_space<hbm>>) dst(%dma_wait3A_1012 : memref<128xf32, #tpu.memory_space<vmem>>)
    %dma_wait3A_1017 = arith.constant 5 : i32
    %dma_wait3A_1018 = arith.constant 384 : i32
    %dma_wait3A_1019 = tpu.memref_slice %arg43[%dma_wait3A_1017, %dma_wait3A_1018] : memref<16x512xf32, #tpu.memory_space<vmem>> -> memref<1x128xf32, #tpu.memory_space<vmem>>
    %dma_wait3A_1020 = tpu.memref_squeeze %dma_wait3A_1019 : memref<1x128xf32, #tpu.memory_space<vmem>> -> memref<128xf32, #tpu.memory_space<vmem>>
    %dma_wait3A_1021 = arith.constant 384 : i32
    %dma_wait3A_1022 = tpu.memref_slice %arg41[%dma_wait3A_1021] : memref<512xi32, #tpu.memory_space<vmem>> -> memref<128xi32, #tpu.memory_space<vmem>>
    %dma_wait3A_1023 = arith.constant 0 : i32
    %dma_wait3A_1024 = tpu.memref_slice %arg10[%dma_wait3A_1023] : memref<102400xf32, #tpu.memory_space<hbm>> -> memref<102400xf32, #tpu.memory_space<hbm>>
    tpu.wait_indirect_dma semaphore(%arg49 : memref<!tpu.dma_semaphore, #tpu.memory_space<semaphore_mem>>) src(%dma_wait3A_1024 : memref<102400xf32, #tpu.memory_space<hbm>>) dst(%dma_wait3A_1020 : memref<128xf32, #tpu.memory_space<vmem>>)
    %dma_start3A_1025 = arith.constant 10 : i32
    %dma_start3A_1026 = arith.constant 0 : i32
    %dma_start3A_1027 = tpu.memref_slice %arg42[%dma_start3A_1025, %dma_start3A_1026] : memref<16x512xf32, #tpu.memory_space<vmem>> -> memref<1x128xf32, #tpu.memory_space<vmem>>
    %dma_start3A_1028 = tpu.memref_squeeze %dma_start3A_1027 : memref<1x128xf32, #tpu.memory_space<vmem>> -> memref<128xf32, #tpu.memory_space<vmem>>
    %dma_start3A_1029 = arith.constant 0 : i32
    %dma_start3A_1030 = tpu.memref_slice %arg40[%dma_start3A_1029] : memref<512xi32, #tpu.memory_space<vmem>> -> memref<128xi32, #tpu.memory_space<vmem>>
    %dma_start3A_1031 = arith.constant 0 : i32
    %dma_start3A_1032 = tpu.memref_slice %arg32[%dma_start3A_1031] : memref<1048576xf32, #tpu.memory_space<hbm>> -> memref<1048576xf32, #tpu.memory_space<hbm>>
    tpu.enqueue_indirect_dma source(%dma_start3A_1032 : memref<1048576xf32, #tpu.memory_space<hbm>>) target(%dma_start3A_1028 : memref<128xf32, #tpu.memory_space<vmem>>) offsets(%dma_start3A_1030 : memref<128xi32, #tpu.memory_space<vmem>>) semaphore(%arg50 : memref<!tpu.dma_semaphore, #tpu.memory_space<semaphore_mem>>)
    %dma_start3A_1033 = arith.constant 10 : i32
    %dma_start3A_1034 = arith.constant 0 : i32
    %dma_start3A_1035 = tpu.memref_slice %arg43[%dma_start3A_1033, %dma_start3A_1034] : memref<16x512xf32, #tpu.memory_space<vmem>> -> memref<1x128xf32, #tpu.memory_space<vmem>>
    %dma_start3A_1036 = tpu.memref_squeeze %dma_start3A_1035 : memref<1x128xf32, #tpu.memory_space<vmem>> -> memref<128xf32, #tpu.memory_space<vmem>>
    %dma_start3A_1037 = arith.constant 0 : i32
    %dma_start3A_1038 = tpu.memref_slice %arg41[%dma_start3A_1037] : memref<512xi32, #tpu.memory_space<vmem>> -> memref<128xi32, #tpu.memory_space<vmem>>
    %dma_start3A_1039 = arith.constant 0 : i32
    %dma_start3A_1040 = tpu.memref_slice %arg15[%dma_start3A_1039] : memref<102400xf32, #tpu.memory_space<hbm>> -> memref<102400xf32, #tpu.memory_space<hbm>>
    tpu.enqueue_indirect_dma source(%dma_start3A_1040 : memref<102400xf32, #tpu.memory_space<hbm>>) target(%dma_start3A_1036 : memref<128xf32, #tpu.memory_space<vmem>>) offsets(%dma_start3A_1038 : memref<128xi32, #tpu.memory_space<vmem>>) semaphore(%arg50 : memref<!tpu.dma_semaphore, #tpu.memory_space<semaphore_mem>>)
    %dma_start3A_1041 = arith.constant 10 : i32
    %dma_start3A_1042 = arith.constant 128 : i32
    %dma_start3A_1043 = tpu.memref_slice %arg42[%dma_start3A_1041, %dma_start3A_1042] : memref<16x512xf32, #tpu.memory_space<vmem>> -> memref<1x128xf32, #tpu.memory_space<vmem>>
    %dma_start3A_1044 = tpu.memref_squeeze %dma_start3A_1043 : memref<1x128xf32, #tpu.memory_space<vmem>> -> memref<128xf32, #tpu.memory_space<vmem>>
    %dma_start3A_1045 = arith.constant 128 : i32
    %dma_start3A_1046 = tpu.memref_slice %arg40[%dma_start3A_1045] : memref<512xi32, #tpu.memory_space<vmem>> -> memref<128xi32, #tpu.memory_space<vmem>>
    %dma_start3A_1047 = arith.constant 0 : i32
    %dma_start3A_1048 = tpu.memref_slice %arg32[%dma_start3A_1047] : memref<1048576xf32, #tpu.memory_space<hbm>> -> memref<1048576xf32, #tpu.memory_space<hbm>>
    tpu.enqueue_indirect_dma source(%dma_start3A_1048 : memref<1048576xf32, #tpu.memory_space<hbm>>) target(%dma_start3A_1044 : memref<128xf32, #tpu.memory_space<vmem>>) offsets(%dma_start3A_1046 : memref<128xi32, #tpu.memory_space<vmem>>) semaphore(%arg50 : memref<!tpu.dma_semaphore, #tpu.memory_space<semaphore_mem>>)
    %dma_start3A_1049 = arith.constant 10 : i32
    %dma_start3A_1050 = arith.constant 128 : i32
    %dma_start3A_1051 = tpu.memref_slice %arg43[%dma_start3A_1049, %dma_start3A_1050] : memref<16x512xf32, #tpu.memory_space<vmem>> -> memref<1x128xf32, #tpu.memory_space<vmem>>
    %dma_start3A_1052 = tpu.memref_squeeze %dma_start3A_1051 : memref<1x128xf32, #tpu.memory_space<vmem>> -> memref<128xf32, #tpu.memory_space<vmem>>
    %dma_start3A_1053 = arith.constant 128 : i32
    %dma_start3A_1054 = tpu.memref_slice %arg41[%dma_start3A_1053] : memref<512xi32, #tpu.memory_space<vmem>> -> memref<128xi32, #tpu.memory_space<vmem>>
    %dma_start3A_1055 = arith.constant 0 : i32
    %dma_start3A_1056 = tpu.memref_slice %arg15[%dma_start3A_1055] : memref<102400xf32, #tpu.memory_space<hbm>> -> memref<102400xf32, #tpu.memory_space<hbm>>
    tpu.enqueue_indirect_dma source(%dma_start3A_1056 : memref<102400xf32, #tpu.memory_space<hbm>>) target(%dma_start3A_1052 : memref<128xf32, #tpu.memory_space<vmem>>) offsets(%dma_start3A_1054 : memref<128xi32, #tpu.memory_space<vmem>>) semaphore(%arg50 : memref<!tpu.dma_semaphore, #tpu.memory_space<semaphore_mem>>)
    %dma_start3A_1057 = arith.constant 10 : i32
    %dma_start3A_1058 = arith.constant 256 : i32
    %dma_start3A_1059 = tpu.memref_slice %arg42[%dma_start3A_1057, %dma_start3A_1058] : memref<16x512xf32, #tpu.memory_space<vmem>> -> memref<1x128xf32, #tpu.memory_space<vmem>>
    %dma_start3A_1060 = tpu.memref_squeeze %dma_start3A_1059 : memref<1x128xf32, #tpu.memory_space<vmem>> -> memref<128xf32, #tpu.memory_space<vmem>>
    %dma_start3A_1061 = arith.constant 256 : i32
    %dma_start3A_1062 = tpu.memref_slice %arg40[%dma_start3A_1061] : memref<512xi32, #tpu.memory_space<vmem>> -> memref<128xi32, #tpu.memory_space<vmem>>
    %dma_start3A_1063 = arith.constant 0 : i32
    %dma_start3A_1064 = tpu.memref_slice %arg32[%dma_start3A_1063] : memref<1048576xf32, #tpu.memory_space<hbm>> -> memref<1048576xf32, #tpu.memory_space<hbm>>
    tpu.enqueue_indirect_dma source(%dma_start3A_1064 : memref<1048576xf32, #tpu.memory_space<hbm>>) target(%dma_start3A_1060 : memref<128xf32, #tpu.memory_space<vmem>>) offsets(%dma_start3A_1062 : memref<128xi32, #tpu.memory_space<vmem>>) semaphore(%arg50 : memref<!tpu.dma_semaphore, #tpu.memory_space<semaphore_mem>>)
    %dma_start3A_1065 = arith.constant 10 : i32
    %dma_start3A_1066 = arith.constant 256 : i32
    %dma_start3A_1067 = tpu.memref_slice %arg43[%dma_start3A_1065, %dma_start3A_1066] : memref<16x512xf32, #tpu.memory_space<vmem>> -> memref<1x128xf32, #tpu.memory_space<vmem>>
    %dma_start3A_1068 = tpu.memref_squeeze %dma_start3A_1067 : memref<1x128xf32, #tpu.memory_space<vmem>> -> memref<128xf32, #tpu.memory_space<vmem>>
    %dma_start3A_1069 = arith.constant 256 : i32
    %dma_start3A_1070 = tpu.memref_slice %arg41[%dma_start3A_1069] : memref<512xi32, #tpu.memory_space<vmem>> -> memref<128xi32, #tpu.memory_space<vmem>>
    %dma_start3A_1071 = arith.constant 0 : i32
    %dma_start3A_1072 = tpu.memref_slice %arg15[%dma_start3A_1071] : memref<102400xf32, #tpu.memory_space<hbm>> -> memref<102400xf32, #tpu.memory_space<hbm>>
    tpu.enqueue_indirect_dma source(%dma_start3A_1072 : memref<102400xf32, #tpu.memory_space<hbm>>) target(%dma_start3A_1068 : memref<128xf32, #tpu.memory_space<vmem>>) offsets(%dma_start3A_1070 : memref<128xi32, #tpu.memory_space<vmem>>) semaphore(%arg50 : memref<!tpu.dma_semaphore, #tpu.memory_space<semaphore_mem>>)
    %dma_start3A_1073 = arith.constant 10 : i32
    %dma_start3A_1074 = arith.constant 384 : i32
    %dma_start3A_1075 = tpu.memref_slice %arg42[%dma_start3A_1073, %dma_start3A_1074] : memref<16x512xf32, #tpu.memory_space<vmem>> -> memref<1x128xf32, #tpu.memory_space<vmem>>
    %dma_start3A_1076 = tpu.memref_squeeze %dma_start3A_1075 : memref<1x128xf32, #tpu.memory_space<vmem>> -> memref<128xf32, #tpu.memory_space<vmem>>
    %dma_start3A_1077 = arith.constant 384 : i32
    %dma_start3A_1078 = tpu.memref_slice %arg40[%dma_start3A_1077] : memref<512xi32, #tpu.memory_space<vmem>> -> memref<128xi32, #tpu.memory_space<vmem>>
    %dma_start3A_1079 = arith.constant 0 : i32
    %dma_start3A_1080 = tpu.memref_slice %arg32[%dma_start3A_1079] : memref<1048576xf32, #tpu.memory_space<hbm>> -> memref<1048576xf32, #tpu.memory_space<hbm>>
    tpu.enqueue_indirect_dma source(%dma_start3A_1080 : memref<1048576xf32, #tpu.memory_space<hbm>>) target(%dma_start3A_1076 : memref<128xf32, #tpu.memory_space<vmem>>) offsets(%dma_start3A_1078 : memref<128xi32, #tpu.memory_space<vmem>>) semaphore(%arg50 : memref<!tpu.dma_semaphore, #tpu.memory_space<semaphore_mem>>)
    %dma_start3A_1081 = arith.constant 10 : i32
    %dma_start3A_1082 = arith.constant 384 : i32
    %dma_start3A_1083 = tpu.memref_slice %arg43[%dma_start3A_1081, %dma_start3A_1082] : memref<16x512xf32, #tpu.memory_space<vmem>> -> memref<1x128xf32, #tpu.memory_space<vmem>>
    %dma_start3A_1084 = tpu.memref_squeeze %dma_start3A_1083 : memref<1x128xf32, #tpu.memory_space<vmem>> -> memref<128xf32, #tpu.memory_space<vmem>>
    %dma_start3A_1085 = arith.constant 384 : i32
    %dma_start3A_1086 = tpu.memref_slice %arg41[%dma_start3A_1085] : memref<512xi32, #tpu.memory_space<vmem>> -> memref<128xi32, #tpu.memory_space<vmem>>
    %dma_start3A_1087 = arith.constant 0 : i32
    %dma_start3A_1088 = tpu.memref_slice %arg15[%dma_start3A_1087] : memref<102400xf32, #tpu.memory_space<hbm>> -> memref<102400xf32, #tpu.memory_space<hbm>>
    tpu.enqueue_indirect_dma source(%dma_start3A_1088 : memref<102400xf32, #tpu.memory_space<hbm>>) target(%dma_start3A_1084 : memref<128xf32, #tpu.memory_space<vmem>>) offsets(%dma_start3A_1086 : memref<128xi32, #tpu.memory_space<vmem>>) semaphore(%arg50 : memref<!tpu.dma_semaphore, #tpu.memory_space<semaphore_mem>>)
    %dma_wait3A_1089 = arith.constant 6 : i32
    %dma_wait3A_1090 = arith.constant 0 : i32
    %dma_wait3A_1091 = tpu.memref_slice %arg42[%dma_wait3A_1089, %dma_wait3A_1090] : memref<16x512xf32, #tpu.memory_space<vmem>> -> memref<1x128xf32, #tpu.memory_space<vmem>>
    %dma_wait3A_1092 = tpu.memref_squeeze %dma_wait3A_1091 : memref<1x128xf32, #tpu.memory_space<vmem>> -> memref<128xf32, #tpu.memory_space<vmem>>
    %dma_wait3A_1093 = arith.constant 0 : i32
    %dma_wait3A_1094 = tpu.memref_slice %arg40[%dma_wait3A_1093] : memref<512xi32, #tpu.memory_space<vmem>> -> memref<128xi32, #tpu.memory_space<vmem>>
    %dma_wait3A_1095 = arith.constant 0 : i32
    %dma_wait3A_1096 = tpu.memref_slice %arg28[%dma_wait3A_1095] : memref<1048576xf32, #tpu.memory_space<hbm>> -> memref<1048576xf32, #tpu.memory_space<hbm>>
    tpu.wait_indirect_dma semaphore(%arg50 : memref<!tpu.dma_semaphore, #tpu.memory_space<semaphore_mem>>) src(%dma_wait3A_1096 : memref<1048576xf32, #tpu.memory_space<hbm>>) dst(%dma_wait3A_1092 : memref<128xf32, #tpu.memory_space<vmem>>)
    %dma_wait3A_1097 = arith.constant 6 : i32
    %dma_wait3A_1098 = arith.constant 0 : i32
    %dma_wait3A_1099 = tpu.memref_slice %arg43[%dma_wait3A_1097, %dma_wait3A_1098] : memref<16x512xf32, #tpu.memory_space<vmem>> -> memref<1x128xf32, #tpu.memory_space<vmem>>
    %dma_wait3A_1100 = tpu.memref_squeeze %dma_wait3A_1099 : memref<1x128xf32, #tpu.memory_space<vmem>> -> memref<128xf32, #tpu.memory_space<vmem>>
    %dma_wait3A_1101 = arith.constant 0 : i32
    %dma_wait3A_1102 = tpu.memref_slice %arg41[%dma_wait3A_1101] : memref<512xi32, #tpu.memory_space<vmem>> -> memref<128xi32, #tpu.memory_space<vmem>>
    %dma_wait3A_1103 = arith.constant 0 : i32
    %dma_wait3A_1104 = tpu.memref_slice %arg11[%dma_wait3A_1103] : memref<102400xf32, #tpu.memory_space<hbm>> -> memref<102400xf32, #tpu.memory_space<hbm>>
    tpu.wait_indirect_dma semaphore(%arg50 : memref<!tpu.dma_semaphore, #tpu.memory_space<semaphore_mem>>) src(%dma_wait3A_1104 : memref<102400xf32, #tpu.memory_space<hbm>>) dst(%dma_wait3A_1100 : memref<128xf32, #tpu.memory_space<vmem>>)
    %dma_wait3A_1105 = arith.constant 6 : i32
    %dma_wait3A_1106 = arith.constant 128 : i32
    %dma_wait3A_1107 = tpu.memref_slice %arg42[%dma_wait3A_1105, %dma_wait3A_1106] : memref<16x512xf32, #tpu.memory_space<vmem>> -> memref<1x128xf32, #tpu.memory_space<vmem>>
    %dma_wait3A_1108 = tpu.memref_squeeze %dma_wait3A_1107 : memref<1x128xf32, #tpu.memory_space<vmem>> -> memref<128xf32, #tpu.memory_space<vmem>>
    %dma_wait3A_1109 = arith.constant 128 : i32
    %dma_wait3A_1110 = tpu.memref_slice %arg40[%dma_wait3A_1109] : memref<512xi32, #tpu.memory_space<vmem>> -> memref<128xi32, #tpu.memory_space<vmem>>
    %dma_wait3A_1111 = arith.constant 0 : i32
    %dma_wait3A_1112 = tpu.memref_slice %arg28[%dma_wait3A_1111] : memref<1048576xf32, #tpu.memory_space<hbm>> -> memref<1048576xf32, #tpu.memory_space<hbm>>
    tpu.wait_indirect_dma semaphore(%arg50 : memref<!tpu.dma_semaphore, #tpu.memory_space<semaphore_mem>>) src(%dma_wait3A_1112 : memref<1048576xf32, #tpu.memory_space<hbm>>) dst(%dma_wait3A_1108 : memref<128xf32, #tpu.memory_space<vmem>>)
    %dma_wait3A_1113 = arith.constant 6 : i32
    %dma_wait3A_1114 = arith.constant 128 : i32
    %dma_wait3A_1115 = tpu.memref_slice %arg43[%dma_wait3A_1113, %dma_wait3A_1114] : memref<16x512xf32, #tpu.memory_space<vmem>> -> memref<1x128xf32, #tpu.memory_space<vmem>>
    %dma_wait3A_1116 = tpu.memref_squeeze %dma_wait3A_1115 : memref<1x128xf32, #tpu.memory_space<vmem>> -> memref<128xf32, #tpu.memory_space<vmem>>
    %dma_wait3A_1117 = arith.constant 128 : i32
    %dma_wait3A_1118 = tpu.memref_slice %arg41[%dma_wait3A_1117] : memref<512xi32, #tpu.memory_space<vmem>> -> memref<128xi32, #tpu.memory_space<vmem>>
    %dma_wait3A_1119 = arith.constant 0 : i32
    %dma_wait3A_1120 = tpu.memref_slice %arg11[%dma_wait3A_1119] : memref<102400xf32, #tpu.memory_space<hbm>> -> memref<102400xf32, #tpu.memory_space<hbm>>
    tpu.wait_indirect_dma semaphore(%arg50 : memref<!tpu.dma_semaphore, #tpu.memory_space<semaphore_mem>>) src(%dma_wait3A_1120 : memref<102400xf32, #tpu.memory_space<hbm>>) dst(%dma_wait3A_1116 : memref<128xf32, #tpu.memory_space<vmem>>)
    %dma_wait3A_1121 = arith.constant 6 : i32
    %dma_wait3A_1122 = arith.constant 256 : i32
    %dma_wait3A_1123 = tpu.memref_slice %arg42[%dma_wait3A_1121, %dma_wait3A_1122] : memref<16x512xf32, #tpu.memory_space<vmem>> -> memref<1x128xf32, #tpu.memory_space<vmem>>
    %dma_wait3A_1124 = tpu.memref_squeeze %dma_wait3A_1123 : memref<1x128xf32, #tpu.memory_space<vmem>> -> memref<128xf32, #tpu.memory_space<vmem>>
    %dma_wait3A_1125 = arith.constant 256 : i32
    %dma_wait3A_1126 = tpu.memref_slice %arg40[%dma_wait3A_1125] : memref<512xi32, #tpu.memory_space<vmem>> -> memref<128xi32, #tpu.memory_space<vmem>>
    %dma_wait3A_1127 = arith.constant 0 : i32
    %dma_wait3A_1128 = tpu.memref_slice %arg28[%dma_wait3A_1127] : memref<1048576xf32, #tpu.memory_space<hbm>> -> memref<1048576xf32, #tpu.memory_space<hbm>>
    tpu.wait_indirect_dma semaphore(%arg50 : memref<!tpu.dma_semaphore, #tpu.memory_space<semaphore_mem>>) src(%dma_wait3A_1128 : memref<1048576xf32, #tpu.memory_space<hbm>>) dst(%dma_wait3A_1124 : memref<128xf32, #tpu.memory_space<vmem>>)
    %dma_wait3A_1129 = arith.constant 6 : i32
    %dma_wait3A_1130 = arith.constant 256 : i32
    %dma_wait3A_1131 = tpu.memref_slice %arg43[%dma_wait3A_1129, %dma_wait3A_1130] : memref<16x512xf32, #tpu.memory_space<vmem>> -> memref<1x128xf32, #tpu.memory_space<vmem>>
    %dma_wait3A_1132 = tpu.memref_squeeze %dma_wait3A_1131 : memref<1x128xf32, #tpu.memory_space<vmem>> -> memref<128xf32, #tpu.memory_space<vmem>>
    %dma_wait3A_1133 = arith.constant 256 : i32
    %dma_wait3A_1134 = tpu.memref_slice %arg41[%dma_wait3A_1133] : memref<512xi32, #tpu.memory_space<vmem>> -> memref<128xi32, #tpu.memory_space<vmem>>
    %dma_wait3A_1135 = arith.constant 0 : i32
    %dma_wait3A_1136 = tpu.memref_slice %arg11[%dma_wait3A_1135] : memref<102400xf32, #tpu.memory_space<hbm>> -> memref<102400xf32, #tpu.memory_space<hbm>>
    tpu.wait_indirect_dma semaphore(%arg50 : memref<!tpu.dma_semaphore, #tpu.memory_space<semaphore_mem>>) src(%dma_wait3A_1136 : memref<102400xf32, #tpu.memory_space<hbm>>) dst(%dma_wait3A_1132 : memref<128xf32, #tpu.memory_space<vmem>>)
    %dma_wait3A_1137 = arith.constant 6 : i32
    %dma_wait3A_1138 = arith.constant 384 : i32
    %dma_wait3A_1139 = tpu.memref_slice %arg42[%dma_wait3A_1137, %dma_wait3A_1138] : memref<16x512xf32, #tpu.memory_space<vmem>> -> memref<1x128xf32, #tpu.memory_space<vmem>>
    %dma_wait3A_1140 = tpu.memref_squeeze %dma_wait3A_1139 : memref<1x128xf32, #tpu.memory_space<vmem>> -> memref<128xf32, #tpu.memory_space<vmem>>
    %dma_wait3A_1141 = arith.constant 384 : i32
    %dma_wait3A_1142 = tpu.memref_slice %arg40[%dma_wait3A_1141] : memref<512xi32, #tpu.memory_space<vmem>> -> memref<128xi32, #tpu.memory_space<vmem>>
    %dma_wait3A_1143 = arith.constant 0 : i32
    %dma_wait3A_1144 = tpu.memref_slice %arg28[%dma_wait3A_1143] : memref<1048576xf32, #tpu.memory_space<hbm>> -> memref<1048576xf32, #tpu.memory_space<hbm>>
    tpu.wait_indirect_dma semaphore(%arg50 : memref<!tpu.dma_semaphore, #tpu.memory_space<semaphore_mem>>) src(%dma_wait3A_1144 : memref<1048576xf32, #tpu.memory_space<hbm>>) dst(%dma_wait3A_1140 : memref<128xf32, #tpu.memory_space<vmem>>)
    %dma_wait3A_1145 = arith.constant 6 : i32
    %dma_wait3A_1146 = arith.constant 384 : i32
    %dma_wait3A_1147 = tpu.memref_slice %arg43[%dma_wait3A_1145, %dma_wait3A_1146] : memref<16x512xf32, #tpu.memory_space<vmem>> -> memref<1x128xf32, #tpu.memory_space<vmem>>
    %dma_wait3A_1148 = tpu.memref_squeeze %dma_wait3A_1147 : memref<1x128xf32, #tpu.memory_space<vmem>> -> memref<128xf32, #tpu.memory_space<vmem>>
    %dma_wait3A_1149 = arith.constant 384 : i32
    %dma_wait3A_1150 = tpu.memref_slice %arg41[%dma_wait3A_1149] : memref<512xi32, #tpu.memory_space<vmem>> -> memref<128xi32, #tpu.memory_space<vmem>>
    %dma_wait3A_1151 = arith.constant 0 : i32
    %dma_wait3A_1152 = tpu.memref_slice %arg11[%dma_wait3A_1151] : memref<102400xf32, #tpu.memory_space<hbm>> -> memref<102400xf32, #tpu.memory_space<hbm>>
    tpu.wait_indirect_dma semaphore(%arg50 : memref<!tpu.dma_semaphore, #tpu.memory_space<semaphore_mem>>) src(%dma_wait3A_1152 : memref<102400xf32, #tpu.memory_space<hbm>>) dst(%dma_wait3A_1148 : memref<128xf32, #tpu.memory_space<vmem>>)
    %dma_start3A_1153 = arith.constant 11 : i32
    %dma_start3A_1154 = arith.constant 0 : i32
    %dma_start3A_1155 = tpu.memref_slice %arg42[%dma_start3A_1153, %dma_start3A_1154] : memref<16x512xf32, #tpu.memory_space<vmem>> -> memref<1x128xf32, #tpu.memory_space<vmem>>
    %dma_start3A_1156 = tpu.memref_squeeze %dma_start3A_1155 : memref<1x128xf32, #tpu.memory_space<vmem>> -> memref<128xf32, #tpu.memory_space<vmem>>
    %dma_start3A_1157 = arith.constant 0 : i32
    %dma_start3A_1158 = tpu.memref_slice %arg40[%dma_start3A_1157] : memref<512xi32, #tpu.memory_space<vmem>> -> memref<128xi32, #tpu.memory_space<vmem>>
    %dma_start3A_1159 = arith.constant 0 : i32
    %dma_start3A_1160 = tpu.memref_slice %arg33[%dma_start3A_1159] : memref<1048576xf32, #tpu.memory_space<hbm>> -> memref<1048576xf32, #tpu.memory_space<hbm>>
    tpu.enqueue_indirect_dma source(%dma_start3A_1160 : memref<1048576xf32, #tpu.memory_space<hbm>>) target(%dma_start3A_1156 : memref<128xf32, #tpu.memory_space<vmem>>) offsets(%dma_start3A_1158 : memref<128xi32, #tpu.memory_space<vmem>>) semaphore(%arg51 : memref<!tpu.dma_semaphore, #tpu.memory_space<semaphore_mem>>)
    %dma_start3A_1161 = arith.constant 11 : i32
    %dma_start3A_1162 = arith.constant 0 : i32
    %dma_start3A_1163 = tpu.memref_slice %arg43[%dma_start3A_1161, %dma_start3A_1162] : memref<16x512xf32, #tpu.memory_space<vmem>> -> memref<1x128xf32, #tpu.memory_space<vmem>>
    %dma_start3A_1164 = tpu.memref_squeeze %dma_start3A_1163 : memref<1x128xf32, #tpu.memory_space<vmem>> -> memref<128xf32, #tpu.memory_space<vmem>>
    %dma_start3A_1165 = arith.constant 0 : i32
    %dma_start3A_1166 = tpu.memref_slice %arg41[%dma_start3A_1165] : memref<512xi32, #tpu.memory_space<vmem>> -> memref<128xi32, #tpu.memory_space<vmem>>
    %dma_start3A_1167 = arith.constant 0 : i32
    %dma_start3A_1168 = tpu.memref_slice %arg16[%dma_start3A_1167] : memref<102400xf32, #tpu.memory_space<hbm>> -> memref<102400xf32, #tpu.memory_space<hbm>>
    tpu.enqueue_indirect_dma source(%dma_start3A_1168 : memref<102400xf32, #tpu.memory_space<hbm>>) target(%dma_start3A_1164 : memref<128xf32, #tpu.memory_space<vmem>>) offsets(%dma_start3A_1166 : memref<128xi32, #tpu.memory_space<vmem>>) semaphore(%arg51 : memref<!tpu.dma_semaphore, #tpu.memory_space<semaphore_mem>>)
    %dma_start3A_1169 = arith.constant 11 : i32
    %dma_start3A_1170 = arith.constant 128 : i32
    %dma_start3A_1171 = tpu.memref_slice %arg42[%dma_start3A_1169, %dma_start3A_1170] : memref<16x512xf32, #tpu.memory_space<vmem>> -> memref<1x128xf32, #tpu.memory_space<vmem>>
    %dma_start3A_1172 = tpu.memref_squeeze %dma_start3A_1171 : memref<1x128xf32, #tpu.memory_space<vmem>> -> memref<128xf32, #tpu.memory_space<vmem>>
    %dma_start3A_1173 = arith.constant 128 : i32
    %dma_start3A_1174 = tpu.memref_slice %arg40[%dma_start3A_1173] : memref<512xi32, #tpu.memory_space<vmem>> -> memref<128xi32, #tpu.memory_space<vmem>>
    %dma_start3A_1175 = arith.constant 0 : i32
    %dma_start3A_1176 = tpu.memref_slice %arg33[%dma_start3A_1175] : memref<1048576xf32, #tpu.memory_space<hbm>> -> memref<1048576xf32, #tpu.memory_space<hbm>>
    tpu.enqueue_indirect_dma source(%dma_start3A_1176 : memref<1048576xf32, #tpu.memory_space<hbm>>) target(%dma_start3A_1172 : memref<128xf32, #tpu.memory_space<vmem>>) offsets(%dma_start3A_1174 : memref<128xi32, #tpu.memory_space<vmem>>) semaphore(%arg51 : memref<!tpu.dma_semaphore, #tpu.memory_space<semaphore_mem>>)
    %dma_start3A_1177 = arith.constant 11 : i32
    %dma_start3A_1178 = arith.constant 128 : i32
    %dma_start3A_1179 = tpu.memref_slice %arg43[%dma_start3A_1177, %dma_start3A_1178] : memref<16x512xf32, #tpu.memory_space<vmem>> -> memref<1x128xf32, #tpu.memory_space<vmem>>
    %dma_start3A_1180 = tpu.memref_squeeze %dma_start3A_1179 : memref<1x128xf32, #tpu.memory_space<vmem>> -> memref<128xf32, #tpu.memory_space<vmem>>
    %dma_start3A_1181 = arith.constant 128 : i32
    %dma_start3A_1182 = tpu.memref_slice %arg41[%dma_start3A_1181] : memref<512xi32, #tpu.memory_space<vmem>> -> memref<128xi32, #tpu.memory_space<vmem>>
    %dma_start3A_1183 = arith.constant 0 : i32
    %dma_start3A_1184 = tpu.memref_slice %arg16[%dma_start3A_1183] : memref<102400xf32, #tpu.memory_space<hbm>> -> memref<102400xf32, #tpu.memory_space<hbm>>
    tpu.enqueue_indirect_dma source(%dma_start3A_1184 : memref<102400xf32, #tpu.memory_space<hbm>>) target(%dma_start3A_1180 : memref<128xf32, #tpu.memory_space<vmem>>) offsets(%dma_start3A_1182 : memref<128xi32, #tpu.memory_space<vmem>>) semaphore(%arg51 : memref<!tpu.dma_semaphore, #tpu.memory_space<semaphore_mem>>)
    %dma_start3A_1185 = arith.constant 11 : i32
    %dma_start3A_1186 = arith.constant 256 : i32
    %dma_start3A_1187 = tpu.memref_slice %arg42[%dma_start3A_1185, %dma_start3A_1186] : memref<16x512xf32, #tpu.memory_space<vmem>> -> memref<1x128xf32, #tpu.memory_space<vmem>>
    %dma_start3A_1188 = tpu.memref_squeeze %dma_start3A_1187 : memref<1x128xf32, #tpu.memory_space<vmem>> -> memref<128xf32, #tpu.memory_space<vmem>>
    %dma_start3A_1189 = arith.constant 256 : i32
    %dma_start3A_1190 = tpu.memref_slice %arg40[%dma_start3A_1189] : memref<512xi32, #tpu.memory_space<vmem>> -> memref<128xi32, #tpu.memory_space<vmem>>
    %dma_start3A_1191 = arith.constant 0 : i32
    %dma_start3A_1192 = tpu.memref_slice %arg33[%dma_start3A_1191] : memref<1048576xf32, #tpu.memory_space<hbm>> -> memref<1048576xf32, #tpu.memory_space<hbm>>
    tpu.enqueue_indirect_dma source(%dma_start3A_1192 : memref<1048576xf32, #tpu.memory_space<hbm>>) target(%dma_start3A_1188 : memref<128xf32, #tpu.memory_space<vmem>>) offsets(%dma_start3A_1190 : memref<128xi32, #tpu.memory_space<vmem>>) semaphore(%arg51 : memref<!tpu.dma_semaphore, #tpu.memory_space<semaphore_mem>>)
    %dma_start3A_1193 = arith.constant 11 : i32
    %dma_start3A_1194 = arith.constant 256 : i32
    %dma_start3A_1195 = tpu.memref_slice %arg43[%dma_start3A_1193, %dma_start3A_1194] : memref<16x512xf32, #tpu.memory_space<vmem>> -> memref<1x128xf32, #tpu.memory_space<vmem>>
    %dma_start3A_1196 = tpu.memref_squeeze %dma_start3A_1195 : memref<1x128xf32, #tpu.memory_space<vmem>> -> memref<128xf32, #tpu.memory_space<vmem>>
    %dma_start3A_1197 = arith.constant 256 : i32
    %dma_start3A_1198 = tpu.memref_slice %arg41[%dma_start3A_1197] : memref<512xi32, #tpu.memory_space<vmem>> -> memref<128xi32, #tpu.memory_space<vmem>>
    %dma_start3A_1199 = arith.constant 0 : i32
    %dma_start3A_1200 = tpu.memref_slice %arg16[%dma_start3A_1199] : memref<102400xf32, #tpu.memory_space<hbm>> -> memref<102400xf32, #tpu.memory_space<hbm>>
    tpu.enqueue_indirect_dma source(%dma_start3A_1200 : memref<102400xf32, #tpu.memory_space<hbm>>) target(%dma_start3A_1196 : memref<128xf32, #tpu.memory_space<vmem>>) offsets(%dma_start3A_1198 : memref<128xi32, #tpu.memory_space<vmem>>) semaphore(%arg51 : memref<!tpu.dma_semaphore, #tpu.memory_space<semaphore_mem>>)
    %dma_start3A_1201 = arith.constant 11 : i32
    %dma_start3A_1202 = arith.constant 384 : i32
    %dma_start3A_1203 = tpu.memref_slice %arg42[%dma_start3A_1201, %dma_start3A_1202] : memref<16x512xf32, #tpu.memory_space<vmem>> -> memref<1x128xf32, #tpu.memory_space<vmem>>
    %dma_start3A_1204 = tpu.memref_squeeze %dma_start3A_1203 : memref<1x128xf32, #tpu.memory_space<vmem>> -> memref<128xf32, #tpu.memory_space<vmem>>
    %dma_start3A_1205 = arith.constant 384 : i32
    %dma_start3A_1206 = tpu.memref_slice %arg40[%dma_start3A_1205] : memref<512xi32, #tpu.memory_space<vmem>> -> memref<128xi32, #tpu.memory_space<vmem>>
    %dma_start3A_1207 = arith.constant 0 : i32
    %dma_start3A_1208 = tpu.memref_slice %arg33[%dma_start3A_1207] : memref<1048576xf32, #tpu.memory_space<hbm>> -> memref<1048576xf32, #tpu.memory_space<hbm>>
    tpu.enqueue_indirect_dma source(%dma_start3A_1208 : memref<1048576xf32, #tpu.memory_space<hbm>>) target(%dma_start3A_1204 : memref<128xf32, #tpu.memory_space<vmem>>) offsets(%dma_start3A_1206 : memref<128xi32, #tpu.memory_space<vmem>>) semaphore(%arg51 : memref<!tpu.dma_semaphore, #tpu.memory_space<semaphore_mem>>)
    %dma_start3A_1209 = arith.constant 11 : i32
    %dma_start3A_1210 = arith.constant 384 : i32
    %dma_start3A_1211 = tpu.memref_slice %arg43[%dma_start3A_1209, %dma_start3A_1210] : memref<16x512xf32, #tpu.memory_space<vmem>> -> memref<1x128xf32, #tpu.memory_space<vmem>>
    %dma_start3A_1212 = tpu.memref_squeeze %dma_start3A_1211 : memref<1x128xf32, #tpu.memory_space<vmem>> -> memref<128xf32, #tpu.memory_space<vmem>>
    %dma_start3A_1213 = arith.constant 384 : i32
    %dma_start3A_1214 = tpu.memref_slice %arg41[%dma_start3A_1213] : memref<512xi32, #tpu.memory_space<vmem>> -> memref<128xi32, #tpu.memory_space<vmem>>
    %dma_start3A_1215 = arith.constant 0 : i32
    %dma_start3A_1216 = tpu.memref_slice %arg16[%dma_start3A_1215] : memref<102400xf32, #tpu.memory_space<hbm>> -> memref<102400xf32, #tpu.memory_space<hbm>>
    tpu.enqueue_indirect_dma source(%dma_start3A_1216 : memref<102400xf32, #tpu.memory_space<hbm>>) target(%dma_start3A_1212 : memref<128xf32, #tpu.memory_space<vmem>>) offsets(%dma_start3A_1214 : memref<128xi32, #tpu.memory_space<vmem>>) semaphore(%arg51 : memref<!tpu.dma_semaphore, #tpu.memory_space<semaphore_mem>>)
    %dma_wait3A_1217 = arith.constant 7 : i32
    %dma_wait3A_1218 = arith.constant 0 : i32
    %dma_wait3A_1219 = tpu.memref_slice %arg42[%dma_wait3A_1217, %dma_wait3A_1218] : memref<16x512xf32, #tpu.memory_space<vmem>> -> memref<1x128xf32, #tpu.memory_space<vmem>>
    %dma_wait3A_1220 = tpu.memref_squeeze %dma_wait3A_1219 : memref<1x128xf32, #tpu.memory_space<vmem>> -> memref<128xf32, #tpu.memory_space<vmem>>
    %dma_wait3A_1221 = arith.constant 0 : i32
    %dma_wait3A_1222 = tpu.memref_slice %arg40[%dma_wait3A_1221] : memref<512xi32, #tpu.memory_space<vmem>> -> memref<128xi32, #tpu.memory_space<vmem>>
    %dma_wait3A_1223 = arith.constant 0 : i32
    %dma_wait3A_1224 = tpu.memref_slice %arg29[%dma_wait3A_1223] : memref<1048576xf32, #tpu.memory_space<hbm>> -> memref<1048576xf32, #tpu.memory_space<hbm>>
    tpu.wait_indirect_dma semaphore(%arg51 : memref<!tpu.dma_semaphore, #tpu.memory_space<semaphore_mem>>) src(%dma_wait3A_1224 : memref<1048576xf32, #tpu.memory_space<hbm>>) dst(%dma_wait3A_1220 : memref<128xf32, #tpu.memory_space<vmem>>)
    %dma_wait3A_1225 = arith.constant 7 : i32
    %dma_wait3A_1226 = arith.constant 0 : i32
    %dma_wait3A_1227 = tpu.memref_slice %arg43[%dma_wait3A_1225, %dma_wait3A_1226] : memref<16x512xf32, #tpu.memory_space<vmem>> -> memref<1x128xf32, #tpu.memory_space<vmem>>
    %dma_wait3A_1228 = tpu.memref_squeeze %dma_wait3A_1227 : memref<1x128xf32, #tpu.memory_space<vmem>> -> memref<128xf32, #tpu.memory_space<vmem>>
    %dma_wait3A_1229 = arith.constant 0 : i32
    %dma_wait3A_1230 = tpu.memref_slice %arg41[%dma_wait3A_1229] : memref<512xi32, #tpu.memory_space<vmem>> -> memref<128xi32, #tpu.memory_space<vmem>>
    %dma_wait3A_1231 = arith.constant 0 : i32
    %dma_wait3A_1232 = tpu.memref_slice %arg12[%dma_wait3A_1231] : memref<102400xf32, #tpu.memory_space<hbm>> -> memref<102400xf32, #tpu.memory_space<hbm>>
    tpu.wait_indirect_dma semaphore(%arg51 : memref<!tpu.dma_semaphore, #tpu.memory_space<semaphore_mem>>) src(%dma_wait3A_1232 : memref<102400xf32, #tpu.memory_space<hbm>>) dst(%dma_wait3A_1228 : memref<128xf32, #tpu.memory_space<vmem>>)
    %dma_wait3A_1233 = arith.constant 7 : i32
    %dma_wait3A_1234 = arith.constant 128 : i32
    %dma_wait3A_1235 = tpu.memref_slice %arg42[%dma_wait3A_1233, %dma_wait3A_1234] : memref<16x512xf32, #tpu.memory_space<vmem>> -> memref<1x128xf32, #tpu.memory_space<vmem>>
    %dma_wait3A_1236 = tpu.memref_squeeze %dma_wait3A_1235 : memref<1x128xf32, #tpu.memory_space<vmem>> -> memref<128xf32, #tpu.memory_space<vmem>>
    %dma_wait3A_1237 = arith.constant 128 : i32
    %dma_wait3A_1238 = tpu.memref_slice %arg40[%dma_wait3A_1237] : memref<512xi32, #tpu.memory_space<vmem>> -> memref<128xi32, #tpu.memory_space<vmem>>
    %dma_wait3A_1239 = arith.constant 0 : i32
    %dma_wait3A_1240 = tpu.memref_slice %arg29[%dma_wait3A_1239] : memref<1048576xf32, #tpu.memory_space<hbm>> -> memref<1048576xf32, #tpu.memory_space<hbm>>
    tpu.wait_indirect_dma semaphore(%arg51 : memref<!tpu.dma_semaphore, #tpu.memory_space<semaphore_mem>>) src(%dma_wait3A_1240 : memref<1048576xf32, #tpu.memory_space<hbm>>) dst(%dma_wait3A_1236 : memref<128xf32, #tpu.memory_space<vmem>>)
    %dma_wait3A_1241 = arith.constant 7 : i32
    %dma_wait3A_1242 = arith.constant 128 : i32
    %dma_wait3A_1243 = tpu.memref_slice %arg43[%dma_wait3A_1241, %dma_wait3A_1242] : memref<16x512xf32, #tpu.memory_space<vmem>> -> memref<1x128xf32, #tpu.memory_space<vmem>>
    %dma_wait3A_1244 = tpu.memref_squeeze %dma_wait3A_1243 : memref<1x128xf32, #tpu.memory_space<vmem>> -> memref<128xf32, #tpu.memory_space<vmem>>
    %dma_wait3A_1245 = arith.constant 128 : i32
    %dma_wait3A_1246 = tpu.memref_slice %arg41[%dma_wait3A_1245] : memref<512xi32, #tpu.memory_space<vmem>> -> memref<128xi32, #tpu.memory_space<vmem>>
    %dma_wait3A_1247 = arith.constant 0 : i32
    %dma_wait3A_1248 = tpu.memref_slice %arg12[%dma_wait3A_1247] : memref<102400xf32, #tpu.memory_space<hbm>> -> memref<102400xf32, #tpu.memory_space<hbm>>
    tpu.wait_indirect_dma semaphore(%arg51 : memref<!tpu.dma_semaphore, #tpu.memory_space<semaphore_mem>>) src(%dma_wait3A_1248 : memref<102400xf32, #tpu.memory_space<hbm>>) dst(%dma_wait3A_1244 : memref<128xf32, #tpu.memory_space<vmem>>)
    %dma_wait3A_1249 = arith.constant 7 : i32
    %dma_wait3A_1250 = arith.constant 256 : i32
    %dma_wait3A_1251 = tpu.memref_slice %arg42[%dma_wait3A_1249, %dma_wait3A_1250] : memref<16x512xf32, #tpu.memory_space<vmem>> -> memref<1x128xf32, #tpu.memory_space<vmem>>
    %dma_wait3A_1252 = tpu.memref_squeeze %dma_wait3A_1251 : memref<1x128xf32, #tpu.memory_space<vmem>> -> memref<128xf32, #tpu.memory_space<vmem>>
    %dma_wait3A_1253 = arith.constant 256 : i32
    %dma_wait3A_1254 = tpu.memref_slice %arg40[%dma_wait3A_1253] : memref<512xi32, #tpu.memory_space<vmem>> -> memref<128xi32, #tpu.memory_space<vmem>>
    %dma_wait3A_1255 = arith.constant 0 : i32
    %dma_wait3A_1256 = tpu.memref_slice %arg29[%dma_wait3A_1255] : memref<1048576xf32, #tpu.memory_space<hbm>> -> memref<1048576xf32, #tpu.memory_space<hbm>>
    tpu.wait_indirect_dma semaphore(%arg51 : memref<!tpu.dma_semaphore, #tpu.memory_space<semaphore_mem>>) src(%dma_wait3A_1256 : memref<1048576xf32, #tpu.memory_space<hbm>>) dst(%dma_wait3A_1252 : memref<128xf32, #tpu.memory_space<vmem>>)
    %dma_wait3A_1257 = arith.constant 7 : i32
    %dma_wait3A_1258 = arith.constant 256 : i32
    %dma_wait3A_1259 = tpu.memref_slice %arg43[%dma_wait3A_1257, %dma_wait3A_1258] : memref<16x512xf32, #tpu.memory_space<vmem>> -> memref<1x128xf32, #tpu.memory_space<vmem>>
    %dma_wait3A_1260 = tpu.memref_squeeze %dma_wait3A_1259 : memref<1x128xf32, #tpu.memory_space<vmem>> -> memref<128xf32, #tpu.memory_space<vmem>>
    %dma_wait3A_1261 = arith.constant 256 : i32
    %dma_wait3A_1262 = tpu.memref_slice %arg41[%dma_wait3A_1261] : memref<512xi32, #tpu.memory_space<vmem>> -> memref<128xi32, #tpu.memory_space<vmem>>
    %dma_wait3A_1263 = arith.constant 0 : i32
    %dma_wait3A_1264 = tpu.memref_slice %arg12[%dma_wait3A_1263] : memref<102400xf32, #tpu.memory_space<hbm>> -> memref<102400xf32, #tpu.memory_space<hbm>>
    tpu.wait_indirect_dma semaphore(%arg51 : memref<!tpu.dma_semaphore, #tpu.memory_space<semaphore_mem>>) src(%dma_wait3A_1264 : memref<102400xf32, #tpu.memory_space<hbm>>) dst(%dma_wait3A_1260 : memref<128xf32, #tpu.memory_space<vmem>>)
    %dma_wait3A_1265 = arith.constant 7 : i32
    %dma_wait3A_1266 = arith.constant 384 : i32
    %dma_wait3A_1267 = tpu.memref_slice %arg42[%dma_wait3A_1265, %dma_wait3A_1266] : memref<16x512xf32, #tpu.memory_space<vmem>> -> memref<1x128xf32, #tpu.memory_space<vmem>>
    %dma_wait3A_1268 = tpu.memref_squeeze %dma_wait3A_1267 : memref<1x128xf32, #tpu.memory_space<vmem>> -> memref<128xf32, #tpu.memory_space<vmem>>
    %dma_wait3A_1269 = arith.constant 384 : i32
    %dma_wait3A_1270 = tpu.memref_slice %arg40[%dma_wait3A_1269] : memref<512xi32, #tpu.memory_space<vmem>> -> memref<128xi32, #tpu.memory_space<vmem>>
    %dma_wait3A_1271 = arith.constant 0 : i32
    %dma_wait3A_1272 = tpu.memref_slice %arg29[%dma_wait3A_1271] : memref<1048576xf32, #tpu.memory_space<hbm>> -> memref<1048576xf32, #tpu.memory_space<hbm>>
    tpu.wait_indirect_dma semaphore(%arg51 : memref<!tpu.dma_semaphore, #tpu.memory_space<semaphore_mem>>) src(%dma_wait3A_1272 : memref<1048576xf32, #tpu.memory_space<hbm>>) dst(%dma_wait3A_1268 : memref<128xf32, #tpu.memory_space<vmem>>)
    %dma_wait3A_1273 = arith.constant 7 : i32
    %dma_wait3A_1274 = arith.constant 384 : i32
    %dma_wait3A_1275 = tpu.memref_slice %arg43[%dma_wait3A_1273, %dma_wait3A_1274] : memref<16x512xf32, #tpu.memory_space<vmem>> -> memref<1x128xf32, #tpu.memory_space<vmem>>
    %dma_wait3A_1276 = tpu.memref_squeeze %dma_wait3A_1275 : memref<1x128xf32, #tpu.memory_space<vmem>> -> memref<128xf32, #tpu.memory_space<vmem>>
    %dma_wait3A_1277 = arith.constant 384 : i32
    %dma_wait3A_1278 = tpu.memref_slice %arg41[%dma_wait3A_1277] : memref<512xi32, #tpu.memory_space<vmem>> -> memref<128xi32, #tpu.memory_space<vmem>>
    %dma_wait3A_1279 = arith.constant 0 : i32
    %dma_wait3A_1280 = tpu.memref_slice %arg12[%dma_wait3A_1279] : memref<102400xf32, #tpu.memory_space<hbm>> -> memref<102400xf32, #tpu.memory_space<hbm>>
    tpu.wait_indirect_dma semaphore(%arg51 : memref<!tpu.dma_semaphore, #tpu.memory_space<semaphore_mem>>) src(%dma_wait3A_1280 : memref<102400xf32, #tpu.memory_space<hbm>>) dst(%dma_wait3A_1276 : memref<128xf32, #tpu.memory_space<vmem>>)
    %dma_start3A_1281 = arith.constant 12 : i32
    %dma_start3A_1282 = arith.constant 0 : i32
    %dma_start3A_1283 = tpu.memref_slice %arg42[%dma_start3A_1281, %dma_start3A_1282] : memref<16x512xf32, #tpu.memory_space<vmem>> -> memref<1x128xf32, #tpu.memory_space<vmem>>
    %dma_start3A_1284 = tpu.memref_squeeze %dma_start3A_1283 : memref<1x128xf32, #tpu.memory_space<vmem>> -> memref<128xf32, #tpu.memory_space<vmem>>
    %dma_start3A_1285 = arith.constant 0 : i32
    %dma_start3A_1286 = tpu.memref_slice %arg40[%dma_start3A_1285] : memref<512xi32, #tpu.memory_space<vmem>> -> memref<128xi32, #tpu.memory_space<vmem>>
    %dma_start3A_1287 = arith.constant 0 : i32
    %dma_start3A_1288 = tpu.memref_slice %arg34[%dma_start3A_1287] : memref<1048576xf32, #tpu.memory_space<hbm>> -> memref<1048576xf32, #tpu.memory_space<hbm>>
    tpu.enqueue_indirect_dma source(%dma_start3A_1288 : memref<1048576xf32, #tpu.memory_space<hbm>>) target(%dma_start3A_1284 : memref<128xf32, #tpu.memory_space<vmem>>) offsets(%dma_start3A_1286 : memref<128xi32, #tpu.memory_space<vmem>>) semaphore(%arg48 : memref<!tpu.dma_semaphore, #tpu.memory_space<semaphore_mem>>)
    %dma_start3A_1289 = arith.constant 12 : i32
    %dma_start3A_1290 = arith.constant 0 : i32
    %dma_start3A_1291 = tpu.memref_slice %arg43[%dma_start3A_1289, %dma_start3A_1290] : memref<16x512xf32, #tpu.memory_space<vmem>> -> memref<1x128xf32, #tpu.memory_space<vmem>>
    %dma_start3A_1292 = tpu.memref_squeeze %dma_start3A_1291 : memref<1x128xf32, #tpu.memory_space<vmem>> -> memref<128xf32, #tpu.memory_space<vmem>>
    %dma_start3A_1293 = arith.constant 0 : i32
    %dma_start3A_1294 = tpu.memref_slice %arg41[%dma_start3A_1293] : memref<512xi32, #tpu.memory_space<vmem>> -> memref<128xi32, #tpu.memory_space<vmem>>
    %dma_start3A_1295 = arith.constant 0 : i32
    %dma_start3A_1296 = tpu.memref_slice %arg17[%dma_start3A_1295] : memref<102400xf32, #tpu.memory_space<hbm>> -> memref<102400xf32, #tpu.memory_space<hbm>>
    tpu.enqueue_indirect_dma source(%dma_start3A_1296 : memref<102400xf32, #tpu.memory_space<hbm>>) target(%dma_start3A_1292 : memref<128xf32, #tpu.memory_space<vmem>>) offsets(%dma_start3A_1294 : memref<128xi32, #tpu.memory_space<vmem>>) semaphore(%arg48 : memref<!tpu.dma_semaphore, #tpu.memory_space<semaphore_mem>>)
    %dma_start3A_1297 = arith.constant 12 : i32
    %dma_start3A_1298 = arith.constant 128 : i32
    %dma_start3A_1299 = tpu.memref_slice %arg42[%dma_start3A_1297, %dma_start3A_1298] : memref<16x512xf32, #tpu.memory_space<vmem>> -> memref<1x128xf32, #tpu.memory_space<vmem>>
    %dma_start3A_1300 = tpu.memref_squeeze %dma_start3A_1299 : memref<1x128xf32, #tpu.memory_space<vmem>> -> memref<128xf32, #tpu.memory_space<vmem>>
    %dma_start3A_1301 = arith.constant 128 : i32
    %dma_start3A_1302 = tpu.memref_slice %arg40[%dma_start3A_1301] : memref<512xi32, #tpu.memory_space<vmem>> -> memref<128xi32, #tpu.memory_space<vmem>>
    %dma_start3A_1303 = arith.constant 0 : i32
    %dma_start3A_1304 = tpu.memref_slice %arg34[%dma_start3A_1303] : memref<1048576xf32, #tpu.memory_space<hbm>> -> memref<1048576xf32, #tpu.memory_space<hbm>>
    tpu.enqueue_indirect_dma source(%dma_start3A_1304 : memref<1048576xf32, #tpu.memory_space<hbm>>) target(%dma_start3A_1300 : memref<128xf32, #tpu.memory_space<vmem>>) offsets(%dma_start3A_1302 : memref<128xi32, #tpu.memory_space<vmem>>) semaphore(%arg48 : memref<!tpu.dma_semaphore, #tpu.memory_space<semaphore_mem>>)
    %dma_start3A_1305 = arith.constant 12 : i32
    %dma_start3A_1306 = arith.constant 128 : i32
    %dma_start3A_1307 = tpu.memref_slice %arg43[%dma_start3A_1305, %dma_start3A_1306] : memref<16x512xf32, #tpu.memory_space<vmem>> -> memref<1x128xf32, #tpu.memory_space<vmem>>
    %dma_start3A_1308 = tpu.memref_squeeze %dma_start3A_1307 : memref<1x128xf32, #tpu.memory_space<vmem>> -> memref<128xf32, #tpu.memory_space<vmem>>
    %dma_start3A_1309 = arith.constant 128 : i32
    %dma_start3A_1310 = tpu.memref_slice %arg41[%dma_start3A_1309] : memref<512xi32, #tpu.memory_space<vmem>> -> memref<128xi32, #tpu.memory_space<vmem>>
    %dma_start3A_1311 = arith.constant 0 : i32
    %dma_start3A_1312 = tpu.memref_slice %arg17[%dma_start3A_1311] : memref<102400xf32, #tpu.memory_space<hbm>> -> memref<102400xf32, #tpu.memory_space<hbm>>
    tpu.enqueue_indirect_dma source(%dma_start3A_1312 : memref<102400xf32, #tpu.memory_space<hbm>>) target(%dma_start3A_1308 : memref<128xf32, #tpu.memory_space<vmem>>) offsets(%dma_start3A_1310 : memref<128xi32, #tpu.memory_space<vmem>>) semaphore(%arg48 : memref<!tpu.dma_semaphore, #tpu.memory_space<semaphore_mem>>)
    %dma_start3A_1313 = arith.constant 12 : i32
    %dma_start3A_1314 = arith.constant 256 : i32
    %dma_start3A_1315 = tpu.memref_slice %arg42[%dma_start3A_1313, %dma_start3A_1314] : memref<16x512xf32, #tpu.memory_space<vmem>> -> memref<1x128xf32, #tpu.memory_space<vmem>>
    %dma_start3A_1316 = tpu.memref_squeeze %dma_start3A_1315 : memref<1x128xf32, #tpu.memory_space<vmem>> -> memref<128xf32, #tpu.memory_space<vmem>>
    %dma_start3A_1317 = arith.constant 256 : i32
    %dma_start3A_1318 = tpu.memref_slice %arg40[%dma_start3A_1317] : memref<512xi32, #tpu.memory_space<vmem>> -> memref<128xi32, #tpu.memory_space<vmem>>
    %dma_start3A_1319 = arith.constant 0 : i32
    %dma_start3A_1320 = tpu.memref_slice %arg34[%dma_start3A_1319] : memref<1048576xf32, #tpu.memory_space<hbm>> -> memref<1048576xf32, #tpu.memory_space<hbm>>
    tpu.enqueue_indirect_dma source(%dma_start3A_1320 : memref<1048576xf32, #tpu.memory_space<hbm>>) target(%dma_start3A_1316 : memref<128xf32, #tpu.memory_space<vmem>>) offsets(%dma_start3A_1318 : memref<128xi32, #tpu.memory_space<vmem>>) semaphore(%arg48 : memref<!tpu.dma_semaphore, #tpu.memory_space<semaphore_mem>>)
    %dma_start3A_1321 = arith.constant 12 : i32
    %dma_start3A_1322 = arith.constant 256 : i32
    %dma_start3A_1323 = tpu.memref_slice %arg43[%dma_start3A_1321, %dma_start3A_1322] : memref<16x512xf32, #tpu.memory_space<vmem>> -> memref<1x128xf32, #tpu.memory_space<vmem>>
    %dma_start3A_1324 = tpu.memref_squeeze %dma_start3A_1323 : memref<1x128xf32, #tpu.memory_space<vmem>> -> memref<128xf32, #tpu.memory_space<vmem>>
    %dma_start3A_1325 = arith.constant 256 : i32
    %dma_start3A_1326 = tpu.memref_slice %arg41[%dma_start3A_1325] : memref<512xi32, #tpu.memory_space<vmem>> -> memref<128xi32, #tpu.memory_space<vmem>>
    %dma_start3A_1327 = arith.constant 0 : i32
    %dma_start3A_1328 = tpu.memref_slice %arg17[%dma_start3A_1327] : memref<102400xf32, #tpu.memory_space<hbm>> -> memref<102400xf32, #tpu.memory_space<hbm>>
    tpu.enqueue_indirect_dma source(%dma_start3A_1328 : memref<102400xf32, #tpu.memory_space<hbm>>) target(%dma_start3A_1324 : memref<128xf32, #tpu.memory_space<vmem>>) offsets(%dma_start3A_1326 : memref<128xi32, #tpu.memory_space<vmem>>) semaphore(%arg48 : memref<!tpu.dma_semaphore, #tpu.memory_space<semaphore_mem>>)
    %dma_start3A_1329 = arith.constant 12 : i32
    %dma_start3A_1330 = arith.constant 384 : i32
    %dma_start3A_1331 = tpu.memref_slice %arg42[%dma_start3A_1329, %dma_start3A_1330] : memref<16x512xf32, #tpu.memory_space<vmem>> -> memref<1x128xf32, #tpu.memory_space<vmem>>
    %dma_start3A_1332 = tpu.memref_squeeze %dma_start3A_1331 : memref<1x128xf32, #tpu.memory_space<vmem>> -> memref<128xf32, #tpu.memory_space<vmem>>
    %dma_start3A_1333 = arith.constant 384 : i32
    %dma_start3A_1334 = tpu.memref_slice %arg40[%dma_start3A_1333] : memref<512xi32, #tpu.memory_space<vmem>> -> memref<128xi32, #tpu.memory_space<vmem>>
    %dma_start3A_1335 = arith.constant 0 : i32
    %dma_start3A_1336 = tpu.memref_slice %arg34[%dma_start3A_1335] : memref<1048576xf32, #tpu.memory_space<hbm>> -> memref<1048576xf32, #tpu.memory_space<hbm>>
    tpu.enqueue_indirect_dma source(%dma_start3A_1336 : memref<1048576xf32, #tpu.memory_space<hbm>>) target(%dma_start3A_1332 : memref<128xf32, #tpu.memory_space<vmem>>) offsets(%dma_start3A_1334 : memref<128xi32, #tpu.memory_space<vmem>>) semaphore(%arg48 : memref<!tpu.dma_semaphore, #tpu.memory_space<semaphore_mem>>)
    %dma_start3A_1337 = arith.constant 12 : i32
    %dma_start3A_1338 = arith.constant 384 : i32
    %dma_start3A_1339 = tpu.memref_slice %arg43[%dma_start3A_1337, %dma_start3A_1338] : memref<16x512xf32, #tpu.memory_space<vmem>> -> memref<1x128xf32, #tpu.memory_space<vmem>>
    %dma_start3A_1340 = tpu.memref_squeeze %dma_start3A_1339 : memref<1x128xf32, #tpu.memory_space<vmem>> -> memref<128xf32, #tpu.memory_space<vmem>>
    %dma_start3A_1341 = arith.constant 384 : i32
    %dma_start3A_1342 = tpu.memref_slice %arg41[%dma_start3A_1341] : memref<512xi32, #tpu.memory_space<vmem>> -> memref<128xi32, #tpu.memory_space<vmem>>
    %dma_start3A_1343 = arith.constant 0 : i32
    %dma_start3A_1344 = tpu.memref_slice %arg17[%dma_start3A_1343] : memref<102400xf32, #tpu.memory_space<hbm>> -> memref<102400xf32, #tpu.memory_space<hbm>>
    tpu.enqueue_indirect_dma source(%dma_start3A_1344 : memref<102400xf32, #tpu.memory_space<hbm>>) target(%dma_start3A_1340 : memref<128xf32, #tpu.memory_space<vmem>>) offsets(%dma_start3A_1342 : memref<128xi32, #tpu.memory_space<vmem>>) semaphore(%arg48 : memref<!tpu.dma_semaphore, #tpu.memory_space<semaphore_mem>>)
    %dma_wait3A_1345 = arith.constant 8 : i32
    %dma_wait3A_1346 = arith.constant 0 : i32
    %dma_wait3A_1347 = tpu.memref_slice %arg42[%dma_wait3A_1345, %dma_wait3A_1346] : memref<16x512xf32, #tpu.memory_space<vmem>> -> memref<1x128xf32, #tpu.memory_space<vmem>>
    %dma_wait3A_1348 = tpu.memref_squeeze %dma_wait3A_1347 : memref<1x128xf32, #tpu.memory_space<vmem>> -> memref<128xf32, #tpu.memory_space<vmem>>
    %dma_wait3A_1349 = arith.constant 0 : i32
    %dma_wait3A_1350 = tpu.memref_slice %arg40[%dma_wait3A_1349] : memref<512xi32, #tpu.memory_space<vmem>> -> memref<128xi32, #tpu.memory_space<vmem>>
    %dma_wait3A_1351 = arith.constant 0 : i32
    %dma_wait3A_1352 = tpu.memref_slice %arg30[%dma_wait3A_1351] : memref<1048576xf32, #tpu.memory_space<hbm>> -> memref<1048576xf32, #tpu.memory_space<hbm>>
    tpu.wait_indirect_dma semaphore(%arg48 : memref<!tpu.dma_semaphore, #tpu.memory_space<semaphore_mem>>) src(%dma_wait3A_1352 : memref<1048576xf32, #tpu.memory_space<hbm>>) dst(%dma_wait3A_1348 : memref<128xf32, #tpu.memory_space<vmem>>)
    %dma_wait3A_1353 = arith.constant 8 : i32
    %dma_wait3A_1354 = arith.constant 0 : i32
    %dma_wait3A_1355 = tpu.memref_slice %arg43[%dma_wait3A_1353, %dma_wait3A_1354] : memref<16x512xf32, #tpu.memory_space<vmem>> -> memref<1x128xf32, #tpu.memory_space<vmem>>
    %dma_wait3A_1356 = tpu.memref_squeeze %dma_wait3A_1355 : memref<1x128xf32, #tpu.memory_space<vmem>> -> memref<128xf32, #tpu.memory_space<vmem>>
    %dma_wait3A_1357 = arith.constant 0 : i32
    %dma_wait3A_1358 = tpu.memref_slice %arg41[%dma_wait3A_1357] : memref<512xi32, #tpu.memory_space<vmem>> -> memref<128xi32, #tpu.memory_space<vmem>>
    %dma_wait3A_1359 = arith.constant 0 : i32
    %dma_wait3A_1360 = tpu.memref_slice %arg13[%dma_wait3A_1359] : memref<102400xf32, #tpu.memory_space<hbm>> -> memref<102400xf32, #tpu.memory_space<hbm>>
    tpu.wait_indirect_dma semaphore(%arg48 : memref<!tpu.dma_semaphore, #tpu.memory_space<semaphore_mem>>) src(%dma_wait3A_1360 : memref<102400xf32, #tpu.memory_space<hbm>>) dst(%dma_wait3A_1356 : memref<128xf32, #tpu.memory_space<vmem>>)
    %dma_wait3A_1361 = arith.constant 8 : i32
    %dma_wait3A_1362 = arith.constant 128 : i32
    %dma_wait3A_1363 = tpu.memref_slice %arg42[%dma_wait3A_1361, %dma_wait3A_1362] : memref<16x512xf32, #tpu.memory_space<vmem>> -> memref<1x128xf32, #tpu.memory_space<vmem>>
    %dma_wait3A_1364 = tpu.memref_squeeze %dma_wait3A_1363 : memref<1x128xf32, #tpu.memory_space<vmem>> -> memref<128xf32, #tpu.memory_space<vmem>>
    %dma_wait3A_1365 = arith.constant 128 : i32
    %dma_wait3A_1366 = tpu.memref_slice %arg40[%dma_wait3A_1365] : memref<512xi32, #tpu.memory_space<vmem>> -> memref<128xi32, #tpu.memory_space<vmem>>
    %dma_wait3A_1367 = arith.constant 0 : i32
    %dma_wait3A_1368 = tpu.memref_slice %arg30[%dma_wait3A_1367] : memref<1048576xf32, #tpu.memory_space<hbm>> -> memref<1048576xf32, #tpu.memory_space<hbm>>
    tpu.wait_indirect_dma semaphore(%arg48 : memref<!tpu.dma_semaphore, #tpu.memory_space<semaphore_mem>>) src(%dma_wait3A_1368 : memref<1048576xf32, #tpu.memory_space<hbm>>) dst(%dma_wait3A_1364 : memref<128xf32, #tpu.memory_space<vmem>>)
    %dma_wait3A_1369 = arith.constant 8 : i32
    %dma_wait3A_1370 = arith.constant 128 : i32
    %dma_wait3A_1371 = tpu.memref_slice %arg43[%dma_wait3A_1369, %dma_wait3A_1370] : memref<16x512xf32, #tpu.memory_space<vmem>> -> memref<1x128xf32, #tpu.memory_space<vmem>>
    %dma_wait3A_1372 = tpu.memref_squeeze %dma_wait3A_1371 : memref<1x128xf32, #tpu.memory_space<vmem>> -> memref<128xf32, #tpu.memory_space<vmem>>
    %dma_wait3A_1373 = arith.constant 128 : i32
    %dma_wait3A_1374 = tpu.memref_slice %arg41[%dma_wait3A_1373] : memref<512xi32, #tpu.memory_space<vmem>> -> memref<128xi32, #tpu.memory_space<vmem>>
    %dma_wait3A_1375 = arith.constant 0 : i32
    %dma_wait3A_1376 = tpu.memref_slice %arg13[%dma_wait3A_1375] : memref<102400xf32, #tpu.memory_space<hbm>> -> memref<102400xf32, #tpu.memory_space<hbm>>
    tpu.wait_indirect_dma semaphore(%arg48 : memref<!tpu.dma_semaphore, #tpu.memory_space<semaphore_mem>>) src(%dma_wait3A_1376 : memref<102400xf32, #tpu.memory_space<hbm>>) dst(%dma_wait3A_1372 : memref<128xf32, #tpu.memory_space<vmem>>)
    %dma_wait3A_1377 = arith.constant 8 : i32
    %dma_wait3A_1378 = arith.constant 256 : i32
    %dma_wait3A_1379 = tpu.memref_slice %arg42[%dma_wait3A_1377, %dma_wait3A_1378] : memref<16x512xf32, #tpu.memory_space<vmem>> -> memref<1x128xf32, #tpu.memory_space<vmem>>
    %dma_wait3A_1380 = tpu.memref_squeeze %dma_wait3A_1379 : memref<1x128xf32, #tpu.memory_space<vmem>> -> memref<128xf32, #tpu.memory_space<vmem>>
    %dma_wait3A_1381 = arith.constant 256 : i32
    %dma_wait3A_1382 = tpu.memref_slice %arg40[%dma_wait3A_1381] : memref<512xi32, #tpu.memory_space<vmem>> -> memref<128xi32, #tpu.memory_space<vmem>>
    %dma_wait3A_1383 = arith.constant 0 : i32
    %dma_wait3A_1384 = tpu.memref_slice %arg30[%dma_wait3A_1383] : memref<1048576xf32, #tpu.memory_space<hbm>> -> memref<1048576xf32, #tpu.memory_space<hbm>>
    tpu.wait_indirect_dma semaphore(%arg48 : memref<!tpu.dma_semaphore, #tpu.memory_space<semaphore_mem>>) src(%dma_wait3A_1384 : memref<1048576xf32, #tpu.memory_space<hbm>>) dst(%dma_wait3A_1380 : memref<128xf32, #tpu.memory_space<vmem>>)
    %dma_wait3A_1385 = arith.constant 8 : i32
    %dma_wait3A_1386 = arith.constant 256 : i32
    %dma_wait3A_1387 = tpu.memref_slice %arg43[%dma_wait3A_1385, %dma_wait3A_1386] : memref<16x512xf32, #tpu.memory_space<vmem>> -> memref<1x128xf32, #tpu.memory_space<vmem>>
    %dma_wait3A_1388 = tpu.memref_squeeze %dma_wait3A_1387 : memref<1x128xf32, #tpu.memory_space<vmem>> -> memref<128xf32, #tpu.memory_space<vmem>>
    %dma_wait3A_1389 = arith.constant 256 : i32
    %dma_wait3A_1390 = tpu.memref_slice %arg41[%dma_wait3A_1389] : memref<512xi32, #tpu.memory_space<vmem>> -> memref<128xi32, #tpu.memory_space<vmem>>
    %dma_wait3A_1391 = arith.constant 0 : i32
    %dma_wait3A_1392 = tpu.memref_slice %arg13[%dma_wait3A_1391] : memref<102400xf32, #tpu.memory_space<hbm>> -> memref<102400xf32, #tpu.memory_space<hbm>>
    tpu.wait_indirect_dma semaphore(%arg48 : memref<!tpu.dma_semaphore, #tpu.memory_space<semaphore_mem>>) src(%dma_wait3A_1392 : memref<102400xf32, #tpu.memory_space<hbm>>) dst(%dma_wait3A_1388 : memref<128xf32, #tpu.memory_space<vmem>>)
    %dma_wait3A_1393 = arith.constant 8 : i32
    %dma_wait3A_1394 = arith.constant 384 : i32
    %dma_wait3A_1395 = tpu.memref_slice %arg42[%dma_wait3A_1393, %dma_wait3A_1394] : memref<16x512xf32, #tpu.memory_space<vmem>> -> memref<1x128xf32, #tpu.memory_space<vmem>>
    %dma_wait3A_1396 = tpu.memref_squeeze %dma_wait3A_1395 : memref<1x128xf32, #tpu.memory_space<vmem>> -> memref<128xf32, #tpu.memory_space<vmem>>
    %dma_wait3A_1397 = arith.constant 384 : i32
    %dma_wait3A_1398 = tpu.memref_slice %arg40[%dma_wait3A_1397] : memref<512xi32, #tpu.memory_space<vmem>> -> memref<128xi32, #tpu.memory_space<vmem>>
    %dma_wait3A_1399 = arith.constant 0 : i32
    %dma_wait3A_1400 = tpu.memref_slice %arg30[%dma_wait3A_1399] : memref<1048576xf32, #tpu.memory_space<hbm>> -> memref<1048576xf32, #tpu.memory_space<hbm>>
    tpu.wait_indirect_dma semaphore(%arg48 : memref<!tpu.dma_semaphore, #tpu.memory_space<semaphore_mem>>) src(%dma_wait3A_1400 : memref<1048576xf32, #tpu.memory_space<hbm>>) dst(%dma_wait3A_1396 : memref<128xf32, #tpu.memory_space<vmem>>)
    %dma_wait3A_1401 = arith.constant 8 : i32
    %dma_wait3A_1402 = arith.constant 384 : i32
    %dma_wait3A_1403 = tpu.memref_slice %arg43[%dma_wait3A_1401, %dma_wait3A_1402] : memref<16x512xf32, #tpu.memory_space<vmem>> -> memref<1x128xf32, #tpu.memory_space<vmem>>
    %dma_wait3A_1404 = tpu.memref_squeeze %dma_wait3A_1403 : memref<1x128xf32, #tpu.memory_space<vmem>> -> memref<128xf32, #tpu.memory_space<vmem>>
    %dma_wait3A_1405 = arith.constant 384 : i32
    %dma_wait3A_1406 = tpu.memref_slice %arg41[%dma_wait3A_1405] : memref<512xi32, #tpu.memory_space<vmem>> -> memref<128xi32, #tpu.memory_space<vmem>>
    %dma_wait3A_1407 = arith.constant 0 : i32
    %dma_wait3A_1408 = tpu.memref_slice %arg13[%dma_wait3A_1407] : memref<102400xf32, #tpu.memory_space<hbm>> -> memref<102400xf32, #tpu.memory_space<hbm>>
    tpu.wait_indirect_dma semaphore(%arg48 : memref<!tpu.dma_semaphore, #tpu.memory_space<semaphore_mem>>) src(%dma_wait3A_1408 : memref<102400xf32, #tpu.memory_space<hbm>>) dst(%dma_wait3A_1404 : memref<128xf32, #tpu.memory_space<vmem>>)
    %dma_start3A_1409 = arith.constant 13 : i32
    %dma_start3A_1410 = arith.constant 0 : i32
    %dma_start3A_1411 = tpu.memref_slice %arg42[%dma_start3A_1409, %dma_start3A_1410] : memref<16x512xf32, #tpu.memory_space<vmem>> -> memref<1x128xf32, #tpu.memory_space<vmem>>
    %dma_start3A_1412 = tpu.memref_squeeze %dma_start3A_1411 : memref<1x128xf32, #tpu.memory_space<vmem>> -> memref<128xf32, #tpu.memory_space<vmem>>
    %dma_start3A_1413 = arith.constant 0 : i32
    %dma_start3A_1414 = tpu.memref_slice %arg40[%dma_start3A_1413] : memref<512xi32, #tpu.memory_space<vmem>> -> memref<128xi32, #tpu.memory_space<vmem>>
    %dma_start3A_1415 = arith.constant 0 : i32
    %dma_start3A_1416 = tpu.memref_slice %arg35[%dma_start3A_1415] : memref<1048576xf32, #tpu.memory_space<hbm>> -> memref<1048576xf32, #tpu.memory_space<hbm>>
    tpu.enqueue_indirect_dma source(%dma_start3A_1416 : memref<1048576xf32, #tpu.memory_space<hbm>>) target(%dma_start3A_1412 : memref<128xf32, #tpu.memory_space<vmem>>) offsets(%dma_start3A_1414 : memref<128xi32, #tpu.memory_space<vmem>>) semaphore(%arg49 : memref<!tpu.dma_semaphore, #tpu.memory_space<semaphore_mem>>)
    %dma_start3A_1417 = arith.constant 13 : i32
    %dma_start3A_1418 = arith.constant 0 : i32
    %dma_start3A_1419 = tpu.memref_slice %arg43[%dma_start3A_1417, %dma_start3A_1418] : memref<16x512xf32, #tpu.memory_space<vmem>> -> memref<1x128xf32, #tpu.memory_space<vmem>>
    %dma_start3A_1420 = tpu.memref_squeeze %dma_start3A_1419 : memref<1x128xf32, #tpu.memory_space<vmem>> -> memref<128xf32, #tpu.memory_space<vmem>>
    %dma_start3A_1421 = arith.constant 0 : i32
    %dma_start3A_1422 = tpu.memref_slice %arg41[%dma_start3A_1421] : memref<512xi32, #tpu.memory_space<vmem>> -> memref<128xi32, #tpu.memory_space<vmem>>
    %dma_start3A_1423 = arith.constant 0 : i32
    %dma_start3A_1424 = tpu.memref_slice %arg18[%dma_start3A_1423] : memref<102400xf32, #tpu.memory_space<hbm>> -> memref<102400xf32, #tpu.memory_space<hbm>>
    tpu.enqueue_indirect_dma source(%dma_start3A_1424 : memref<102400xf32, #tpu.memory_space<hbm>>) target(%dma_start3A_1420 : memref<128xf32, #tpu.memory_space<vmem>>) offsets(%dma_start3A_1422 : memref<128xi32, #tpu.memory_space<vmem>>) semaphore(%arg49 : memref<!tpu.dma_semaphore, #tpu.memory_space<semaphore_mem>>)
    %dma_start3A_1425 = arith.constant 13 : i32
    %dma_start3A_1426 = arith.constant 128 : i32
    %dma_start3A_1427 = tpu.memref_slice %arg42[%dma_start3A_1425, %dma_start3A_1426] : memref<16x512xf32, #tpu.memory_space<vmem>> -> memref<1x128xf32, #tpu.memory_space<vmem>>
    %dma_start3A_1428 = tpu.memref_squeeze %dma_start3A_1427 : memref<1x128xf32, #tpu.memory_space<vmem>> -> memref<128xf32, #tpu.memory_space<vmem>>
    %dma_start3A_1429 = arith.constant 128 : i32
    %dma_start3A_1430 = tpu.memref_slice %arg40[%dma_start3A_1429] : memref<512xi32, #tpu.memory_space<vmem>> -> memref<128xi32, #tpu.memory_space<vmem>>
    %dma_start3A_1431 = arith.constant 0 : i32
    %dma_start3A_1432 = tpu.memref_slice %arg35[%dma_start3A_1431] : memref<1048576xf32, #tpu.memory_space<hbm>> -> memref<1048576xf32, #tpu.memory_space<hbm>>
    tpu.enqueue_indirect_dma source(%dma_start3A_1432 : memref<1048576xf32, #tpu.memory_space<hbm>>) target(%dma_start3A_1428 : memref<128xf32, #tpu.memory_space<vmem>>) offsets(%dma_start3A_1430 : memref<128xi32, #tpu.memory_space<vmem>>) semaphore(%arg49 : memref<!tpu.dma_semaphore, #tpu.memory_space<semaphore_mem>>)
    %dma_start3A_1433 = arith.constant 13 : i32
    %dma_start3A_1434 = arith.constant 128 : i32
    %dma_start3A_1435 = tpu.memref_slice %arg43[%dma_start3A_1433, %dma_start3A_1434] : memref<16x512xf32, #tpu.memory_space<vmem>> -> memref<1x128xf32, #tpu.memory_space<vmem>>
    %dma_start3A_1436 = tpu.memref_squeeze %dma_start3A_1435 : memref<1x128xf32, #tpu.memory_space<vmem>> -> memref<128xf32, #tpu.memory_space<vmem>>
    %dma_start3A_1437 = arith.constant 128 : i32
    %dma_start3A_1438 = tpu.memref_slice %arg41[%dma_start3A_1437] : memref<512xi32, #tpu.memory_space<vmem>> -> memref<128xi32, #tpu.memory_space<vmem>>
    %dma_start3A_1439 = arith.constant 0 : i32
    %dma_start3A_1440 = tpu.memref_slice %arg18[%dma_start3A_1439] : memref<102400xf32, #tpu.memory_space<hbm>> -> memref<102400xf32, #tpu.memory_space<hbm>>
    tpu.enqueue_indirect_dma source(%dma_start3A_1440 : memref<102400xf32, #tpu.memory_space<hbm>>) target(%dma_start3A_1436 : memref<128xf32, #tpu.memory_space<vmem>>) offsets(%dma_start3A_1438 : memref<128xi32, #tpu.memory_space<vmem>>) semaphore(%arg49 : memref<!tpu.dma_semaphore, #tpu.memory_space<semaphore_mem>>)
    %dma_start3A_1441 = arith.constant 13 : i32
    %dma_start3A_1442 = arith.constant 256 : i32
    %dma_start3A_1443 = tpu.memref_slice %arg42[%dma_start3A_1441, %dma_start3A_1442] : memref<16x512xf32, #tpu.memory_space<vmem>> -> memref<1x128xf32, #tpu.memory_space<vmem>>
    %dma_start3A_1444 = tpu.memref_squeeze %dma_start3A_1443 : memref<1x128xf32, #tpu.memory_space<vmem>> -> memref<128xf32, #tpu.memory_space<vmem>>
    %dma_start3A_1445 = arith.constant 256 : i32
    %dma_start3A_1446 = tpu.memref_slice %arg40[%dma_start3A_1445] : memref<512xi32, #tpu.memory_space<vmem>> -> memref<128xi32, #tpu.memory_space<vmem>>
    %dma_start3A_1447 = arith.constant 0 : i32
    %dma_start3A_1448 = tpu.memref_slice %arg35[%dma_start3A_1447] : memref<1048576xf32, #tpu.memory_space<hbm>> -> memref<1048576xf32, #tpu.memory_space<hbm>>
    tpu.enqueue_indirect_dma source(%dma_start3A_1448 : memref<1048576xf32, #tpu.memory_space<hbm>>) target(%dma_start3A_1444 : memref<128xf32, #tpu.memory_space<vmem>>) offsets(%dma_start3A_1446 : memref<128xi32, #tpu.memory_space<vmem>>) semaphore(%arg49 : memref<!tpu.dma_semaphore, #tpu.memory_space<semaphore_mem>>)
    %dma_start3A_1449 = arith.constant 13 : i32
    %dma_start3A_1450 = arith.constant 256 : i32
    %dma_start3A_1451 = tpu.memref_slice %arg43[%dma_start3A_1449, %dma_start3A_1450] : memref<16x512xf32, #tpu.memory_space<vmem>> -> memref<1x128xf32, #tpu.memory_space<vmem>>
    %dma_start3A_1452 = tpu.memref_squeeze %dma_start3A_1451 : memref<1x128xf32, #tpu.memory_space<vmem>> -> memref<128xf32, #tpu.memory_space<vmem>>
    %dma_start3A_1453 = arith.constant 256 : i32
    %dma_start3A_1454 = tpu.memref_slice %arg41[%dma_start3A_1453] : memref<512xi32, #tpu.memory_space<vmem>> -> memref<128xi32, #tpu.memory_space<vmem>>
    %dma_start3A_1455 = arith.constant 0 : i32
    %dma_start3A_1456 = tpu.memref_slice %arg18[%dma_start3A_1455] : memref<102400xf32, #tpu.memory_space<hbm>> -> memref<102400xf32, #tpu.memory_space<hbm>>
    tpu.enqueue_indirect_dma source(%dma_start3A_1456 : memref<102400xf32, #tpu.memory_space<hbm>>) target(%dma_start3A_1452 : memref<128xf32, #tpu.memory_space<vmem>>) offsets(%dma_start3A_1454 : memref<128xi32, #tpu.memory_space<vmem>>) semaphore(%arg49 : memref<!tpu.dma_semaphore, #tpu.memory_space<semaphore_mem>>)
    %dma_start3A_1457 = arith.constant 13 : i32
    %dma_start3A_1458 = arith.constant 384 : i32
    %dma_start3A_1459 = tpu.memref_slice %arg42[%dma_start3A_1457, %dma_start3A_1458] : memref<16x512xf32, #tpu.memory_space<vmem>> -> memref<1x128xf32, #tpu.memory_space<vmem>>
    %dma_start3A_1460 = tpu.memref_squeeze %dma_start3A_1459 : memref<1x128xf32, #tpu.memory_space<vmem>> -> memref<128xf32, #tpu.memory_space<vmem>>
    %dma_start3A_1461 = arith.constant 384 : i32
    %dma_start3A_1462 = tpu.memref_slice %arg40[%dma_start3A_1461] : memref<512xi32, #tpu.memory_space<vmem>> -> memref<128xi32, #tpu.memory_space<vmem>>
    %dma_start3A_1463 = arith.constant 0 : i32
    %dma_start3A_1464 = tpu.memref_slice %arg35[%dma_start3A_1463] : memref<1048576xf32, #tpu.memory_space<hbm>> -> memref<1048576xf32, #tpu.memory_space<hbm>>
    tpu.enqueue_indirect_dma source(%dma_start3A_1464 : memref<1048576xf32, #tpu.memory_space<hbm>>) target(%dma_start3A_1460 : memref<128xf32, #tpu.memory_space<vmem>>) offsets(%dma_start3A_1462 : memref<128xi32, #tpu.memory_space<vmem>>) semaphore(%arg49 : memref<!tpu.dma_semaphore, #tpu.memory_space<semaphore_mem>>)
    %dma_start3A_1465 = arith.constant 13 : i32
    %dma_start3A_1466 = arith.constant 384 : i32
    %dma_start3A_1467 = tpu.memref_slice %arg43[%dma_start3A_1465, %dma_start3A_1466] : memref<16x512xf32, #tpu.memory_space<vmem>> -> memref<1x128xf32, #tpu.memory_space<vmem>>
    %dma_start3A_1468 = tpu.memref_squeeze %dma_start3A_1467 : memref<1x128xf32, #tpu.memory_space<vmem>> -> memref<128xf32, #tpu.memory_space<vmem>>
    %dma_start3A_1469 = arith.constant 384 : i32
    %dma_start3A_1470 = tpu.memref_slice %arg41[%dma_start3A_1469] : memref<512xi32, #tpu.memory_space<vmem>> -> memref<128xi32, #tpu.memory_space<vmem>>
    %dma_start3A_1471 = arith.constant 0 : i32
    %dma_start3A_1472 = tpu.memref_slice %arg18[%dma_start3A_1471] : memref<102400xf32, #tpu.memory_space<hbm>> -> memref<102400xf32, #tpu.memory_space<hbm>>
    tpu.enqueue_indirect_dma source(%dma_start3A_1472 : memref<102400xf32, #tpu.memory_space<hbm>>) target(%dma_start3A_1468 : memref<128xf32, #tpu.memory_space<vmem>>) offsets(%dma_start3A_1470 : memref<128xi32, #tpu.memory_space<vmem>>) semaphore(%arg49 : memref<!tpu.dma_semaphore, #tpu.memory_space<semaphore_mem>>)
    %dma_wait3A_1473 = arith.constant 9 : i32
    %dma_wait3A_1474 = arith.constant 0 : i32
    %dma_wait3A_1475 = tpu.memref_slice %arg42[%dma_wait3A_1473, %dma_wait3A_1474] : memref<16x512xf32, #tpu.memory_space<vmem>> -> memref<1x128xf32, #tpu.memory_space<vmem>>
    %dma_wait3A_1476 = tpu.memref_squeeze %dma_wait3A_1475 : memref<1x128xf32, #tpu.memory_space<vmem>> -> memref<128xf32, #tpu.memory_space<vmem>>
    %dma_wait3A_1477 = arith.constant 0 : i32
    %dma_wait3A_1478 = tpu.memref_slice %arg40[%dma_wait3A_1477] : memref<512xi32, #tpu.memory_space<vmem>> -> memref<128xi32, #tpu.memory_space<vmem>>
    %dma_wait3A_1479 = arith.constant 0 : i32
    %dma_wait3A_1480 = tpu.memref_slice %arg31[%dma_wait3A_1479] : memref<1048576xf32, #tpu.memory_space<hbm>> -> memref<1048576xf32, #tpu.memory_space<hbm>>
    tpu.wait_indirect_dma semaphore(%arg49 : memref<!tpu.dma_semaphore, #tpu.memory_space<semaphore_mem>>) src(%dma_wait3A_1480 : memref<1048576xf32, #tpu.memory_space<hbm>>) dst(%dma_wait3A_1476 : memref<128xf32, #tpu.memory_space<vmem>>)
    %dma_wait3A_1481 = arith.constant 9 : i32
    %dma_wait3A_1482 = arith.constant 0 : i32
    %dma_wait3A_1483 = tpu.memref_slice %arg43[%dma_wait3A_1481, %dma_wait3A_1482] : memref<16x512xf32, #tpu.memory_space<vmem>> -> memref<1x128xf32, #tpu.memory_space<vmem>>
    %dma_wait3A_1484 = tpu.memref_squeeze %dma_wait3A_1483 : memref<1x128xf32, #tpu.memory_space<vmem>> -> memref<128xf32, #tpu.memory_space<vmem>>
    %dma_wait3A_1485 = arith.constant 0 : i32
    %dma_wait3A_1486 = tpu.memref_slice %arg41[%dma_wait3A_1485] : memref<512xi32, #tpu.memory_space<vmem>> -> memref<128xi32, #tpu.memory_space<vmem>>
    %dma_wait3A_1487 = arith.constant 0 : i32
    %dma_wait3A_1488 = tpu.memref_slice %arg14[%dma_wait3A_1487] : memref<102400xf32, #tpu.memory_space<hbm>> -> memref<102400xf32, #tpu.memory_space<hbm>>
    tpu.wait_indirect_dma semaphore(%arg49 : memref<!tpu.dma_semaphore, #tpu.memory_space<semaphore_mem>>) src(%dma_wait3A_1488 : memref<102400xf32, #tpu.memory_space<hbm>>) dst(%dma_wait3A_1484 : memref<128xf32, #tpu.memory_space<vmem>>)
    %dma_wait3A_1489 = arith.constant 9 : i32
    %dma_wait3A_1490 = arith.constant 128 : i32
    %dma_wait3A_1491 = tpu.memref_slice %arg42[%dma_wait3A_1489, %dma_wait3A_1490] : memref<16x512xf32, #tpu.memory_space<vmem>> -> memref<1x128xf32, #tpu.memory_space<vmem>>
    %dma_wait3A_1492 = tpu.memref_squeeze %dma_wait3A_1491 : memref<1x128xf32, #tpu.memory_space<vmem>> -> memref<128xf32, #tpu.memory_space<vmem>>
    %dma_wait3A_1493 = arith.constant 128 : i32
    %dma_wait3A_1494 = tpu.memref_slice %arg40[%dma_wait3A_1493] : memref<512xi32, #tpu.memory_space<vmem>> -> memref<128xi32, #tpu.memory_space<vmem>>
    %dma_wait3A_1495 = arith.constant 0 : i32
    %dma_wait3A_1496 = tpu.memref_slice %arg31[%dma_wait3A_1495] : memref<1048576xf32, #tpu.memory_space<hbm>> -> memref<1048576xf32, #tpu.memory_space<hbm>>
    tpu.wait_indirect_dma semaphore(%arg49 : memref<!tpu.dma_semaphore, #tpu.memory_space<semaphore_mem>>) src(%dma_wait3A_1496 : memref<1048576xf32, #tpu.memory_space<hbm>>) dst(%dma_wait3A_1492 : memref<128xf32, #tpu.memory_space<vmem>>)
    %dma_wait3A_1497 = arith.constant 9 : i32
    %dma_wait3A_1498 = arith.constant 128 : i32
    %dma_wait3A_1499 = tpu.memref_slice %arg43[%dma_wait3A_1497, %dma_wait3A_1498] : memref<16x512xf32, #tpu.memory_space<vmem>> -> memref<1x128xf32, #tpu.memory_space<vmem>>
    %dma_wait3A_1500 = tpu.memref_squeeze %dma_wait3A_1499 : memref<1x128xf32, #tpu.memory_space<vmem>> -> memref<128xf32, #tpu.memory_space<vmem>>
    %dma_wait3A_1501 = arith.constant 128 : i32
    %dma_wait3A_1502 = tpu.memref_slice %arg41[%dma_wait3A_1501] : memref<512xi32, #tpu.memory_space<vmem>> -> memref<128xi32, #tpu.memory_space<vmem>>
    %dma_wait3A_1503 = arith.constant 0 : i32
    %dma_wait3A_1504 = tpu.memref_slice %arg14[%dma_wait3A_1503] : memref<102400xf32, #tpu.memory_space<hbm>> -> memref<102400xf32, #tpu.memory_space<hbm>>
    tpu.wait_indirect_dma semaphore(%arg49 : memref<!tpu.dma_semaphore, #tpu.memory_space<semaphore_mem>>) src(%dma_wait3A_1504 : memref<102400xf32, #tpu.memory_space<hbm>>) dst(%dma_wait3A_1500 : memref<128xf32, #tpu.memory_space<vmem>>)
    %dma_wait3A_1505 = arith.constant 9 : i32
    %dma_wait3A_1506 = arith.constant 256 : i32
    %dma_wait3A_1507 = tpu.memref_slice %arg42[%dma_wait3A_1505, %dma_wait3A_1506] : memref<16x512xf32, #tpu.memory_space<vmem>> -> memref<1x128xf32, #tpu.memory_space<vmem>>
    %dma_wait3A_1508 = tpu.memref_squeeze %dma_wait3A_1507 : memref<1x128xf32, #tpu.memory_space<vmem>> -> memref<128xf32, #tpu.memory_space<vmem>>
    %dma_wait3A_1509 = arith.constant 256 : i32
    %dma_wait3A_1510 = tpu.memref_slice %arg40[%dma_wait3A_1509] : memref<512xi32, #tpu.memory_space<vmem>> -> memref<128xi32, #tpu.memory_space<vmem>>
    %dma_wait3A_1511 = arith.constant 0 : i32
    %dma_wait3A_1512 = tpu.memref_slice %arg31[%dma_wait3A_1511] : memref<1048576xf32, #tpu.memory_space<hbm>> -> memref<1048576xf32, #tpu.memory_space<hbm>>
    tpu.wait_indirect_dma semaphore(%arg49 : memref<!tpu.dma_semaphore, #tpu.memory_space<semaphore_mem>>) src(%dma_wait3A_1512 : memref<1048576xf32, #tpu.memory_space<hbm>>) dst(%dma_wait3A_1508 : memref<128xf32, #tpu.memory_space<vmem>>)
    %dma_wait3A_1513 = arith.constant 9 : i32
    %dma_wait3A_1514 = arith.constant 256 : i32
    %dma_wait3A_1515 = tpu.memref_slice %arg43[%dma_wait3A_1513, %dma_wait3A_1514] : memref<16x512xf32, #tpu.memory_space<vmem>> -> memref<1x128xf32, #tpu.memory_space<vmem>>
    %dma_wait3A_1516 = tpu.memref_squeeze %dma_wait3A_1515 : memref<1x128xf32, #tpu.memory_space<vmem>> -> memref<128xf32, #tpu.memory_space<vmem>>
    %dma_wait3A_1517 = arith.constant 256 : i32
    %dma_wait3A_1518 = tpu.memref_slice %arg41[%dma_wait3A_1517] : memref<512xi32, #tpu.memory_space<vmem>> -> memref<128xi32, #tpu.memory_space<vmem>>
    %dma_wait3A_1519 = arith.constant 0 : i32
    %dma_wait3A_1520 = tpu.memref_slice %arg14[%dma_wait3A_1519] : memref<102400xf32, #tpu.memory_space<hbm>> -> memref<102400xf32, #tpu.memory_space<hbm>>
    tpu.wait_indirect_dma semaphore(%arg49 : memref<!tpu.dma_semaphore, #tpu.memory_space<semaphore_mem>>) src(%dma_wait3A_1520 : memref<102400xf32, #tpu.memory_space<hbm>>) dst(%dma_wait3A_1516 : memref<128xf32, #tpu.memory_space<vmem>>)
    %dma_wait3A_1521 = arith.constant 9 : i32
    %dma_wait3A_1522 = arith.constant 384 : i32
    %dma_wait3A_1523 = tpu.memref_slice %arg42[%dma_wait3A_1521, %dma_wait3A_1522] : memref<16x512xf32, #tpu.memory_space<vmem>> -> memref<1x128xf32, #tpu.memory_space<vmem>>
    %dma_wait3A_1524 = tpu.memref_squeeze %dma_wait3A_1523 : memref<1x128xf32, #tpu.memory_space<vmem>> -> memref<128xf32, #tpu.memory_space<vmem>>
    %dma_wait3A_1525 = arith.constant 384 : i32
    %dma_wait3A_1526 = tpu.memref_slice %arg40[%dma_wait3A_1525] : memref<512xi32, #tpu.memory_space<vmem>> -> memref<128xi32, #tpu.memory_space<vmem>>
    %dma_wait3A_1527 = arith.constant 0 : i32
    %dma_wait3A_1528 = tpu.memref_slice %arg31[%dma_wait3A_1527] : memref<1048576xf32, #tpu.memory_space<hbm>> -> memref<1048576xf32, #tpu.memory_space<hbm>>
    tpu.wait_indirect_dma semaphore(%arg49 : memref<!tpu.dma_semaphore, #tpu.memory_space<semaphore_mem>>) src(%dma_wait3A_1528 : memref<1048576xf32, #tpu.memory_space<hbm>>) dst(%dma_wait3A_1524 : memref<128xf32, #tpu.memory_space<vmem>>)
    %dma_wait3A_1529 = arith.constant 9 : i32
    %dma_wait3A_1530 = arith.constant 384 : i32
    %dma_wait3A_1531 = tpu.memref_slice %arg43[%dma_wait3A_1529, %dma_wait3A_1530] : memref<16x512xf32, #tpu.memory_space<vmem>> -> memref<1x128xf32, #tpu.memory_space<vmem>>
    %dma_wait3A_1532 = tpu.memref_squeeze %dma_wait3A_1531 : memref<1x128xf32, #tpu.memory_space<vmem>> -> memref<128xf32, #tpu.memory_space<vmem>>
    %dma_wait3A_1533 = arith.constant 384 : i32
    %dma_wait3A_1534 = tpu.memref_slice %arg41[%dma_wait3A_1533] : memref<512xi32, #tpu.memory_space<vmem>> -> memref<128xi32, #tpu.memory_space<vmem>>
    %dma_wait3A_1535 = arith.constant 0 : i32
    %dma_wait3A_1536 = tpu.memref_slice %arg14[%dma_wait3A_1535] : memref<102400xf32, #tpu.memory_space<hbm>> -> memref<102400xf32, #tpu.memory_space<hbm>>
    tpu.wait_indirect_dma semaphore(%arg49 : memref<!tpu.dma_semaphore, #tpu.memory_space<semaphore_mem>>) src(%dma_wait3A_1536 : memref<102400xf32, #tpu.memory_space<hbm>>) dst(%dma_wait3A_1532 : memref<128xf32, #tpu.memory_space<vmem>>)
    %dma_start3A_1537 = arith.constant 14 : i32
    %dma_start3A_1538 = arith.constant 0 : i32
    %dma_start3A_1539 = tpu.memref_slice %arg42[%dma_start3A_1537, %dma_start3A_1538] : memref<16x512xf32, #tpu.memory_space<vmem>> -> memref<1x128xf32, #tpu.memory_space<vmem>>
    %dma_start3A_1540 = tpu.memref_squeeze %dma_start3A_1539 : memref<1x128xf32, #tpu.memory_space<vmem>> -> memref<128xf32, #tpu.memory_space<vmem>>
    %dma_start3A_1541 = arith.constant 0 : i32
    %dma_start3A_1542 = tpu.memref_slice %arg40[%dma_start3A_1541] : memref<512xi32, #tpu.memory_space<vmem>> -> memref<128xi32, #tpu.memory_space<vmem>>
    %dma_start3A_1543 = arith.constant 0 : i32
    %dma_start3A_1544 = tpu.memref_slice %arg36[%dma_start3A_1543] : memref<1048576xf32, #tpu.memory_space<hbm>> -> memref<1048576xf32, #tpu.memory_space<hbm>>
    tpu.enqueue_indirect_dma source(%dma_start3A_1544 : memref<1048576xf32, #tpu.memory_space<hbm>>) target(%dma_start3A_1540 : memref<128xf32, #tpu.memory_space<vmem>>) offsets(%dma_start3A_1542 : memref<128xi32, #tpu.memory_space<vmem>>) semaphore(%arg50 : memref<!tpu.dma_semaphore, #tpu.memory_space<semaphore_mem>>)
    %dma_start3A_1545 = arith.constant 14 : i32
    %dma_start3A_1546 = arith.constant 0 : i32
    %dma_start3A_1547 = tpu.memref_slice %arg43[%dma_start3A_1545, %dma_start3A_1546] : memref<16x512xf32, #tpu.memory_space<vmem>> -> memref<1x128xf32, #tpu.memory_space<vmem>>
    %dma_start3A_1548 = tpu.memref_squeeze %dma_start3A_1547 : memref<1x128xf32, #tpu.memory_space<vmem>> -> memref<128xf32, #tpu.memory_space<vmem>>
    %dma_start3A_1549 = arith.constant 0 : i32
    %dma_start3A_1550 = tpu.memref_slice %arg41[%dma_start3A_1549] : memref<512xi32, #tpu.memory_space<vmem>> -> memref<128xi32, #tpu.memory_space<vmem>>
    %dma_start3A_1551 = arith.constant 0 : i32
    %dma_start3A_1552 = tpu.memref_slice %arg19[%dma_start3A_1551] : memref<102400xf32, #tpu.memory_space<hbm>> -> memref<102400xf32, #tpu.memory_space<hbm>>
    tpu.enqueue_indirect_dma source(%dma_start3A_1552 : memref<102400xf32, #tpu.memory_space<hbm>>) target(%dma_start3A_1548 : memref<128xf32, #tpu.memory_space<vmem>>) offsets(%dma_start3A_1550 : memref<128xi32, #tpu.memory_space<vmem>>) semaphore(%arg50 : memref<!tpu.dma_semaphore, #tpu.memory_space<semaphore_mem>>)
    %dma_start3A_1553 = arith.constant 14 : i32
    %dma_start3A_1554 = arith.constant 128 : i32
    %dma_start3A_1555 = tpu.memref_slice %arg42[%dma_start3A_1553, %dma_start3A_1554] : memref<16x512xf32, #tpu.memory_space<vmem>> -> memref<1x128xf32, #tpu.memory_space<vmem>>
    %dma_start3A_1556 = tpu.memref_squeeze %dma_start3A_1555 : memref<1x128xf32, #tpu.memory_space<vmem>> -> memref<128xf32, #tpu.memory_space<vmem>>
    %dma_start3A_1557 = arith.constant 128 : i32
    %dma_start3A_1558 = tpu.memref_slice %arg40[%dma_start3A_1557] : memref<512xi32, #tpu.memory_space<vmem>> -> memref<128xi32, #tpu.memory_space<vmem>>
    %dma_start3A_1559 = arith.constant 0 : i32
    %dma_start3A_1560 = tpu.memref_slice %arg36[%dma_start3A_1559] : memref<1048576xf32, #tpu.memory_space<hbm>> -> memref<1048576xf32, #tpu.memory_space<hbm>>
    tpu.enqueue_indirect_dma source(%dma_start3A_1560 : memref<1048576xf32, #tpu.memory_space<hbm>>) target(%dma_start3A_1556 : memref<128xf32, #tpu.memory_space<vmem>>) offsets(%dma_start3A_1558 : memref<128xi32, #tpu.memory_space<vmem>>) semaphore(%arg50 : memref<!tpu.dma_semaphore, #tpu.memory_space<semaphore_mem>>)
    %dma_start3A_1561 = arith.constant 14 : i32
    %dma_start3A_1562 = arith.constant 128 : i32
    %dma_start3A_1563 = tpu.memref_slice %arg43[%dma_start3A_1561, %dma_start3A_1562] : memref<16x512xf32, #tpu.memory_space<vmem>> -> memref<1x128xf32, #tpu.memory_space<vmem>>
    %dma_start3A_1564 = tpu.memref_squeeze %dma_start3A_1563 : memref<1x128xf32, #tpu.memory_space<vmem>> -> memref<128xf32, #tpu.memory_space<vmem>>
    %dma_start3A_1565 = arith.constant 128 : i32
    %dma_start3A_1566 = tpu.memref_slice %arg41[%dma_start3A_1565] : memref<512xi32, #tpu.memory_space<vmem>> -> memref<128xi32, #tpu.memory_space<vmem>>
    %dma_start3A_1567 = arith.constant 0 : i32
    %dma_start3A_1568 = tpu.memref_slice %arg19[%dma_start3A_1567] : memref<102400xf32, #tpu.memory_space<hbm>> -> memref<102400xf32, #tpu.memory_space<hbm>>
    tpu.enqueue_indirect_dma source(%dma_start3A_1568 : memref<102400xf32, #tpu.memory_space<hbm>>) target(%dma_start3A_1564 : memref<128xf32, #tpu.memory_space<vmem>>) offsets(%dma_start3A_1566 : memref<128xi32, #tpu.memory_space<vmem>>) semaphore(%arg50 : memref<!tpu.dma_semaphore, #tpu.memory_space<semaphore_mem>>)
    %dma_start3A_1569 = arith.constant 14 : i32
    %dma_start3A_1570 = arith.constant 256 : i32
    %dma_start3A_1571 = tpu.memref_slice %arg42[%dma_start3A_1569, %dma_start3A_1570] : memref<16x512xf32, #tpu.memory_space<vmem>> -> memref<1x128xf32, #tpu.memory_space<vmem>>
    %dma_start3A_1572 = tpu.memref_squeeze %dma_start3A_1571 : memref<1x128xf32, #tpu.memory_space<vmem>> -> memref<128xf32, #tpu.memory_space<vmem>>
    %dma_start3A_1573 = arith.constant 256 : i32
    %dma_start3A_1574 = tpu.memref_slice %arg40[%dma_start3A_1573] : memref<512xi32, #tpu.memory_space<vmem>> -> memref<128xi32, #tpu.memory_space<vmem>>
    %dma_start3A_1575 = arith.constant 0 : i32
    %dma_start3A_1576 = tpu.memref_slice %arg36[%dma_start3A_1575] : memref<1048576xf32, #tpu.memory_space<hbm>> -> memref<1048576xf32, #tpu.memory_space<hbm>>
    tpu.enqueue_indirect_dma source(%dma_start3A_1576 : memref<1048576xf32, #tpu.memory_space<hbm>>) target(%dma_start3A_1572 : memref<128xf32, #tpu.memory_space<vmem>>) offsets(%dma_start3A_1574 : memref<128xi32, #tpu.memory_space<vmem>>) semaphore(%arg50 : memref<!tpu.dma_semaphore, #tpu.memory_space<semaphore_mem>>)
    %dma_start3A_1577 = arith.constant 14 : i32
    %dma_start3A_1578 = arith.constant 256 : i32
    %dma_start3A_1579 = tpu.memref_slice %arg43[%dma_start3A_1577, %dma_start3A_1578] : memref<16x512xf32, #tpu.memory_space<vmem>> -> memref<1x128xf32, #tpu.memory_space<vmem>>
    %dma_start3A_1580 = tpu.memref_squeeze %dma_start3A_1579 : memref<1x128xf32, #tpu.memory_space<vmem>> -> memref<128xf32, #tpu.memory_space<vmem>>
    %dma_start3A_1581 = arith.constant 256 : i32
    %dma_start3A_1582 = tpu.memref_slice %arg41[%dma_start3A_1581] : memref<512xi32, #tpu.memory_space<vmem>> -> memref<128xi32, #tpu.memory_space<vmem>>
    %dma_start3A_1583 = arith.constant 0 : i32
    %dma_start3A_1584 = tpu.memref_slice %arg19[%dma_start3A_1583] : memref<102400xf32, #tpu.memory_space<hbm>> -> memref<102400xf32, #tpu.memory_space<hbm>>
    tpu.enqueue_indirect_dma source(%dma_start3A_1584 : memref<102400xf32, #tpu.memory_space<hbm>>) target(%dma_start3A_1580 : memref<128xf32, #tpu.memory_space<vmem>>) offsets(%dma_start3A_1582 : memref<128xi32, #tpu.memory_space<vmem>>) semaphore(%arg50 : memref<!tpu.dma_semaphore, #tpu.memory_space<semaphore_mem>>)
    %dma_start3A_1585 = arith.constant 14 : i32
    %dma_start3A_1586 = arith.constant 384 : i32
    %dma_start3A_1587 = tpu.memref_slice %arg42[%dma_start3A_1585, %dma_start3A_1586] : memref<16x512xf32, #tpu.memory_space<vmem>> -> memref<1x128xf32, #tpu.memory_space<vmem>>
    %dma_start3A_1588 = tpu.memref_squeeze %dma_start3A_1587 : memref<1x128xf32, #tpu.memory_space<vmem>> -> memref<128xf32, #tpu.memory_space<vmem>>
    %dma_start3A_1589 = arith.constant 384 : i32
    %dma_start3A_1590 = tpu.memref_slice %arg40[%dma_start3A_1589] : memref<512xi32, #tpu.memory_space<vmem>> -> memref<128xi32, #tpu.memory_space<vmem>>
    %dma_start3A_1591 = arith.constant 0 : i32
    %dma_start3A_1592 = tpu.memref_slice %arg36[%dma_start3A_1591] : memref<1048576xf32, #tpu.memory_space<hbm>> -> memref<1048576xf32, #tpu.memory_space<hbm>>
    tpu.enqueue_indirect_dma source(%dma_start3A_1592 : memref<1048576xf32, #tpu.memory_space<hbm>>) target(%dma_start3A_1588 : memref<128xf32, #tpu.memory_space<vmem>>) offsets(%dma_start3A_1590 : memref<128xi32, #tpu.memory_space<vmem>>) semaphore(%arg50 : memref<!tpu.dma_semaphore, #tpu.memory_space<semaphore_mem>>)
    %dma_start3A_1593 = arith.constant 14 : i32
    %dma_start3A_1594 = arith.constant 384 : i32
    %dma_start3A_1595 = tpu.memref_slice %arg43[%dma_start3A_1593, %dma_start3A_1594] : memref<16x512xf32, #tpu.memory_space<vmem>> -> memref<1x128xf32, #tpu.memory_space<vmem>>
    %dma_start3A_1596 = tpu.memref_squeeze %dma_start3A_1595 : memref<1x128xf32, #tpu.memory_space<vmem>> -> memref<128xf32, #tpu.memory_space<vmem>>
    %dma_start3A_1597 = arith.constant 384 : i32
    %dma_start3A_1598 = tpu.memref_slice %arg41[%dma_start3A_1597] : memref<512xi32, #tpu.memory_space<vmem>> -> memref<128xi32, #tpu.memory_space<vmem>>
    %dma_start3A_1599 = arith.constant 0 : i32
    %dma_start3A_1600 = tpu.memref_slice %arg19[%dma_start3A_1599] : memref<102400xf32, #tpu.memory_space<hbm>> -> memref<102400xf32, #tpu.memory_space<hbm>>
    tpu.enqueue_indirect_dma source(%dma_start3A_1600 : memref<102400xf32, #tpu.memory_space<hbm>>) target(%dma_start3A_1596 : memref<128xf32, #tpu.memory_space<vmem>>) offsets(%dma_start3A_1598 : memref<128xi32, #tpu.memory_space<vmem>>) semaphore(%arg50 : memref<!tpu.dma_semaphore, #tpu.memory_space<semaphore_mem>>)
    %dma_wait3A_1601 = arith.constant 10 : i32
    %dma_wait3A_1602 = arith.constant 0 : i32
    %dma_wait3A_1603 = tpu.memref_slice %arg42[%dma_wait3A_1601, %dma_wait3A_1602] : memref<16x512xf32, #tpu.memory_space<vmem>> -> memref<1x128xf32, #tpu.memory_space<vmem>>
    %dma_wait3A_1604 = tpu.memref_squeeze %dma_wait3A_1603 : memref<1x128xf32, #tpu.memory_space<vmem>> -> memref<128xf32, #tpu.memory_space<vmem>>
    %dma_wait3A_1605 = arith.constant 0 : i32
    %dma_wait3A_1606 = tpu.memref_slice %arg40[%dma_wait3A_1605] : memref<512xi32, #tpu.memory_space<vmem>> -> memref<128xi32, #tpu.memory_space<vmem>>
    %dma_wait3A_1607 = arith.constant 0 : i32
    %dma_wait3A_1608 = tpu.memref_slice %arg32[%dma_wait3A_1607] : memref<1048576xf32, #tpu.memory_space<hbm>> -> memref<1048576xf32, #tpu.memory_space<hbm>>
    tpu.wait_indirect_dma semaphore(%arg50 : memref<!tpu.dma_semaphore, #tpu.memory_space<semaphore_mem>>) src(%dma_wait3A_1608 : memref<1048576xf32, #tpu.memory_space<hbm>>) dst(%dma_wait3A_1604 : memref<128xf32, #tpu.memory_space<vmem>>)
    %dma_wait3A_1609 = arith.constant 10 : i32
    %dma_wait3A_1610 = arith.constant 0 : i32
    %dma_wait3A_1611 = tpu.memref_slice %arg43[%dma_wait3A_1609, %dma_wait3A_1610] : memref<16x512xf32, #tpu.memory_space<vmem>> -> memref<1x128xf32, #tpu.memory_space<vmem>>
    %dma_wait3A_1612 = tpu.memref_squeeze %dma_wait3A_1611 : memref<1x128xf32, #tpu.memory_space<vmem>> -> memref<128xf32, #tpu.memory_space<vmem>>
    %dma_wait3A_1613 = arith.constant 0 : i32
    %dma_wait3A_1614 = tpu.memref_slice %arg41[%dma_wait3A_1613] : memref<512xi32, #tpu.memory_space<vmem>> -> memref<128xi32, #tpu.memory_space<vmem>>
    %dma_wait3A_1615 = arith.constant 0 : i32
    %dma_wait3A_1616 = tpu.memref_slice %arg15[%dma_wait3A_1615] : memref<102400xf32, #tpu.memory_space<hbm>> -> memref<102400xf32, #tpu.memory_space<hbm>>
    tpu.wait_indirect_dma semaphore(%arg50 : memref<!tpu.dma_semaphore, #tpu.memory_space<semaphore_mem>>) src(%dma_wait3A_1616 : memref<102400xf32, #tpu.memory_space<hbm>>) dst(%dma_wait3A_1612 : memref<128xf32, #tpu.memory_space<vmem>>)
    %dma_wait3A_1617 = arith.constant 10 : i32
    %dma_wait3A_1618 = arith.constant 128 : i32
    %dma_wait3A_1619 = tpu.memref_slice %arg42[%dma_wait3A_1617, %dma_wait3A_1618] : memref<16x512xf32, #tpu.memory_space<vmem>> -> memref<1x128xf32, #tpu.memory_space<vmem>>
    %dma_wait3A_1620 = tpu.memref_squeeze %dma_wait3A_1619 : memref<1x128xf32, #tpu.memory_space<vmem>> -> memref<128xf32, #tpu.memory_space<vmem>>
    %dma_wait3A_1621 = arith.constant 128 : i32
    %dma_wait3A_1622 = tpu.memref_slice %arg40[%dma_wait3A_1621] : memref<512xi32, #tpu.memory_space<vmem>> -> memref<128xi32, #tpu.memory_space<vmem>>
    %dma_wait3A_1623 = arith.constant 0 : i32
    %dma_wait3A_1624 = tpu.memref_slice %arg32[%dma_wait3A_1623] : memref<1048576xf32, #tpu.memory_space<hbm>> -> memref<1048576xf32, #tpu.memory_space<hbm>>
    tpu.wait_indirect_dma semaphore(%arg50 : memref<!tpu.dma_semaphore, #tpu.memory_space<semaphore_mem>>) src(%dma_wait3A_1624 : memref<1048576xf32, #tpu.memory_space<hbm>>) dst(%dma_wait3A_1620 : memref<128xf32, #tpu.memory_space<vmem>>)
    %dma_wait3A_1625 = arith.constant 10 : i32
    %dma_wait3A_1626 = arith.constant 128 : i32
    %dma_wait3A_1627 = tpu.memref_slice %arg43[%dma_wait3A_1625, %dma_wait3A_1626] : memref<16x512xf32, #tpu.memory_space<vmem>> -> memref<1x128xf32, #tpu.memory_space<vmem>>
    %dma_wait3A_1628 = tpu.memref_squeeze %dma_wait3A_1627 : memref<1x128xf32, #tpu.memory_space<vmem>> -> memref<128xf32, #tpu.memory_space<vmem>>
    %dma_wait3A_1629 = arith.constant 128 : i32
    %dma_wait3A_1630 = tpu.memref_slice %arg41[%dma_wait3A_1629] : memref<512xi32, #tpu.memory_space<vmem>> -> memref<128xi32, #tpu.memory_space<vmem>>
    %dma_wait3A_1631 = arith.constant 0 : i32
    %dma_wait3A_1632 = tpu.memref_slice %arg15[%dma_wait3A_1631] : memref<102400xf32, #tpu.memory_space<hbm>> -> memref<102400xf32, #tpu.memory_space<hbm>>
    tpu.wait_indirect_dma semaphore(%arg50 : memref<!tpu.dma_semaphore, #tpu.memory_space<semaphore_mem>>) src(%dma_wait3A_1632 : memref<102400xf32, #tpu.memory_space<hbm>>) dst(%dma_wait3A_1628 : memref<128xf32, #tpu.memory_space<vmem>>)
    %dma_wait3A_1633 = arith.constant 10 : i32
    %dma_wait3A_1634 = arith.constant 256 : i32
    %dma_wait3A_1635 = tpu.memref_slice %arg42[%dma_wait3A_1633, %dma_wait3A_1634] : memref<16x512xf32, #tpu.memory_space<vmem>> -> memref<1x128xf32, #tpu.memory_space<vmem>>
    %dma_wait3A_1636 = tpu.memref_squeeze %dma_wait3A_1635 : memref<1x128xf32, #tpu.memory_space<vmem>> -> memref<128xf32, #tpu.memory_space<vmem>>
    %dma_wait3A_1637 = arith.constant 256 : i32
    %dma_wait3A_1638 = tpu.memref_slice %arg40[%dma_wait3A_1637] : memref<512xi32, #tpu.memory_space<vmem>> -> memref<128xi32, #tpu.memory_space<vmem>>
    %dma_wait3A_1639 = arith.constant 0 : i32
    %dma_wait3A_1640 = tpu.memref_slice %arg32[%dma_wait3A_1639] : memref<1048576xf32, #tpu.memory_space<hbm>> -> memref<1048576xf32, #tpu.memory_space<hbm>>
    tpu.wait_indirect_dma semaphore(%arg50 : memref<!tpu.dma_semaphore, #tpu.memory_space<semaphore_mem>>) src(%dma_wait3A_1640 : memref<1048576xf32, #tpu.memory_space<hbm>>) dst(%dma_wait3A_1636 : memref<128xf32, #tpu.memory_space<vmem>>)
    %dma_wait3A_1641 = arith.constant 10 : i32
    %dma_wait3A_1642 = arith.constant 256 : i32
    %dma_wait3A_1643 = tpu.memref_slice %arg43[%dma_wait3A_1641, %dma_wait3A_1642] : memref<16x512xf32, #tpu.memory_space<vmem>> -> memref<1x128xf32, #tpu.memory_space<vmem>>
    %dma_wait3A_1644 = tpu.memref_squeeze %dma_wait3A_1643 : memref<1x128xf32, #tpu.memory_space<vmem>> -> memref<128xf32, #tpu.memory_space<vmem>>
    %dma_wait3A_1645 = arith.constant 256 : i32
    %dma_wait3A_1646 = tpu.memref_slice %arg41[%dma_wait3A_1645] : memref<512xi32, #tpu.memory_space<vmem>> -> memref<128xi32, #tpu.memory_space<vmem>>
    %dma_wait3A_1647 = arith.constant 0 : i32
    %dma_wait3A_1648 = tpu.memref_slice %arg15[%dma_wait3A_1647] : memref<102400xf32, #tpu.memory_space<hbm>> -> memref<102400xf32, #tpu.memory_space<hbm>>
    tpu.wait_indirect_dma semaphore(%arg50 : memref<!tpu.dma_semaphore, #tpu.memory_space<semaphore_mem>>) src(%dma_wait3A_1648 : memref<102400xf32, #tpu.memory_space<hbm>>) dst(%dma_wait3A_1644 : memref<128xf32, #tpu.memory_space<vmem>>)
    %dma_wait3A_1649 = arith.constant 10 : i32
    %dma_wait3A_1650 = arith.constant 384 : i32
    %dma_wait3A_1651 = tpu.memref_slice %arg42[%dma_wait3A_1649, %dma_wait3A_1650] : memref<16x512xf32, #tpu.memory_space<vmem>> -> memref<1x128xf32, #tpu.memory_space<vmem>>
    %dma_wait3A_1652 = tpu.memref_squeeze %dma_wait3A_1651 : memref<1x128xf32, #tpu.memory_space<vmem>> -> memref<128xf32, #tpu.memory_space<vmem>>
    %dma_wait3A_1653 = arith.constant 384 : i32
    %dma_wait3A_1654 = tpu.memref_slice %arg40[%dma_wait3A_1653] : memref<512xi32, #tpu.memory_space<vmem>> -> memref<128xi32, #tpu.memory_space<vmem>>
    %dma_wait3A_1655 = arith.constant 0 : i32
    %dma_wait3A_1656 = tpu.memref_slice %arg32[%dma_wait3A_1655] : memref<1048576xf32, #tpu.memory_space<hbm>> -> memref<1048576xf32, #tpu.memory_space<hbm>>
    tpu.wait_indirect_dma semaphore(%arg50 : memref<!tpu.dma_semaphore, #tpu.memory_space<semaphore_mem>>) src(%dma_wait3A_1656 : memref<1048576xf32, #tpu.memory_space<hbm>>) dst(%dma_wait3A_1652 : memref<128xf32, #tpu.memory_space<vmem>>)
    %dma_wait3A_1657 = arith.constant 10 : i32
    %dma_wait3A_1658 = arith.constant 384 : i32
    %dma_wait3A_1659 = tpu.memref_slice %arg43[%dma_wait3A_1657, %dma_wait3A_1658] : memref<16x512xf32, #tpu.memory_space<vmem>> -> memref<1x128xf32, #tpu.memory_space<vmem>>
    %dma_wait3A_1660 = tpu.memref_squeeze %dma_wait3A_1659 : memref<1x128xf32, #tpu.memory_space<vmem>> -> memref<128xf32, #tpu.memory_space<vmem>>
    %dma_wait3A_1661 = arith.constant 384 : i32
    %dma_wait3A_1662 = tpu.memref_slice %arg41[%dma_wait3A_1661] : memref<512xi32, #tpu.memory_space<vmem>> -> memref<128xi32, #tpu.memory_space<vmem>>
    %dma_wait3A_1663 = arith.constant 0 : i32
    %dma_wait3A_1664 = tpu.memref_slice %arg15[%dma_wait3A_1663] : memref<102400xf32, #tpu.memory_space<hbm>> -> memref<102400xf32, #tpu.memory_space<hbm>>
    tpu.wait_indirect_dma semaphore(%arg50 : memref<!tpu.dma_semaphore, #tpu.memory_space<semaphore_mem>>) src(%dma_wait3A_1664 : memref<102400xf32, #tpu.memory_space<hbm>>) dst(%dma_wait3A_1660 : memref<128xf32, #tpu.memory_space<vmem>>)
    %dma_start3A_1665 = arith.constant 15 : i32
    %dma_start3A_1666 = arith.constant 0 : i32
    %dma_start3A_1667 = tpu.memref_slice %arg42[%dma_start3A_1665, %dma_start3A_1666] : memref<16x512xf32, #tpu.memory_space<vmem>> -> memref<1x128xf32, #tpu.memory_space<vmem>>
    %dma_start3A_1668 = tpu.memref_squeeze %dma_start3A_1667 : memref<1x128xf32, #tpu.memory_space<vmem>> -> memref<128xf32, #tpu.memory_space<vmem>>
    %dma_start3A_1669 = arith.constant 0 : i32
    %dma_start3A_1670 = tpu.memref_slice %arg40[%dma_start3A_1669] : memref<512xi32, #tpu.memory_space<vmem>> -> memref<128xi32, #tpu.memory_space<vmem>>
    %dma_start3A_1671 = arith.constant 0 : i32
    %dma_start3A_1672 = tpu.memref_slice %arg37[%dma_start3A_1671] : memref<1048576xf32, #tpu.memory_space<hbm>> -> memref<1048576xf32, #tpu.memory_space<hbm>>
    tpu.enqueue_indirect_dma source(%dma_start3A_1672 : memref<1048576xf32, #tpu.memory_space<hbm>>) target(%dma_start3A_1668 : memref<128xf32, #tpu.memory_space<vmem>>) offsets(%dma_start3A_1670 : memref<128xi32, #tpu.memory_space<vmem>>) semaphore(%arg51 : memref<!tpu.dma_semaphore, #tpu.memory_space<semaphore_mem>>)
    %dma_start3A_1673 = arith.constant 15 : i32
    %dma_start3A_1674 = arith.constant 0 : i32
    %dma_start3A_1675 = tpu.memref_slice %arg43[%dma_start3A_1673, %dma_start3A_1674] : memref<16x512xf32, #tpu.memory_space<vmem>> -> memref<1x128xf32, #tpu.memory_space<vmem>>
    %dma_start3A_1676 = tpu.memref_squeeze %dma_start3A_1675 : memref<1x128xf32, #tpu.memory_space<vmem>> -> memref<128xf32, #tpu.memory_space<vmem>>
    %dma_start3A_1677 = arith.constant 0 : i32
    %dma_start3A_1678 = tpu.memref_slice %arg41[%dma_start3A_1677] : memref<512xi32, #tpu.memory_space<vmem>> -> memref<128xi32, #tpu.memory_space<vmem>>
    %dma_start3A_1679 = arith.constant 0 : i32
    %dma_start3A_1680 = tpu.memref_slice %arg20[%dma_start3A_1679] : memref<102400xf32, #tpu.memory_space<hbm>> -> memref<102400xf32, #tpu.memory_space<hbm>>
    tpu.enqueue_indirect_dma source(%dma_start3A_1680 : memref<102400xf32, #tpu.memory_space<hbm>>) target(%dma_start3A_1676 : memref<128xf32, #tpu.memory_space<vmem>>) offsets(%dma_start3A_1678 : memref<128xi32, #tpu.memory_space<vmem>>) semaphore(%arg51 : memref<!tpu.dma_semaphore, #tpu.memory_space<semaphore_mem>>)
    %dma_start3A_1681 = arith.constant 15 : i32
    %dma_start3A_1682 = arith.constant 128 : i32
    %dma_start3A_1683 = tpu.memref_slice %arg42[%dma_start3A_1681, %dma_start3A_1682] : memref<16x512xf32, #tpu.memory_space<vmem>> -> memref<1x128xf32, #tpu.memory_space<vmem>>
    %dma_start3A_1684 = tpu.memref_squeeze %dma_start3A_1683 : memref<1x128xf32, #tpu.memory_space<vmem>> -> memref<128xf32, #tpu.memory_space<vmem>>
    %dma_start3A_1685 = arith.constant 128 : i32
    %dma_start3A_1686 = tpu.memref_slice %arg40[%dma_start3A_1685] : memref<512xi32, #tpu.memory_space<vmem>> -> memref<128xi32, #tpu.memory_space<vmem>>
    %dma_start3A_1687 = arith.constant 0 : i32
    %dma_start3A_1688 = tpu.memref_slice %arg37[%dma_start3A_1687] : memref<1048576xf32, #tpu.memory_space<hbm>> -> memref<1048576xf32, #tpu.memory_space<hbm>>
    tpu.enqueue_indirect_dma source(%dma_start3A_1688 : memref<1048576xf32, #tpu.memory_space<hbm>>) target(%dma_start3A_1684 : memref<128xf32, #tpu.memory_space<vmem>>) offsets(%dma_start3A_1686 : memref<128xi32, #tpu.memory_space<vmem>>) semaphore(%arg51 : memref<!tpu.dma_semaphore, #tpu.memory_space<semaphore_mem>>)
    %dma_start3A_1689 = arith.constant 15 : i32
    %dma_start3A_1690 = arith.constant 128 : i32
    %dma_start3A_1691 = tpu.memref_slice %arg43[%dma_start3A_1689, %dma_start3A_1690] : memref<16x512xf32, #tpu.memory_space<vmem>> -> memref<1x128xf32, #tpu.memory_space<vmem>>
    %dma_start3A_1692 = tpu.memref_squeeze %dma_start3A_1691 : memref<1x128xf32, #tpu.memory_space<vmem>> -> memref<128xf32, #tpu.memory_space<vmem>>
    %dma_start3A_1693 = arith.constant 128 : i32
    %dma_start3A_1694 = tpu.memref_slice %arg41[%dma_start3A_1693] : memref<512xi32, #tpu.memory_space<vmem>> -> memref<128xi32, #tpu.memory_space<vmem>>
    %dma_start3A_1695 = arith.constant 0 : i32
    %dma_start3A_1696 = tpu.memref_slice %arg20[%dma_start3A_1695] : memref<102400xf32, #tpu.memory_space<hbm>> -> memref<102400xf32, #tpu.memory_space<hbm>>
    tpu.enqueue_indirect_dma source(%dma_start3A_1696 : memref<102400xf32, #tpu.memory_space<hbm>>) target(%dma_start3A_1692 : memref<128xf32, #tpu.memory_space<vmem>>) offsets(%dma_start3A_1694 : memref<128xi32, #tpu.memory_space<vmem>>) semaphore(%arg51 : memref<!tpu.dma_semaphore, #tpu.memory_space<semaphore_mem>>)
    %dma_start3A_1697 = arith.constant 15 : i32
    %dma_start3A_1698 = arith.constant 256 : i32
    %dma_start3A_1699 = tpu.memref_slice %arg42[%dma_start3A_1697, %dma_start3A_1698] : memref<16x512xf32, #tpu.memory_space<vmem>> -> memref<1x128xf32, #tpu.memory_space<vmem>>
    %dma_start3A_1700 = tpu.memref_squeeze %dma_start3A_1699 : memref<1x128xf32, #tpu.memory_space<vmem>> -> memref<128xf32, #tpu.memory_space<vmem>>
    %dma_start3A_1701 = arith.constant 256 : i32
    %dma_start3A_1702 = tpu.memref_slice %arg40[%dma_start3A_1701] : memref<512xi32, #tpu.memory_space<vmem>> -> memref<128xi32, #tpu.memory_space<vmem>>
    %dma_start3A_1703 = arith.constant 0 : i32
    %dma_start3A_1704 = tpu.memref_slice %arg37[%dma_start3A_1703] : memref<1048576xf32, #tpu.memory_space<hbm>> -> memref<1048576xf32, #tpu.memory_space<hbm>>
    tpu.enqueue_indirect_dma source(%dma_start3A_1704 : memref<1048576xf32, #tpu.memory_space<hbm>>) target(%dma_start3A_1700 : memref<128xf32, #tpu.memory_space<vmem>>) offsets(%dma_start3A_1702 : memref<128xi32, #tpu.memory_space<vmem>>) semaphore(%arg51 : memref<!tpu.dma_semaphore, #tpu.memory_space<semaphore_mem>>)
    %dma_start3A_1705 = arith.constant 15 : i32
    %dma_start3A_1706 = arith.constant 256 : i32
    %dma_start3A_1707 = tpu.memref_slice %arg43[%dma_start3A_1705, %dma_start3A_1706] : memref<16x512xf32, #tpu.memory_space<vmem>> -> memref<1x128xf32, #tpu.memory_space<vmem>>
    %dma_start3A_1708 = tpu.memref_squeeze %dma_start3A_1707 : memref<1x128xf32, #tpu.memory_space<vmem>> -> memref<128xf32, #tpu.memory_space<vmem>>
    %dma_start3A_1709 = arith.constant 256 : i32
    %dma_start3A_1710 = tpu.memref_slice %arg41[%dma_start3A_1709] : memref<512xi32, #tpu.memory_space<vmem>> -> memref<128xi32, #tpu.memory_space<vmem>>
    %dma_start3A_1711 = arith.constant 0 : i32
    %dma_start3A_1712 = tpu.memref_slice %arg20[%dma_start3A_1711] : memref<102400xf32, #tpu.memory_space<hbm>> -> memref<102400xf32, #tpu.memory_space<hbm>>
    tpu.enqueue_indirect_dma source(%dma_start3A_1712 : memref<102400xf32, #tpu.memory_space<hbm>>) target(%dma_start3A_1708 : memref<128xf32, #tpu.memory_space<vmem>>) offsets(%dma_start3A_1710 : memref<128xi32, #tpu.memory_space<vmem>>) semaphore(%arg51 : memref<!tpu.dma_semaphore, #tpu.memory_space<semaphore_mem>>)
    %dma_start3A_1713 = arith.constant 15 : i32
    %dma_start3A_1714 = arith.constant 384 : i32
    %dma_start3A_1715 = tpu.memref_slice %arg42[%dma_start3A_1713, %dma_start3A_1714] : memref<16x512xf32, #tpu.memory_space<vmem>> -> memref<1x128xf32, #tpu.memory_space<vmem>>
    %dma_start3A_1716 = tpu.memref_squeeze %dma_start3A_1715 : memref<1x128xf32, #tpu.memory_space<vmem>> -> memref<128xf32, #tpu.memory_space<vmem>>
    %dma_start3A_1717 = arith.constant 384 : i32
    %dma_start3A_1718 = tpu.memref_slice %arg40[%dma_start3A_1717] : memref<512xi32, #tpu.memory_space<vmem>> -> memref<128xi32, #tpu.memory_space<vmem>>
    %dma_start3A_1719 = arith.constant 0 : i32
    %dma_start3A_1720 = tpu.memref_slice %arg37[%dma_start3A_1719] : memref<1048576xf32, #tpu.memory_space<hbm>> -> memref<1048576xf32, #tpu.memory_space<hbm>>
    tpu.enqueue_indirect_dma source(%dma_start3A_1720 : memref<1048576xf32, #tpu.memory_space<hbm>>) target(%dma_start3A_1716 : memref<128xf32, #tpu.memory_space<vmem>>) offsets(%dma_start3A_1718 : memref<128xi32, #tpu.memory_space<vmem>>) semaphore(%arg51 : memref<!tpu.dma_semaphore, #tpu.memory_space<semaphore_mem>>)
    %dma_start3A_1721 = arith.constant 15 : i32
    %dma_start3A_1722 = arith.constant 384 : i32
    %dma_start3A_1723 = tpu.memref_slice %arg43[%dma_start3A_1721, %dma_start3A_1722] : memref<16x512xf32, #tpu.memory_space<vmem>> -> memref<1x128xf32, #tpu.memory_space<vmem>>
    %dma_start3A_1724 = tpu.memref_squeeze %dma_start3A_1723 : memref<1x128xf32, #tpu.memory_space<vmem>> -> memref<128xf32, #tpu.memory_space<vmem>>
    %dma_start3A_1725 = arith.constant 384 : i32
    %dma_start3A_1726 = tpu.memref_slice %arg41[%dma_start3A_1725] : memref<512xi32, #tpu.memory_space<vmem>> -> memref<128xi32, #tpu.memory_space<vmem>>
    %dma_start3A_1727 = arith.constant 0 : i32
    %dma_start3A_1728 = tpu.memref_slice %arg20[%dma_start3A_1727] : memref<102400xf32, #tpu.memory_space<hbm>> -> memref<102400xf32, #tpu.memory_space<hbm>>
    tpu.enqueue_indirect_dma source(%dma_start3A_1728 : memref<102400xf32, #tpu.memory_space<hbm>>) target(%dma_start3A_1724 : memref<128xf32, #tpu.memory_space<vmem>>) offsets(%dma_start3A_1726 : memref<128xi32, #tpu.memory_space<vmem>>) semaphore(%arg51 : memref<!tpu.dma_semaphore, #tpu.memory_space<semaphore_mem>>)
    %dma_wait3A_1729 = arith.constant 11 : i32
    %dma_wait3A_1730 = arith.constant 0 : i32
    %dma_wait3A_1731 = tpu.memref_slice %arg42[%dma_wait3A_1729, %dma_wait3A_1730] : memref<16x512xf32, #tpu.memory_space<vmem>> -> memref<1x128xf32, #tpu.memory_space<vmem>>
    %dma_wait3A_1732 = tpu.memref_squeeze %dma_wait3A_1731 : memref<1x128xf32, #tpu.memory_space<vmem>> -> memref<128xf32, #tpu.memory_space<vmem>>
    %dma_wait3A_1733 = arith.constant 0 : i32
    %dma_wait3A_1734 = tpu.memref_slice %arg40[%dma_wait3A_1733] : memref<512xi32, #tpu.memory_space<vmem>> -> memref<128xi32, #tpu.memory_space<vmem>>
    %dma_wait3A_1735 = arith.constant 0 : i32
    %dma_wait3A_1736 = tpu.memref_slice %arg33[%dma_wait3A_1735] : memref<1048576xf32, #tpu.memory_space<hbm>> -> memref<1048576xf32, #tpu.memory_space<hbm>>
    tpu.wait_indirect_dma semaphore(%arg51 : memref<!tpu.dma_semaphore, #tpu.memory_space<semaphore_mem>>) src(%dma_wait3A_1736 : memref<1048576xf32, #tpu.memory_space<hbm>>) dst(%dma_wait3A_1732 : memref<128xf32, #tpu.memory_space<vmem>>)
    %dma_wait3A_1737 = arith.constant 11 : i32
    %dma_wait3A_1738 = arith.constant 0 : i32
    %dma_wait3A_1739 = tpu.memref_slice %arg43[%dma_wait3A_1737, %dma_wait3A_1738] : memref<16x512xf32, #tpu.memory_space<vmem>> -> memref<1x128xf32, #tpu.memory_space<vmem>>
    %dma_wait3A_1740 = tpu.memref_squeeze %dma_wait3A_1739 : memref<1x128xf32, #tpu.memory_space<vmem>> -> memref<128xf32, #tpu.memory_space<vmem>>
    %dma_wait3A_1741 = arith.constant 0 : i32
    %dma_wait3A_1742 = tpu.memref_slice %arg41[%dma_wait3A_1741] : memref<512xi32, #tpu.memory_space<vmem>> -> memref<128xi32, #tpu.memory_space<vmem>>
    %dma_wait3A_1743 = arith.constant 0 : i32
    %dma_wait3A_1744 = tpu.memref_slice %arg16[%dma_wait3A_1743] : memref<102400xf32, #tpu.memory_space<hbm>> -> memref<102400xf32, #tpu.memory_space<hbm>>
    tpu.wait_indirect_dma semaphore(%arg51 : memref<!tpu.dma_semaphore, #tpu.memory_space<semaphore_mem>>) src(%dma_wait3A_1744 : memref<102400xf32, #tpu.memory_space<hbm>>) dst(%dma_wait3A_1740 : memref<128xf32, #tpu.memory_space<vmem>>)
    %dma_wait3A_1745 = arith.constant 11 : i32
    %dma_wait3A_1746 = arith.constant 128 : i32
    %dma_wait3A_1747 = tpu.memref_slice %arg42[%dma_wait3A_1745, %dma_wait3A_1746] : memref<16x512xf32, #tpu.memory_space<vmem>> -> memref<1x128xf32, #tpu.memory_space<vmem>>
    %dma_wait3A_1748 = tpu.memref_squeeze %dma_wait3A_1747 : memref<1x128xf32, #tpu.memory_space<vmem>> -> memref<128xf32, #tpu.memory_space<vmem>>
    %dma_wait3A_1749 = arith.constant 128 : i32
    %dma_wait3A_1750 = tpu.memref_slice %arg40[%dma_wait3A_1749] : memref<512xi32, #tpu.memory_space<vmem>> -> memref<128xi32, #tpu.memory_space<vmem>>
    %dma_wait3A_1751 = arith.constant 0 : i32
    %dma_wait3A_1752 = tpu.memref_slice %arg33[%dma_wait3A_1751] : memref<1048576xf32, #tpu.memory_space<hbm>> -> memref<1048576xf32, #tpu.memory_space<hbm>>
    tpu.wait_indirect_dma semaphore(%arg51 : memref<!tpu.dma_semaphore, #tpu.memory_space<semaphore_mem>>) src(%dma_wait3A_1752 : memref<1048576xf32, #tpu.memory_space<hbm>>) dst(%dma_wait3A_1748 : memref<128xf32, #tpu.memory_space<vmem>>)
    %dma_wait3A_1753 = arith.constant 11 : i32
    %dma_wait3A_1754 = arith.constant 128 : i32
    %dma_wait3A_1755 = tpu.memref_slice %arg43[%dma_wait3A_1753, %dma_wait3A_1754] : memref<16x512xf32, #tpu.memory_space<vmem>> -> memref<1x128xf32, #tpu.memory_space<vmem>>
    %dma_wait3A_1756 = tpu.memref_squeeze %dma_wait3A_1755 : memref<1x128xf32, #tpu.memory_space<vmem>> -> memref<128xf32, #tpu.memory_space<vmem>>
    %dma_wait3A_1757 = arith.constant 128 : i32
    %dma_wait3A_1758 = tpu.memref_slice %arg41[%dma_wait3A_1757] : memref<512xi32, #tpu.memory_space<vmem>> -> memref<128xi32, #tpu.memory_space<vmem>>
    %dma_wait3A_1759 = arith.constant 0 : i32
    %dma_wait3A_1760 = tpu.memref_slice %arg16[%dma_wait3A_1759] : memref<102400xf32, #tpu.memory_space<hbm>> -> memref<102400xf32, #tpu.memory_space<hbm>>
    tpu.wait_indirect_dma semaphore(%arg51 : memref<!tpu.dma_semaphore, #tpu.memory_space<semaphore_mem>>) src(%dma_wait3A_1760 : memref<102400xf32, #tpu.memory_space<hbm>>) dst(%dma_wait3A_1756 : memref<128xf32, #tpu.memory_space<vmem>>)
    %dma_wait3A_1761 = arith.constant 11 : i32
    %dma_wait3A_1762 = arith.constant 256 : i32
    %dma_wait3A_1763 = tpu.memref_slice %arg42[%dma_wait3A_1761, %dma_wait3A_1762] : memref<16x512xf32, #tpu.memory_space<vmem>> -> memref<1x128xf32, #tpu.memory_space<vmem>>
    %dma_wait3A_1764 = tpu.memref_squeeze %dma_wait3A_1763 : memref<1x128xf32, #tpu.memory_space<vmem>> -> memref<128xf32, #tpu.memory_space<vmem>>
    %dma_wait3A_1765 = arith.constant 256 : i32
    %dma_wait3A_1766 = tpu.memref_slice %arg40[%dma_wait3A_1765] : memref<512xi32, #tpu.memory_space<vmem>> -> memref<128xi32, #tpu.memory_space<vmem>>
    %dma_wait3A_1767 = arith.constant 0 : i32
    %dma_wait3A_1768 = tpu.memref_slice %arg33[%dma_wait3A_1767] : memref<1048576xf32, #tpu.memory_space<hbm>> -> memref<1048576xf32, #tpu.memory_space<hbm>>
    tpu.wait_indirect_dma semaphore(%arg51 : memref<!tpu.dma_semaphore, #tpu.memory_space<semaphore_mem>>) src(%dma_wait3A_1768 : memref<1048576xf32, #tpu.memory_space<hbm>>) dst(%dma_wait3A_1764 : memref<128xf32, #tpu.memory_space<vmem>>)
    %dma_wait3A_1769 = arith.constant 11 : i32
    %dma_wait3A_1770 = arith.constant 256 : i32
    %dma_wait3A_1771 = tpu.memref_slice %arg43[%dma_wait3A_1769, %dma_wait3A_1770] : memref<16x512xf32, #tpu.memory_space<vmem>> -> memref<1x128xf32, #tpu.memory_space<vmem>>
    %dma_wait3A_1772 = tpu.memref_squeeze %dma_wait3A_1771 : memref<1x128xf32, #tpu.memory_space<vmem>> -> memref<128xf32, #tpu.memory_space<vmem>>
    %dma_wait3A_1773 = arith.constant 256 : i32
    %dma_wait3A_1774 = tpu.memref_slice %arg41[%dma_wait3A_1773] : memref<512xi32, #tpu.memory_space<vmem>> -> memref<128xi32, #tpu.memory_space<vmem>>
    %dma_wait3A_1775 = arith.constant 0 : i32
    %dma_wait3A_1776 = tpu.memref_slice %arg16[%dma_wait3A_1775] : memref<102400xf32, #tpu.memory_space<hbm>> -> memref<102400xf32, #tpu.memory_space<hbm>>
    tpu.wait_indirect_dma semaphore(%arg51 : memref<!tpu.dma_semaphore, #tpu.memory_space<semaphore_mem>>) src(%dma_wait3A_1776 : memref<102400xf32, #tpu.memory_space<hbm>>) dst(%dma_wait3A_1772 : memref<128xf32, #tpu.memory_space<vmem>>)
    %dma_wait3A_1777 = arith.constant 11 : i32
    %dma_wait3A_1778 = arith.constant 384 : i32
    %dma_wait3A_1779 = tpu.memref_slice %arg42[%dma_wait3A_1777, %dma_wait3A_1778] : memref<16x512xf32, #tpu.memory_space<vmem>> -> memref<1x128xf32, #tpu.memory_space<vmem>>
    %dma_wait3A_1780 = tpu.memref_squeeze %dma_wait3A_1779 : memref<1x128xf32, #tpu.memory_space<vmem>> -> memref<128xf32, #tpu.memory_space<vmem>>
    %dma_wait3A_1781 = arith.constant 384 : i32
    %dma_wait3A_1782 = tpu.memref_slice %arg40[%dma_wait3A_1781] : memref<512xi32, #tpu.memory_space<vmem>> -> memref<128xi32, #tpu.memory_space<vmem>>
    %dma_wait3A_1783 = arith.constant 0 : i32
    %dma_wait3A_1784 = tpu.memref_slice %arg33[%dma_wait3A_1783] : memref<1048576xf32, #tpu.memory_space<hbm>> -> memref<1048576xf32, #tpu.memory_space<hbm>>
    tpu.wait_indirect_dma semaphore(%arg51 : memref<!tpu.dma_semaphore, #tpu.memory_space<semaphore_mem>>) src(%dma_wait3A_1784 : memref<1048576xf32, #tpu.memory_space<hbm>>) dst(%dma_wait3A_1780 : memref<128xf32, #tpu.memory_space<vmem>>)
    %dma_wait3A_1785 = arith.constant 11 : i32
    %dma_wait3A_1786 = arith.constant 384 : i32
    %dma_wait3A_1787 = tpu.memref_slice %arg43[%dma_wait3A_1785, %dma_wait3A_1786] : memref<16x512xf32, #tpu.memory_space<vmem>> -> memref<1x128xf32, #tpu.memory_space<vmem>>
    %dma_wait3A_1788 = tpu.memref_squeeze %dma_wait3A_1787 : memref<1x128xf32, #tpu.memory_space<vmem>> -> memref<128xf32, #tpu.memory_space<vmem>>
    %dma_wait3A_1789 = arith.constant 384 : i32
    %dma_wait3A_1790 = tpu.memref_slice %arg41[%dma_wait3A_1789] : memref<512xi32, #tpu.memory_space<vmem>> -> memref<128xi32, #tpu.memory_space<vmem>>
    %dma_wait3A_1791 = arith.constant 0 : i32
    %dma_wait3A_1792 = tpu.memref_slice %arg16[%dma_wait3A_1791] : memref<102400xf32, #tpu.memory_space<hbm>> -> memref<102400xf32, #tpu.memory_space<hbm>>
    tpu.wait_indirect_dma semaphore(%arg51 : memref<!tpu.dma_semaphore, #tpu.memory_space<semaphore_mem>>) src(%dma_wait3A_1792 : memref<102400xf32, #tpu.memory_space<hbm>>) dst(%dma_wait3A_1788 : memref<128xf32, #tpu.memory_space<vmem>>)
    %dma_start3A_1793 = arith.constant 0 : i32
    %dma_start3A_1794 = tpu.memref_slice %arg44[%dma_start3A_1793] : memref<512xf32, #tpu.memory_space<vmem>> -> memref<128xf32, #tpu.memory_space<vmem>>
    %dma_start3A_1795 = arith.constant 0 : i32
    %dma_start3A_1796 = tpu.memref_slice %arg40[%dma_start3A_1795] : memref<512xi32, #tpu.memory_space<vmem>> -> memref<128xi32, #tpu.memory_space<vmem>>
    %dma_start3A_1797 = arith.constant 0 : i32
    %dma_start3A_1798 = tpu.memref_slice %arg38[%dma_start3A_1797] : memref<1048576xf32, #tpu.memory_space<hbm>> -> memref<1048576xf32, #tpu.memory_space<hbm>>
    tpu.enqueue_indirect_dma source(%dma_start3A_1798 : memref<1048576xf32, #tpu.memory_space<hbm>>) target(%dma_start3A_1794 : memref<128xf32, #tpu.memory_space<vmem>>) offsets(%dma_start3A_1796 : memref<128xi32, #tpu.memory_space<vmem>>) semaphore(%arg48 : memref<!tpu.dma_semaphore, #tpu.memory_space<semaphore_mem>>)
    %dma_start3A_1799 = arith.constant 0 : i32
    %dma_start3A_1800 = tpu.memref_slice %arg45[%dma_start3A_1799] : memref<512xf32, #tpu.memory_space<vmem>> -> memref<128xf32, #tpu.memory_space<vmem>>
    %dma_start3A_1801 = arith.constant 0 : i32
    %dma_start3A_1802 = tpu.memref_slice %arg41[%dma_start3A_1801] : memref<512xi32, #tpu.memory_space<vmem>> -> memref<128xi32, #tpu.memory_space<vmem>>
    %dma_start3A_1803 = arith.constant 0 : i32
    %dma_start3A_1804 = tpu.memref_slice %arg21[%dma_start3A_1803] : memref<102400xf32, #tpu.memory_space<hbm>> -> memref<102400xf32, #tpu.memory_space<hbm>>
    tpu.enqueue_indirect_dma source(%dma_start3A_1804 : memref<102400xf32, #tpu.memory_space<hbm>>) target(%dma_start3A_1800 : memref<128xf32, #tpu.memory_space<vmem>>) offsets(%dma_start3A_1802 : memref<128xi32, #tpu.memory_space<vmem>>) semaphore(%arg48 : memref<!tpu.dma_semaphore, #tpu.memory_space<semaphore_mem>>)
    %dma_start3A_1805 = arith.constant 128 : i32
    %dma_start3A_1806 = tpu.memref_slice %arg44[%dma_start3A_1805] : memref<512xf32, #tpu.memory_space<vmem>> -> memref<128xf32, #tpu.memory_space<vmem>>
    %dma_start3A_1807 = arith.constant 128 : i32
    %dma_start3A_1808 = tpu.memref_slice %arg40[%dma_start3A_1807] : memref<512xi32, #tpu.memory_space<vmem>> -> memref<128xi32, #tpu.memory_space<vmem>>
    %dma_start3A_1809 = arith.constant 0 : i32
    %dma_start3A_1810 = tpu.memref_slice %arg38[%dma_start3A_1809] : memref<1048576xf32, #tpu.memory_space<hbm>> -> memref<1048576xf32, #tpu.memory_space<hbm>>
    tpu.enqueue_indirect_dma source(%dma_start3A_1810 : memref<1048576xf32, #tpu.memory_space<hbm>>) target(%dma_start3A_1806 : memref<128xf32, #tpu.memory_space<vmem>>) offsets(%dma_start3A_1808 : memref<128xi32, #tpu.memory_space<vmem>>) semaphore(%arg48 : memref<!tpu.dma_semaphore, #tpu.memory_space<semaphore_mem>>)
    %dma_start3A_1811 = arith.constant 128 : i32
    %dma_start3A_1812 = tpu.memref_slice %arg45[%dma_start3A_1811] : memref<512xf32, #tpu.memory_space<vmem>> -> memref<128xf32, #tpu.memory_space<vmem>>
    %dma_start3A_1813 = arith.constant 128 : i32
    %dma_start3A_1814 = tpu.memref_slice %arg41[%dma_start3A_1813] : memref<512xi32, #tpu.memory_space<vmem>> -> memref<128xi32, #tpu.memory_space<vmem>>
    %dma_start3A_1815 = arith.constant 0 : i32
    %dma_start3A_1816 = tpu.memref_slice %arg21[%dma_start3A_1815] : memref<102400xf32, #tpu.memory_space<hbm>> -> memref<102400xf32, #tpu.memory_space<hbm>>
    tpu.enqueue_indirect_dma source(%dma_start3A_1816 : memref<102400xf32, #tpu.memory_space<hbm>>) target(%dma_start3A_1812 : memref<128xf32, #tpu.memory_space<vmem>>) offsets(%dma_start3A_1814 : memref<128xi32, #tpu.memory_space<vmem>>) semaphore(%arg48 : memref<!tpu.dma_semaphore, #tpu.memory_space<semaphore_mem>>)
    %dma_start3A_1817 = arith.constant 256 : i32
    %dma_start3A_1818 = tpu.memref_slice %arg44[%dma_start3A_1817] : memref<512xf32, #tpu.memory_space<vmem>> -> memref<128xf32, #tpu.memory_space<vmem>>
    %dma_start3A_1819 = arith.constant 256 : i32
    %dma_start3A_1820 = tpu.memref_slice %arg40[%dma_start3A_1819] : memref<512xi32, #tpu.memory_space<vmem>> -> memref<128xi32, #tpu.memory_space<vmem>>
    %dma_start3A_1821 = arith.constant 0 : i32
    %dma_start3A_1822 = tpu.memref_slice %arg38[%dma_start3A_1821] : memref<1048576xf32, #tpu.memory_space<hbm>> -> memref<1048576xf32, #tpu.memory_space<hbm>>
    tpu.enqueue_indirect_dma source(%dma_start3A_1822 : memref<1048576xf32, #tpu.memory_space<hbm>>) target(%dma_start3A_1818 : memref<128xf32, #tpu.memory_space<vmem>>) offsets(%dma_start3A_1820 : memref<128xi32, #tpu.memory_space<vmem>>) semaphore(%arg48 : memref<!tpu.dma_semaphore, #tpu.memory_space<semaphore_mem>>)
    %dma_start3A_1823 = arith.constant 256 : i32
    %dma_start3A_1824 = tpu.memref_slice %arg45[%dma_start3A_1823] : memref<512xf32, #tpu.memory_space<vmem>> -> memref<128xf32, #tpu.memory_space<vmem>>
    %dma_start3A_1825 = arith.constant 256 : i32
    %dma_start3A_1826 = tpu.memref_slice %arg41[%dma_start3A_1825] : memref<512xi32, #tpu.memory_space<vmem>> -> memref<128xi32, #tpu.memory_space<vmem>>
    %dma_start3A_1827 = arith.constant 0 : i32
    %dma_start3A_1828 = tpu.memref_slice %arg21[%dma_start3A_1827] : memref<102400xf32, #tpu.memory_space<hbm>> -> memref<102400xf32, #tpu.memory_space<hbm>>
    tpu.enqueue_indirect_dma source(%dma_start3A_1828 : memref<102400xf32, #tpu.memory_space<hbm>>) target(%dma_start3A_1824 : memref<128xf32, #tpu.memory_space<vmem>>) offsets(%dma_start3A_1826 : memref<128xi32, #tpu.memory_space<vmem>>) semaphore(%arg48 : memref<!tpu.dma_semaphore, #tpu.memory_space<semaphore_mem>>)
    %dma_start3A_1829 = arith.constant 384 : i32
    %dma_start3A_1830 = tpu.memref_slice %arg44[%dma_start3A_1829] : memref<512xf32, #tpu.memory_space<vmem>> -> memref<128xf32, #tpu.memory_space<vmem>>
    %dma_start3A_1831 = arith.constant 384 : i32
    %dma_start3A_1832 = tpu.memref_slice %arg40[%dma_start3A_1831] : memref<512xi32, #tpu.memory_space<vmem>> -> memref<128xi32, #tpu.memory_space<vmem>>
    %dma_start3A_1833 = arith.constant 0 : i32
    %dma_start3A_1834 = tpu.memref_slice %arg38[%dma_start3A_1833] : memref<1048576xf32, #tpu.memory_space<hbm>> -> memref<1048576xf32, #tpu.memory_space<hbm>>
    tpu.enqueue_indirect_dma source(%dma_start3A_1834 : memref<1048576xf32, #tpu.memory_space<hbm>>) target(%dma_start3A_1830 : memref<128xf32, #tpu.memory_space<vmem>>) offsets(%dma_start3A_1832 : memref<128xi32, #tpu.memory_space<vmem>>) semaphore(%arg48 : memref<!tpu.dma_semaphore, #tpu.memory_space<semaphore_mem>>)
    %dma_start3A_1835 = arith.constant 384 : i32
    %dma_start3A_1836 = tpu.memref_slice %arg45[%dma_start3A_1835] : memref<512xf32, #tpu.memory_space<vmem>> -> memref<128xf32, #tpu.memory_space<vmem>>
    %dma_start3A_1837 = arith.constant 384 : i32
    %dma_start3A_1838 = tpu.memref_slice %arg41[%dma_start3A_1837] : memref<512xi32, #tpu.memory_space<vmem>> -> memref<128xi32, #tpu.memory_space<vmem>>
    %dma_start3A_1839 = arith.constant 0 : i32
    %dma_start3A_1840 = tpu.memref_slice %arg21[%dma_start3A_1839] : memref<102400xf32, #tpu.memory_space<hbm>> -> memref<102400xf32, #tpu.memory_space<hbm>>
    tpu.enqueue_indirect_dma source(%dma_start3A_1840 : memref<102400xf32, #tpu.memory_space<hbm>>) target(%dma_start3A_1836 : memref<128xf32, #tpu.memory_space<vmem>>) offsets(%dma_start3A_1838 : memref<128xi32, #tpu.memory_space<vmem>>) semaphore(%arg48 : memref<!tpu.dma_semaphore, #tpu.memory_space<semaphore_mem>>)
    %dma_wait3A_1841 = arith.constant 12 : i32
    %dma_wait3A_1842 = arith.constant 0 : i32
    %dma_wait3A_1843 = tpu.memref_slice %arg42[%dma_wait3A_1841, %dma_wait3A_1842] : memref<16x512xf32, #tpu.memory_space<vmem>> -> memref<1x128xf32, #tpu.memory_space<vmem>>
    %dma_wait3A_1844 = tpu.memref_squeeze %dma_wait3A_1843 : memref<1x128xf32, #tpu.memory_space<vmem>> -> memref<128xf32, #tpu.memory_space<vmem>>
    %dma_wait3A_1845 = arith.constant 0 : i32
    %dma_wait3A_1846 = tpu.memref_slice %arg40[%dma_wait3A_1845] : memref<512xi32, #tpu.memory_space<vmem>> -> memref<128xi32, #tpu.memory_space<vmem>>
    %dma_wait3A_1847 = arith.constant 0 : i32
    %dma_wait3A_1848 = tpu.memref_slice %arg34[%dma_wait3A_1847] : memref<1048576xf32, #tpu.memory_space<hbm>> -> memref<1048576xf32, #tpu.memory_space<hbm>>
    tpu.wait_indirect_dma semaphore(%arg48 : memref<!tpu.dma_semaphore, #tpu.memory_space<semaphore_mem>>) src(%dma_wait3A_1848 : memref<1048576xf32, #tpu.memory_space<hbm>>) dst(%dma_wait3A_1844 : memref<128xf32, #tpu.memory_space<vmem>>)
    %dma_wait3A_1849 = arith.constant 12 : i32
    %dma_wait3A_1850 = arith.constant 0 : i32
    %dma_wait3A_1851 = tpu.memref_slice %arg43[%dma_wait3A_1849, %dma_wait3A_1850] : memref<16x512xf32, #tpu.memory_space<vmem>> -> memref<1x128xf32, #tpu.memory_space<vmem>>
    %dma_wait3A_1852 = tpu.memref_squeeze %dma_wait3A_1851 : memref<1x128xf32, #tpu.memory_space<vmem>> -> memref<128xf32, #tpu.memory_space<vmem>>
    %dma_wait3A_1853 = arith.constant 0 : i32
    %dma_wait3A_1854 = tpu.memref_slice %arg41[%dma_wait3A_1853] : memref<512xi32, #tpu.memory_space<vmem>> -> memref<128xi32, #tpu.memory_space<vmem>>
    %dma_wait3A_1855 = arith.constant 0 : i32
    %dma_wait3A_1856 = tpu.memref_slice %arg17[%dma_wait3A_1855] : memref<102400xf32, #tpu.memory_space<hbm>> -> memref<102400xf32, #tpu.memory_space<hbm>>
    tpu.wait_indirect_dma semaphore(%arg48 : memref<!tpu.dma_semaphore, #tpu.memory_space<semaphore_mem>>) src(%dma_wait3A_1856 : memref<102400xf32, #tpu.memory_space<hbm>>) dst(%dma_wait3A_1852 : memref<128xf32, #tpu.memory_space<vmem>>)
    %dma_wait3A_1857 = arith.constant 12 : i32
    %dma_wait3A_1858 = arith.constant 128 : i32
    %dma_wait3A_1859 = tpu.memref_slice %arg42[%dma_wait3A_1857, %dma_wait3A_1858] : memref<16x512xf32, #tpu.memory_space<vmem>> -> memref<1x128xf32, #tpu.memory_space<vmem>>
    %dma_wait3A_1860 = tpu.memref_squeeze %dma_wait3A_1859 : memref<1x128xf32, #tpu.memory_space<vmem>> -> memref<128xf32, #tpu.memory_space<vmem>>
    %dma_wait3A_1861 = arith.constant 128 : i32
    %dma_wait3A_1862 = tpu.memref_slice %arg40[%dma_wait3A_1861] : memref<512xi32, #tpu.memory_space<vmem>> -> memref<128xi32, #tpu.memory_space<vmem>>
    %dma_wait3A_1863 = arith.constant 0 : i32
    %dma_wait3A_1864 = tpu.memref_slice %arg34[%dma_wait3A_1863] : memref<1048576xf32, #tpu.memory_space<hbm>> -> memref<1048576xf32, #tpu.memory_space<hbm>>
    tpu.wait_indirect_dma semaphore(%arg48 : memref<!tpu.dma_semaphore, #tpu.memory_space<semaphore_mem>>) src(%dma_wait3A_1864 : memref<1048576xf32, #tpu.memory_space<hbm>>) dst(%dma_wait3A_1860 : memref<128xf32, #tpu.memory_space<vmem>>)
    %dma_wait3A_1865 = arith.constant 12 : i32
    %dma_wait3A_1866 = arith.constant 128 : i32
    %dma_wait3A_1867 = tpu.memref_slice %arg43[%dma_wait3A_1865, %dma_wait3A_1866] : memref<16x512xf32, #tpu.memory_space<vmem>> -> memref<1x128xf32, #tpu.memory_space<vmem>>
    %dma_wait3A_1868 = tpu.memref_squeeze %dma_wait3A_1867 : memref<1x128xf32, #tpu.memory_space<vmem>> -> memref<128xf32, #tpu.memory_space<vmem>>
    %dma_wait3A_1869 = arith.constant 128 : i32
    %dma_wait3A_1870 = tpu.memref_slice %arg41[%dma_wait3A_1869] : memref<512xi32, #tpu.memory_space<vmem>> -> memref<128xi32, #tpu.memory_space<vmem>>
    %dma_wait3A_1871 = arith.constant 0 : i32
    %dma_wait3A_1872 = tpu.memref_slice %arg17[%dma_wait3A_1871] : memref<102400xf32, #tpu.memory_space<hbm>> -> memref<102400xf32, #tpu.memory_space<hbm>>
    tpu.wait_indirect_dma semaphore(%arg48 : memref<!tpu.dma_semaphore, #tpu.memory_space<semaphore_mem>>) src(%dma_wait3A_1872 : memref<102400xf32, #tpu.memory_space<hbm>>) dst(%dma_wait3A_1868 : memref<128xf32, #tpu.memory_space<vmem>>)
    %dma_wait3A_1873 = arith.constant 12 : i32
    %dma_wait3A_1874 = arith.constant 256 : i32
    %dma_wait3A_1875 = tpu.memref_slice %arg42[%dma_wait3A_1873, %dma_wait3A_1874] : memref<16x512xf32, #tpu.memory_space<vmem>> -> memref<1x128xf32, #tpu.memory_space<vmem>>
    %dma_wait3A_1876 = tpu.memref_squeeze %dma_wait3A_1875 : memref<1x128xf32, #tpu.memory_space<vmem>> -> memref<128xf32, #tpu.memory_space<vmem>>
    %dma_wait3A_1877 = arith.constant 256 : i32
    %dma_wait3A_1878 = tpu.memref_slice %arg40[%dma_wait3A_1877] : memref<512xi32, #tpu.memory_space<vmem>> -> memref<128xi32, #tpu.memory_space<vmem>>
    %dma_wait3A_1879 = arith.constant 0 : i32
    %dma_wait3A_1880 = tpu.memref_slice %arg34[%dma_wait3A_1879] : memref<1048576xf32, #tpu.memory_space<hbm>> -> memref<1048576xf32, #tpu.memory_space<hbm>>
    tpu.wait_indirect_dma semaphore(%arg48 : memref<!tpu.dma_semaphore, #tpu.memory_space<semaphore_mem>>) src(%dma_wait3A_1880 : memref<1048576xf32, #tpu.memory_space<hbm>>) dst(%dma_wait3A_1876 : memref<128xf32, #tpu.memory_space<vmem>>)
    %dma_wait3A_1881 = arith.constant 12 : i32
    %dma_wait3A_1882 = arith.constant 256 : i32
    %dma_wait3A_1883 = tpu.memref_slice %arg43[%dma_wait3A_1881, %dma_wait3A_1882] : memref<16x512xf32, #tpu.memory_space<vmem>> -> memref<1x128xf32, #tpu.memory_space<vmem>>
    %dma_wait3A_1884 = tpu.memref_squeeze %dma_wait3A_1883 : memref<1x128xf32, #tpu.memory_space<vmem>> -> memref<128xf32, #tpu.memory_space<vmem>>
    %dma_wait3A_1885 = arith.constant 256 : i32
    %dma_wait3A_1886 = tpu.memref_slice %arg41[%dma_wait3A_1885] : memref<512xi32, #tpu.memory_space<vmem>> -> memref<128xi32, #tpu.memory_space<vmem>>
    %dma_wait3A_1887 = arith.constant 0 : i32
    %dma_wait3A_1888 = tpu.memref_slice %arg17[%dma_wait3A_1887] : memref<102400xf32, #tpu.memory_space<hbm>> -> memref<102400xf32, #tpu.memory_space<hbm>>
    tpu.wait_indirect_dma semaphore(%arg48 : memref<!tpu.dma_semaphore, #tpu.memory_space<semaphore_mem>>) src(%dma_wait3A_1888 : memref<102400xf32, #tpu.memory_space<hbm>>) dst(%dma_wait3A_1884 : memref<128xf32, #tpu.memory_space<vmem>>)
    %dma_wait3A_1889 = arith.constant 12 : i32
    %dma_wait3A_1890 = arith.constant 384 : i32
    %dma_wait3A_1891 = tpu.memref_slice %arg42[%dma_wait3A_1889, %dma_wait3A_1890] : memref<16x512xf32, #tpu.memory_space<vmem>> -> memref<1x128xf32, #tpu.memory_space<vmem>>
    %dma_wait3A_1892 = tpu.memref_squeeze %dma_wait3A_1891 : memref<1x128xf32, #tpu.memory_space<vmem>> -> memref<128xf32, #tpu.memory_space<vmem>>
    %dma_wait3A_1893 = arith.constant 384 : i32
    %dma_wait3A_1894 = tpu.memref_slice %arg40[%dma_wait3A_1893] : memref<512xi32, #tpu.memory_space<vmem>> -> memref<128xi32, #tpu.memory_space<vmem>>
    %dma_wait3A_1895 = arith.constant 0 : i32
    %dma_wait3A_1896 = tpu.memref_slice %arg34[%dma_wait3A_1895] : memref<1048576xf32, #tpu.memory_space<hbm>> -> memref<1048576xf32, #tpu.memory_space<hbm>>
    tpu.wait_indirect_dma semaphore(%arg48 : memref<!tpu.dma_semaphore, #tpu.memory_space<semaphore_mem>>) src(%dma_wait3A_1896 : memref<1048576xf32, #tpu.memory_space<hbm>>) dst(%dma_wait3A_1892 : memref<128xf32, #tpu.memory_space<vmem>>)
    %dma_wait3A_1897 = arith.constant 12 : i32
    %dma_wait3A_1898 = arith.constant 384 : i32
    %dma_wait3A_1899 = tpu.memref_slice %arg43[%dma_wait3A_1897, %dma_wait3A_1898] : memref<16x512xf32, #tpu.memory_space<vmem>> -> memref<1x128xf32, #tpu.memory_space<vmem>>
    %dma_wait3A_1900 = tpu.memref_squeeze %dma_wait3A_1899 : memref<1x128xf32, #tpu.memory_space<vmem>> -> memref<128xf32, #tpu.memory_space<vmem>>
    %dma_wait3A_1901 = arith.constant 384 : i32
    %dma_wait3A_1902 = tpu.memref_slice %arg41[%dma_wait3A_1901] : memref<512xi32, #tpu.memory_space<vmem>> -> memref<128xi32, #tpu.memory_space<vmem>>
    %dma_wait3A_1903 = arith.constant 0 : i32
    %dma_wait3A_1904 = tpu.memref_slice %arg17[%dma_wait3A_1903] : memref<102400xf32, #tpu.memory_space<hbm>> -> memref<102400xf32, #tpu.memory_space<hbm>>
    tpu.wait_indirect_dma semaphore(%arg48 : memref<!tpu.dma_semaphore, #tpu.memory_space<semaphore_mem>>) src(%dma_wait3A_1904 : memref<102400xf32, #tpu.memory_space<hbm>>) dst(%dma_wait3A_1900 : memref<128xf32, #tpu.memory_space<vmem>>)
    %dma_wait3A_1905 = arith.constant 13 : i32
    %dma_wait3A_1906 = arith.constant 0 : i32
    %dma_wait3A_1907 = tpu.memref_slice %arg42[%dma_wait3A_1905, %dma_wait3A_1906] : memref<16x512xf32, #tpu.memory_space<vmem>> -> memref<1x128xf32, #tpu.memory_space<vmem>>
    %dma_wait3A_1908 = tpu.memref_squeeze %dma_wait3A_1907 : memref<1x128xf32, #tpu.memory_space<vmem>> -> memref<128xf32, #tpu.memory_space<vmem>>
    %dma_wait3A_1909 = arith.constant 0 : i32
    %dma_wait3A_1910 = tpu.memref_slice %arg40[%dma_wait3A_1909] : memref<512xi32, #tpu.memory_space<vmem>> -> memref<128xi32, #tpu.memory_space<vmem>>
    %dma_wait3A_1911 = arith.constant 0 : i32
    %dma_wait3A_1912 = tpu.memref_slice %arg35[%dma_wait3A_1911] : memref<1048576xf32, #tpu.memory_space<hbm>> -> memref<1048576xf32, #tpu.memory_space<hbm>>
    tpu.wait_indirect_dma semaphore(%arg49 : memref<!tpu.dma_semaphore, #tpu.memory_space<semaphore_mem>>) src(%dma_wait3A_1912 : memref<1048576xf32, #tpu.memory_space<hbm>>) dst(%dma_wait3A_1908 : memref<128xf32, #tpu.memory_space<vmem>>)
    %dma_wait3A_1913 = arith.constant 13 : i32
    %dma_wait3A_1914 = arith.constant 0 : i32
    %dma_wait3A_1915 = tpu.memref_slice %arg43[%dma_wait3A_1913, %dma_wait3A_1914] : memref<16x512xf32, #tpu.memory_space<vmem>> -> memref<1x128xf32, #tpu.memory_space<vmem>>
    %dma_wait3A_1916 = tpu.memref_squeeze %dma_wait3A_1915 : memref<1x128xf32, #tpu.memory_space<vmem>> -> memref<128xf32, #tpu.memory_space<vmem>>
    %dma_wait3A_1917 = arith.constant 0 : i32
    %dma_wait3A_1918 = tpu.memref_slice %arg41[%dma_wait3A_1917] : memref<512xi32, #tpu.memory_space<vmem>> -> memref<128xi32, #tpu.memory_space<vmem>>
    %dma_wait3A_1919 = arith.constant 0 : i32
    %dma_wait3A_1920 = tpu.memref_slice %arg18[%dma_wait3A_1919] : memref<102400xf32, #tpu.memory_space<hbm>> -> memref<102400xf32, #tpu.memory_space<hbm>>
    tpu.wait_indirect_dma semaphore(%arg49 : memref<!tpu.dma_semaphore, #tpu.memory_space<semaphore_mem>>) src(%dma_wait3A_1920 : memref<102400xf32, #tpu.memory_space<hbm>>) dst(%dma_wait3A_1916 : memref<128xf32, #tpu.memory_space<vmem>>)
    %dma_wait3A_1921 = arith.constant 13 : i32
    %dma_wait3A_1922 = arith.constant 128 : i32
    %dma_wait3A_1923 = tpu.memref_slice %arg42[%dma_wait3A_1921, %dma_wait3A_1922] : memref<16x512xf32, #tpu.memory_space<vmem>> -> memref<1x128xf32, #tpu.memory_space<vmem>>
    %dma_wait3A_1924 = tpu.memref_squeeze %dma_wait3A_1923 : memref<1x128xf32, #tpu.memory_space<vmem>> -> memref<128xf32, #tpu.memory_space<vmem>>
    %dma_wait3A_1925 = arith.constant 128 : i32
    %dma_wait3A_1926 = tpu.memref_slice %arg40[%dma_wait3A_1925] : memref<512xi32, #tpu.memory_space<vmem>> -> memref<128xi32, #tpu.memory_space<vmem>>
    %dma_wait3A_1927 = arith.constant 0 : i32
    %dma_wait3A_1928 = tpu.memref_slice %arg35[%dma_wait3A_1927] : memref<1048576xf32, #tpu.memory_space<hbm>> -> memref<1048576xf32, #tpu.memory_space<hbm>>
    tpu.wait_indirect_dma semaphore(%arg49 : memref<!tpu.dma_semaphore, #tpu.memory_space<semaphore_mem>>) src(%dma_wait3A_1928 : memref<1048576xf32, #tpu.memory_space<hbm>>) dst(%dma_wait3A_1924 : memref<128xf32, #tpu.memory_space<vmem>>)
    %dma_wait3A_1929 = arith.constant 13 : i32
    %dma_wait3A_1930 = arith.constant 128 : i32
    %dma_wait3A_1931 = tpu.memref_slice %arg43[%dma_wait3A_1929, %dma_wait3A_1930] : memref<16x512xf32, #tpu.memory_space<vmem>> -> memref<1x128xf32, #tpu.memory_space<vmem>>
    %dma_wait3A_1932 = tpu.memref_squeeze %dma_wait3A_1931 : memref<1x128xf32, #tpu.memory_space<vmem>> -> memref<128xf32, #tpu.memory_space<vmem>>
    %dma_wait3A_1933 = arith.constant 128 : i32
    %dma_wait3A_1934 = tpu.memref_slice %arg41[%dma_wait3A_1933] : memref<512xi32, #tpu.memory_space<vmem>> -> memref<128xi32, #tpu.memory_space<vmem>>
    %dma_wait3A_1935 = arith.constant 0 : i32
    %dma_wait3A_1936 = tpu.memref_slice %arg18[%dma_wait3A_1935] : memref<102400xf32, #tpu.memory_space<hbm>> -> memref<102400xf32, #tpu.memory_space<hbm>>
    tpu.wait_indirect_dma semaphore(%arg49 : memref<!tpu.dma_semaphore, #tpu.memory_space<semaphore_mem>>) src(%dma_wait3A_1936 : memref<102400xf32, #tpu.memory_space<hbm>>) dst(%dma_wait3A_1932 : memref<128xf32, #tpu.memory_space<vmem>>)
    %dma_wait3A_1937 = arith.constant 13 : i32
    %dma_wait3A_1938 = arith.constant 256 : i32
    %dma_wait3A_1939 = tpu.memref_slice %arg42[%dma_wait3A_1937, %dma_wait3A_1938] : memref<16x512xf32, #tpu.memory_space<vmem>> -> memref<1x128xf32, #tpu.memory_space<vmem>>
    %dma_wait3A_1940 = tpu.memref_squeeze %dma_wait3A_1939 : memref<1x128xf32, #tpu.memory_space<vmem>> -> memref<128xf32, #tpu.memory_space<vmem>>
    %dma_wait3A_1941 = arith.constant 256 : i32
    %dma_wait3A_1942 = tpu.memref_slice %arg40[%dma_wait3A_1941] : memref<512xi32, #tpu.memory_space<vmem>> -> memref<128xi32, #tpu.memory_space<vmem>>
    %dma_wait3A_1943 = arith.constant 0 : i32
    %dma_wait3A_1944 = tpu.memref_slice %arg35[%dma_wait3A_1943] : memref<1048576xf32, #tpu.memory_space<hbm>> -> memref<1048576xf32, #tpu.memory_space<hbm>>
    tpu.wait_indirect_dma semaphore(%arg49 : memref<!tpu.dma_semaphore, #tpu.memory_space<semaphore_mem>>) src(%dma_wait3A_1944 : memref<1048576xf32, #tpu.memory_space<hbm>>) dst(%dma_wait3A_1940 : memref<128xf32, #tpu.memory_space<vmem>>)
    %dma_wait3A_1945 = arith.constant 13 : i32
    %dma_wait3A_1946 = arith.constant 256 : i32
    %dma_wait3A_1947 = tpu.memref_slice %arg43[%dma_wait3A_1945, %dma_wait3A_1946] : memref<16x512xf32, #tpu.memory_space<vmem>> -> memref<1x128xf32, #tpu.memory_space<vmem>>
    %dma_wait3A_1948 = tpu.memref_squeeze %dma_wait3A_1947 : memref<1x128xf32, #tpu.memory_space<vmem>> -> memref<128xf32, #tpu.memory_space<vmem>>
    %dma_wait3A_1949 = arith.constant 256 : i32
    %dma_wait3A_1950 = tpu.memref_slice %arg41[%dma_wait3A_1949] : memref<512xi32, #tpu.memory_space<vmem>> -> memref<128xi32, #tpu.memory_space<vmem>>
    %dma_wait3A_1951 = arith.constant 0 : i32
    %dma_wait3A_1952 = tpu.memref_slice %arg18[%dma_wait3A_1951] : memref<102400xf32, #tpu.memory_space<hbm>> -> memref<102400xf32, #tpu.memory_space<hbm>>
    tpu.wait_indirect_dma semaphore(%arg49 : memref<!tpu.dma_semaphore, #tpu.memory_space<semaphore_mem>>) src(%dma_wait3A_1952 : memref<102400xf32, #tpu.memory_space<hbm>>) dst(%dma_wait3A_1948 : memref<128xf32, #tpu.memory_space<vmem>>)
    %dma_wait3A_1953 = arith.constant 13 : i32
    %dma_wait3A_1954 = arith.constant 384 : i32
    %dma_wait3A_1955 = tpu.memref_slice %arg42[%dma_wait3A_1953, %dma_wait3A_1954] : memref<16x512xf32, #tpu.memory_space<vmem>> -> memref<1x128xf32, #tpu.memory_space<vmem>>
    %dma_wait3A_1956 = tpu.memref_squeeze %dma_wait3A_1955 : memref<1x128xf32, #tpu.memory_space<vmem>> -> memref<128xf32, #tpu.memory_space<vmem>>
    %dma_wait3A_1957 = arith.constant 384 : i32
    %dma_wait3A_1958 = tpu.memref_slice %arg40[%dma_wait3A_1957] : memref<512xi32, #tpu.memory_space<vmem>> -> memref<128xi32, #tpu.memory_space<vmem>>
    %dma_wait3A_1959 = arith.constant 0 : i32
    %dma_wait3A_1960 = tpu.memref_slice %arg35[%dma_wait3A_1959] : memref<1048576xf32, #tpu.memory_space<hbm>> -> memref<1048576xf32, #tpu.memory_space<hbm>>
    tpu.wait_indirect_dma semaphore(%arg49 : memref<!tpu.dma_semaphore, #tpu.memory_space<semaphore_mem>>) src(%dma_wait3A_1960 : memref<1048576xf32, #tpu.memory_space<hbm>>) dst(%dma_wait3A_1956 : memref<128xf32, #tpu.memory_space<vmem>>)
    %dma_wait3A_1961 = arith.constant 13 : i32
    %dma_wait3A_1962 = arith.constant 384 : i32
    %dma_wait3A_1963 = tpu.memref_slice %arg43[%dma_wait3A_1961, %dma_wait3A_1962] : memref<16x512xf32, #tpu.memory_space<vmem>> -> memref<1x128xf32, #tpu.memory_space<vmem>>
    %dma_wait3A_1964 = tpu.memref_squeeze %dma_wait3A_1963 : memref<1x128xf32, #tpu.memory_space<vmem>> -> memref<128xf32, #tpu.memory_space<vmem>>
    %dma_wait3A_1965 = arith.constant 384 : i32
    %dma_wait3A_1966 = tpu.memref_slice %arg41[%dma_wait3A_1965] : memref<512xi32, #tpu.memory_space<vmem>> -> memref<128xi32, #tpu.memory_space<vmem>>
    %dma_wait3A_1967 = arith.constant 0 : i32
    %dma_wait3A_1968 = tpu.memref_slice %arg18[%dma_wait3A_1967] : memref<102400xf32, #tpu.memory_space<hbm>> -> memref<102400xf32, #tpu.memory_space<hbm>>
    tpu.wait_indirect_dma semaphore(%arg49 : memref<!tpu.dma_semaphore, #tpu.memory_space<semaphore_mem>>) src(%dma_wait3A_1968 : memref<102400xf32, #tpu.memory_space<hbm>>) dst(%dma_wait3A_1964 : memref<128xf32, #tpu.memory_space<vmem>>)
    %dma_wait3A_1969 = arith.constant 14 : i32
    %dma_wait3A_1970 = arith.constant 0 : i32
    %dma_wait3A_1971 = tpu.memref_slice %arg42[%dma_wait3A_1969, %dma_wait3A_1970] : memref<16x512xf32, #tpu.memory_space<vmem>> -> memref<1x128xf32, #tpu.memory_space<vmem>>
    %dma_wait3A_1972 = tpu.memref_squeeze %dma_wait3A_1971 : memref<1x128xf32, #tpu.memory_space<vmem>> -> memref<128xf32, #tpu.memory_space<vmem>>
    %dma_wait3A_1973 = arith.constant 0 : i32
    %dma_wait3A_1974 = tpu.memref_slice %arg40[%dma_wait3A_1973] : memref<512xi32, #tpu.memory_space<vmem>> -> memref<128xi32, #tpu.memory_space<vmem>>
    %dma_wait3A_1975 = arith.constant 0 : i32
    %dma_wait3A_1976 = tpu.memref_slice %arg36[%dma_wait3A_1975] : memref<1048576xf32, #tpu.memory_space<hbm>> -> memref<1048576xf32, #tpu.memory_space<hbm>>
    tpu.wait_indirect_dma semaphore(%arg50 : memref<!tpu.dma_semaphore, #tpu.memory_space<semaphore_mem>>) src(%dma_wait3A_1976 : memref<1048576xf32, #tpu.memory_space<hbm>>) dst(%dma_wait3A_1972 : memref<128xf32, #tpu.memory_space<vmem>>)
    %dma_wait3A_1977 = arith.constant 14 : i32
    %dma_wait3A_1978 = arith.constant 0 : i32
    %dma_wait3A_1979 = tpu.memref_slice %arg43[%dma_wait3A_1977, %dma_wait3A_1978] : memref<16x512xf32, #tpu.memory_space<vmem>> -> memref<1x128xf32, #tpu.memory_space<vmem>>
    %dma_wait3A_1980 = tpu.memref_squeeze %dma_wait3A_1979 : memref<1x128xf32, #tpu.memory_space<vmem>> -> memref<128xf32, #tpu.memory_space<vmem>>
    %dma_wait3A_1981 = arith.constant 0 : i32
    %dma_wait3A_1982 = tpu.memref_slice %arg41[%dma_wait3A_1981] : memref<512xi32, #tpu.memory_space<vmem>> -> memref<128xi32, #tpu.memory_space<vmem>>
    %dma_wait3A_1983 = arith.constant 0 : i32
    %dma_wait3A_1984 = tpu.memref_slice %arg19[%dma_wait3A_1983] : memref<102400xf32, #tpu.memory_space<hbm>> -> memref<102400xf32, #tpu.memory_space<hbm>>
    tpu.wait_indirect_dma semaphore(%arg50 : memref<!tpu.dma_semaphore, #tpu.memory_space<semaphore_mem>>) src(%dma_wait3A_1984 : memref<102400xf32, #tpu.memory_space<hbm>>) dst(%dma_wait3A_1980 : memref<128xf32, #tpu.memory_space<vmem>>)
    %dma_wait3A_1985 = arith.constant 14 : i32
    %dma_wait3A_1986 = arith.constant 128 : i32
    %dma_wait3A_1987 = tpu.memref_slice %arg42[%dma_wait3A_1985, %dma_wait3A_1986] : memref<16x512xf32, #tpu.memory_space<vmem>> -> memref<1x128xf32, #tpu.memory_space<vmem>>
    %dma_wait3A_1988 = tpu.memref_squeeze %dma_wait3A_1987 : memref<1x128xf32, #tpu.memory_space<vmem>> -> memref<128xf32, #tpu.memory_space<vmem>>
    %dma_wait3A_1989 = arith.constant 128 : i32
    %dma_wait3A_1990 = tpu.memref_slice %arg40[%dma_wait3A_1989] : memref<512xi32, #tpu.memory_space<vmem>> -> memref<128xi32, #tpu.memory_space<vmem>>
    %dma_wait3A_1991 = arith.constant 0 : i32
    %dma_wait3A_1992 = tpu.memref_slice %arg36[%dma_wait3A_1991] : memref<1048576xf32, #tpu.memory_space<hbm>> -> memref<1048576xf32, #tpu.memory_space<hbm>>
    tpu.wait_indirect_dma semaphore(%arg50 : memref<!tpu.dma_semaphore, #tpu.memory_space<semaphore_mem>>) src(%dma_wait3A_1992 : memref<1048576xf32, #tpu.memory_space<hbm>>) dst(%dma_wait3A_1988 : memref<128xf32, #tpu.memory_space<vmem>>)
    %dma_wait3A_1993 = arith.constant 14 : i32
    %dma_wait3A_1994 = arith.constant 128 : i32
    %dma_wait3A_1995 = tpu.memref_slice %arg43[%dma_wait3A_1993, %dma_wait3A_1994] : memref<16x512xf32, #tpu.memory_space<vmem>> -> memref<1x128xf32, #tpu.memory_space<vmem>>
    %dma_wait3A_1996 = tpu.memref_squeeze %dma_wait3A_1995 : memref<1x128xf32, #tpu.memory_space<vmem>> -> memref<128xf32, #tpu.memory_space<vmem>>
    %dma_wait3A_1997 = arith.constant 128 : i32
    %dma_wait3A_1998 = tpu.memref_slice %arg41[%dma_wait3A_1997] : memref<512xi32, #tpu.memory_space<vmem>> -> memref<128xi32, #tpu.memory_space<vmem>>
    %dma_wait3A_1999 = arith.constant 0 : i32
    %dma_wait3A_2000 = tpu.memref_slice %arg19[%dma_wait3A_1999] : memref<102400xf32, #tpu.memory_space<hbm>> -> memref<102400xf32, #tpu.memory_space<hbm>>
    tpu.wait_indirect_dma semaphore(%arg50 : memref<!tpu.dma_semaphore, #tpu.memory_space<semaphore_mem>>) src(%dma_wait3A_2000 : memref<102400xf32, #tpu.memory_space<hbm>>) dst(%dma_wait3A_1996 : memref<128xf32, #tpu.memory_space<vmem>>)
    %dma_wait3A_2001 = arith.constant 14 : i32
    %dma_wait3A_2002 = arith.constant 256 : i32
    %dma_wait3A_2003 = tpu.memref_slice %arg42[%dma_wait3A_2001, %dma_wait3A_2002] : memref<16x512xf32, #tpu.memory_space<vmem>> -> memref<1x128xf32, #tpu.memory_space<vmem>>
    %dma_wait3A_2004 = tpu.memref_squeeze %dma_wait3A_2003 : memref<1x128xf32, #tpu.memory_space<vmem>> -> memref<128xf32, #tpu.memory_space<vmem>>
    %dma_wait3A_2005 = arith.constant 256 : i32
    %dma_wait3A_2006 = tpu.memref_slice %arg40[%dma_wait3A_2005] : memref<512xi32, #tpu.memory_space<vmem>> -> memref<128xi32, #tpu.memory_space<vmem>>
    %dma_wait3A_2007 = arith.constant 0 : i32
    %dma_wait3A_2008 = tpu.memref_slice %arg36[%dma_wait3A_2007] : memref<1048576xf32, #tpu.memory_space<hbm>> -> memref<1048576xf32, #tpu.memory_space<hbm>>
    tpu.wait_indirect_dma semaphore(%arg50 : memref<!tpu.dma_semaphore, #tpu.memory_space<semaphore_mem>>) src(%dma_wait3A_2008 : memref<1048576xf32, #tpu.memory_space<hbm>>) dst(%dma_wait3A_2004 : memref<128xf32, #tpu.memory_space<vmem>>)
    %dma_wait3A_2009 = arith.constant 14 : i32
    %dma_wait3A_2010 = arith.constant 256 : i32
    %dma_wait3A_2011 = tpu.memref_slice %arg43[%dma_wait3A_2009, %dma_wait3A_2010] : memref<16x512xf32, #tpu.memory_space<vmem>> -> memref<1x128xf32, #tpu.memory_space<vmem>>
    %dma_wait3A_2012 = tpu.memref_squeeze %dma_wait3A_2011 : memref<1x128xf32, #tpu.memory_space<vmem>> -> memref<128xf32, #tpu.memory_space<vmem>>
    %dma_wait3A_2013 = arith.constant 256 : i32
    %dma_wait3A_2014 = tpu.memref_slice %arg41[%dma_wait3A_2013] : memref<512xi32, #tpu.memory_space<vmem>> -> memref<128xi32, #tpu.memory_space<vmem>>
    %dma_wait3A_2015 = arith.constant 0 : i32
    %dma_wait3A_2016 = tpu.memref_slice %arg19[%dma_wait3A_2015] : memref<102400xf32, #tpu.memory_space<hbm>> -> memref<102400xf32, #tpu.memory_space<hbm>>
    tpu.wait_indirect_dma semaphore(%arg50 : memref<!tpu.dma_semaphore, #tpu.memory_space<semaphore_mem>>) src(%dma_wait3A_2016 : memref<102400xf32, #tpu.memory_space<hbm>>) dst(%dma_wait3A_2012 : memref<128xf32, #tpu.memory_space<vmem>>)
    %dma_wait3A_2017 = arith.constant 14 : i32
    %dma_wait3A_2018 = arith.constant 384 : i32
    %dma_wait3A_2019 = tpu.memref_slice %arg42[%dma_wait3A_2017, %dma_wait3A_2018] : memref<16x512xf32, #tpu.memory_space<vmem>> -> memref<1x128xf32, #tpu.memory_space<vmem>>
    %dma_wait3A_2020 = tpu.memref_squeeze %dma_wait3A_2019 : memref<1x128xf32, #tpu.memory_space<vmem>> -> memref<128xf32, #tpu.memory_space<vmem>>
    %dma_wait3A_2021 = arith.constant 384 : i32
    %dma_wait3A_2022 = tpu.memref_slice %arg40[%dma_wait3A_2021] : memref<512xi32, #tpu.memory_space<vmem>> -> memref<128xi32, #tpu.memory_space<vmem>>
    %dma_wait3A_2023 = arith.constant 0 : i32
    %dma_wait3A_2024 = tpu.memref_slice %arg36[%dma_wait3A_2023] : memref<1048576xf32, #tpu.memory_space<hbm>> -> memref<1048576xf32, #tpu.memory_space<hbm>>
    tpu.wait_indirect_dma semaphore(%arg50 : memref<!tpu.dma_semaphore, #tpu.memory_space<semaphore_mem>>) src(%dma_wait3A_2024 : memref<1048576xf32, #tpu.memory_space<hbm>>) dst(%dma_wait3A_2020 : memref<128xf32, #tpu.memory_space<vmem>>)
    %dma_wait3A_2025 = arith.constant 14 : i32
    %dma_wait3A_2026 = arith.constant 384 : i32
    %dma_wait3A_2027 = tpu.memref_slice %arg43[%dma_wait3A_2025, %dma_wait3A_2026] : memref<16x512xf32, #tpu.memory_space<vmem>> -> memref<1x128xf32, #tpu.memory_space<vmem>>
    %dma_wait3A_2028 = tpu.memref_squeeze %dma_wait3A_2027 : memref<1x128xf32, #tpu.memory_space<vmem>> -> memref<128xf32, #tpu.memory_space<vmem>>
    %dma_wait3A_2029 = arith.constant 384 : i32
    %dma_wait3A_2030 = tpu.memref_slice %arg41[%dma_wait3A_2029] : memref<512xi32, #tpu.memory_space<vmem>> -> memref<128xi32, #tpu.memory_space<vmem>>
    %dma_wait3A_2031 = arith.constant 0 : i32
    %dma_wait3A_2032 = tpu.memref_slice %arg19[%dma_wait3A_2031] : memref<102400xf32, #tpu.memory_space<hbm>> -> memref<102400xf32, #tpu.memory_space<hbm>>
    tpu.wait_indirect_dma semaphore(%arg50 : memref<!tpu.dma_semaphore, #tpu.memory_space<semaphore_mem>>) src(%dma_wait3A_2032 : memref<102400xf32, #tpu.memory_space<hbm>>) dst(%dma_wait3A_2028 : memref<128xf32, #tpu.memory_space<vmem>>)
    %dma_wait3A_2033 = arith.constant 15 : i32
    %dma_wait3A_2034 = arith.constant 0 : i32
    %dma_wait3A_2035 = tpu.memref_slice %arg42[%dma_wait3A_2033, %dma_wait3A_2034] : memref<16x512xf32, #tpu.memory_space<vmem>> -> memref<1x128xf32, #tpu.memory_space<vmem>>
    %dma_wait3A_2036 = tpu.memref_squeeze %dma_wait3A_2035 : memref<1x128xf32, #tpu.memory_space<vmem>> -> memref<128xf32, #tpu.memory_space<vmem>>
    %dma_wait3A_2037 = arith.constant 0 : i32
    %dma_wait3A_2038 = tpu.memref_slice %arg40[%dma_wait3A_2037] : memref<512xi32, #tpu.memory_space<vmem>> -> memref<128xi32, #tpu.memory_space<vmem>>
    %dma_wait3A_2039 = arith.constant 0 : i32
    %dma_wait3A_2040 = tpu.memref_slice %arg37[%dma_wait3A_2039] : memref<1048576xf32, #tpu.memory_space<hbm>> -> memref<1048576xf32, #tpu.memory_space<hbm>>
    tpu.wait_indirect_dma semaphore(%arg51 : memref<!tpu.dma_semaphore, #tpu.memory_space<semaphore_mem>>) src(%dma_wait3A_2040 : memref<1048576xf32, #tpu.memory_space<hbm>>) dst(%dma_wait3A_2036 : memref<128xf32, #tpu.memory_space<vmem>>)
    %dma_wait3A_2041 = arith.constant 15 : i32
    %dma_wait3A_2042 = arith.constant 0 : i32
    %dma_wait3A_2043 = tpu.memref_slice %arg43[%dma_wait3A_2041, %dma_wait3A_2042] : memref<16x512xf32, #tpu.memory_space<vmem>> -> memref<1x128xf32, #tpu.memory_space<vmem>>
    %dma_wait3A_2044 = tpu.memref_squeeze %dma_wait3A_2043 : memref<1x128xf32, #tpu.memory_space<vmem>> -> memref<128xf32, #tpu.memory_space<vmem>>
    %dma_wait3A_2045 = arith.constant 0 : i32
    %dma_wait3A_2046 = tpu.memref_slice %arg41[%dma_wait3A_2045] : memref<512xi32, #tpu.memory_space<vmem>> -> memref<128xi32, #tpu.memory_space<vmem>>
    %dma_wait3A_2047 = arith.constant 0 : i32
    %dma_wait3A_2048 = tpu.memref_slice %arg20[%dma_wait3A_2047] : memref<102400xf32, #tpu.memory_space<hbm>> -> memref<102400xf32, #tpu.memory_space<hbm>>
    tpu.wait_indirect_dma semaphore(%arg51 : memref<!tpu.dma_semaphore, #tpu.memory_space<semaphore_mem>>) src(%dma_wait3A_2048 : memref<102400xf32, #tpu.memory_space<hbm>>) dst(%dma_wait3A_2044 : memref<128xf32, #tpu.memory_space<vmem>>)
    %dma_wait3A_2049 = arith.constant 15 : i32
    %dma_wait3A_2050 = arith.constant 128 : i32
    %dma_wait3A_2051 = tpu.memref_slice %arg42[%dma_wait3A_2049, %dma_wait3A_2050] : memref<16x512xf32, #tpu.memory_space<vmem>> -> memref<1x128xf32, #tpu.memory_space<vmem>>
    %dma_wait3A_2052 = tpu.memref_squeeze %dma_wait3A_2051 : memref<1x128xf32, #tpu.memory_space<vmem>> -> memref<128xf32, #tpu.memory_space<vmem>>
    %dma_wait3A_2053 = arith.constant 128 : i32
    %dma_wait3A_2054 = tpu.memref_slice %arg40[%dma_wait3A_2053] : memref<512xi32, #tpu.memory_space<vmem>> -> memref<128xi32, #tpu.memory_space<vmem>>
    %dma_wait3A_2055 = arith.constant 0 : i32
    %dma_wait3A_2056 = tpu.memref_slice %arg37[%dma_wait3A_2055] : memref<1048576xf32, #tpu.memory_space<hbm>> -> memref<1048576xf32, #tpu.memory_space<hbm>>
    tpu.wait_indirect_dma semaphore(%arg51 : memref<!tpu.dma_semaphore, #tpu.memory_space<semaphore_mem>>) src(%dma_wait3A_2056 : memref<1048576xf32, #tpu.memory_space<hbm>>) dst(%dma_wait3A_2052 : memref<128xf32, #tpu.memory_space<vmem>>)
    %dma_wait3A_2057 = arith.constant 15 : i32
    %dma_wait3A_2058 = arith.constant 128 : i32
    %dma_wait3A_2059 = tpu.memref_slice %arg43[%dma_wait3A_2057, %dma_wait3A_2058] : memref<16x512xf32, #tpu.memory_space<vmem>> -> memref<1x128xf32, #tpu.memory_space<vmem>>
    %dma_wait3A_2060 = tpu.memref_squeeze %dma_wait3A_2059 : memref<1x128xf32, #tpu.memory_space<vmem>> -> memref<128xf32, #tpu.memory_space<vmem>>
    %dma_wait3A_2061 = arith.constant 128 : i32
    %dma_wait3A_2062 = tpu.memref_slice %arg41[%dma_wait3A_2061] : memref<512xi32, #tpu.memory_space<vmem>> -> memref<128xi32, #tpu.memory_space<vmem>>
    %dma_wait3A_2063 = arith.constant 0 : i32
    %dma_wait3A_2064 = tpu.memref_slice %arg20[%dma_wait3A_2063] : memref<102400xf32, #tpu.memory_space<hbm>> -> memref<102400xf32, #tpu.memory_space<hbm>>
    tpu.wait_indirect_dma semaphore(%arg51 : memref<!tpu.dma_semaphore, #tpu.memory_space<semaphore_mem>>) src(%dma_wait3A_2064 : memref<102400xf32, #tpu.memory_space<hbm>>) dst(%dma_wait3A_2060 : memref<128xf32, #tpu.memory_space<vmem>>)
    %dma_wait3A_2065 = arith.constant 15 : i32
    %dma_wait3A_2066 = arith.constant 256 : i32
    %dma_wait3A_2067 = tpu.memref_slice %arg42[%dma_wait3A_2065, %dma_wait3A_2066] : memref<16x512xf32, #tpu.memory_space<vmem>> -> memref<1x128xf32, #tpu.memory_space<vmem>>
    %dma_wait3A_2068 = tpu.memref_squeeze %dma_wait3A_2067 : memref<1x128xf32, #tpu.memory_space<vmem>> -> memref<128xf32, #tpu.memory_space<vmem>>
    %dma_wait3A_2069 = arith.constant 256 : i32
    %dma_wait3A_2070 = tpu.memref_slice %arg40[%dma_wait3A_2069] : memref<512xi32, #tpu.memory_space<vmem>> -> memref<128xi32, #tpu.memory_space<vmem>>
    %dma_wait3A_2071 = arith.constant 0 : i32
    %dma_wait3A_2072 = tpu.memref_slice %arg37[%dma_wait3A_2071] : memref<1048576xf32, #tpu.memory_space<hbm>> -> memref<1048576xf32, #tpu.memory_space<hbm>>
    tpu.wait_indirect_dma semaphore(%arg51 : memref<!tpu.dma_semaphore, #tpu.memory_space<semaphore_mem>>) src(%dma_wait3A_2072 : memref<1048576xf32, #tpu.memory_space<hbm>>) dst(%dma_wait3A_2068 : memref<128xf32, #tpu.memory_space<vmem>>)
    %dma_wait3A_2073 = arith.constant 15 : i32
    %dma_wait3A_2074 = arith.constant 256 : i32
    %dma_wait3A_2075 = tpu.memref_slice %arg43[%dma_wait3A_2073, %dma_wait3A_2074] : memref<16x512xf32, #tpu.memory_space<vmem>> -> memref<1x128xf32, #tpu.memory_space<vmem>>
    %dma_wait3A_2076 = tpu.memref_squeeze %dma_wait3A_2075 : memref<1x128xf32, #tpu.memory_space<vmem>> -> memref<128xf32, #tpu.memory_space<vmem>>
    %dma_wait3A_2077 = arith.constant 256 : i32
    %dma_wait3A_2078 = tpu.memref_slice %arg41[%dma_wait3A_2077] : memref<512xi32, #tpu.memory_space<vmem>> -> memref<128xi32, #tpu.memory_space<vmem>>
    %dma_wait3A_2079 = arith.constant 0 : i32
    %dma_wait3A_2080 = tpu.memref_slice %arg20[%dma_wait3A_2079] : memref<102400xf32, #tpu.memory_space<hbm>> -> memref<102400xf32, #tpu.memory_space<hbm>>
    tpu.wait_indirect_dma semaphore(%arg51 : memref<!tpu.dma_semaphore, #tpu.memory_space<semaphore_mem>>) src(%dma_wait3A_2080 : memref<102400xf32, #tpu.memory_space<hbm>>) dst(%dma_wait3A_2076 : memref<128xf32, #tpu.memory_space<vmem>>)
    %dma_wait3A_2081 = arith.constant 15 : i32
    %dma_wait3A_2082 = arith.constant 384 : i32
    %dma_wait3A_2083 = tpu.memref_slice %arg42[%dma_wait3A_2081, %dma_wait3A_2082] : memref<16x512xf32, #tpu.memory_space<vmem>> -> memref<1x128xf32, #tpu.memory_space<vmem>>
    %dma_wait3A_2084 = tpu.memref_squeeze %dma_wait3A_2083 : memref<1x128xf32, #tpu.memory_space<vmem>> -> memref<128xf32, #tpu.memory_space<vmem>>
    %dma_wait3A_2085 = arith.constant 384 : i32
    %dma_wait3A_2086 = tpu.memref_slice %arg40[%dma_wait3A_2085] : memref<512xi32, #tpu.memory_space<vmem>> -> memref<128xi32, #tpu.memory_space<vmem>>
    %dma_wait3A_2087 = arith.constant 0 : i32
    %dma_wait3A_2088 = tpu.memref_slice %arg37[%dma_wait3A_2087] : memref<1048576xf32, #tpu.memory_space<hbm>> -> memref<1048576xf32, #tpu.memory_space<hbm>>
    tpu.wait_indirect_dma semaphore(%arg51 : memref<!tpu.dma_semaphore, #tpu.memory_space<semaphore_mem>>) src(%dma_wait3A_2088 : memref<1048576xf32, #tpu.memory_space<hbm>>) dst(%dma_wait3A_2084 : memref<128xf32, #tpu.memory_space<vmem>>)
    %dma_wait3A_2089 = arith.constant 15 : i32
    %dma_wait3A_2090 = arith.constant 384 : i32
    %dma_wait3A_2091 = tpu.memref_slice %arg43[%dma_wait3A_2089, %dma_wait3A_2090] : memref<16x512xf32, #tpu.memory_space<vmem>> -> memref<1x128xf32, #tpu.memory_space<vmem>>
    %dma_wait3A_2092 = tpu.memref_squeeze %dma_wait3A_2091 : memref<1x128xf32, #tpu.memory_space<vmem>> -> memref<128xf32, #tpu.memory_space<vmem>>
    %dma_wait3A_2093 = arith.constant 384 : i32
    %dma_wait3A_2094 = tpu.memref_slice %arg41[%dma_wait3A_2093] : memref<512xi32, #tpu.memory_space<vmem>> -> memref<128xi32, #tpu.memory_space<vmem>>
    %dma_wait3A_2095 = arith.constant 0 : i32
    %dma_wait3A_2096 = tpu.memref_slice %arg20[%dma_wait3A_2095] : memref<102400xf32, #tpu.memory_space<hbm>> -> memref<102400xf32, #tpu.memory_space<hbm>>
    tpu.wait_indirect_dma semaphore(%arg51 : memref<!tpu.dma_semaphore, #tpu.memory_space<semaphore_mem>>) src(%dma_wait3A_2096 : memref<102400xf32, #tpu.memory_space<hbm>>) dst(%dma_wait3A_2092 : memref<128xf32, #tpu.memory_space<vmem>>)
    %dma_wait3A_2097 = arith.constant 0 : i32
    %dma_wait3A_2098 = tpu.memref_slice %arg44[%dma_wait3A_2097] : memref<512xf32, #tpu.memory_space<vmem>> -> memref<128xf32, #tpu.memory_space<vmem>>
    %dma_wait3A_2099 = arith.constant 0 : i32
    %dma_wait3A_2100 = tpu.memref_slice %arg40[%dma_wait3A_2099] : memref<512xi32, #tpu.memory_space<vmem>> -> memref<128xi32, #tpu.memory_space<vmem>>
    %dma_wait3A_2101 = arith.constant 0 : i32
    %dma_wait3A_2102 = tpu.memref_slice %arg38[%dma_wait3A_2101] : memref<1048576xf32, #tpu.memory_space<hbm>> -> memref<1048576xf32, #tpu.memory_space<hbm>>
    tpu.wait_indirect_dma semaphore(%arg48 : memref<!tpu.dma_semaphore, #tpu.memory_space<semaphore_mem>>) src(%dma_wait3A_2102 : memref<1048576xf32, #tpu.memory_space<hbm>>) dst(%dma_wait3A_2098 : memref<128xf32, #tpu.memory_space<vmem>>)
    %dma_wait3A_2103 = arith.constant 0 : i32
    %dma_wait3A_2104 = tpu.memref_slice %arg45[%dma_wait3A_2103] : memref<512xf32, #tpu.memory_space<vmem>> -> memref<128xf32, #tpu.memory_space<vmem>>
    %dma_wait3A_2105 = arith.constant 0 : i32
    %dma_wait3A_2106 = tpu.memref_slice %arg41[%dma_wait3A_2105] : memref<512xi32, #tpu.memory_space<vmem>> -> memref<128xi32, #tpu.memory_space<vmem>>
    %dma_wait3A_2107 = arith.constant 0 : i32
    %dma_wait3A_2108 = tpu.memref_slice %arg21[%dma_wait3A_2107] : memref<102400xf32, #tpu.memory_space<hbm>> -> memref<102400xf32, #tpu.memory_space<hbm>>
    tpu.wait_indirect_dma semaphore(%arg48 : memref<!tpu.dma_semaphore, #tpu.memory_space<semaphore_mem>>) src(%dma_wait3A_2108 : memref<102400xf32, #tpu.memory_space<hbm>>) dst(%dma_wait3A_2104 : memref<128xf32, #tpu.memory_space<vmem>>)
    %dma_wait3A_2109 = arith.constant 128 : i32
    %dma_wait3A_2110 = tpu.memref_slice %arg44[%dma_wait3A_2109] : memref<512xf32, #tpu.memory_space<vmem>> -> memref<128xf32, #tpu.memory_space<vmem>>
    %dma_wait3A_2111 = arith.constant 128 : i32
    %dma_wait3A_2112 = tpu.memref_slice %arg40[%dma_wait3A_2111] : memref<512xi32, #tpu.memory_space<vmem>> -> memref<128xi32, #tpu.memory_space<vmem>>
    %dma_wait3A_2113 = arith.constant 0 : i32
    %dma_wait3A_2114 = tpu.memref_slice %arg38[%dma_wait3A_2113] : memref<1048576xf32, #tpu.memory_space<hbm>> -> memref<1048576xf32, #tpu.memory_space<hbm>>
    tpu.wait_indirect_dma semaphore(%arg48 : memref<!tpu.dma_semaphore, #tpu.memory_space<semaphore_mem>>) src(%dma_wait3A_2114 : memref<1048576xf32, #tpu.memory_space<hbm>>) dst(%dma_wait3A_2110 : memref<128xf32, #tpu.memory_space<vmem>>)
    %dma_wait3A_2115 = arith.constant 128 : i32
    %dma_wait3A_2116 = tpu.memref_slice %arg45[%dma_wait3A_2115] : memref<512xf32, #tpu.memory_space<vmem>> -> memref<128xf32, #tpu.memory_space<vmem>>
    %dma_wait3A_2117 = arith.constant 128 : i32
    %dma_wait3A_2118 = tpu.memref_slice %arg41[%dma_wait3A_2117] : memref<512xi32, #tpu.memory_space<vmem>> -> memref<128xi32, #tpu.memory_space<vmem>>
    %dma_wait3A_2119 = arith.constant 0 : i32
    %dma_wait3A_2120 = tpu.memref_slice %arg21[%dma_wait3A_2119] : memref<102400xf32, #tpu.memory_space<hbm>> -> memref<102400xf32, #tpu.memory_space<hbm>>
    tpu.wait_indirect_dma semaphore(%arg48 : memref<!tpu.dma_semaphore, #tpu.memory_space<semaphore_mem>>) src(%dma_wait3A_2120 : memref<102400xf32, #tpu.memory_space<hbm>>) dst(%dma_wait3A_2116 : memref<128xf32, #tpu.memory_space<vmem>>)
    %dma_wait3A_2121 = arith.constant 256 : i32
    %dma_wait3A_2122 = tpu.memref_slice %arg44[%dma_wait3A_2121] : memref<512xf32, #tpu.memory_space<vmem>> -> memref<128xf32, #tpu.memory_space<vmem>>
    %dma_wait3A_2123 = arith.constant 256 : i32
    %dma_wait3A_2124 = tpu.memref_slice %arg40[%dma_wait3A_2123] : memref<512xi32, #tpu.memory_space<vmem>> -> memref<128xi32, #tpu.memory_space<vmem>>
    %dma_wait3A_2125 = arith.constant 0 : i32
    %dma_wait3A_2126 = tpu.memref_slice %arg38[%dma_wait3A_2125] : memref<1048576xf32, #tpu.memory_space<hbm>> -> memref<1048576xf32, #tpu.memory_space<hbm>>
    tpu.wait_indirect_dma semaphore(%arg48 : memref<!tpu.dma_semaphore, #tpu.memory_space<semaphore_mem>>) src(%dma_wait3A_2126 : memref<1048576xf32, #tpu.memory_space<hbm>>) dst(%dma_wait3A_2122 : memref<128xf32, #tpu.memory_space<vmem>>)
    %dma_wait3A_2127 = arith.constant 256 : i32
    %dma_wait3A_2128 = tpu.memref_slice %arg45[%dma_wait3A_2127] : memref<512xf32, #tpu.memory_space<vmem>> -> memref<128xf32, #tpu.memory_space<vmem>>
    %dma_wait3A_2129 = arith.constant 256 : i32
    %dma_wait3A_2130 = tpu.memref_slice %arg41[%dma_wait3A_2129] : memref<512xi32, #tpu.memory_space<vmem>> -> memref<128xi32, #tpu.memory_space<vmem>>
    %dma_wait3A_2131 = arith.constant 0 : i32
    %dma_wait3A_2132 = tpu.memref_slice %arg21[%dma_wait3A_2131] : memref<102400xf32, #tpu.memory_space<hbm>> -> memref<102400xf32, #tpu.memory_space<hbm>>
    tpu.wait_indirect_dma semaphore(%arg48 : memref<!tpu.dma_semaphore, #tpu.memory_space<semaphore_mem>>) src(%dma_wait3A_2132 : memref<102400xf32, #tpu.memory_space<hbm>>) dst(%dma_wait3A_2128 : memref<128xf32, #tpu.memory_space<vmem>>)
    %dma_wait3A_2133 = arith.constant 384 : i32
    %dma_wait3A_2134 = tpu.memref_slice %arg44[%dma_wait3A_2133] : memref<512xf32, #tpu.memory_space<vmem>> -> memref<128xf32, #tpu.memory_space<vmem>>
    %dma_wait3A_2135 = arith.constant 384 : i32
    %dma_wait3A_2136 = tpu.memref_slice %arg40[%dma_wait3A_2135] : memref<512xi32, #tpu.memory_space<vmem>> -> memref<128xi32, #tpu.memory_space<vmem>>
    %dma_wait3A_2137 = arith.constant 0 : i32
    %dma_wait3A_2138 = tpu.memref_slice %arg38[%dma_wait3A_2137] : memref<1048576xf32, #tpu.memory_space<hbm>> -> memref<1048576xf32, #tpu.memory_space<hbm>>
    tpu.wait_indirect_dma semaphore(%arg48 : memref<!tpu.dma_semaphore, #tpu.memory_space<semaphore_mem>>) src(%dma_wait3A_2138 : memref<1048576xf32, #tpu.memory_space<hbm>>) dst(%dma_wait3A_2134 : memref<128xf32, #tpu.memory_space<vmem>>)
    %dma_wait3A_2139 = arith.constant 384 : i32
    %dma_wait3A_2140 = tpu.memref_slice %arg45[%dma_wait3A_2139] : memref<512xf32, #tpu.memory_space<vmem>> -> memref<128xf32, #tpu.memory_space<vmem>>
    %dma_wait3A_2141 = arith.constant 384 : i32
    %dma_wait3A_2142 = tpu.memref_slice %arg41[%dma_wait3A_2141] : memref<512xi32, #tpu.memory_space<vmem>> -> memref<128xi32, #tpu.memory_space<vmem>>
    %dma_wait3A_2143 = arith.constant 0 : i32
    %dma_wait3A_2144 = tpu.memref_slice %arg21[%dma_wait3A_2143] : memref<102400xf32, #tpu.memory_space<hbm>> -> memref<102400xf32, #tpu.memory_space<hbm>>
    tpu.wait_indirect_dma semaphore(%arg48 : memref<!tpu.dma_semaphore, #tpu.memory_space<semaphore_mem>>) src(%dma_wait3A_2144 : memref<102400xf32, #tpu.memory_space<hbm>>) dst(%dma_wait3A_2140 : memref<128xf32, #tpu.memory_space<vmem>>)
    %get3A = arith.constant 0 : index
    %get3A_2145 = tpu.vector_load %arg46[%get3A] {strides = array<i32>} : memref<16xf32, #tpu.memory_space<vmem>>, vector<16xf32>,
    %scan3A = arith.constant 0 : i32
    %scan3A_2146 = arith.constant 0 : i32
    %scan3A_2147 = arith.constant 32 : i32
    %scan3A_2148 = arith.addi %scan3A_2146, %scan3A_2147 : i32
    %scan3A_2149 = arith.constant 1 : i32
    %scan3A_2150 = scf.for %scan3A_2152 = %scan3A_2146 to %scan3A_2148 step %scan3A_2149 iter_args(%scan3A_2153 = %scan3A) -> (i32)  : i32 {
      %mul3A_2154 = arith.constant 16 : i32
      %mul3A_2155 = arith.muli %scan3A_2152, %mul3A_2154 : i32
      %get3A_2156 = arith.constant 0 : i32
      %get3A_2157 = arith.index_cast %get3A_2156 : i32 to index
      %get3A_2158 = arith.index_cast %mul3A_2155 : i32 to index
      %get3A_2159 = tpu.vector_load %arg42[%get3A_2157, %get3A_2158] {strides = array<i32>} : memref<16x512xf32, #tpu.memory_space<vmem>>, vector<16xf32>,
      %get3A_2160 = arith.constant 0 : i32
      %get3A_2161 = arith.index_cast %get3A_2160 : i32 to index
      %get3A_2162 = arith.index_cast %mul3A_2155 : i32 to index
      %get3A_2163 = tpu.vector_load %arg43[%get3A_2161, %get3A_2162] {strides = array<i32>} : memref<16x512xf32, #tpu.memory_space<vmem>>, vector<16xf32>,
      %mul3A_2164 = arith.mulf %get3A_2159, %get3A_2163 : vector<16xf32>
      %get3A_2165 = arith.constant 1 : i32
      %get3A_2166 = arith.index_cast %get3A_2165 : i32 to index
      %get3A_2167 = arith.index_cast %mul3A_2155 : i32 to index
      %get3A_2168 = tpu.vector_load %arg42[%get3A_2166, %get3A_2167] {strides = array<i32>} : memref<16x512xf32, #tpu.memory_space<vmem>>, vector<16xf32>,
      %get3A_2169 = arith.constant 1 : i32
      %get3A_2170 = arith.index_cast %get3A_2169 : i32 to index
      %get3A_2171 = arith.index_cast %mul3A_2155 : i32 to index
      %get3A_2172 = tpu.vector_load %arg43[%get3A_2170, %get3A_2171] {strides = array<i32>} : memref<16x512xf32, #tpu.memory_space<vmem>>, vector<16xf32>,
      %mul3A_2173 = arith.mulf %get3A_2168, %get3A_2172 : vector<16xf32>
      %add3A_2174 = arith.addf %mul3A_2164, %mul3A_2173 : vector<16xf32>
      %get3A_2175 = arith.constant 2 : i32
      %get3A_2176 = arith.index_cast %get3A_2175 : i32 to index
      %get3A_2177 = arith.index_cast %mul3A_2155 : i32 to index
      %get3A_2178 = tpu.vector_load %arg42[%get3A_2176, %get3A_2177] {strides = array<i32>} : memref<16x512xf32, #tpu.memory_space<vmem>>, vector<16xf32>,
      %get3A_2179 = arith.constant 2 : i32
      %get3A_2180 = arith.index_cast %get3A_2179 : i32 to index
      %get3A_2181 = arith.index_cast %mul3A_2155 : i32 to index
      %get3A_2182 = tpu.vector_load %arg43[%get3A_2180, %get3A_2181] {strides = array<i32>} : memref<16x512xf32, #tpu.memory_space<vmem>>, vector<16xf32>,
      %mul3A_2183 = arith.mulf %get3A_2178, %get3A_2182 : vector<16xf32>
      %add3A_2184 = arith.addf %add3A_2174, %mul3A_2183 : vector<16xf32>
      %get3A_2185 = arith.constant 3 : i32
      %get3A_2186 = arith.index_cast %get3A_2185 : i32 to index
      %get3A_2187 = arith.index_cast %mul3A_2155 : i32 to index
      %get3A_2188 = tpu.vector_load %arg42[%get3A_2186, %get3A_2187] {strides = array<i32>} : memref<16x512xf32, #tpu.memory_space<vmem>>, vector<16xf32>,
      %get3A_2189 = arith.constant 3 : i32
      %get3A_2190 = arith.index_cast %get3A_2189 : i32 to index
      %get3A_2191 = arith.index_cast %mul3A_2155 : i32 to index
      %get3A_2192 = tpu.vector_load %arg43[%get3A_2190, %get3A_2191] {strides = array<i32>} : memref<16x512xf32, #tpu.memory_space<vmem>>, vector<16xf32>,
      %mul3A_2193 = arith.mulf %get3A_2188, %get3A_2192 : vector<16xf32>
      %add3A_2194 = arith.addf %add3A_2184, %mul3A_2193 : vector<16xf32>
      %get3A_2195 = arith.constant 4 : i32
      %get3A_2196 = arith.index_cast %get3A_2195 : i32 to index
      %get3A_2197 = arith.index_cast %mul3A_2155 : i32 to index
      %get3A_2198 = tpu.vector_load %arg42[%get3A_2196, %get3A_2197] {strides = array<i32>} : memref<16x512xf32, #tpu.memory_space<vmem>>, vector<16xf32>,
      %get3A_2199 = arith.constant 4 : i32
      %get3A_2200 = arith.index_cast %get3A_2199 : i32 to index
      %get3A_2201 = arith.index_cast %mul3A_2155 : i32 to index
      %get3A_2202 = tpu.vector_load %arg43[%get3A_2200, %get3A_2201] {strides = array<i32>} : memref<16x512xf32, #tpu.memory_space<vmem>>, vector<16xf32>,
      %mul3A_2203 = arith.mulf %get3A_2198, %get3A_2202 : vector<16xf32>
      %add3A_2204 = arith.addf %add3A_2194, %mul3A_2203 : vector<16xf32>
      %get3A_2205 = arith.constant 5 : i32
      %get3A_2206 = arith.index_cast %get3A_2205 : i32 to index
      %get3A_2207 = arith.index_cast %mul3A_2155 : i32 to index
      %get3A_2208 = tpu.vector_load %arg42[%get3A_2206, %get3A_2207] {strides = array<i32>} : memref<16x512xf32, #tpu.memory_space<vmem>>, vector<16xf32>,
      %get3A_2209 = arith.constant 5 : i32
      %get3A_2210 = arith.index_cast %get3A_2209 : i32 to index
      %get3A_2211 = arith.index_cast %mul3A_2155 : i32 to index
      %get3A_2212 = tpu.vector_load %arg43[%get3A_2210, %get3A_2211] {strides = array<i32>} : memref<16x512xf32, #tpu.memory_space<vmem>>, vector<16xf32>,
      %mul3A_2213 = arith.mulf %get3A_2208, %get3A_2212 : vector<16xf32>
      %add3A_2214 = arith.addf %add3A_2204, %mul3A_2213 : vector<16xf32>
      %get3A_2215 = arith.constant 6 : i32
      %get3A_2216 = arith.index_cast %get3A_2215 : i32 to index
      %get3A_2217 = arith.index_cast %mul3A_2155 : i32 to index
      %get3A_2218 = tpu.vector_load %arg42[%get3A_2216, %get3A_2217] {strides = array<i32>} : memref<16x512xf32, #tpu.memory_space<vmem>>, vector<16xf32>,
      %get3A_2219 = arith.constant 6 : i32
      %get3A_2220 = arith.index_cast %get3A_2219 : i32 to index
      %get3A_2221 = arith.index_cast %mul3A_2155 : i32 to index
      %get3A_2222 = tpu.vector_load %arg43[%get3A_2220, %get3A_2221] {strides = array<i32>} : memref<16x512xf32, #tpu.memory_space<vmem>>, vector<16xf32>,
      %mul3A_2223 = arith.mulf %get3A_2218, %get3A_2222 : vector<16xf32>
      %add3A_2224 = arith.addf %add3A_2214, %mul3A_2223 : vector<16xf32>
      %get3A_2225 = arith.constant 7 : i32
      %get3A_2226 = arith.index_cast %get3A_2225 : i32 to index
      %get3A_2227 = arith.index_cast %mul3A_2155 : i32 to index
      %get3A_2228 = tpu.vector_load %arg42[%get3A_2226, %get3A_2227] {strides = array<i32>} : memref<16x512xf32, #tpu.memory_space<vmem>>, vector<16xf32>,
      %get3A_2229 = arith.constant 7 : i32
      %get3A_2230 = arith.index_cast %get3A_2229 : i32 to index
      %get3A_2231 = arith.index_cast %mul3A_2155 : i32 to index
      %get3A_2232 = tpu.vector_load %arg43[%get3A_2230, %get3A_2231] {strides = array<i32>} : memref<16x512xf32, #tpu.memory_space<vmem>>, vector<16xf32>,
      %mul3A_2233 = arith.mulf %get3A_2228, %get3A_2232 : vector<16xf32>
      %add3A_2234 = arith.addf %add3A_2224, %mul3A_2233 : vector<16xf32>
      %get3A_2235 = arith.constant 8 : i32
      %get3A_2236 = arith.index_cast %get3A_2235 : i32 to index
      %get3A_2237 = arith.index_cast %mul3A_2155 : i32 to index
      %get3A_2238 = tpu.vector_load %arg42[%get3A_2236, %get3A_2237] {strides = array<i32>} : memref<16x512xf32, #tpu.memory_space<vmem>>, vector<16xf32>,
      %get3A_2239 = arith.constant 8 : i32
      %get3A_2240 = arith.index_cast %get3A_2239 : i32 to index
      %get3A_2241 = arith.index_cast %mul3A_2155 : i32 to index
      %get3A_2242 = tpu.vector_load %arg43[%get3A_2240, %get3A_2241] {strides = array<i32>} : memref<16x512xf32, #tpu.memory_space<vmem>>, vector<16xf32>,
      %mul3A_2243 = arith.mulf %get3A_2238, %get3A_2242 : vector<16xf32>
      %add3A_2244 = arith.addf %add3A_2234, %mul3A_2243 : vector<16xf32>
      %get3A_2245 = arith.constant 9 : i32
      %get3A_2246 = arith.index_cast %get3A_2245 : i32 to index
      %get3A_2247 = arith.index_cast %mul3A_2155 : i32 to index
      %get3A_2248 = tpu.vector_load %arg42[%get3A_2246, %get3A_2247] {strides = array<i32>} : memref<16x512xf32, #tpu.memory_space<vmem>>, vector<16xf32>,
      %get3A_2249 = arith.constant 9 : i32
      %get3A_2250 = arith.index_cast %get3A_2249 : i32 to index
      %get3A_2251 = arith.index_cast %mul3A_2155 : i32 to index
      %get3A_2252 = tpu.vector_load %arg43[%get3A_2250, %get3A_2251] {strides = array<i32>} : memref<16x512xf32, #tpu.memory_space<vmem>>, vector<16xf32>,
      %mul3A_2253 = arith.mulf %get3A_2248, %get3A_2252 : vector<16xf32>
      %add3A_2254 = arith.addf %add3A_2244, %mul3A_2253 : vector<16xf32>
      %get3A_2255 = arith.constant 10 : i32
      %get3A_2256 = arith.index_cast %get3A_2255 : i32 to index
      %get3A_2257 = arith.index_cast %mul3A_2155 : i32 to index
      %get3A_2258 = tpu.vector_load %arg42[%get3A_2256, %get3A_2257] {strides = array<i32>} : memref<16x512xf32, #tpu.memory_space<vmem>>, vector<16xf32>,
      %get3A_2259 = arith.constant 10 : i32
      %get3A_2260 = arith.index_cast %get3A_2259 : i32 to index
      %get3A_2261 = arith.index_cast %mul3A_2155 : i32 to index
      %get3A_2262 = tpu.vector_load %arg43[%get3A_2260, %get3A_2261] {strides = array<i32>} : memref<16x512xf32, #tpu.memory_space<vmem>>, vector<16xf32>,
      %mul3A_2263 = arith.mulf %get3A_2258, %get3A_2262 : vector<16xf32>
      %add3A_2264 = arith.addf %add3A_2254, %mul3A_2263 : vector<16xf32>
      %get3A_2265 = arith.constant 11 : i32
      %get3A_2266 = arith.index_cast %get3A_2265 : i32 to index
      %get3A_2267 = arith.index_cast %mul3A_2155 : i32 to index
      %get3A_2268 = tpu.vector_load %arg42[%get3A_2266, %get3A_2267] {strides = array<i32>} : memref<16x512xf32, #tpu.memory_space<vmem>>, vector<16xf32>,
      %get3A_2269 = arith.constant 11 : i32
      %get3A_2270 = arith.index_cast %get3A_2269 : i32 to index
      %get3A_2271 = arith.index_cast %mul3A_2155 : i32 to index
      %get3A_2272 = tpu.vector_load %arg43[%get3A_2270, %get3A_2271] {strides = array<i32>} : memref<16x512xf32, #tpu.memory_space<vmem>>, vector<16xf32>,
      %mul3A_2273 = arith.mulf %get3A_2268, %get3A_2272 : vector<16xf32>
      %add3A_2274 = arith.addf %add3A_2264, %mul3A_2273 : vector<16xf32>
      %get3A_2275 = arith.constant 12 : i32
      %get3A_2276 = arith.index_cast %get3A_2275 : i32 to index
      %get3A_2277 = arith.index_cast %mul3A_2155 : i32 to index
      %get3A_2278 = tpu.vector_load %arg42[%get3A_2276, %get3A_2277] {strides = array<i32>} : memref<16x512xf32, #tpu.memory_space<vmem>>, vector<16xf32>,
      %get3A_2279 = arith.constant 12 : i32
      %get3A_2280 = arith.index_cast %get3A_2279 : i32 to index
      %get3A_2281 = arith.index_cast %mul3A_2155 : i32 to index
      %get3A_2282 = tpu.vector_load %arg43[%get3A_2280, %get3A_2281] {strides = array<i32>} : memref<16x512xf32, #tpu.memory_space<vmem>>, vector<16xf32>,
      %mul3A_2283 = arith.mulf %get3A_2278, %get3A_2282 : vector<16xf32>
      %add3A_2284 = arith.addf %add3A_2274, %mul3A_2283 : vector<16xf32>
      %get3A_2285 = arith.constant 13 : i32
      %get3A_2286 = arith.index_cast %get3A_2285 : i32 to index
      %get3A_2287 = arith.index_cast %mul3A_2155 : i32 to index
      %get3A_2288 = tpu.vector_load %arg42[%get3A_2286, %get3A_2287] {strides = array<i32>} : memref<16x512xf32, #tpu.memory_space<vmem>>, vector<16xf32>,
      %get3A_2289 = arith.constant 13 : i32
      %get3A_2290 = arith.index_cast %get3A_2289 : i32 to index
      %get3A_2291 = arith.index_cast %mul3A_2155 : i32 to index
      %get3A_2292 = tpu.vector_load %arg43[%get3A_2290, %get3A_2291] {strides = array<i32>} : memref<16x512xf32, #tpu.memory_space<vmem>>, vector<16xf32>,
      %mul3A_2293 = arith.mulf %get3A_2288, %get3A_2292 : vector<16xf32>
      %add3A_2294 = arith.addf %add3A_2284, %mul3A_2293 : vector<16xf32>
      %get3A_2295 = arith.constant 14 : i32
      %get3A_2296 = arith.index_cast %get3A_2295 : i32 to index
      %get3A_2297 = arith.index_cast %mul3A_2155 : i32 to index
      %get3A_2298 = tpu.vector_load %arg42[%get3A_2296, %get3A_2297] {strides = array<i32>} : memref<16x512xf32, #tpu.memory_space<vmem>>, vector<16xf32>,
      %get3A_2299 = arith.constant 14 : i32
      %get3A_2300 = arith.index_cast %get3A_2299 : i32 to index
      %get3A_2301 = arith.index_cast %mul3A_2155 : i32 to index
      %get3A_2302 = tpu.vector_load %arg43[%get3A_2300, %get3A_2301] {strides = array<i32>} : memref<16x512xf32, #tpu.memory_space<vmem>>, vector<16xf32>,
      %mul3A_2303 = arith.mulf %get3A_2298, %get3A_2302 : vector<16xf32>
      %add3A_2304 = arith.addf %add3A_2294, %mul3A_2303 : vector<16xf32>
      %get3A_2305 = arith.constant 15 : i32
      %get3A_2306 = arith.index_cast %get3A_2305 : i32 to index
      %get3A_2307 = arith.index_cast %mul3A_2155 : i32 to index
      %get3A_2308 = tpu.vector_load %arg42[%get3A_2306, %get3A_2307] {strides = array<i32>} : memref<16x512xf32, #tpu.memory_space<vmem>>, vector<16xf32>,
      %get3A_2309 = arith.constant 15 : i32
      %get3A_2310 = arith.index_cast %get3A_2309 : i32 to index
      %get3A_2311 = arith.index_cast %mul3A_2155 : i32 to index
      %get3A_2312 = tpu.vector_load %arg43[%get3A_2310, %get3A_2311] {strides = array<i32>} : memref<16x512xf32, #tpu.memory_space<vmem>>, vector<16xf32>,
      %mul3A_2313 = arith.mulf %get3A_2308, %get3A_2312 : vector<16xf32>
      %add3A_2314 = arith.addf %add3A_2304, %mul3A_2313 : vector<16xf32>
      %get3A_2315 = arith.index_cast %mul3A_2155 : i32 to index
      %get3A_2316 = tpu.vector_load %arg44[%get3A_2315] {strides = array<i32>} : memref<512xf32, #tpu.memory_space<vmem>>, vector<16xf32>,
      %add3A_2317 = arith.addf %get3A_2145, %get3A_2316 : vector<16xf32>
      %get3A_2318 = arith.index_cast %mul3A_2155 : i32 to index
      %get3A_2319 = tpu.vector_load %arg45[%get3A_2318] {strides = array<i32>} : memref<512xf32, #tpu.memory_space<vmem>>, vector<16xf32>,
      %add3A_2320 = arith.addf %add3A_2317, %get3A_2319 : vector<16xf32>
      %add3A_2321 = arith.addf %add3A_2320, %add3A_2314 : vector<16xf32>
      %neg3A = arith.constant 0.000000e+00 : f32
      %neg3A_2322 = vector.broadcast %neg3A : f32 to vector<16xf32>
      %neg3A_2323 = arith.subf %neg3A_2322, %add3A_2321 : vector<16xf32>
      %exp3A = math.exp %neg3A_2323 : vector<16xf32>
      %add3A_2324 = arith.constant 1.000000e+00 : f32
      %add3A_2325 = vector.broadcast %add3A_2324 : f32 to vector<16xf32>
      %add3A_2326 = arith.addf %add3A_2325, %exp3A : vector<16xf32>
      %div3A = arith.constant 1.000000e+00 : f32
      %div3A_2327 = vector.broadcast %div3A : f32 to vector<16xf32>
      %div3A_2328 = arith.divf %div3A_2327, %add3A_2326 : vector<16xf32>
      %swap3A = arith.index_cast %mul3A_2155 : i32 to index
      %swap3A_2329 = tpu.vector_load %arg47[%swap3A] {strides = array<i32>} : memref<512xf32, #tpu.memory_space<vmem>>, vector<16xf32>,
      tpu.vector_store %arg47[%swap3A], %div3A_2328 {strides = array<i32>} : memref<512xf32, #tpu.memory_space<vmem>>, vector<16xf32>,
      %scan3A_2330 = arith.constant 0 : i32
      scf.yield %scan3A_2330 : i32
    }
    %scan3A_2151 = arith.constant 32 : i32
    "tpu.region"() ({
      %run_scoped3A = tpu.sem_alloc : memref<!tpu.dma_semaphore, #tpu.memory_space<semaphore_mem>>
      %dma_start3A_2152 = tpu.memref_slice %arg39[%mul3A_2] : memref<16384xf32, #tpu.memory_space<hbm>> -> memref<512xf32, #tpu.memory_space<hbm>>
      %dma_start3A_2153 = tpu.memref_slice %arg39[%mul3A_2] : memref<16384xf32, #tpu.memory_space<hbm>> -> memref<512xf32, #tpu.memory_space<hbm>>
      tpu.enqueue_dma source(%arg47 : memref<512xf32, #tpu.memory_space<vmem>>) target(%dma_start3A_2153 : memref<512xf32, #tpu.memory_space<hbm>>) target_semaphore(%run_scoped3A : memref<!tpu.dma_semaphore, #tpu.memory_space<semaphore_mem>>)
      %dma_wait3A_2154 = tpu.memref_slice %arg39[%mul3A_2] : memref<16384xf32, #tpu.memory_space<hbm>> -> memref<512xf32, #tpu.memory_space<hbm>>
      %dma_wait3A_2155 = tpu.memref_slice %arg39[%mul3A_2] : memref<16384xf32, #tpu.memory_space<hbm>> -> memref<512xf32, #tpu.memory_space<hbm>>
      tpu.wait_dma2 semaphore(%run_scoped3A : memref<!tpu.dma_semaphore, #tpu.memory_space<semaphore_mem>>) src(%arg47 : memref<512xf32, #tpu.memory_space<vmem>>) dst(%dma_wait3A_2155 : memref<512xf32, #tpu.memory_space<hbm>>)
      tpu.yield
    }) : () -> ()
    return
  }
}

module attributes {stable_mosaic.version = 14 : i64} {
  func.func @_split_body(%arg0: i32, %arg1: memref<16x131072xf32, #tpu.memory_space<vmem>>, %arg2: memref<1x131072xf32, #tpu.memory_space<vmem>>, %arg3: memref<131072xf32, #tpu.memory_space<vmem>>, %arg4: memref<131072xf32, #tpu.memory_space<vmem>>, %arg5: memref<131072xf32, #tpu.memory_space<vmem>>, %arg6: memref<131072xf32, #tpu.memory_space<vmem>>, %arg7: memref<131072xf32, #tpu.memory_space<vmem>>, %arg8: memref<131072xf32, #tpu.memory_space<vmem>>, %arg9: memref<131072xf32, #tpu.memory_space<vmem>>, %arg10: memref<131072xf32, #tpu.memory_space<vmem>>, %arg11: memref<131072xf32, #tpu.memory_space<vmem>>, %arg12: memref<131072xf32, #tpu.memory_space<vmem>>, %arg13: memref<131072xf32, #tpu.memory_space<vmem>>, %arg14: memref<131072xf32, #tpu.memory_space<vmem>>, %arg15: memref<131072xf32, #tpu.memory_space<vmem>>, %arg16: memref<131072xf32, #tpu.memory_space<vmem>>, %arg17: memref<131072xf32, #tpu.memory_space<vmem>>, %arg18: memref<131072xf32, #tpu.memory_space<vmem>>, %arg19: memref<131072xf32, #tpu.memory_space<vmem>>) attributes {dimension_semantics = [#tpu.dimension_semantics<arbitrary>], iteration_bounds = array<i64: 8>, scalar_prefetch = 0 : i64, scratch_operands = 0 : i64, tpu.core_type = #tpu.core_type<tc>, window_params = [{transform_indices = @transform_0, window_bounds = array<i64: 16, 131072>}, {transform_indices = @transform_1, window_bounds = array<i64: 1, 131072>}, {transform_indices = @transform_2, window_bounds = array<i64: 131072>}, {transform_indices = @transform_3, window_bounds = array<i64: 131072>}, {transform_indices = @transform_4, window_bounds = array<i64: 131072>}, {transform_indices = @transform_5, window_bounds = array<i64: 131072>}, {transform_indices = @transform_6, window_bounds = array<i64: 131072>}, {transform_indices = @transform_7, window_bounds = array<i64: 131072>}, {transform_indices = @transform_8, window_bounds = array<i64: 131072>}, {transform_indices = @transform_9, window_bounds = array<i64: 131072>}, {transform_indices = @transform_10, window_bounds = array<i64: 131072>}, {transform_indices = @transform_11, window_bounds = array<i64: 131072>}, {transform_indices = @transform_12, window_bounds = array<i64: 131072>}, {transform_indices = @transform_13, window_bounds = array<i64: 131072>}, {transform_indices = @transform_14, window_bounds = array<i64: 131072>}, {transform_indices = @transform_15, window_bounds = array<i64: 131072>}, {transform_indices = @transform_16, window_bounds = array<i64: 131072>}, {transform_indices = @transform_17, window_bounds = array<i64: 131072>}, {transform_indices = @transform_18, window_bounds = array<i64: 131072>}]} {
    %get3A = arith.constant 0 : index
    %get3A_0 = arith.constant 0 : index
    %get3A_1 = vector.load %arg1[%get3A, %get3A_0] : memref<16x131072xf32, #tpu.memory_space<vmem>>, vector<1x131072xf32>
    %get3A_2 = vector.shape_cast %get3A_1 : vector<1x131072xf32> to vector<131072xf32>
    %swap3A = arith.constant 0 : index
    %swap3A_3 = vector.load %arg3[%swap3A] : memref<131072xf32, #tpu.memory_space<vmem>>, vector<131072xf32>
    tpu.vector_store %arg3[%swap3A], %get3A_2 {strides = array<i32>} : memref<131072xf32, #tpu.memory_space<vmem>>, vector<131072xf32>,
    %get3A_4 = arith.constant 1 : index
    %get3A_5 = arith.constant 0 : index
    %get3A_6 = vector.load %arg1[%get3A_4, %get3A_5] : memref<16x131072xf32, #tpu.memory_space<vmem>>, vector<1x131072xf32>
    %get3A_7 = vector.shape_cast %get3A_6 : vector<1x131072xf32> to vector<131072xf32>
    %swap3A_8 = arith.constant 0 : index
    %swap3A_9 = vector.load %arg4[%swap3A_8] : memref<131072xf32, #tpu.memory_space<vmem>>, vector<131072xf32>
    tpu.vector_store %arg4[%swap3A_8], %get3A_7 {strides = array<i32>} : memref<131072xf32, #tpu.memory_space<vmem>>, vector<131072xf32>,
    %get3A_10 = arith.constant 2 : index
    %get3A_11 = arith.constant 0 : index
    %get3A_12 = vector.load %arg1[%get3A_10, %get3A_11] : memref<16x131072xf32, #tpu.memory_space<vmem>>, vector<1x131072xf32>
    %get3A_13 = vector.shape_cast %get3A_12 : vector<1x131072xf32> to vector<131072xf32>
    %swap3A_14 = arith.constant 0 : index
    %swap3A_15 = vector.load %arg5[%swap3A_14] : memref<131072xf32, #tpu.memory_space<vmem>>, vector<131072xf32>
    tpu.vector_store %arg5[%swap3A_14], %get3A_13 {strides = array<i32>} : memref<131072xf32, #tpu.memory_space<vmem>>, vector<131072xf32>,
    %get3A_16 = arith.constant 3 : index
    %get3A_17 = arith.constant 0 : index
    %get3A_18 = vector.load %arg1[%get3A_16, %get3A_17] : memref<16x131072xf32, #tpu.memory_space<vmem>>, vector<1x131072xf32>
    %get3A_19 = vector.shape_cast %get3A_18 : vector<1x131072xf32> to vector<131072xf32>
    %swap3A_20 = arith.constant 0 : index
    %swap3A_21 = vector.load %arg6[%swap3A_20] : memref<131072xf32, #tpu.memory_space<vmem>>, vector<131072xf32>
    tpu.vector_store %arg6[%swap3A_20], %get3A_19 {strides = array<i32>} : memref<131072xf32, #tpu.memory_space<vmem>>, vector<131072xf32>,
    %get3A_22 = arith.constant 4 : index
    %get3A_23 = arith.constant 0 : index
    %get3A_24 = vector.load %arg1[%get3A_22, %get3A_23] : memref<16x131072xf32, #tpu.memory_space<vmem>>, vector<1x131072xf32>
    %get3A_25 = vector.shape_cast %get3A_24 : vector<1x131072xf32> to vector<131072xf32>
    %swap3A_26 = arith.constant 0 : index
    %swap3A_27 = vector.load %arg7[%swap3A_26] : memref<131072xf32, #tpu.memory_space<vmem>>, vector<131072xf32>
    tpu.vector_store %arg7[%swap3A_26], %get3A_25 {strides = array<i32>} : memref<131072xf32, #tpu.memory_space<vmem>>, vector<131072xf32>,
    %get3A_28 = arith.constant 5 : index
    %get3A_29 = arith.constant 0 : index
    %get3A_30 = vector.load %arg1[%get3A_28, %get3A_29] : memref<16x131072xf32, #tpu.memory_space<vmem>>, vector<1x131072xf32>
    %get3A_31 = vector.shape_cast %get3A_30 : vector<1x131072xf32> to vector<131072xf32>
    %swap3A_32 = arith.constant 0 : index
    %swap3A_33 = vector.load %arg8[%swap3A_32] : memref<131072xf32, #tpu.memory_space<vmem>>, vector<131072xf32>
    tpu.vector_store %arg8[%swap3A_32], %get3A_31 {strides = array<i32>} : memref<131072xf32, #tpu.memory_space<vmem>>, vector<131072xf32>,
    %get3A_34 = arith.constant 6 : index
    %get3A_35 = arith.constant 0 : index
    %get3A_36 = vector.load %arg1[%get3A_34, %get3A_35] : memref<16x131072xf32, #tpu.memory_space<vmem>>, vector<1x131072xf32>
    %get3A_37 = vector.shape_cast %get3A_36 : vector<1x131072xf32> to vector<131072xf32>
    %swap3A_38 = arith.constant 0 : index
    %swap3A_39 = vector.load %arg9[%swap3A_38] : memref<131072xf32, #tpu.memory_space<vmem>>, vector<131072xf32>
    tpu.vector_store %arg9[%swap3A_38], %get3A_37 {strides = array<i32>} : memref<131072xf32, #tpu.memory_space<vmem>>, vector<131072xf32>,
    %get3A_40 = arith.constant 7 : index
    %get3A_41 = arith.constant 0 : index
    %get3A_42 = vector.load %arg1[%get3A_40, %get3A_41] : memref<16x131072xf32, #tpu.memory_space<vmem>>, vector<1x131072xf32>
    %get3A_43 = vector.shape_cast %get3A_42 : vector<1x131072xf32> to vector<131072xf32>
    %swap3A_44 = arith.constant 0 : index
    %swap3A_45 = vector.load %arg10[%swap3A_44] : memref<131072xf32, #tpu.memory_space<vmem>>, vector<131072xf32>
    tpu.vector_store %arg10[%swap3A_44], %get3A_43 {strides = array<i32>} : memref<131072xf32, #tpu.memory_space<vmem>>, vector<131072xf32>,
    %get3A_46 = arith.constant 8 : index
    %get3A_47 = arith.constant 0 : index
    %get3A_48 = vector.load %arg1[%get3A_46, %get3A_47] : memref<16x131072xf32, #tpu.memory_space<vmem>>, vector<1x131072xf32>
    %get3A_49 = vector.shape_cast %get3A_48 : vector<1x131072xf32> to vector<131072xf32>
    %swap3A_50 = arith.constant 0 : index
    %swap3A_51 = vector.load %arg11[%swap3A_50] : memref<131072xf32, #tpu.memory_space<vmem>>, vector<131072xf32>
    tpu.vector_store %arg11[%swap3A_50], %get3A_49 {strides = array<i32>} : memref<131072xf32, #tpu.memory_space<vmem>>, vector<131072xf32>,
    %get3A_52 = arith.constant 9 : index
    %get3A_53 = arith.constant 0 : index
    %get3A_54 = vector.load %arg1[%get3A_52, %get3A_53] : memref<16x131072xf32, #tpu.memory_space<vmem>>, vector<1x131072xf32>
    %get3A_55 = vector.shape_cast %get3A_54 : vector<1x131072xf32> to vector<131072xf32>
    %swap3A_56 = arith.constant 0 : index
    %swap3A_57 = vector.load %arg12[%swap3A_56] : memref<131072xf32, #tpu.memory_space<vmem>>, vector<131072xf32>
    tpu.vector_store %arg12[%swap3A_56], %get3A_55 {strides = array<i32>} : memref<131072xf32, #tpu.memory_space<vmem>>, vector<131072xf32>,
    %get3A_58 = arith.constant 10 : index
    %get3A_59 = arith.constant 0 : index
    %get3A_60 = vector.load %arg1[%get3A_58, %get3A_59] : memref<16x131072xf32, #tpu.memory_space<vmem>>, vector<1x131072xf32>
    %get3A_61 = vector.shape_cast %get3A_60 : vector<1x131072xf32> to vector<131072xf32>
    %swap3A_62 = arith.constant 0 : index
    %swap3A_63 = vector.load %arg13[%swap3A_62] : memref<131072xf32, #tpu.memory_space<vmem>>, vector<131072xf32>
    tpu.vector_store %arg13[%swap3A_62], %get3A_61 {strides = array<i32>} : memref<131072xf32, #tpu.memory_space<vmem>>, vector<131072xf32>,
    %get3A_64 = arith.constant 11 : index
    %get3A_65 = arith.constant 0 : index
    %get3A_66 = vector.load %arg1[%get3A_64, %get3A_65] : memref<16x131072xf32, #tpu.memory_space<vmem>>, vector<1x131072xf32>
    %get3A_67 = vector.shape_cast %get3A_66 : vector<1x131072xf32> to vector<131072xf32>
    %swap3A_68 = arith.constant 0 : index
    %swap3A_69 = vector.load %arg14[%swap3A_68] : memref<131072xf32, #tpu.memory_space<vmem>>, vector<131072xf32>
    tpu.vector_store %arg14[%swap3A_68], %get3A_67 {strides = array<i32>} : memref<131072xf32, #tpu.memory_space<vmem>>, vector<131072xf32>,
    %get3A_70 = arith.constant 12 : index
    %get3A_71 = arith.constant 0 : index
    %get3A_72 = vector.load %arg1[%get3A_70, %get3A_71] : memref<16x131072xf32, #tpu.memory_space<vmem>>, vector<1x131072xf32>
    %get3A_73 = vector.shape_cast %get3A_72 : vector<1x131072xf32> to vector<131072xf32>
    %swap3A_74 = arith.constant 0 : index
    %swap3A_75 = vector.load %arg15[%swap3A_74] : memref<131072xf32, #tpu.memory_space<vmem>>, vector<131072xf32>
    tpu.vector_store %arg15[%swap3A_74], %get3A_73 {strides = array<i32>} : memref<131072xf32, #tpu.memory_space<vmem>>, vector<131072xf32>,
    %get3A_76 = arith.constant 13 : index
    %get3A_77 = arith.constant 0 : index
    %get3A_78 = vector.load %arg1[%get3A_76, %get3A_77] : memref<16x131072xf32, #tpu.memory_space<vmem>>, vector<1x131072xf32>
    %get3A_79 = vector.shape_cast %get3A_78 : vector<1x131072xf32> to vector<131072xf32>
    %swap3A_80 = arith.constant 0 : index
    %swap3A_81 = vector.load %arg16[%swap3A_80] : memref<131072xf32, #tpu.memory_space<vmem>>, vector<131072xf32>
    tpu.vector_store %arg16[%swap3A_80], %get3A_79 {strides = array<i32>} : memref<131072xf32, #tpu.memory_space<vmem>>, vector<131072xf32>,
    %get3A_82 = arith.constant 14 : index
    %get3A_83 = arith.constant 0 : index
    %get3A_84 = vector.load %arg1[%get3A_82, %get3A_83] : memref<16x131072xf32, #tpu.memory_space<vmem>>, vector<1x131072xf32>
    %get3A_85 = vector.shape_cast %get3A_84 : vector<1x131072xf32> to vector<131072xf32>
    %swap3A_86 = arith.constant 0 : index
    %swap3A_87 = vector.load %arg17[%swap3A_86] : memref<131072xf32, #tpu.memory_space<vmem>>, vector<131072xf32>
    tpu.vector_store %arg17[%swap3A_86], %get3A_85 {strides = array<i32>} : memref<131072xf32, #tpu.memory_space<vmem>>, vector<131072xf32>,
    %get3A_88 = arith.constant 15 : index
    %get3A_89 = arith.constant 0 : index
    %get3A_90 = vector.load %arg1[%get3A_88, %get3A_89] : memref<16x131072xf32, #tpu.memory_space<vmem>>, vector<1x131072xf32>
    %get3A_91 = vector.shape_cast %get3A_90 : vector<1x131072xf32> to vector<131072xf32>
    %swap3A_92 = arith.constant 0 : index
    %swap3A_93 = vector.load %arg18[%swap3A_92] : memref<131072xf32, #tpu.memory_space<vmem>>, vector<131072xf32>
    tpu.vector_store %arg18[%swap3A_92], %get3A_91 {strides = array<i32>} : memref<131072xf32, #tpu.memory_space<vmem>>, vector<131072xf32>,
    %get3A_94 = arith.constant 0 : index
    %get3A_95 = arith.constant 0 : index
    %get3A_96 = vector.load %arg2[%get3A_94, %get3A_95] : memref<1x131072xf32, #tpu.memory_space<vmem>>, vector<1x131072xf32>
    %get3A_97 = vector.shape_cast %get3A_96 : vector<1x131072xf32> to vector<131072xf32>
    %swap3A_98 = arith.constant 0 : index
    %swap3A_99 = vector.load %arg19[%swap3A_98] : memref<131072xf32, #tpu.memory_space<vmem>>, vector<131072xf32>
    tpu.vector_store %arg19[%swap3A_98], %get3A_97 {strides = array<i32>} : memref<131072xf32, #tpu.memory_space<vmem>>, vector<131072xf32>,
    return
  }
  func.func @transform_0(%arg0: i32) -> (i32, i32) {
    %c0_i32 = arith.constant 0 : i32
    %c0_i32_0 = arith.constant 0 : i32
    return %c0_i32, %arg0 : i32, i32
  }
  func.func @transform_1(%arg0: i32) -> (i32, i32) {
    %c0_i32 = arith.constant 0 : i32
    %c0_i32_0 = arith.constant 0 : i32
    return %c0_i32, %arg0 : i32, i32
  }
  func.func @transform_2(%arg0: i32) -> i32 {
    %c0_i32 = arith.constant 0 : i32
    return %arg0 : i32
  }
  func.func @transform_3(%arg0: i32) -> i32 {
    %c0_i32 = arith.constant 0 : i32
    return %arg0 : i32
  }
  func.func @transform_4(%arg0: i32) -> i32 {
    %c0_i32 = arith.constant 0 : i32
    return %arg0 : i32
  }
  func.func @transform_5(%arg0: i32) -> i32 {
    %c0_i32 = arith.constant 0 : i32
    return %arg0 : i32
  }
  func.func @transform_6(%arg0: i32) -> i32 {
    %c0_i32 = arith.constant 0 : i32
    return %arg0 : i32
  }
  func.func @transform_7(%arg0: i32) -> i32 {
    %c0_i32 = arith.constant 0 : i32
    return %arg0 : i32
  }
  func.func @transform_8(%arg0: i32) -> i32 {
    %c0_i32 = arith.constant 0 : i32
    return %arg0 : i32
  }
  func.func @transform_9(%arg0: i32) -> i32 {
    %c0_i32 = arith.constant 0 : i32
    return %arg0 : i32
  }
  func.func @transform_10(%arg0: i32) -> i32 {
    %c0_i32 = arith.constant 0 : i32
    return %arg0 : i32
  }
  func.func @transform_11(%arg0: i32) -> i32 {
    %c0_i32 = arith.constant 0 : i32
    return %arg0 : i32
  }
  func.func @transform_12(%arg0: i32) -> i32 {
    %c0_i32 = arith.constant 0 : i32
    return %arg0 : i32
  }
  func.func @transform_13(%arg0: i32) -> i32 {
    %c0_i32 = arith.constant 0 : i32
    return %arg0 : i32
  }
  func.func @transform_14(%arg0: i32) -> i32 {
    %c0_i32 = arith.constant 0 : i32
    return %arg0 : i32
  }
  func.func @transform_15(%arg0: i32) -> i32 {
    %c0_i32 = arith.constant 0 : i32
    return %arg0 : i32
  }
  func.func @transform_16(%arg0: i32) -> i32 {
    %c0_i32 = arith.constant 0 : i32
    return %arg0 : i32
  }
  func.func @transform_17(%arg0: i32) -> i32 {
    %c0_i32 = arith.constant 0 : i32
    return %arg0 : i32
  }
  func.func @transform_18(%arg0: i32) -> i32 {
    %c0_i32 = arith.constant 0 : i32
    return %arg0 : i32
  }
}

module attributes {stable_mosaic.version = 14 : i64} {
  func.func @_split_body(%arg0: i32, %arg1: memref<16x102400xf32, #tpu.memory_space<vmem>>, %arg2: memref<1x102400xf32, #tpu.memory_space<vmem>>, %arg3: memref<102400xf32, #tpu.memory_space<vmem>>, %arg4: memref<102400xf32, #tpu.memory_space<vmem>>, %arg5: memref<102400xf32, #tpu.memory_space<vmem>>, %arg6: memref<102400xf32, #tpu.memory_space<vmem>>, %arg7: memref<102400xf32, #tpu.memory_space<vmem>>, %arg8: memref<102400xf32, #tpu.memory_space<vmem>>, %arg9: memref<102400xf32, #tpu.memory_space<vmem>>, %arg10: memref<102400xf32, #tpu.memory_space<vmem>>, %arg11: memref<102400xf32, #tpu.memory_space<vmem>>, %arg12: memref<102400xf32, #tpu.memory_space<vmem>>, %arg13: memref<102400xf32, #tpu.memory_space<vmem>>, %arg14: memref<102400xf32, #tpu.memory_space<vmem>>, %arg15: memref<102400xf32, #tpu.memory_space<vmem>>, %arg16: memref<102400xf32, #tpu.memory_space<vmem>>, %arg17: memref<102400xf32, #tpu.memory_space<vmem>>, %arg18: memref<102400xf32, #tpu.memory_space<vmem>>, %arg19: memref<102400xf32, #tpu.memory_space<vmem>>) attributes {dimension_semantics = [#tpu.dimension_semantics<arbitrary>], iteration_bounds = array<i64: 1>, scalar_prefetch = 0 : i64, scratch_operands = 0 : i64, tpu.core_type = #tpu.core_type<tc>, window_params = [{transform_indices = @transform_0, window_bounds = array<i64: 16, 102400>}, {transform_indices = @transform_1, window_bounds = array<i64: 1, 102400>}, {transform_indices = @transform_2, window_bounds = array<i64: 102400>}, {transform_indices = @transform_3, window_bounds = array<i64: 102400>}, {transform_indices = @transform_4, window_bounds = array<i64: 102400>}, {transform_indices = @transform_5, window_bounds = array<i64: 102400>}, {transform_indices = @transform_6, window_bounds = array<i64: 102400>}, {transform_indices = @transform_7, window_bounds = array<i64: 102400>}, {transform_indices = @transform_8, window_bounds = array<i64: 102400>}, {transform_indices = @transform_9, window_bounds = array<i64: 102400>}, {transform_indices = @transform_10, window_bounds = array<i64: 102400>}, {transform_indices = @transform_11, window_bounds = array<i64: 102400>}, {transform_indices = @transform_12, window_bounds = array<i64: 102400>}, {transform_indices = @transform_13, window_bounds = array<i64: 102400>}, {transform_indices = @transform_14, window_bounds = array<i64: 102400>}, {transform_indices = @transform_15, window_bounds = array<i64: 102400>}, {transform_indices = @transform_16, window_bounds = array<i64: 102400>}, {transform_indices = @transform_17, window_bounds = array<i64: 102400>}, {transform_indices = @transform_18, window_bounds = array<i64: 102400>}]} {
    %get3A = arith.constant 0 : index
    %get3A_0 = arith.constant 0 : index
    %get3A_1 = vector.load %arg1[%get3A, %get3A_0] : memref<16x102400xf32, #tpu.memory_space<vmem>>, vector<1x102400xf32>
    %get3A_2 = vector.shape_cast %get3A_1 : vector<1x102400xf32> to vector<102400xf32>
    %swap3A = arith.constant 0 : index
    %swap3A_3 = vector.load %arg3[%swap3A] : memref<102400xf32, #tpu.memory_space<vmem>>, vector<102400xf32>
    tpu.vector_store %arg3[%swap3A], %get3A_2 {strides = array<i32>} : memref<102400xf32, #tpu.memory_space<vmem>>, vector<102400xf32>,
    %get3A_4 = arith.constant 1 : index
    %get3A_5 = arith.constant 0 : index
    %get3A_6 = vector.load %arg1[%get3A_4, %get3A_5] : memref<16x102400xf32, #tpu.memory_space<vmem>>, vector<1x102400xf32>
    %get3A_7 = vector.shape_cast %get3A_6 : vector<1x102400xf32> to vector<102400xf32>
    %swap3A_8 = arith.constant 0 : index
    %swap3A_9 = vector.load %arg4[%swap3A_8] : memref<102400xf32, #tpu.memory_space<vmem>>, vector<102400xf32>
    tpu.vector_store %arg4[%swap3A_8], %get3A_7 {strides = array<i32>} : memref<102400xf32, #tpu.memory_space<vmem>>, vector<102400xf32>,
    %get3A_10 = arith.constant 2 : index
    %get3A_11 = arith.constant 0 : index
    %get3A_12 = vector.load %arg1[%get3A_10, %get3A_11] : memref<16x102400xf32, #tpu.memory_space<vmem>>, vector<1x102400xf32>
    %get3A_13 = vector.shape_cast %get3A_12 : vector<1x102400xf32> to vector<102400xf32>
    %swap3A_14 = arith.constant 0 : index
    %swap3A_15 = vector.load %arg5[%swap3A_14] : memref<102400xf32, #tpu.memory_space<vmem>>, vector<102400xf32>
    tpu.vector_store %arg5[%swap3A_14], %get3A_13 {strides = array<i32>} : memref<102400xf32, #tpu.memory_space<vmem>>, vector<102400xf32>,
    %get3A_16 = arith.constant 3 : index
    %get3A_17 = arith.constant 0 : index
    %get3A_18 = vector.load %arg1[%get3A_16, %get3A_17] : memref<16x102400xf32, #tpu.memory_space<vmem>>, vector<1x102400xf32>
    %get3A_19 = vector.shape_cast %get3A_18 : vector<1x102400xf32> to vector<102400xf32>
    %swap3A_20 = arith.constant 0 : index
    %swap3A_21 = vector.load %arg6[%swap3A_20] : memref<102400xf32, #tpu.memory_space<vmem>>, vector<102400xf32>
    tpu.vector_store %arg6[%swap3A_20], %get3A_19 {strides = array<i32>} : memref<102400xf32, #tpu.memory_space<vmem>>, vector<102400xf32>,
    %get3A_22 = arith.constant 4 : index
    %get3A_23 = arith.constant 0 : index
    %get3A_24 = vector.load %arg1[%get3A_22, %get3A_23] : memref<16x102400xf32, #tpu.memory_space<vmem>>, vector<1x102400xf32>
    %get3A_25 = vector.shape_cast %get3A_24 : vector<1x102400xf32> to vector<102400xf32>
    %swap3A_26 = arith.constant 0 : index
    %swap3A_27 = vector.load %arg7[%swap3A_26] : memref<102400xf32, #tpu.memory_space<vmem>>, vector<102400xf32>
    tpu.vector_store %arg7[%swap3A_26], %get3A_25 {strides = array<i32>} : memref<102400xf32, #tpu.memory_space<vmem>>, vector<102400xf32>,
    %get3A_28 = arith.constant 5 : index
    %get3A_29 = arith.constant 0 : index
    %get3A_30 = vector.load %arg1[%get3A_28, %get3A_29] : memref<16x102400xf32, #tpu.memory_space<vmem>>, vector<1x102400xf32>
    %get3A_31 = vector.shape_cast %get3A_30 : vector<1x102400xf32> to vector<102400xf32>
    %swap3A_32 = arith.constant 0 : index
    %swap3A_33 = vector.load %arg8[%swap3A_32] : memref<102400xf32, #tpu.memory_space<vmem>>, vector<102400xf32>
    tpu.vector_store %arg8[%swap3A_32], %get3A_31 {strides = array<i32>} : memref<102400xf32, #tpu.memory_space<vmem>>, vector<102400xf32>,
    %get3A_34 = arith.constant 6 : index
    %get3A_35 = arith.constant 0 : index
    %get3A_36 = vector.load %arg1[%get3A_34, %get3A_35] : memref<16x102400xf32, #tpu.memory_space<vmem>>, vector<1x102400xf32>
    %get3A_37 = vector.shape_cast %get3A_36 : vector<1x102400xf32> to vector<102400xf32>
    %swap3A_38 = arith.constant 0 : index
    %swap3A_39 = vector.load %arg9[%swap3A_38] : memref<102400xf32, #tpu.memory_space<vmem>>, vector<102400xf32>
    tpu.vector_store %arg9[%swap3A_38], %get3A_37 {strides = array<i32>} : memref<102400xf32, #tpu.memory_space<vmem>>, vector<102400xf32>,
    %get3A_40 = arith.constant 7 : index
    %get3A_41 = arith.constant 0 : index
    %get3A_42 = vector.load %arg1[%get3A_40, %get3A_41] : memref<16x102400xf32, #tpu.memory_space<vmem>>, vector<1x102400xf32>
    %get3A_43 = vector.shape_cast %get3A_42 : vector<1x102400xf32> to vector<102400xf32>
    %swap3A_44 = arith.constant 0 : index
    %swap3A_45 = vector.load %arg10[%swap3A_44] : memref<102400xf32, #tpu.memory_space<vmem>>, vector<102400xf32>
    tpu.vector_store %arg10[%swap3A_44], %get3A_43 {strides = array<i32>} : memref<102400xf32, #tpu.memory_space<vmem>>, vector<102400xf32>,
    %get3A_46 = arith.constant 8 : index
    %get3A_47 = arith.constant 0 : index
    %get3A_48 = vector.load %arg1[%get3A_46, %get3A_47] : memref<16x102400xf32, #tpu.memory_space<vmem>>, vector<1x102400xf32>
    %get3A_49 = vector.shape_cast %get3A_48 : vector<1x102400xf32> to vector<102400xf32>
    %swap3A_50 = arith.constant 0 : index
    %swap3A_51 = vector.load %arg11[%swap3A_50] : memref<102400xf32, #tpu.memory_space<vmem>>, vector<102400xf32>
    tpu.vector_store %arg11[%swap3A_50], %get3A_49 {strides = array<i32>} : memref<102400xf32, #tpu.memory_space<vmem>>, vector<102400xf32>,
    %get3A_52 = arith.constant 9 : index
    %get3A_53 = arith.constant 0 : index
    %get3A_54 = vector.load %arg1[%get3A_52, %get3A_53] : memref<16x102400xf32, #tpu.memory_space<vmem>>, vector<1x102400xf32>
    %get3A_55 = vector.shape_cast %get3A_54 : vector<1x102400xf32> to vector<102400xf32>
    %swap3A_56 = arith.constant 0 : index
    %swap3A_57 = vector.load %arg12[%swap3A_56] : memref<102400xf32, #tpu.memory_space<vmem>>, vector<102400xf32>
    tpu.vector_store %arg12[%swap3A_56], %get3A_55 {strides = array<i32>} : memref<102400xf32, #tpu.memory_space<vmem>>, vector<102400xf32>,
    %get3A_58 = arith.constant 10 : index
    %get3A_59 = arith.constant 0 : index
    %get3A_60 = vector.load %arg1[%get3A_58, %get3A_59] : memref<16x102400xf32, #tpu.memory_space<vmem>>, vector<1x102400xf32>
    %get3A_61 = vector.shape_cast %get3A_60 : vector<1x102400xf32> to vector<102400xf32>
    %swap3A_62 = arith.constant 0 : index
    %swap3A_63 = vector.load %arg13[%swap3A_62] : memref<102400xf32, #tpu.memory_space<vmem>>, vector<102400xf32>
    tpu.vector_store %arg13[%swap3A_62], %get3A_61 {strides = array<i32>} : memref<102400xf32, #tpu.memory_space<vmem>>, vector<102400xf32>,
    %get3A_64 = arith.constant 11 : index
    %get3A_65 = arith.constant 0 : index
    %get3A_66 = vector.load %arg1[%get3A_64, %get3A_65] : memref<16x102400xf32, #tpu.memory_space<vmem>>, vector<1x102400xf32>
    %get3A_67 = vector.shape_cast %get3A_66 : vector<1x102400xf32> to vector<102400xf32>
    %swap3A_68 = arith.constant 0 : index
    %swap3A_69 = vector.load %arg14[%swap3A_68] : memref<102400xf32, #tpu.memory_space<vmem>>, vector<102400xf32>
    tpu.vector_store %arg14[%swap3A_68], %get3A_67 {strides = array<i32>} : memref<102400xf32, #tpu.memory_space<vmem>>, vector<102400xf32>,
    %get3A_70 = arith.constant 12 : index
    %get3A_71 = arith.constant 0 : index
    %get3A_72 = vector.load %arg1[%get3A_70, %get3A_71] : memref<16x102400xf32, #tpu.memory_space<vmem>>, vector<1x102400xf32>
    %get3A_73 = vector.shape_cast %get3A_72 : vector<1x102400xf32> to vector<102400xf32>
    %swap3A_74 = arith.constant 0 : index
    %swap3A_75 = vector.load %arg15[%swap3A_74] : memref<102400xf32, #tpu.memory_space<vmem>>, vector<102400xf32>
    tpu.vector_store %arg15[%swap3A_74], %get3A_73 {strides = array<i32>} : memref<102400xf32, #tpu.memory_space<vmem>>, vector<102400xf32>,
    %get3A_76 = arith.constant 13 : index
    %get3A_77 = arith.constant 0 : index
    %get3A_78 = vector.load %arg1[%get3A_76, %get3A_77] : memref<16x102400xf32, #tpu.memory_space<vmem>>, vector<1x102400xf32>
    %get3A_79 = vector.shape_cast %get3A_78 : vector<1x102400xf32> to vector<102400xf32>
    %swap3A_80 = arith.constant 0 : index
    %swap3A_81 = vector.load %arg16[%swap3A_80] : memref<102400xf32, #tpu.memory_space<vmem>>, vector<102400xf32>
    tpu.vector_store %arg16[%swap3A_80], %get3A_79 {strides = array<i32>} : memref<102400xf32, #tpu.memory_space<vmem>>, vector<102400xf32>,
    %get3A_82 = arith.constant 14 : index
    %get3A_83 = arith.constant 0 : index
    %get3A_84 = vector.load %arg1[%get3A_82, %get3A_83] : memref<16x102400xf32, #tpu.memory_space<vmem>>, vector<1x102400xf32>
    %get3A_85 = vector.shape_cast %get3A_84 : vector<1x102400xf32> to vector<102400xf32>
    %swap3A_86 = arith.constant 0 : index
    %swap3A_87 = vector.load %arg17[%swap3A_86] : memref<102400xf32, #tpu.memory_space<vmem>>, vector<102400xf32>
    tpu.vector_store %arg17[%swap3A_86], %get3A_85 {strides = array<i32>} : memref<102400xf32, #tpu.memory_space<vmem>>, vector<102400xf32>,
    %get3A_88 = arith.constant 15 : index
    %get3A_89 = arith.constant 0 : index
    %get3A_90 = vector.load %arg1[%get3A_88, %get3A_89] : memref<16x102400xf32, #tpu.memory_space<vmem>>, vector<1x102400xf32>
    %get3A_91 = vector.shape_cast %get3A_90 : vector<1x102400xf32> to vector<102400xf32>
    %swap3A_92 = arith.constant 0 : index
    %swap3A_93 = vector.load %arg18[%swap3A_92] : memref<102400xf32, #tpu.memory_space<vmem>>, vector<102400xf32>
    tpu.vector_store %arg18[%swap3A_92], %get3A_91 {strides = array<i32>} : memref<102400xf32, #tpu.memory_space<vmem>>, vector<102400xf32>,
    %get3A_94 = arith.constant 0 : index
    %get3A_95 = arith.constant 0 : index
    %get3A_96 = vector.load %arg2[%get3A_94, %get3A_95] : memref<1x102400xf32, #tpu.memory_space<vmem>>, vector<1x102400xf32>
    %get3A_97 = vector.shape_cast %get3A_96 : vector<1x102400xf32> to vector<102400xf32>
    %swap3A_98 = arith.constant 0 : index
    %swap3A_99 = vector.load %arg19[%swap3A_98] : memref<102400xf32, #tpu.memory_space<vmem>>, vector<102400xf32>
    tpu.vector_store %arg19[%swap3A_98], %get3A_97 {strides = array<i32>} : memref<102400xf32, #tpu.memory_space<vmem>>, vector<102400xf32>,
    return
  }
  func.func @transform_0(%arg0: i32) -> (i32, i32) {
    %c0_i32 = arith.constant 0 : i32
    %c0_i32_0 = arith.constant 0 : i32
    return %c0_i32, %arg0 : i32, i32
  }
  func.func @transform_1(%arg0: i32) -> (i32, i32) {
    %c0_i32 = arith.constant 0 : i32
    %c0_i32_0 = arith.constant 0 : i32
    return %c0_i32, %arg0 : i32, i32
  }
  func.func @transform_2(%arg0: i32) -> i32 {
    %c0_i32 = arith.constant 0 : i32
    return %arg0 : i32
  }
  func.func @transform_3(%arg0: i32) -> i32 {
    %c0_i32 = arith.constant 0 : i32
    return %arg0 : i32
  }
  func.func @transform_4(%arg0: i32) -> i32 {
    %c0_i32 = arith.constant 0 : i32
    return %arg0 : i32
  }
  func.func @transform_5(%arg0: i32) -> i32 {
    %c0_i32 = arith.constant 0 : i32
    return %arg0 : i32
  }
  func.func @transform_6(%arg0: i32) -> i32 {
    %c0_i32 = arith.constant 0 : i32
    return %arg0 : i32
  }
  func.func @transform_7(%arg0: i32) -> i32 {
    %c0_i32 = arith.constant 0 : i32
    return %arg0 : i32
  }
  func.func @transform_8(%arg0: i32) -> i32 {
    %c0_i32 = arith.constant 0 : i32
    return %arg0 : i32
  }
  func.func @transform_9(%arg0: i32) -> i32 {
    %c0_i32 = arith.constant 0 : i32
    return %arg0 : i32
  }
  func.func @transform_10(%arg0: i32) -> i32 {
    %c0_i32 = arith.constant 0 : i32
    return %arg0 : i32
  }
  func.func @transform_11(%arg0: i32) -> i32 {
    %c0_i32 = arith.constant 0 : i32
    return %arg0 : i32
  }
  func.func @transform_12(%arg0: i32) -> i32 {
    %c0_i32 = arith.constant 0 : i32
    return %arg0 : i32
  }
  func.func @transform_13(%arg0: i32) -> i32 {
    %c0_i32 = arith.constant 0 : i32
    return %arg0 : i32
  }
  func.func @transform_14(%arg0: i32) -> i32 {
    %c0_i32 = arith.constant 0 : i32
    return %arg0 : i32
  }
  func.func @transform_15(%arg0: i32) -> i32 {
    %c0_i32 = arith.constant 0 : i32
    return %arg0 : i32
  }
  func.func @transform_16(%arg0: i32) -> i32 {
    %c0_i32 = arith.constant 0 : i32
    return %arg0 : i32
  }
  func.func @transform_17(%arg0: i32) -> i32 {
    %c0_i32 = arith.constant 0 : i32
    return %arg0 : i32
  }
  func.func @transform_18(%arg0: i32) -> i32 {
    %c0_i32 = arith.constant 0 : i32
    return %arg0 : i32
  }
}

</mosaic_0001>

<sc_bundles>
// kernel: _predict.5.cloned.1.call-start
scs
__scs_entry_jumppad:
0x0: {  	(pc) =	sbr.rel $0x88, $3  }
0x1: {  	(tag) =	ssettag $0x0;
	lr =	simm.s32 $0x1  }
0x2: {  	[smem:$0x3F9A] =	sst lr;
	_ =	strace $0xD0000000  }
0x3: {  	_ = 	snop  }
0x4: {  	_ = 	snop  }
0x5: {  	_ = 	snop  }
0x6: {  	_ = 	snop  }
0x7: {  	_ = 	snop  }
__scs_overlays_trampoline_lowered:
0x8: {  	[smem:$0x3FA9] =	sst s0  }
0x9: {  	[smem:$0x3FAA] =	sst s1  }
0xa: {  	[smem:$0x3FAB] =	sst s2  }
0xb: {  	[smem:$0x3FAC] =	sst s3  }
0xc: {  	[smem:$0x3FAD] =	sst s4  }
0xd: {  	[smem:$0x3FAE] =	sst s5  }
0xe: {  	[smem:$0x3FAF] =	sst s6  }
0xf: {  	[smem:$0x3FB0] =	sst s7  }
0x10: {  	[smem:$0x3FB1] =	sst s8  }
0x11: {  	[smem:$0x3FB2] =	sst s9;
	s0 =	simm.s32 @!p0 $0x0  }
0x12: {  	s1 =	sld [smem:$0x3F98];
	s0 =	simm.s32 @p0 $0x1  }
0x13: {  	[smem:$0x3FB3] =	sst s0;
	s0 =	simm.s32 @!p1 $0x0  }
0x14: {  	s2 =	sld [smem:$0x3F97];
	s0 =	simm.s32 @p1 $0x1  }
0x15: {  	[smem:$0x3FB4] =	sst s0;
	s0 =	simm.s32 @!p2 $0x0  }
0x16: {  	s3 =	sld [smem:$0x3FDB];
	s0 =	simm.s32 @p2 $0x1  }
0x17: {  	s4 =	simm.s32 $0x1BF5;
	[smem:$0x3FB6] =	sst s0  }
0x18: {  	s0 =	sld [smem:$0x3F99];
	_ =	swait.ge [sflag:s4], $0x0  }
0x19: {  	s7 =	sld [smem:$0x3F9A]  }
0x1a: {  	s8 =	sadd.s32 $0xFFFFE003, lr  }
0x1b: {  	s9 =	sadd.s32 $0xFFFFFEF7, lr;
	s5 =	simm.s32 $0xFFFFFFFF;
	p2 =	slt.u32 s8, $0xFFFFF086  }
0x1c: {  	p1 =	slt.u32 s9, $0xF7A;
	s5 =	simm.s32 @!p2 $0x0  }
0x1d: {  	s5 =	simm.s32 @p1 $0x1;
	p0 =	seq.s32 s7, s2  }
0x1e: {  	s7 =	smul.u32 @!p0 $0xF7A, s2;
	p2 =	seq.s32 @!p0 s5, $0x0  }
0x1f: {  	s9 =	smul.u32 $0xF7A, s1;
	s8 =	simm.s32 @!p0 $0x1BF5;
	p2 =	por !p2, p0  }
0x20: {  	[sflag:s8] =	ssyncset.s32 @!p0 $0xFFFFF086;
	s6 =	sadd.s32 @!p0 s3, s7;
	s7 =	simm.s32 @!p0 $0x108  }
0x21: {  	s3 =	sadd.s32 s3, s9;
	s6 =	sadd.s32 @!p0 $0x88, s6;
	s7 =	simm.s32 @p2 $0x1082  }
0x22: {  	[simem:s7], [sflag:s8] =	dma.local @!p0 [hbm:s6], $0xF7A  }
0x23: {  	s9 =	sor.u32 $0xD0000000, s2;
	s6 =	simm.s32 $0x108;
	_ =	swait.ge @!p0 [sflag:s8], $0x0  }
0x24: {  	s3 =	sadd.s32 $0x88, s3;
	s6 =	simm.s32 @!p1 $0x1082;
	[sflag:s4] =	ssyncset.s32 $0xFFFFF086  }
0x25: {  	[simem:s6], [sflag:s4] =	dma.local [hbm:s3], $0xF7A  }
0x26: {  	[smem:$0x3F9A] =	sst s1;
	(tag) =	ssettag s2;
	_ =	strace s9  }
0x27: {  	s1 =	sld [smem:$0x3FAA]  }
0x28: {  	s2 =	sld [smem:$0x3FAB]  }
0x29: {  	s4 =	sld [smem:$0x3FAD]  }
0x2a: {  	p0 =	seq.s32 s5, $0x0;
	s5 =	sld [smem:$0x3FAE]  }
0x2b: {  	s6 =	sld [smem:$0x3FAF]  }
0x2c: {  	s7 =	sld [smem:$0x3FB0]  }
0x2d: {  	s3 =	simm.s32 $0x108;
	s8 =	sld [smem:$0x3FB1]  }
0x2e: {  	s3 =	simm.s32 @!p0 $0x1082;
	s9 =	sld [smem:$0x3FB2]  }
0x2f: {  	lr =	sadd.s32 s0, s3;
	s0 =	sld [smem:$0x3FA9]  }
0x30: {  	s3 =	sld [smem:$0x3FAC]  }
0x31: {  	[smem:$0x3FB5] =	sst s10  }
0x32: {  	s10 =	sld [smem:$0x3FB3];
	_ =	sdelay $0x3  }
0x33: {  	p0 =	seq.s32 s10, $0x1;
	s10 =	sld [smem:$0x3FB5];
	_ =	sdelay $0x3  }
0x34: {  	[smem:$0x3FB5] =	sst s10  }
0x35: {  	s10 =	sld [smem:$0x3FB4];
	_ =	sdelay $0x3  }
0x36: {  	p1 =	seq.s32 s10, $0x1;
	s10 =	sld [smem:$0x3FB5];
	_ =	sdelay $0x3  }
0x37: {  	[smem:$0x3FB5] =	sst s10  }
0x38: {  	s10 =	sld [smem:$0x3FB6]  }
0x39: {  	_ = 	snop;
	(pc) =	sbr.ind lr, $3  }
0x3a: {  	_ = 	snop  }
0x3b: {  	_ = 	snop  }
0x3c: {  	p2 =	seq.s32 s10, $0x1;
	s10 =	sld [smem:$0x3FB5]  }
0x3d: {  	_ =	shalt  }
0x3e: {  	_ =	shalt  }
0x3f: {  	_ =	shalt  }
0x40: {  	_ =	shalt  }
0x41: {  	_ =	shalt  }
0x42: {  	_ =	shalt  }
0x43: {  	_ =	shalt  }
0x44: {  	_ =	shalt  }
0x45: {  	_ =	shalt  }
0x46: {  	_ =	shalt  }
0x47: {  	_ =	shalt  }
0x48: {  	_ =	shalt  }
0x49: {  	_ =	shalt  }
0x4a: {  	_ =	shalt  }
0x4b: {  	_ =	shalt  }
0x4c: {  	_ =	shalt  }
0x4d: {  	_ =	shalt  }
0x4e: {  	_ =	shalt  }
0x4f: {  	_ =	shalt  }
0x50: {  	_ =	shalt  }
0x51: {  	_ =	shalt  }
0x52: {  	_ =	shalt  }
0x53: {  	_ =	shalt  }
0x54: {  	_ =	shalt  }
0x55: {  	_ =	shalt  }
0x56: {  	_ =	shalt  }
0x57: {  	_ =	shalt  }
0x58: {  	_ =	shalt  }
0x59: {  	_ =	shalt  }
0x5a: {  	_ =	shalt  }
0x5b: {  	_ =	shalt  }
0x5c: {  	_ =	shalt  }
0x5d: {  	_ =	shalt  }
0x5e: {  	_ =	shalt  }
0x5f: {  	_ =	shalt  }
0x60: {  	_ =	shalt  }
0x61: {  	_ =	shalt  }
0x62: {  	_ =	shalt  }
0x63: {  	_ =	shalt  }
0x64: {  	_ =	shalt  }
0x65: {  	_ =	shalt  }
0x66: {  	_ =	shalt  }
0x67: {  	_ =	shalt  }
0x68: {  	_ =	shalt  }
0x69: {  	_ =	shalt  }
0x6a: {  	_ =	shalt  }
0x6b: {  	_ =	shalt  }
0x6c: {  	_ =	shalt  }
0x6d: {  	_ =	shalt  }
0x6e: {  	_ =	shalt  }
0x6f: {  	_ =	shalt  }
0x70: {  	_ =	shalt  }
0x71: {  	_ =	shalt  }
0x72: {  	_ =	shalt  }
0x73: {  	_ =	shalt  }
0x74: {  	_ =	shalt  }
0x75: {  	_ =	shalt  }
0x76: {  	_ =	shalt  }
0x77: {  	_ =	shalt  }
0x78: {  	_ =	shalt  }
0x79: {  	_ =	shalt  }
0x7a: {  	_ =	shalt  }
0x7b: {  	_ =	shalt  }
0x7c: {  	_ =	shalt  }
0x7d: {  	_ =	shalt  }
0x7e: {  	_ =	shalt  }
0x7f: {  	_ =	shalt  }
0x80: {  	_ =	shalt  }
0x81: {  	_ =	shalt  }
0x82: {  	_ =	shalt  }
0x83: {  	_ =	shalt  }
0x84: {  	_ =	shalt  }
0x85: {  	_ =	shalt  }
0x86: {  	_ =	shalt  }
0x87: {  	_ =	shalt  }
.Lfunc_end0:
.L_simem_size_0:
called_computation_lowered:
.L_overlay_start_0:
0x88: {  	s2 =	sld [smem:$0x3FD9]  }
0x89: {  	s3 =	sld [smem:$0x3FFE];
	_ =	sdelay $0x1  }
0x8a: {  	s1 =	srdreg.scid  }
0x8b: {  	s0 =	sand.u32 $0x1, s1  }
0x8c: {  	s17 =	sshll.u32 s0, $0xA;
	s2 =	sadd.s32 s3, s2  }
0x8d: {  	s2 =	sadd.s32 s2, s17  }
0x8e: {  	[smem:$0x3FC1] =	sst s2  }
0x8f: {  	_ = 	snop  }
0x90: {  	s2 =	sld [smem:$0x3FC9]  }
0x91: {  	s18 =	sld [smem:$0x3FC8]  }
0x92: {  	s4 =	sld [smem:$0x3FC7]  }
0x93: {  	s5 =	sld [smem:$0x3FD0];
	(tm) =	ssettm $0x1  }
0x94: {  	s6 =	sld [smem:$0x3FFB];
	_ =	sdelay $0x3  }
0x95: {  	_ =	strace s6  }
0x96: {  	s6 =	sld [smem:$0x3FFC];
	_ =	sdelay $0x3  }
0x97: {  	_ =	strace s6  }
0x98: {  	s6 =	sld [smem:$0x3FFD];
	_ =	sdelay $0x3  }
0x99: {  	_ =	strace s6  }
0x9a: {  	_ =	strace $0x8FFFFFFF  }
0x9b: {  	s19 =	sld [smem:$0x3FDB];
	_ =	sdelay $0x1  }
0x9c: {  	s7 =	simm.s32 $_scs_section_size  }
0x9d: {  	s8 =	simm.s32 $_size__tile_overlayer_lowered;
	s9 =	simm.s32 $_tile_overlayer_lowered  }
0x9e: {  	s22 =	simm.s32 $0x1BFF;
	s21 =	sshll.u32 s9, $0x1;
	s6 =	sadd.s32 s7, s19  }
0x9f: {  	s10 =	simm.s32 $0x0;
	s20 =	sshll.u32 s8, $0x1;
	s8 =	sadd.s32 s21, s6  }
0xa0: {  	[timem:s10], [sflag:s22] =	dma.local [hbm:s8], s20  }
0xa1: {  	_ =	swait.ge [sflag:s22], s20  }
0xa2: {  	s7 =	ssub.s32 $0x0, s20;
	[sflag:s22] =	ssyncset.done $0x0  }
0xa3: {  	[sflag:s22] =	ssyncadd.s32 s7;
	_ =	sdelay $0x1  }
0xa4: {  	s23 =	simm.s32 $0x1B8B  }
0xa5: {  	_ =	swait.ge [sflag:s23], $0x1  }
0xa6: {  	[sflag:s23] =	ssyncset.done $0x0  }
0xa7: {  	s25 =	simm.s32 $0x1B8E;
	s24 =	sld [smem:$0x3FFE];
	[sflag:s23] =	ssyncadd.s32 $0xFFFFFFFF  }
0xa8: {  	s26 =	simm.s32 $execute0_lowered;
	[smem:$0x3FD2] =	sst s25  }
0xa9: {  	s8 =	sshll.u32 s26, $0x1;
	_ =	strace $0x80000046;
	[dreg:$0x1] =	wrdreg $0xFFFFFFFF  }
0xaa: {  	s28 =	simm.s32 $_size_execute0_lowered;
	s6 =	sadd.s32 s6, s8;
	[dreg:$0x0] =	wrdreg $0x0  }
0xab: {  	s8 =	sshll.u32 s28, $0x1;
	[dreg:$0x2] =	wrdreg s6  }
0xac: {  	[dreg:$0x3] =	wrdreg s8  }
0xad: {  	[dreg:$0x4] =	wrdreg $0xC0  }
0xae: {  	_ =	task [dreg:s10], $0x5FFFF  }
0xaf: {  	[dreg:$0x1] =	wrdreg $0xFFFFFFFF  }
0xb0: {  	[dreg:$0x0] =	wrdreg $0x60  }
0xb1: {  	[dreg:$0x2] =	wrdreg s2  }
0xb2: {  	[dreg:$0x3] =	wrdreg s18  }
0xb3: {  	[dreg:$0x4] =	wrdreg s4  }
0xb4: {  	[dreg:$0x5] =	wrdreg s24  }
0xb5: {  	[dreg:$0x6] =	wrdreg s5  }
0xb6: {  	[dreg:$0x7] =	wrdreg $0x9  }
0xb7: {  	_ =	task.clear_ibuf [dreg:s10], $0x8FFFF;
	_ =	strace $0x90000046  }
0xb8: {  	s29 =	simm.s32 $0x9;
	_ =	strace $0x80000048  }
0xb9: {  	_ =	swait.ge [sflag:s29], $0x1  }
0xba: {  	[sflag:s29] =	ssyncadd.s32 $0xFFFFFFFF  }
0xbb: {  	_ =	strace $0x90000048  }
0xbc: {  	_ =	sfence  }
0xbd: {  	s30 =	sld [smem:$0x0];
	_ =	sdelay $0x2  }
0xbe: {  	s31 =	sshll.u32 s1, $0xD;
	s1 =	sshrl.u32 s1, $0x2  }
0xbf: {  	s3 =	sand.u32 $0x4000, s31;
	s1 =	sadd.s32 s1, s30  }
0xc0: {  	s0 =	sor.u32 s3, s0;
	s1 =	sshll.u32 s1, $0x11  }
0xc1: {  	s0 =	sor.u32 s1, s0  }
0xc2: {  	s0 =	sadd.s32 $0x8F2B, s0  }
0xc3: {  	[sflag:s0] =	ssyncadd.remote.s32 $0x1  }
0xc4: {  	_ =	sfence.sel $0xFFFF  }
0xc5: {  	[dreg:$0x0] =	wrdreg $0xFFFFFFFF;
	(pc) =	sbr.abs _section_cstart, $3  }
0xc6: {  	[dreg:$0x1] =	wrdreg $0xFFFFFFFF  }
0xc7: {  	_ =	task.clear_ibuf [dreg:s10], $0x2FFFF;
	_ =	strace $0x9FFFFFFF  }
0xc8: {  	(tm) =	ssettm $0x7FFFFFFF  }
0xc9: {  	_ =	shalt  }
tec
execute0_lowered:
.L_overlay_start_1:
0x0: {  	(tag) =	ssettag $0x1  }
0x1: {  	s0 =	rddreg [dreg:$0x0]  }
0x2: {  	s3 =	rddreg [dreg:$0x1]  }
0x3: {  	s6 =	rddreg [dreg:$0x3]  }
0x4: {  	s4 =	rddreg [dreg:$0x4];
	s2 =	simm.s32 $0x0  }
0x5: {  	[smem:$0x7FF] =	sst s2;
	s1 =	sadd.s32 $0x3800, s6  }
0x6: {  	s26 =	sadd.s32 $0x6A00, s6;
	_ =	strace $0x80000047;
	[dreg:$0x6] =	wrdreg s1  }
0x7: {  	s5 =	sadd.s32 $0x9C00, s6;
	[dreg:$0x7] =	wrdreg s26  }
0x8: {  	s7 =	sadd.s32 $0xCE00, s6;
	[dreg:$0x8] =	wrdreg s5  }
0x9: {  	s8 =	sadd.s32 $0x10000, s6;
	[dreg:$0x9] =	wrdreg s7  }
0xa: {  	s9 =	sadd.s32 $0x13200, s6;
	[dreg:$0xa] =	wrdreg s8  }
0xb: {  	s10 =	sadd.s32 $0x16400, s6;
	[dreg:$0xb] =	wrdreg s9  }
0xc: {  	s11 =	sadd.s32 $0x19600, s6;
	[dreg:$0xc] =	wrdreg s10  }
0xd: {  	s12 =	sadd.s32 $0x1C800, s6;
	[dreg:$0xd] =	wrdreg s11  }
0xe: {  	s13 =	sadd.s32 $0x1FA00, s6;
	[dreg:$0xe] =	wrdreg s12  }
0xf: {  	s15 =	srdreg.scid;
	s14 =	sadd.s32 $0x22C00, s6;
	[dreg:$0xf] =	wrdreg s13  }
0x10: {  	s16 =	sadd.s32 $0x29000, s6;
	s17 =	sadd.s32 $0x2C200, s6;
	[dreg:$0x10] =	wrdreg s14  }
0x11: {  	s19 =	sadd.s32 $0x2F400, s6;
	s21 =	sadd.s32 $0x32600, s6;
	[dreg:$0x12] =	wrdreg s16  }
0x12: {  	s22 =	sadd.s32 $0x35800, s6;
	s23 =	sadd.s32 $0x1D8A00, s6;
	[dreg:$0x13] =	wrdreg s17  }
0x13: {  	s24 =	sadd.s32 $0x1F8A00, s6;
	s25 =	sadd.s32 $0x218A00, s6;
	[dreg:$0x14] =	wrdreg s19  }
0x14: {  	s28 =	sadd.s32 $0x58A00, s6;
	s29 =	sadd.s32 $0x78A00, s6;
	[dreg:$0x15] =	wrdreg s21  }
0x15: {  	s30 =	sadd.s32 $0x98A00, s6;
	s31 =	sadd.s32 $0xB8A00, s6;
	[dreg:$0x16] =	wrdreg s22  }
0x16: {  	s5 =	sadd.s32 $0x25E00, s6;
	s1 =	sand.u32 $0x1, s15;
	[dreg:$0x17] =	wrdreg s23  }
0x17: {  	s8 =	stileid.u32;
	[dreg:$0x19] =	wrdreg s24;
	s26 =	sadd.s32 $0x238A00, s6  }
0x18: {  	[dreg:$0x1a] =	wrdreg s25;
	s14 =	sadd.s32 $0xF8A00, s6;
	s22 =	sadd.s32 $0x138A00, s6  }
0x19: {  	s9 =	simm.s32 $0x80;
	s10 =	simm.s32 $0x280;
	s11 =	simm.s32 $0x100  }
0x1a: {  	s12 =	simm.s32 $0x300;
	s13 =	simm.s32 $0x180;
	s15 =	simm.s32 $0x380  }
0x1b: {  	s16 =	simm.s32 $0x1;
	s17 =	simm.s32 $0x2;
	s19 =	simm.s32 $0x4  }
0x1c: {  	[dreg:$0x11] =	wrdreg s5;
	s18 =	ssub.s32 $0x2, s1;
	s8 =	sshll.u32 s8, $0x7  }
0x1d: {  	s1 =	sshll.u32 s1, $0x6;
	[dreg:$0x1b] =	wrdreg s26;
	s26 =	sadd.s32 $0x38A00, s6  }
0x1e: {  	s5 =	sadd.s32 $0x198A00, s6;
	s7 =	sshrl.u32 s18, $0x1;
	s20 =	sor.u32 s1, s8  }
0x1f: {  	s1 =	sadd.s32 $0x118A00, s6;
	s8 =	simm.s32 $0x200;
	s7 =	ssub.s32 s18, s7  }
0x20: {  	s0 =	sadd.s32 s0, s20;
	s3 =	sadd.s32 s3, s20;
	s4 =	sadd.s32 s4, s20  }
0x21: {  	s18 =	simm.s32 $0x3;
	s20 =	simm.s32 $0x0;
	[dreg:$0x18] =	wrdreg s0  }
0x22: {  	s0 =	sadd.s32 $0xD8A00, s6;
	[dreg:$0x1c] =	wrdreg s3;
	s3 =	sadd.s32 $0x158A00, s6  }
0x23: {  	[dreg:$0x1d] =	wrdreg s4;
	s4 =	sadd.s32 $0x178A00, s6;
	s7 =	smax.u32 s7, $0x1  }
0x24: {  	s6 =	sadd.s32 $0x1B8A00, s6;
	[dreg:$0x1e] =	wrdreg s7;
	s7 =	simm.s32 $0x5  }
.LBB2_1:
0x25: {  	s21 =	rddreg [dreg:$0x18]  }
0x26: {  	[tilespmem:s2], [sflag:$0x5] =	stream.linear.gather [hbm4b:s21+s2], $0x200, $0x38;
	[tilespmem:$0x4A10] =	vst v63  }
0x27: {  	_ =	swait.ge [sflag:s7], $0x200  }
0x28: {  	[sflag:s7] =	ssyncset.done $0x0  }
0x29: {  	s24 =	rddreg [dreg:$0x1c];
	[sflag:s7] =	ssyncadd.s32 $0xFFFFFE00  }
0x2a: {  	[tilespmem:s8], [sflag:$0x5] =	stream.linear.gather [hbm4b:s24+s2], $0x200, $0x38;
	[tilespmem:$0x4A10] =	vst v63  }
0x2b: {  	_ =	swait.ge [sflag:s7], $0x200  }
0x2c: {  	[sflag:s7] =	ssyncset.done $0x0  }
0x2d: {  	[sflag:s7] =	ssyncadd.s32 $0xFFFFFE00  }
0x2e: {  	s23 =	simm.s32 $0x4800;
	s25 =	rddreg [dreg:$0x2]  }
0x2f: {  	[tilespmem:s23], [sflag:$0x5] =	stream.linear.gather [hbm4b:s25+s2], $0x10, $0x38;
	[tilespmem:$0x4A10] =	vst v63  }
0x30: {  	_ =	swait.ge [sflag:s7], $0x10  }
0x31: {  	[sflag:s7] =	ssyncset.done $0x0  }
0x32: {  	s24 =	simm.s32 $0x400;
	s23 =	rddreg [dreg:$0x17];
	[sflag:s7] =	ssyncadd.s32 $0xFFFFFFF0  }
0x33: {  	[tilespmem:s24], [sflag:$0x1] =	stream.indirect.gather [hbm4b:s23+s9], $0x1, s2, s9, $0xb8;
	[tilespmem:$0x4A10] =	vst v63  }
0x34: {  	s21 =	rddreg [dreg:$0x6];
	s24 =	simm.s32 $0x2400  }
0x35: {  	[tilespmem:s24], [sflag:$0x1] =	stream.indirect.gather [hbm4b:s21+s9], $0x1, s8, s9, $0xb8;
	[tilespmem:$0x4A10] =	vst v63  }
0x36: {  	s25 =	simm.s32 $0x480  }
0x37: {  	[tilespmem:s25], [sflag:$0x1] =	stream.indirect.gather [hbm4b:s23+s9], $0x1, s9, s9, $0xb8;
	[tilespmem:$0x4A10] =	vst v63  }
0x38: {  	s25 =	simm.s32 $0x2480  }
0x39: {  	[tilespmem:s25], [sflag:$0x1] =	stream.indirect.gather [hbm4b:s21+s9], $0x1, s10, s9, $0xb8;
	[tilespmem:$0x4A10] =	vst v63  }
0x3a: {  	s25 =	simm.s32 $0x500  }
0x3b: {  	[tilespmem:s25], [sflag:$0x1] =	stream.indirect.gather [hbm4b:s23+s9], $0x1, s11, s9, $0xb8;
	[tilespmem:$0x4A10] =	vst v63  }
0x3c: {  	s25 =	simm.s32 $0x2500  }
0x3d: {  	[tilespmem:s25], [sflag:$0x1] =	stream.indirect.gather [hbm4b:s21+s9], $0x1, s12, s9, $0xb8;
	[tilespmem:$0x4A10] =	vst v63  }
0x3e: {  	s25 =	simm.s32 $0x580  }
0x3f: {  	[tilespmem:s25], [sflag:$0x1] =	stream.indirect.gather [hbm4b:s23+s9], $0x1, s13, s9, $0xb8;
	[tilespmem:$0x4A10] =	vst v63  }
0x40: {  	s25 =	simm.s32 $0x2580  }
0x41: {  	[tilespmem:s25], [sflag:$0x1] =	stream.indirect.gather [hbm4b:s21+s9], $0x1, s15, s9, $0xb8;
	[tilespmem:$0x4A10] =	vst v63  }
0x42: {  	s24 =	simm.s32 $0x600;
	s23 =	rddreg [dreg:$0x19]  }
0x43: {  	[tilespmem:s24], [sflag:$0x2] =	stream.indirect.gather [hbm4b:s23+s9], $0x1, s2, s9, $0xb8;
	[tilespmem:$0x4A10] =	vst v63  }
0x44: {  	s21 =	rddreg [dreg:$0x7];
	s25 =	simm.s32 $0x2600  }
0x45: {  	[tilespmem:s25], [sflag:$0x2] =	stream.indirect.gather [hbm4b:s21+s9], $0x1, s8, s9, $0xb8;
	[tilespmem:$0x4A10] =	vst v63  }
0x46: {  	s25 =	simm.s32 $0x680  }
0x47: {  	[tilespmem:s25], [sflag:$0x2] =	stream.indirect.gather [hbm4b:s23+s9], $0x1, s9, s9, $0xb8;
	[tilespmem:$0x4A10] =	vst v63  }
0x48: {  	s25 =	simm.s32 $0x2680  }
0x49: {  	[tilespmem:s25], [sflag:$0x2] =	stream.indirect.gather [hbm4b:s21+s9], $0x1, s10, s9, $0xb8;
	[tilespmem:$0x4A10] =	vst v63  }
0x4a: {  	s25 =	simm.s32 $0x700  }
0x4b: {  	[tilespmem:s25], [sflag:$0x2] =	stream.indirect.gather [hbm4b:s23+s9], $0x1, s11, s9, $0xb8;
	[tilespmem:$0x4A10] =	vst v63  }
0x4c: {  	s25 =	simm.s32 $0x2700  }
0x4d: {  	[tilespmem:s25], [sflag:$0x2] =	stream.indirect.gather [hbm4b:s21+s9], $0x1, s12, s9, $0xb8;
	[tilespmem:$0x4A10] =	vst v63  }
0x4e: {  	s25 =	simm.s32 $0x780  }
0x4f: {  	[tilespmem:s25], [sflag:$0x2] =	stream.indirect.gather [hbm4b:s23+s9], $0x1, s13, s9, $0xb8;
	[tilespmem:$0x4A10] =	vst v63  }
0x50: {  	s25 =	simm.s32 $0x2780  }
0x51: {  	[tilespmem:s25], [sflag:$0x2] =	stream.indirect.gather [hbm4b:s21+s9], $0x1, s15, s9, $0xb8;
	[tilespmem:$0x4A10] =	vst v63  }
0x52: {  	s24 =	simm.s32 $0x800;
	s23 =	rddreg [dreg:$0x1a]  }
0x53: {  	[tilespmem:s24], [sflag:$0x3] =	stream.indirect.gather [hbm4b:s23+s9], $0x1, s2, s9, $0xb8;
	[tilespmem:$0x4A10] =	vst v63  }
0x54: {  	s21 =	rddreg [dreg:$0x8];
	s25 =	simm.s32 $0x2800  }
0x55: {  	[tilespmem:s25], [sflag:$0x3] =	stream.indirect.gather [hbm4b:s21+s9], $0x1, s8, s9, $0xb8;
	[tilespmem:$0x4A10] =	vst v63  }
0x56: {  	s25 =	simm.s32 $0x880  }
0x57: {  	[tilespmem:s25], [sflag:$0x3] =	stream.indirect.gather [hbm4b:s23+s9], $0x1, s9, s9, $0xb8;
	[tilespmem:$0x4A10] =	vst v63  }
0x58: {  	s25 =	simm.s32 $0x2880  }
0x59: {  	[tilespmem:s25], [sflag:$0x3] =	stream.indirect.gather [hbm4b:s21+s9], $0x1, s10, s9, $0xb8;
	[tilespmem:$0x4A10] =	vst v63  }
0x5a: {  	s25 =	simm.s32 $0x900  }
0x5b: {  	[tilespmem:s25], [sflag:$0x3] =	stream.indirect.gather [hbm4b:s23+s9], $0x1, s11, s9, $0xb8;
	[tilespmem:$0x4A10] =	vst v63  }
0x5c: {  	s25 =	simm.s32 $0x2900  }
0x5d: {  	[tilespmem:s25], [sflag:$0x3] =	stream.indirect.gather [hbm4b:s21+s9], $0x1, s12, s9, $0xb8;
	[tilespmem:$0x4A10] =	vst v63  }
0x5e: {  	s25 =	simm.s32 $0x980  }
0x5f: {  	[tilespmem:s25], [sflag:$0x3] =	stream.indirect.gather [hbm4b:s23+s9], $0x1, s13, s9, $0xb8;
	[tilespmem:$0x4A10] =	vst v63  }
0x60: {  	s25 =	simm.s32 $0x2980  }
0x61: {  	[tilespmem:s25], [sflag:$0x3] =	stream.indirect.gather [hbm4b:s21+s9], $0x1, s15, s9, $0xb8;
	[tilespmem:$0x4A10] =	vst v63  }
0x62: {  	s24 =	simm.s32 $0xA00;
	s23 =	rddreg [dreg:$0x1b]  }
0x63: {  	[tilespmem:s24], [sflag:$0x4] =	stream.indirect.gather [hbm4b:s23+s9], $0x1, s2, s9, $0xb8;
	[tilespmem:$0x4A10] =	vst v63  }
0x64: {  	s21 =	rddreg [dreg:$0x9];
	s25 =	simm.s32 $0x2A00  }
0x65: {  	[tilespmem:s25], [sflag:$0x4] =	stream.indirect.gather [hbm4b:s21+s9], $0x1, s8, s9, $0xb8;
	[tilespmem:$0x4A10] =	vst v63  }
0x66: {  	s25 =	simm.s32 $0xA80  }
0x67: {  	[tilespmem:s25], [sflag:$0x4] =	stream.indirect.gather [hbm4b:s23+s9], $0x1, s9, s9, $0xb8;
	[tilespmem:$0x4A10] =	vst v63  }
0x68: {  	s25 =	simm.s32 $0x2A80  }
0x69: {  	[tilespmem:s25], [sflag:$0x4] =	stream.indirect.gather [hbm4b:s21+s9], $0x1, s10, s9, $0xb8;
	[tilespmem:$0x4A10] =	vst v63  }
0x6a: {  	s25 =	simm.s32 $0xB00  }
0x6b: {  	[tilespmem:s25], [sflag:$0x4] =	stream.indirect.gather [hbm4b:s23+s9], $0x1, s11, s9, $0xb8;
	[tilespmem:$0x4A10] =	vst v63  }
0x6c: {  	s25 =	simm.s32 $0x2B00  }
0x6d: {  	[tilespmem:s25], [sflag:$0x4] =	stream.indirect.gather [hbm4b:s21+s9], $0x1, s12, s9, $0xb8;
	[tilespmem:$0x4A10] =	vst v63  }
0x6e: {  	s25 =	simm.s32 $0xB80  }
0x6f: {  	[tilespmem:s25], [sflag:$0x4] =	stream.indirect.gather [hbm4b:s23+s9], $0x1, s13, s9, $0xb8;
	[tilespmem:$0x4A10] =	vst v63  }
0x70: {  	s25 =	simm.s32 $0x2B80  }
0x71: {  	[tilespmem:s25], [sflag:$0x4] =	stream.indirect.gather [hbm4b:s21+s9], $0x1, s15, s9, $0xb8;
	[tilespmem:$0x4A10] =	vst v63  }
0x72: {  	s24 =	simm.s32 $0xC00  }
0x73: {  	[tilespmem:s24], [sflag:$0x1] =	stream.indirect.gather [hbm4b:s26+s9], $0x1, s2, s9, $0xb8;
	[tilespmem:$0x4A10] =	vst v63  }
0x74: {  	s21 =	rddreg [dreg:$0xa];
	s25 =	simm.s32 $0x2C00  }
0x75: {  	[tilespmem:s25], [sflag:$0x1] =	stream.indirect.gather [hbm4b:s21+s9], $0x1, s8, s9, $0xb8;
	[tilespmem:$0x4A10] =	vst v63  }
0x76: {  	s24 =	simm.s32 $0xC80  }
0x77: {  	[tilespmem:s24], [sflag:$0x1] =	stream.indirect.gather [hbm4b:s26+s9], $0x1, s9, s9, $0xb8;
	[tilespmem:$0x4A10] =	vst v63  }
0x78: {  	s25 =	simm.s32 $0x2C80  }
0x79: {  	[tilespmem:s25], [sflag:$0x1] =	stream.indirect.gather [hbm4b:s21+s9], $0x1, s10, s9, $0xb8;
	[tilespmem:$0x4A10] =	vst v63  }
0x7a: {  	s24 =	simm.s32 $0xD00  }
0x7b: {  	[tilespmem:s24], [sflag:$0x1] =	stream.indirect.gather [hbm4b:s26+s9], $0x1, s11, s9, $0xb8;
	[tilespmem:$0x4A10] =	vst v63  }
0x7c: {  	s25 =	simm.s32 $0x2D00  }
0x7d: {  	[tilespmem:s25], [sflag:$0x1] =	stream.indirect.gather [hbm4b:s21+s9], $0x1, s12, s9, $0xb8;
	[tilespmem:$0x4A10] =	vst v63  }
0x7e: {  	s24 =	simm.s32 $0xD80  }
0x7f: {  	[tilespmem:s24], [sflag:$0x1] =	stream.indirect.gather [hbm4b:s26+s9], $0x1, s13, s9, $0xb8;
	[tilespmem:$0x4A10] =	vst v63  }
0x80: {  	s25 =	simm.s32 $0x2D80  }
0x81: {  	[tilespmem:s25], [sflag:$0x1] =	stream.indirect.gather [hbm4b:s21+s9], $0x1, s15, s9, $0xb8;
	[tilespmem:$0x4A10] =	vst v63  }
0x82: {  	_ =	swait.ge [sflag:s16], $0x80  }
0x83: {  	[sflag:s16] =	ssyncset.done $0x0  }
0x84: {  	[sflag:s16] =	ssyncadd.s32 $0xFFFFFF80  }
0x85: {  	_ =	swait.ge [sflag:s16], $0x80  }
0x86: {  	[sflag:s16] =	ssyncset.done $0x0  }
0x87: {  	[sflag:s16] =	ssyncadd.s32 $0xFFFFFF80  }
0x88: {  	_ =	swait.ge [sflag:s16], $0x80  }
0x89: {  	[sflag:s16] =	ssyncset.done $0x0  }
0x8a: {  	[sflag:s16] =	ssyncadd.s32 $0xFFFFFF80  }
0x8b: {  	_ =	swait.ge [sflag:s16], $0x80  }
0x8c: {  	[sflag:s16] =	ssyncset.done $0x0  }
0x8d: {  	[sflag:s16] =	ssyncadd.s32 $0xFFFFFF80  }
0x8e: {  	_ =	swait.ge [sflag:s16], $0x80  }
0x8f: {  	[sflag:s16] =	ssyncset.done $0x0  }
0x90: {  	[sflag:s16] =	ssyncadd.s32 $0xFFFFFF80  }
0x91: {  	_ =	swait.ge [sflag:s16], $0x80  }
0x92: {  	[sflag:s16] =	ssyncset.done $0x0  }
0x93: {  	[sflag:s16] =	ssyncadd.s32 $0xFFFFFF80  }
0x94: {  	_ =	swait.ge [sflag:s16], $0x80  }
0x95: {  	[sflag:s16] =	ssyncset.done $0x0  }
0x96: {  	[sflag:s16] =	ssyncadd.s32 $0xFFFFFF80  }
0x97: {  	_ =	swait.ge [sflag:s16], $0x80  }
0x98: {  	[sflag:s16] =	ssyncset.done $0x0  }
0x99: {  	s24 =	simm.s32 $0xE00;
	[sflag:s16] =	ssyncadd.s32 $0xFFFFFF80  }
0x9a: {  	[tilespmem:s24], [sflag:$0x2] =	stream.indirect.gather [hbm4b:s28+s9], $0x1, s2, s9, $0xb8;
	[tilespmem:$0x4A10] =	vst v63  }
0x9b: {  	s25 =	simm.s32 $0x2E00;
	s21 =	rddreg [dreg:$0xb]  }
0x9c: {  	[tilespmem:s25], [sflag:$0x2] =	stream.indirect.gather [hbm4b:s21+s9], $0x1, s8, s9, $0xb8;
	[tilespmem:$0x4A10] =	vst v63  }
0x9d: {  	s24 =	simm.s32 $0xE80  }
0x9e: {  	[tilespmem:s24], [sflag:$0x2] =	stream.indirect.gather [hbm4b:s28+s9], $0x1, s9, s9, $0xb8;
	[tilespmem:$0x4A10] =	vst v63  }
0x9f: {  	s25 =	simm.s32 $0x2E80  }
0xa0: {  	[tilespmem:s25], [sflag:$0x2] =	stream.indirect.gather [hbm4b:s21+s9], $0x1, s10, s9, $0xb8;
	[tilespmem:$0x4A10] =	vst v63  }
0xa1: {  	s24 =	simm.s32 $0xF00  }
0xa2: {  	[tilespmem:s24], [sflag:$0x2] =	stream.indirect.gather [hbm4b:s28+s9], $0x1, s11, s9, $0xb8;
	[tilespmem:$0x4A10] =	vst v63  }
0xa3: {  	s25 =	simm.s32 $0x2F00  }
0xa4: {  	[tilespmem:s25], [sflag:$0x2] =	stream.indirect.gather [hbm4b:s21+s9], $0x1, s12, s9, $0xb8;
	[tilespmem:$0x4A10] =	vst v63  }
0xa5: {  	s24 =	simm.s32 $0xF80  }
0xa6: {  	[tilespmem:s24], [sflag:$0x2] =	stream.indirect.gather [hbm4b:s28+s9], $0x1, s13, s9, $0xb8;
	[tilespmem:$0x4A10] =	vst v63  }
0xa7: {  	s25 =	simm.s32 $0x2F80  }
0xa8: {  	[tilespmem:s25], [sflag:$0x2] =	stream.indirect.gather [hbm4b:s21+s9], $0x1, s15, s9, $0xb8;
	[tilespmem:$0x4A10] =	vst v63  }
0xa9: {  	_ =	swait.ge [sflag:s17], $0x80  }
0xaa: {  	[sflag:s17] =	ssyncset.done $0x0  }
0xab: {  	[sflag:s17] =	ssyncadd.s32 $0xFFFFFF80  }
0xac: {  	_ =	swait.ge [sflag:s17], $0x80  }
0xad: {  	[sflag:s17] =	ssyncset.done $0x0  }
0xae: {  	[sflag:s17] =	ssyncadd.s32 $0xFFFFFF80  }
0xaf: {  	_ =	swait.ge [sflag:s17], $0x80  }
0xb0: {  	[sflag:s17] =	ssyncset.done $0x0  }
0xb1: {  	[sflag:s17] =	ssyncadd.s32 $0xFFFFFF80  }
0xb2: {  	_ =	swait.ge [sflag:s17], $0x80  }
0xb3: {  	[sflag:s17] =	ssyncset.done $0x0  }
0xb4: {  	[sflag:s17] =	ssyncadd.s32 $0xFFFFFF80  }
0xb5: {  	_ =	swait.ge [sflag:s17], $0x80  }
0xb6: {  	[sflag:s17] =	ssyncset.done $0x0  }
0xb7: {  	[sflag:s17] =	ssyncadd.s32 $0xFFFFFF80  }
0xb8: {  	_ =	swait.ge [sflag:s17], $0x80  }
0xb9: {  	[sflag:s17] =	ssyncset.done $0x0  }
0xba: {  	[sflag:s17] =	ssyncadd.s32 $0xFFFFFF80  }
0xbb: {  	_ =	swait.ge [sflag:s17], $0x80  }
0xbc: {  	[sflag:s17] =	ssyncset.done $0x0  }
0xbd: {  	[sflag:s17] =	ssyncadd.s32 $0xFFFFFF80  }
0xbe: {  	_ =	swait.ge [sflag:s17], $0x80  }
0xbf: {  	[sflag:s17] =	ssyncset.done $0x0  }
0xc0: {  	s24 =	simm.s32 $0x1000;
	[sflag:s17] =	ssyncadd.s32 $0xFFFFFF80  }
0xc1: {  	[tilespmem:s24], [sflag:$0x3] =	stream.indirect.gather [hbm4b:s29+s9], $0x1, s2, s9, $0xb8;
	[tilespmem:$0x4A10] =	vst v63  }
0xc2: {  	s25 =	simm.s32 $0x3000;
	s21 =	rddreg [dreg:$0xc]  }
0xc3: {  	[tilespmem:s25], [sflag:$0x3] =	stream.indirect.gather [hbm4b:s21+s9], $0x1, s8, s9, $0xb8;
	[tilespmem:$0x4A10] =	vst v63  }
0xc4: {  	s24 =	simm.s32 $0x1080  }
0xc5: {  	[tilespmem:s24], [sflag:$0x3] =	stream.indirect.gather [hbm4b:s29+s9], $0x1, s9, s9, $0xb8;
	[tilespmem:$0x4A10] =	vst v63  }
0xc6: {  	s25 =	simm.s32 $0x3080  }
0xc7: {  	[tilespmem:s25], [sflag:$0x3] =	stream.indirect.gather [hbm4b:s21+s9], $0x1, s10, s9, $0xb8;
	[tilespmem:$0x4A10] =	vst v63  }
0xc8: {  	s24 =	simm.s32 $0x1100  }
0xc9: {  	[tilespmem:s24], [sflag:$0x3] =	stream.indirect.gather [hbm4b:s29+s9], $0x1, s11, s9, $0xb8;
	[tilespmem:$0x4A10] =	vst v63  }
0xca: {  	s25 =	simm.s32 $0x3100  }
0xcb: {  	[tilespmem:s25], [sflag:$0x3] =	stream.indirect.gather [hbm4b:s21+s9], $0x1, s12, s9, $0xb8;
	[tilespmem:$0x4A10] =	vst v63  }
0xcc: {  	s24 =	simm.s32 $0x1180  }
0xcd: {  	[tilespmem:s24], [sflag:$0x3] =	stream.indirect.gather [hbm4b:s29+s9], $0x1, s13, s9, $0xb8;
	[tilespmem:$0x4A10] =	vst v63  }
0xce: {  	s25 =	simm.s32 $0x3180  }
0xcf: {  	[tilespmem:s25], [sflag:$0x3] =	stream.indirect.gather [hbm4b:s21+s9], $0x1, s15, s9, $0xb8;
	[tilespmem:$0x4A10] =	vst v63  }
0xd0: {  	_ =	swait.ge [sflag:s18], $0x80  }
0xd1: {  	[sflag:s18] =	ssyncset.done $0x0  }
0xd2: {  	[sflag:s18] =	ssyncadd.s32 $0xFFFFFF80  }
0xd3: {  	_ =	swait.ge [sflag:s18], $0x80  }
0xd4: {  	[sflag:s18] =	ssyncset.done $0x0  }
0xd5: {  	[sflag:s18] =	ssyncadd.s32 $0xFFFFFF80  }
0xd6: {  	_ =	swait.ge [sflag:s18], $0x80  }
0xd7: {  	[sflag:s18] =	ssyncset.done $0x0  }
0xd8: {  	[sflag:s18] =	ssyncadd.s32 $0xFFFFFF80  }
0xd9: {  	_ =	swait.ge [sflag:s18], $0x80  }
0xda: {  	[sflag:s18] =	ssyncset.done $0x0  }
0xdb: {  	[sflag:s18] =	ssyncadd.s32 $0xFFFFFF80  }
0xdc: {  	_ =	swait.ge [sflag:s18], $0x80  }
0xdd: {  	[sflag:s18] =	ssyncset.done $0x0  }
0xde: {  	[sflag:s18] =	ssyncadd.s32 $0xFFFFFF80  }
0xdf: {  	_ =	swait.ge [sflag:s18], $0x80  }
0xe0: {  	[sflag:s18] =	ssyncset.done $0x0  }
0xe1: {  	[sflag:s18] =	ssyncadd.s32 $0xFFFFFF80  }
0xe2: {  	_ =	swait.ge [sflag:s18], $0x80  }
0xe3: {  	[sflag:s18] =	ssyncset.done $0x0  }
0xe4: {  	[sflag:s18] =	ssyncadd.s32 $0xFFFFFF80  }
0xe5: {  	_ =	swait.ge [sflag:s18], $0x80  }
0xe6: {  	[sflag:s18] =	ssyncset.done $0x0  }
0xe7: {  	s24 =	simm.s32 $0x1200;
	[sflag:s18] =	ssyncadd.s32 $0xFFFFFF80  }
0xe8: {  	[tilespmem:s24], [sflag:$0x4] =	stream.indirect.gather [hbm4b:s30+s9], $0x1, s2, s9, $0xb8;
	[tilespmem:$0x4A10] =	vst v63  }
0xe9: {  	s25 =	simm.s32 $0x3200;
	s21 =	rddreg [dreg:$0xd]  }
0xea: {  	[tilespmem:s25], [sflag:$0x4] =	stream.indirect.gather [hbm4b:s21+s9], $0x1, s8, s9, $0xb8;
	[tilespmem:$0x4A10] =	vst v63  }
0xeb: {  	s24 =	simm.s32 $0x1280  }
0xec: {  	[tilespmem:s24], [sflag:$0x4] =	stream.indirect.gather [hbm4b:s30+s9], $0x1, s9, s9, $0xb8;
	[tilespmem:$0x4A10] =	vst v63  }
0xed: {  	s25 =	simm.s32 $0x3280  }
0xee: {  	[tilespmem:s25], [sflag:$0x4] =	stream.indirect.gather [hbm4b:s21+s9], $0x1, s10, s9, $0xb8;
	[tilespmem:$0x4A10] =	vst v63  }
0xef: {  	s24 =	simm.s32 $0x1300  }
0xf0: {  	[tilespmem:s24], [sflag:$0x4] =	stream.indirect.gather [hbm4b:s30+s9], $0x1, s11, s9, $0xb8;
	[tilespmem:$0x4A10] =	vst v63  }
0xf1: {  	s25 =	simm.s32 $0x3300  }
0xf2: {  	[tilespmem:s25], [sflag:$0x4] =	stream.indirect.gather [hbm4b:s21+s9], $0x1, s12, s9, $0xb8;
	[tilespmem:$0x4A10] =	vst v63  }
0xf3: {  	s24 =	simm.s32 $0x1380  }
0xf4: {  	[tilespmem:s24], [sflag:$0x4] =	stream.indirect.gather [hbm4b:s30+s9], $0x1, s13, s9, $0xb8;
	[tilespmem:$0x4A10] =	vst v63  }
0xf5: {  	s25 =	simm.s32 $0x3380  }
0xf6: {  	[tilespmem:s25], [sflag:$0x4] =	stream.indirect.gather [hbm4b:s21+s9], $0x1, s15, s9, $0xb8;
	[tilespmem:$0x4A10] =	vst v63  }
0xf7: {  	_ =	swait.ge [sflag:s19], $0x80  }
0xf8: {  	[sflag:s19] =	ssyncset.done $0x0  }
0xf9: {  	[sflag:s19] =	ssyncadd.s32 $0xFFFFFF80  }
0xfa: {  	_ =	swait.ge [sflag:s19], $0x80  }
0xfb: {  	[sflag:s19] =	ssyncset.done $0x0  }
0xfc: {  	[sflag:s19] =	ssyncadd.s32 $0xFFFFFF80  }
0xfd: {  	_ =	swait.ge [sflag:s19], $0x80  }
0xfe: {  	[sflag:s19] =	ssyncset.done $0x0  }
0xff: {  	[sflag:s19] =	ssyncadd.s32 $0xFFFFFF80  }
0x100: {  	_ =	swait.ge [sflag:s19], $0x80  }
0x101: {  	[sflag:s19] =	ssyncset.done $0x0  }
0x102: {  	[sflag:s19] =	ssyncadd.s32 $0xFFFFFF80  }
0x103: {  	_ =	swait.ge [sflag:s19], $0x80  }
0x104: {  	[sflag:s19] =	ssyncset.done $0x0  }
0x105: {  	[sflag:s19] =	ssyncadd.s32 $0xFFFFFF80  }
0x106: {  	_ =	swait.ge [sflag:s19], $0x80  }
0x107: {  	[sflag:s19] =	ssyncset.done $0x0  }
0x108: {  	[sflag:s19] =	ssyncadd.s32 $0xFFFFFF80  }
0x109: {  	_ =	swait.ge [sflag:s19], $0x80  }
0x10a: {  	[sflag:s19] =	ssyncset.done $0x0  }
0x10b: {  	[sflag:s19] =	ssyncadd.s32 $0xFFFFFF80  }
0x10c: {  	_ =	swait.ge [sflag:s19], $0x80  }
0x10d: {  	[sflag:s19] =	ssyncset.done $0x0  }
0x10e: {  	s24 =	simm.s32 $0x1400;
	[sflag:s19] =	ssyncadd.s32 $0xFFFFFF80  }
0x10f: {  	[tilespmem:s24], [sflag:$0x1] =	stream.indirect.gather [hbm4b:s31+s9], $0x1, s2, s9, $0xb8;
	[tilespmem:$0x4A10] =	vst v63  }
0x110: {  	s25 =	simm.s32 $0x3400;
	s21 =	rddreg [dreg:$0xe]  }
0x111: {  	[tilespmem:s25], [sflag:$0x1] =	stream.indirect.gather [hbm4b:s21+s9], $0x1, s8, s9, $0xb8;
	[tilespmem:$0x4A10] =	vst v63  }
0x112: {  	s24 =	simm.s32 $0x1480  }
0x113: {  	[tilespmem:s24], [sflag:$0x1] =	stream.indirect.gather [hbm4b:s31+s9], $0x1, s9, s9, $0xb8;
	[tilespmem:$0x4A10] =	vst v63  }
0x114: {  	s25 =	simm.s32 $0x3480  }
0x115: {  	[tilespmem:s25], [sflag:$0x1] =	stream.indirect.gather [hbm4b:s21+s9], $0x1, s10, s9, $0xb8;
	[tilespmem:$0x4A10] =	vst v63  }
0x116: {  	s24 =	simm.s32 $0x1500  }
0x117: {  	[tilespmem:s24], [sflag:$0x1] =	stream.indirect.gather [hbm4b:s31+s9], $0x1, s11, s9, $0xb8;
	[tilespmem:$0x4A10] =	vst v63  }
0x118: {  	s25 =	simm.s32 $0x3500  }
0x119: {  	[tilespmem:s25], [sflag:$0x1] =	stream.indirect.gather [hbm4b:s21+s9], $0x1, s12, s9, $0xb8;
	[tilespmem:$0x4A10] =	vst v63  }
0x11a: {  	s24 =	simm.s32 $0x1580  }
0x11b: {  	[tilespmem:s24], [sflag:$0x1] =	stream.indirect.gather [hbm4b:s31+s9], $0x1, s13, s9, $0xb8;
	[tilespmem:$0x4A10] =	vst v63  }
0x11c: {  	s25 =	simm.s32 $0x3580  }
0x11d: {  	[tilespmem:s25], [sflag:$0x1] =	stream.indirect.gather [hbm4b:s21+s9], $0x1, s15, s9, $0xb8;
	[tilespmem:$0x4A10] =	vst v63  }
0x11e: {  	_ =	swait.ge [sflag:s16], $0x80  }
0x11f: {  	[sflag:s16] =	ssyncset.done $0x0  }
0x120: {  	[sflag:s16] =	ssyncadd.s32 $0xFFFFFF80  }
0x121: {  	_ =	swait.ge [sflag:s16], $0x80  }
0x122: {  	[sflag:s16] =	ssyncset.done $0x0  }
0x123: {  	[sflag:s16] =	ssyncadd.s32 $0xFFFFFF80  }
0x124: {  	_ =	swait.ge [sflag:s16], $0x80  }
0x125: {  	[sflag:s16] =	ssyncset.done $0x0  }
0x126: {  	[sflag:s16] =	ssyncadd.s32 $0xFFFFFF80  }
0x127: {  	_ =	swait.ge [sflag:s16], $0x80  }
0x128: {  	[sflag:s16] =	ssyncset.done $0x0  }
0x129: {  	[sflag:s16] =	ssyncadd.s32 $0xFFFFFF80  }
0x12a: {  	_ =	swait.ge [sflag:s16], $0x80  }
0x12b: {  	[sflag:s16] =	ssyncset.done $0x0  }
0x12c: {  	[sflag:s16] =	ssyncadd.s32 $0xFFFFFF80  }
0x12d: {  	_ =	swait.ge [sflag:s16], $0x80  }
0x12e: {  	[sflag:s16] =	ssyncset.done $0x0  }
0x12f: {  	[sflag:s16] =	ssyncadd.s32 $0xFFFFFF80  }
0x130: {  	_ =	swait.ge [sflag:s16], $0x80  }
0x131: {  	[sflag:s16] =	ssyncset.done $0x0  }
0x132: {  	[sflag:s16] =	ssyncadd.s32 $0xFFFFFF80  }
0x133: {  	_ =	swait.ge [sflag:s16], $0x80  }
0x134: {  	[sflag:s16] =	ssyncset.done $0x0  }
0x135: {  	s24 =	simm.s32 $0x1600;
	[sflag:s16] =	ssyncadd.s32 $0xFFFFFF80  }
0x136: {  	[tilespmem:s24], [sflag:$0x2] =	stream.indirect.gather [hbm4b:s0+s9], $0x1, s2, s9, $0xb8;
	[tilespmem:$0x4A10] =	vst v63  }
0x137: {  	s25 =	simm.s32 $0x3600;
	s21 =	rddreg [dreg:$0xf]  }
0x138: {  	[tilespmem:s25], [sflag:$0x2] =	stream.indirect.gather [hbm4b:s21+s9], $0x1, s8, s9, $0xb8;
	[tilespmem:$0x4A10] =	vst v63  }
0x139: {  	s24 =	simm.s32 $0x1680  }
0x13a: {  	[tilespmem:s24], [sflag:$0x2] =	stream.indirect.gather [hbm4b:s0+s9], $0x1, s9, s9, $0xb8;
	[tilespmem:$0x4A10] =	vst v63  }
0x13b: {  	s25 =	simm.s32 $0x3680  }
0x13c: {  	[tilespmem:s25], [sflag:$0x2] =	stream.indirect.gather [hbm4b:s21+s9], $0x1, s10, s9, $0xb8;
	[tilespmem:$0x4A10] =	vst v63  }
0x13d: {  	s24 =	simm.s32 $0x1700  }
0x13e: {  	[tilespmem:s24], [sflag:$0x2] =	stream.indirect.gather [hbm4b:s0+s9], $0x1, s11, s9, $0xb8;
	[tilespmem:$0x4A10] =	vst v63  }
0x13f: {  	s25 =	simm.s32 $0x3700  }
0x140: {  	[tilespmem:s25], [sflag:$0x2] =	stream.indirect.gather [hbm4b:s21+s9], $0x1, s12, s9, $0xb8;
	[tilespmem:$0x4A10] =	vst v63  }
0x141: {  	s24 =	simm.s32 $0x1780  }
0x142: {  	[tilespmem:s24], [sflag:$0x2] =	stream.indirect.gather [hbm4b:s0+s9], $0x1, s13, s9, $0xb8;
	[tilespmem:$0x4A10] =	vst v63  }
0x143: {  	s25 =	simm.s32 $0x3780  }
0x144: {  	[tilespmem:s25], [sflag:$0x2] =	stream.indirect.gather [hbm4b:s21+s9], $0x1, s15, s9, $0xb8;
	[tilespmem:$0x4A10] =	vst v63  }
0x145: {  	_ =	swait.ge [sflag:s17], $0x80  }
0x146: {  	[sflag:s17] =	ssyncset.done $0x0  }
0x147: {  	[sflag:s17] =	ssyncadd.s32 $0xFFFFFF80  }
0x148: {  	_ =	swait.ge [sflag:s17], $0x80  }
0x149: {  	[sflag:s17] =	ssyncset.done $0x0  }
0x14a: {  	[sflag:s17] =	ssyncadd.s32 $0xFFFFFF80  }
0x14b: {  	_ =	swait.ge [sflag:s17], $0x80  }
0x14c: {  	[sflag:s17] =	ssyncset.done $0x0  }
0x14d: {  	[sflag:s17] =	ssyncadd.s32 $0xFFFFFF80  }
0x14e: {  	_ =	swait.ge [sflag:s17], $0x80  }
0x14f: {  	[sflag:s17] =	ssyncset.done $0x0  }
0x150: {  	[sflag:s17] =	ssyncadd.s32 $0xFFFFFF80  }
0x151: {  	_ =	swait.ge [sflag:s17], $0x80  }
0x152: {  	[sflag:s17] =	ssyncset.done $0x0  }
0x153: {  	[sflag:s17] =	ssyncadd.s32 $0xFFFFFF80  }
0x154: {  	_ =	swait.ge [sflag:s17], $0x80  }
0x155: {  	[sflag:s17] =	ssyncset.done $0x0  }
0x156: {  	[sflag:s17] =	ssyncadd.s32 $0xFFFFFF80  }
0x157: {  	_ =	swait.ge [sflag:s17], $0x80  }
0x158: {  	[sflag:s17] =	ssyncset.done $0x0  }
0x159: {  	[sflag:s17] =	ssyncadd.s32 $0xFFFFFF80  }
0x15a: {  	_ =	swait.ge [sflag:s17], $0x80  }
0x15b: {  	[sflag:s17] =	ssyncset.done $0x0  }
0x15c: {  	s24 =	simm.s32 $0x1800;
	[sflag:s17] =	ssyncadd.s32 $0xFFFFFF80  }
0x15d: {  	[tilespmem:s24], [sflag:$0x3] =	stream.indirect.gather [hbm4b:s14+s9], $0x1, s2, s9, $0xb8;
	[tilespmem:$0x4A10] =	vst v63  }
0x15e: {  	s25 =	simm.s32 $0x3800;
	s21 =	rddreg [dreg:$0x10]  }
0x15f: {  	[tilespmem:s25], [sflag:$0x3] =	stream.indirect.gather [hbm4b:s21+s9], $0x1, s8, s9, $0xb8;
	[tilespmem:$0x4A10] =	vst v63  }
0x160: {  	s24 =	simm.s32 $0x1880  }
0x161: {  	[tilespmem:s24], [sflag:$0x3] =	stream.indirect.gather [hbm4b:s14+s9], $0x1, s9, s9, $0xb8;
	[tilespmem:$0x4A10] =	vst v63  }
0x162: {  	s25 =	simm.s32 $0x3880  }
0x163: {  	[tilespmem:s25], [sflag:$0x3] =	stream.indirect.gather [hbm4b:s21+s9], $0x1, s10, s9, $0xb8;
	[tilespmem:$0x4A10] =	vst v63  }
0x164: {  	s24 =	simm.s32 $0x1900  }
0x165: {  	[tilespmem:s24], [sflag:$0x3] =	stream.indirect.gather [hbm4b:s14+s9], $0x1, s11, s9, $0xb8;
	[tilespmem:$0x4A10] =	vst v63  }
0x166: {  	s25 =	simm.s32 $0x3900  }
0x167: {  	[tilespmem:s25], [sflag:$0x3] =	stream.indirect.gather [hbm4b:s21+s9], $0x1, s12, s9, $0xb8;
	[tilespmem:$0x4A10] =	vst v63  }
0x168: {  	s24 =	simm.s32 $0x1980  }
0x169: {  	[tilespmem:s24], [sflag:$0x3] =	stream.indirect.gather [hbm4b:s14+s9], $0x1, s13, s9, $0xb8;
	[tilespmem:$0x4A10] =	vst v63  }
0x16a: {  	s25 =	simm.s32 $0x3980  }
0x16b: {  	[tilespmem:s25], [sflag:$0x3] =	stream.indirect.gather [hbm4b:s21+s9], $0x1, s15, s9, $0xb8;
	[tilespmem:$0x4A10] =	vst v63  }
0x16c: {  	_ =	swait.ge [sflag:s18], $0x80  }
0x16d: {  	[sflag:s18] =	ssyncset.done $0x0  }
0x16e: {  	[sflag:s18] =	ssyncadd.s32 $0xFFFFFF80  }
0x16f: {  	_ =	swait.ge [sflag:s18], $0x80  }
0x170: {  	[sflag:s18] =	ssyncset.done $0x0  }
0x171: {  	[sflag:s18] =	ssyncadd.s32 $0xFFFFFF80  }
0x172: {  	_ =	swait.ge [sflag:s18], $0x80  }
0x173: {  	[sflag:s18] =	ssyncset.done $0x0  }
0x174: {  	[sflag:s18] =	ssyncadd.s32 $0xFFFFFF80  }
0x175: {  	_ =	swait.ge [sflag:s18], $0x80  }
0x176: {  	[sflag:s18] =	ssyncset.done $0x0  }
0x177: {  	[sflag:s18] =	ssyncadd.s32 $0xFFFFFF80  }
0x178: {  	_ =	swait.ge [sflag:s18], $0x80  }
0x179: {  	[sflag:s18] =	ssyncset.done $0x0  }
0x17a: {  	[sflag:s18] =	ssyncadd.s32 $0xFFFFFF80  }
0x17b: {  	_ =	swait.ge [sflag:s18], $0x80  }
0x17c: {  	[sflag:s18] =	ssyncset.done $0x0  }
0x17d: {  	[sflag:s18] =	ssyncadd.s32 $0xFFFFFF80  }
0x17e: {  	_ =	swait.ge [sflag:s18], $0x80  }
0x17f: {  	[sflag:s18] =	ssyncset.done $0x0  }
0x180: {  	[sflag:s18] =	ssyncadd.s32 $0xFFFFFF80  }
0x181: {  	_ =	swait.ge [sflag:s18], $0x80  }
0x182: {  	[sflag:s18] =	ssyncset.done $0x0  }
0x183: {  	s24 =	simm.s32 $0x1A00;
	[sflag:s18] =	ssyncadd.s32 $0xFFFFFF80  }
0x184: {  	[tilespmem:s24], [sflag:$0x4] =	stream.indirect.gather [hbm4b:s1+s9], $0x1, s2, s9, $0xb8;
	[tilespmem:$0x4A10] =	vst v63  }
0x185: {  	s25 =	simm.s32 $0x3A00;
	s21 =	rddreg [dreg:$0x11]  }
0x186: {  	[tilespmem:s25], [sflag:$0x4] =	stream.indirect.gather [hbm4b:s21+s9], $0x1, s8, s9, $0xb8;
	[tilespmem:$0x4A10] =	vst v63  }
0x187: {  	s24 =	simm.s32 $0x1A80  }
0x188: {  	[tilespmem:s24], [sflag:$0x4] =	stream.indirect.gather [hbm4b:s1+s9], $0x1, s9, s9, $0xb8;
	[tilespmem:$0x4A10] =	vst v63  }
0x189: {  	s25 =	simm.s32 $0x3A80  }
0x18a: {  	[tilespmem:s25], [sflag:$0x4] =	stream.indirect.gather [hbm4b:s21+s9], $0x1, s10, s9, $0xb8;
	[tilespmem:$0x4A10] =	vst v63  }
0x18b: {  	s24 =	simm.s32 $0x1B00  }
0x18c: {  	[tilespmem:s24], [sflag:$0x4] =	stream.indirect.gather [hbm4b:s1+s9], $0x1, s11, s9, $0xb8;
	[tilespmem:$0x4A10] =	vst v63  }
0x18d: {  	s25 =	simm.s32 $0x3B00  }
0x18e: {  	[tilespmem:s25], [sflag:$0x4] =	stream.indirect.gather [hbm4b:s21+s9], $0x1, s12, s9, $0xb8;
	[tilespmem:$0x4A10] =	vst v63  }
0x18f: {  	s24 =	simm.s32 $0x1B80  }
0x190: {  	[tilespmem:s24], [sflag:$0x4] =	stream.indirect.gather [hbm4b:s1+s9], $0x1, s13, s9, $0xb8;
	[tilespmem:$0x4A10] =	vst v63  }
0x191: {  	s25 =	simm.s32 $0x3B80  }
0x192: {  	[tilespmem:s25], [sflag:$0x4] =	stream.indirect.gather [hbm4b:s21+s9], $0x1, s15, s9, $0xb8;
	[tilespmem:$0x4A10] =	vst v63  }
0x193: {  	_ =	swait.ge [sflag:s19], $0x80  }
0x194: {  	[sflag:s19] =	ssyncset.done $0x0  }
0x195: {  	[sflag:s19] =	ssyncadd.s32 $0xFFFFFF80  }
0x196: {  	_ =	swait.ge [sflag:s19], $0x80  }
0x197: {  	[sflag:s19] =	ssyncset.done $0x0  }
0x198: {  	[sflag:s19] =	ssyncadd.s32 $0xFFFFFF80  }
0x199: {  	_ =	swait.ge [sflag:s19], $0x80  }
0x19a: {  	[sflag:s19] =	ssyncset.done $0x0  }
0x19b: {  	[sflag:s19] =	ssyncadd.s32 $0xFFFFFF80  }
0x19c: {  	_ =	swait.ge [sflag:s19], $0x80  }
0x19d: {  	[sflag:s19] =	ssyncset.done $0x0  }
0x19e: {  	[sflag:s19] =	ssyncadd.s32 $0xFFFFFF80  }
0x19f: {  	_ =	swait.ge [sflag:s19], $0x80  }
0x1a0: {  	[sflag:s19] =	ssyncset.done $0x0  }
0x1a1: {  	[sflag:s19] =	ssyncadd.s32 $0xFFFFFF80  }
0x1a2: {  	_ =	swait.ge [sflag:s19], $0x80  }
0x1a3: {  	[sflag:s19] =	ssyncset.done $0x0  }
0x1a4: {  	[sflag:s19] =	ssyncadd.s32 $0xFFFFFF80  }
0x1a5: {  	_ =	swait.ge [sflag:s19], $0x80  }
0x1a6: {  	[sflag:s19] =	ssyncset.done $0x0  }
0x1a7: {  	[sflag:s19] =	ssyncadd.s32 $0xFFFFFF80  }
0x1a8: {  	_ =	swait.ge [sflag:s19], $0x80  }
0x1a9: {  	[sflag:s19] =	ssyncset.done $0x0  }
0x1aa: {  	s24 =	simm.s32 $0x1C00;
	[sflag:s19] =	ssyncadd.s32 $0xFFFFFF80  }
0x1ab: {  	[tilespmem:s24], [sflag:$0x1] =	stream.indirect.gather [hbm4b:s22+s9], $0x1, s2, s9, $0xb8;
	[tilespmem:$0x4A10] =	vst v63  }
0x1ac: {  	s25 =	simm.s32 $0x3C00;
	s21 =	rddreg [dreg:$0x12]  }
0x1ad: {  	[tilespmem:s25], [sflag:$0x1] =	stream.indirect.gather [hbm4b:s21+s9], $0x1, s8, s9, $0xb8;
	[tilespmem:$0x4A10] =	vst v63  }
0x1ae: {  	s24 =	simm.s32 $0x1C80  }
0x1af: {  	[tilespmem:s24], [sflag:$0x1] =	stream.indirect.gather [hbm4b:s22+s9], $0x1, s9, s9, $0xb8;
	[tilespmem:$0x4A10] =	vst v63  }
0x1b0: {  	s25 =	simm.s32 $0x3C80  }
0x1b1: {  	[tilespmem:s25], [sflag:$0x1] =	stream.indirect.gather [hbm4b:s21+s9], $0x1, s10, s9, $0xb8;
	[tilespmem:$0x4A10] =	vst v63  }
0x1b2: {  	s24 =	simm.s32 $0x1D00  }
0x1b3: {  	[tilespmem:s24], [sflag:$0x1] =	stream.indirect.gather [hbm4b:s22+s9], $0x1, s11, s9, $0xb8;
	[tilespmem:$0x4A10] =	vst v63  }
0x1b4: {  	s25 =	simm.s32 $0x3D00  }
0x1b5: {  	[tilespmem:s25], [sflag:$0x1] =	stream.indirect.gather [hbm4b:s21+s9], $0x1, s12, s9, $0xb8;
	[tilespmem:$0x4A10] =	vst v63  }
0x1b6: {  	s24 =	simm.s32 $0x1D80  }
0x1b7: {  	[tilespmem:s24], [sflag:$0x1] =	stream.indirect.gather [hbm4b:s22+s9], $0x1, s13, s9, $0xb8;
	[tilespmem:$0x4A10] =	vst v63  }
0x1b8: {  	s25 =	simm.s32 $0x3D80  }
0x1b9: {  	[tilespmem:s25], [sflag:$0x1] =	stream.indirect.gather [hbm4b:s21+s9], $0x1, s15, s9, $0xb8;
	[tilespmem:$0x4A10] =	vst v63  }
0x1ba: {  	_ =	swait.ge [sflag:s16], $0x80  }
0x1bb: {  	[sflag:s16] =	ssyncset.done $0x0  }
0x1bc: {  	[sflag:s16] =	ssyncadd.s32 $0xFFFFFF80  }
0x1bd: {  	_ =	swait.ge [sflag:s16], $0x80  }
0x1be: {  	[sflag:s16] =	ssyncset.done $0x0  }
0x1bf: {  	[sflag:s16] =	ssyncadd.s32 $0xFFFFFF80  }
0x1c0: {  	_ =	swait.ge [sflag:s16], $0x80  }
0x1c1: {  	[sflag:s16] =	ssyncset.done $0x0  }
0x1c2: {  	[sflag:s16] =	ssyncadd.s32 $0xFFFFFF80  }
0x1c3: {  	_ =	swait.ge [sflag:s16], $0x80  }
0x1c4: {  	[sflag:s16] =	ssyncset.done $0x0  }
0x1c5: {  	[sflag:s16] =	ssyncadd.s32 $0xFFFFFF80  }
0x1c6: {  	_ =	swait.ge [sflag:s16], $0x80  }
0x1c7: {  	[sflag:s16] =	ssyncset.done $0x0  }
0x1c8: {  	[sflag:s16] =	ssyncadd.s32 $0xFFFFFF80  }
0x1c9: {  	_ =	swait.ge [sflag:s16], $0x80  }
0x1ca: {  	[sflag:s16] =	ssyncset.done $0x0  }
0x1cb: {  	[sflag:s16] =	ssyncadd.s32 $0xFFFFFF80  }
0x1cc: {  	_ =	swait.ge [sflag:s16], $0x80  }
0x1cd: {  	[sflag:s16] =	ssyncset.done $0x0  }
0x1ce: {  	[sflag:s16] =	ssyncadd.s32 $0xFFFFFF80  }
0x1cf: {  	_ =	swait.ge [sflag:s16], $0x80  }
0x1d0: {  	[sflag:s16] =	ssyncset.done $0x0  }
0x1d1: {  	s24 =	simm.s32 $0x1E00;
	[sflag:s16] =	ssyncadd.s32 $0xFFFFFF80  }
0x1d2: {  	[tilespmem:s24], [sflag:$0x2] =	stream.indirect.gather [hbm4b:s3+s9], $0x1, s2, s9, $0xb8;
	[tilespmem:$0x4A10] =	vst v63  }
0x1d3: {  	s25 =	simm.s32 $0x3E00;
	s21 =	rddreg [dreg:$0x13]  }
0x1d4: {  	[tilespmem:s25], [sflag:$0x2] =	stream.indirect.gather [hbm4b:s21+s9], $0x1, s8, s9, $0xb8;
	[tilespmem:$0x4A10] =	vst v63  }
0x1d5: {  	s24 =	simm.s32 $0x1E80  }
0x1d6: {  	[tilespmem:s24], [sflag:$0x2] =	stream.indirect.gather [hbm4b:s3+s9], $0x1, s9, s9, $0xb8;
	[tilespmem:$0x4A10] =	vst v63  }
0x1d7: {  	s25 =	simm.s32 $0x3E80  }
0x1d8: {  	[tilespmem:s25], [sflag:$0x2] =	stream.indirect.gather [hbm4b:s21+s9], $0x1, s10, s9, $0xb8;
	[tilespmem:$0x4A10] =	vst v63  }
0x1d9: {  	s24 =	simm.s32 $0x1F00  }
0x1da: {  	[tilespmem:s24], [sflag:$0x2] =	stream.indirect.gather [hbm4b:s3+s9], $0x1, s11, s9, $0xb8;
	[tilespmem:$0x4A10] =	vst v63  }
0x1db: {  	s25 =	simm.s32 $0x3F00  }
0x1dc: {  	[tilespmem:s25], [sflag:$0x2] =	stream.indirect.gather [hbm4b:s21+s9], $0x1, s12, s9, $0xb8;
	[tilespmem:$0x4A10] =	vst v63  }
0x1dd: {  	s24 =	simm.s32 $0x1F80  }
0x1de: {  	[tilespmem:s24], [sflag:$0x2] =	stream.indirect.gather [hbm4b:s3+s9], $0x1, s13, s9, $0xb8;
	[tilespmem:$0x4A10] =	vst v63  }
0x1df: {  	s25 =	simm.s32 $0x3F80  }
0x1e0: {  	[tilespmem:s25], [sflag:$0x2] =	stream.indirect.gather [hbm4b:s21+s9], $0x1, s15, s9, $0xb8;
	[tilespmem:$0x4A10] =	vst v63  }
0x1e1: {  	_ =	swait.ge [sflag:s17], $0x80  }
0x1e2: {  	[sflag:s17] =	ssyncset.done $0x0  }
0x1e3: {  	[sflag:s17] =	ssyncadd.s32 $0xFFFFFF80  }
0x1e4: {  	_ =	swait.ge [sflag:s17], $0x80  }
0x1e5: {  	[sflag:s17] =	ssyncset.done $0x0  }
0x1e6: {  	[sflag:s17] =	ssyncadd.s32 $0xFFFFFF80  }
0x1e7: {  	_ =	swait.ge [sflag:s17], $0x80  }
0x1e8: {  	[sflag:s17] =	ssyncset.done $0x0  }
0x1e9: {  	[sflag:s17] =	ssyncadd.s32 $0xFFFFFF80  }
0x1ea: {  	_ =	swait.ge [sflag:s17], $0x80  }
0x1eb: {  	[sflag:s17] =	ssyncset.done $0x0  }
0x1ec: {  	[sflag:s17] =	ssyncadd.s32 $0xFFFFFF80  }
0x1ed: {  	_ =	swait.ge [sflag:s17], $0x80  }
0x1ee: {  	[sflag:s17] =	ssyncset.done $0x0  }
0x1ef: {  	[sflag:s17] =	ssyncadd.s32 $0xFFFFFF80  }
0x1f0: {  	_ =	swait.ge [sflag:s17], $0x80  }
0x1f1: {  	[sflag:s17] =	ssyncset.done $0x0  }
0x1f2: {  	[sflag:s17] =	ssyncadd.s32 $0xFFFFFF80  }
0x1f3: {  	_ =	swait.ge [sflag:s17], $0x80  }
0x1f4: {  	[sflag:s17] =	ssyncset.done $0x0  }
0x1f5: {  	[sflag:s17] =	ssyncadd.s32 $0xFFFFFF80  }
0x1f6: {  	_ =	swait.ge [sflag:s17], $0x80  }
0x1f7: {  	[sflag:s17] =	ssyncset.done $0x0  }
0x1f8: {  	s24 =	simm.s32 $0x2000;
	[sflag:s17] =	ssyncadd.s32 $0xFFFFFF80  }
0x1f9: {  	[tilespmem:s24], [sflag:$0x3] =	stream.indirect.gather [hbm4b:s4+s9], $0x1, s2, s9, $0xb8;
	[tilespmem:$0x4A10] =	vst v63  }
0x1fa: {  	s25 =	simm.s32 $0x4000;
	s21 =	rddreg [dreg:$0x14]  }
0x1fb: {  	[tilespmem:s25], [sflag:$0x3] =	stream.indirect.gather [hbm4b:s21+s9], $0x1, s8, s9, $0xb8;
	[tilespmem:$0x4A10] =	vst v63  }
0x1fc: {  	s24 =	simm.s32 $0x2080  }
0x1fd: {  	[tilespmem:s24], [sflag:$0x3] =	stream.indirect.gather [hbm4b:s4+s9], $0x1, s9, s9, $0xb8;
	[tilespmem:$0x4A10] =	vst v63  }
0x1fe: {  	s25 =	simm.s32 $0x4080  }
0x1ff: {  	[tilespmem:s25], [sflag:$0x3] =	stream.indirect.gather [hbm4b:s21+s9], $0x1, s10, s9, $0xb8;
	[tilespmem:$0x4A10] =	vst v63  }
0x200: {  	s24 =	simm.s32 $0x2100  }
0x201: {  	[tilespmem:s24], [sflag:$0x3] =	stream.indirect.gather [hbm4b:s4+s9], $0x1, s11, s9, $0xb8;
	[tilespmem:$0x4A10] =	vst v63  }
0x202: {  	s25 =	simm.s32 $0x4100  }
0x203: {  	[tilespmem:s25], [sflag:$0x3] =	stream.indirect.gather [hbm4b:s21+s9], $0x1, s12, s9, $0xb8;
	[tilespmem:$0x4A10] =	vst v63  }
0x204: {  	s24 =	simm.s32 $0x2180  }
0x205: {  	[tilespmem:s24], [sflag:$0x3] =	stream.indirect.gather [hbm4b:s4+s9], $0x1, s13, s9, $0xb8;
	[tilespmem:$0x4A10] =	vst v63  }
0x206: {  	s25 =	simm.s32 $0x4180  }
0x207: {  	[tilespmem:s25], [sflag:$0x3] =	stream.indirect.gather [hbm4b:s21+s9], $0x1, s15, s9, $0xb8;
	[tilespmem:$0x4A10] =	vst v63  }
0x208: {  	_ =	swait.ge [sflag:s18], $0x80  }
0x209: {  	[sflag:s18] =	ssyncset.done $0x0  }
0x20a: {  	[sflag:s18] =	ssyncadd.s32 $0xFFFFFF80  }
0x20b: {  	_ =	swait.ge [sflag:s18], $0x80  }
0x20c: {  	[sflag:s18] =	ssyncset.done $0x0  }
0x20d: {  	[sflag:s18] =	ssyncadd.s32 $0xFFFFFF80  }
0x20e: {  	_ =	swait.ge [sflag:s18], $0x80  }
0x20f: {  	[sflag:s18] =	ssyncset.done $0x0  }
0x210: {  	[sflag:s18] =	ssyncadd.s32 $0xFFFFFF80  }
0x211: {  	_ =	swait.ge [sflag:s18], $0x80  }
0x212: {  	[sflag:s18] =	ssyncset.done $0x0  }
0x213: {  	[sflag:s18] =	ssyncadd.s32 $0xFFFFFF80  }
0x214: {  	_ =	swait.ge [sflag:s18], $0x80  }
0x215: {  	[sflag:s18] =	ssyncset.done $0x0  }
0x216: {  	[sflag:s18] =	ssyncadd.s32 $0xFFFFFF80  }
0x217: {  	_ =	swait.ge [sflag:s18], $0x80  }
0x218: {  	[sflag:s18] =	ssyncset.done $0x0  }
0x219: {  	[sflag:s18] =	ssyncadd.s32 $0xFFFFFF80  }
0x21a: {  	_ =	swait.ge [sflag:s18], $0x80  }
0x21b: {  	[sflag:s18] =	ssyncset.done $0x0  }
0x21c: {  	[sflag:s18] =	ssyncadd.s32 $0xFFFFFF80  }
0x21d: {  	_ =	swait.ge [sflag:s18], $0x80  }
0x21e: {  	[sflag:s18] =	ssyncset.done $0x0  }
0x21f: {  	s24 =	simm.s32 $0x2200;
	[sflag:s18] =	ssyncadd.s32 $0xFFFFFF80  }
0x220: {  	[tilespmem:s24], [sflag:$0x4] =	stream.indirect.gather [hbm4b:s5+s9], $0x1, s2, s9, $0xb8;
	[tilespmem:$0x4A10] =	vst v63  }
0x221: {  	s25 =	simm.s32 $0x4200;
	s21 =	rddreg [dreg:$0x15]  }
0x222: {  	[tilespmem:s25], [sflag:$0x4] =	stream.indirect.gather [hbm4b:s21+s9], $0x1, s8, s9, $0xb8;
	[tilespmem:$0x4A10] =	vst v63  }
0x223: {  	s24 =	simm.s32 $0x2280  }
0x224: {  	[tilespmem:s24], [sflag:$0x4] =	stream.indirect.gather [hbm4b:s5+s9], $0x1, s9, s9, $0xb8;
	[tilespmem:$0x4A10] =	vst v63  }
0x225: {  	s25 =	simm.s32 $0x4280  }
0x226: {  	[tilespmem:s25], [sflag:$0x4] =	stream.indirect.gather [hbm4b:s21+s9], $0x1, s10, s9, $0xb8;
	[tilespmem:$0x4A10] =	vst v63  }
0x227: {  	s24 =	simm.s32 $0x2300  }
0x228: {  	[tilespmem:s24], [sflag:$0x4] =	stream.indirect.gather [hbm4b:s5+s9], $0x1, s11, s9, $0xb8;
	[tilespmem:$0x4A10] =	vst v63  }
0x229: {  	s25 =	simm.s32 $0x4300  }
0x22a: {  	[tilespmem:s25], [sflag:$0x4] =	stream.indirect.gather [hbm4b:s21+s9], $0x1, s12, s9, $0xb8;
	[tilespmem:$0x4A10] =	vst v63  }
0x22b: {  	s24 =	simm.s32 $0x2380  }
0x22c: {  	[tilespmem:s24], [sflag:$0x4] =	stream.indirect.gather [hbm4b:s5+s9], $0x1, s13, s9, $0xb8;
	[tilespmem:$0x4A10] =	vst v63  }
0x22d: {  	s25 =	simm.s32 $0x4380  }
0x22e: {  	[tilespmem:s25], [sflag:$0x4] =	stream.indirect.gather [hbm4b:s21+s9], $0x1, s15, s9, $0xb8;
	[tilespmem:$0x4A10] =	vst v63  }
0x22f: {  	_ =	swait.ge [sflag:s19], $0x80  }
0x230: {  	[sflag:s19] =	ssyncset.done $0x0  }
0x231: {  	[sflag:s19] =	ssyncadd.s32 $0xFFFFFF80  }
0x232: {  	_ =	swait.ge [sflag:s19], $0x80  }
0x233: {  	[sflag:s19] =	ssyncset.done $0x0  }
0x234: {  	[sflag:s19] =	ssyncadd.s32 $0xFFFFFF80  }
0x235: {  	_ =	swait.ge [sflag:s19], $0x80  }
0x236: {  	[sflag:s19] =	ssyncset.done $0x0  }
0x237: {  	[sflag:s19] =	ssyncadd.s32 $0xFFFFFF80  }
0x238: {  	_ =	swait.ge [sflag:s19], $0x80  }
0x239: {  	[sflag:s19] =	ssyncset.done $0x0  }
0x23a: {  	[sflag:s19] =	ssyncadd.s32 $0xFFFFFF80  }
0x23b: {  	_ =	swait.ge [sflag:s19], $0x80  }
0x23c: {  	[sflag:s19] =	ssyncset.done $0x0  }
0x23d: {  	[sflag:s19] =	ssyncadd.s32 $0xFFFFFF80  }
0x23e: {  	_ =	swait.ge [sflag:s19], $0x80  }
0x23f: {  	[sflag:s19] =	ssyncset.done $0x0  }
0x240: {  	[sflag:s19] =	ssyncadd.s32 $0xFFFFFF80  }
0x241: {  	_ =	swait.ge [sflag:s19], $0x80  }
0x242: {  	[sflag:s19] =	ssyncset.done $0x0  }
0x243: {  	[sflag:s19] =	ssyncadd.s32 $0xFFFFFF80  }
0x244: {  	_ =	swait.ge [sflag:s19], $0x80  }
0x245: {  	[sflag:s19] =	ssyncset.done $0x0  }
0x246: {  	s24 =	simm.s32 $0x4400;
	[sflag:s19] =	ssyncadd.s32 $0xFFFFFF80  }
0x247: {  	[tilespmem:s24], [sflag:$0x1] =	stream.indirect.gather [hbm4b:s6+s9], $0x1, s2, s9, $0xb8;
	[tilespmem:$0x4A10] =	vst v63  }
0x248: {  	s25 =	simm.s32 $0x4600;
	s21 =	rddreg [dreg:$0x16]  }
0x249: {  	[tilespmem:s25], [sflag:$0x1] =	stream.indirect.gather [hbm4b:s21+s9], $0x1, s8, s9, $0xb8;
	[tilespmem:$0x4A10] =	vst v63  }
0x24a: {  	s24 =	simm.s32 $0x4480  }
0x24b: {  	[tilespmem:s24], [sflag:$0x1] =	stream.indirect.gather [hbm4b:s6+s9], $0x1, s9, s9, $0xb8;
	[tilespmem:$0x4A10] =	vst v63  }
0x24c: {  	s25 =	simm.s32 $0x4680  }
0x24d: {  	[tilespmem:s25], [sflag:$0x1] =	stream.indirect.gather [hbm4b:s21+s9], $0x1, s10, s9, $0xb8;
	[tilespmem:$0x4A10] =	vst v63  }
0x24e: {  	s24 =	simm.s32 $0x4500  }
0x24f: {  	[tilespmem:s24], [sflag:$0x1] =	stream.indirect.gather [hbm4b:s6+s9], $0x1, s11, s9, $0xb8;
	[tilespmem:$0x4A10] =	vst v63  }
0x250: {  	s25 =	simm.s32 $0x4700  }
0x251: {  	[tilespmem:s25], [sflag:$0x1] =	stream.indirect.gather [hbm4b:s21+s9], $0x1, s12, s9, $0xb8;
	[tilespmem:$0x4A10] =	vst v63  }
0x252: {  	s24 =	simm.s32 $0x4580  }
0x253: {  	[tilespmem:s24], [sflag:$0x1] =	stream.indirect.gather [hbm4b:s6+s9], $0x1, s13, s9, $0xb8;
	[tilespmem:$0x4A10] =	vst v63  }
0x254: {  	s25 =	simm.s32 $0x4780  }
0x255: {  	[tilespmem:s25], [sflag:$0x1] =	stream.indirect.gather [hbm4b:s21+s9], $0x1, s15, s9, $0xb8;
	[tilespmem:$0x4A10] =	vst v63  }
0x256: {  	_ =	swait.ge [sflag:s16], $0x80  }
0x257: {  	[sflag:s16] =	ssyncset.done $0x0  }
0x258: {  	[sflag:s16] =	ssyncadd.s32 $0xFFFFFF80  }
0x259: {  	_ =	swait.ge [sflag:s16], $0x80  }
0x25a: {  	[sflag:s16] =	ssyncset.done $0x0  }
0x25b: {  	[sflag:s16] =	ssyncadd.s32 $0xFFFFFF80  }
0x25c: {  	_ =	swait.ge [sflag:s16], $0x80  }
0x25d: {  	[sflag:s16] =	ssyncset.done $0x0  }
0x25e: {  	[sflag:s16] =	ssyncadd.s32 $0xFFFFFF80  }
0x25f: {  	_ =	swait.ge [sflag:s16], $0x80  }
0x260: {  	[sflag:s16] =	ssyncset.done $0x0  }
0x261: {  	[sflag:s16] =	ssyncadd.s32 $0xFFFFFF80  }
0x262: {  	_ =	swait.ge [sflag:s16], $0x80  }
0x263: {  	[sflag:s16] =	ssyncset.done $0x0  }
0x264: {  	[sflag:s16] =	ssyncadd.s32 $0xFFFFFF80  }
0x265: {  	_ =	swait.ge [sflag:s16], $0x80  }
0x266: {  	[sflag:s16] =	ssyncset.done $0x0  }
0x267: {  	[sflag:s16] =	ssyncadd.s32 $0xFFFFFF80  }
0x268: {  	_ =	swait.ge [sflag:s16], $0x80  }
0x269: {  	[sflag:s16] =	ssyncset.done $0x0  }
0x26a: {  	[sflag:s16] =	ssyncadd.s32 $0xFFFFFF80  }
0x26b: {  	_ =	swait.ge [sflag:s16], $0x80  }
0x26c: {  	[sflag:s16] =	ssyncset.done $0x0  }
0x26d: {  	[sflag:s16] =	ssyncadd.s32 $0xFFFFFF80  }
0x26e: {  	_ =	swait.ge [sflag:s17], $0x80  }
0x26f: {  	[sflag:s17] =	ssyncset.done $0x0  }
0x270: {  	[sflag:s17] =	ssyncadd.s32 $0xFFFFFF80  }
0x271: {  	_ =	swait.ge [sflag:s17], $0x80  }
0x272: {  	[sflag:s17] =	ssyncset.done $0x0  }
0x273: {  	[sflag:s17] =	ssyncadd.s32 $0xFFFFFF80  }
0x274: {  	_ =	swait.ge [sflag:s17], $0x80  }
0x275: {  	[sflag:s17] =	ssyncset.done $0x0  }
0x276: {  	[sflag:s17] =	ssyncadd.s32 $0xFFFFFF80  }
0x277: {  	_ =	swait.ge [sflag:s17], $0x80  }
0x278: {  	[sflag:s17] =	ssyncset.done $0x0  }
0x279: {  	[sflag:s17] =	ssyncadd.s32 $0xFFFFFF80  }
0x27a: {  	_ =	swait.ge [sflag:s17], $0x80  }
0x27b: {  	[sflag:s17] =	ssyncset.done $0x0  }
0x27c: {  	[sflag:s17] =	ssyncadd.s32 $0xFFFFFF80  }
0x27d: {  	_ =	swait.ge [sflag:s17], $0x80  }
0x27e: {  	[sflag:s17] =	ssyncset.done $0x0  }
0x27f: {  	[sflag:s17] =	ssyncadd.s32 $0xFFFFFF80  }
0x280: {  	_ =	swait.ge [sflag:s17], $0x80  }
0x281: {  	[sflag:s17] =	ssyncset.done $0x0  }
0x282: {  	[sflag:s17] =	ssyncadd.s32 $0xFFFFFF80  }
0x283: {  	_ =	swait.ge [sflag:s17], $0x80  }
0x284: {  	[sflag:s17] =	ssyncset.done $0x0  }
0x285: {  	[sflag:s17] =	ssyncadd.s32 $0xFFFFFF80  }
0x286: {  	_ =	swait.ge [sflag:s18], $0x80  }
0x287: {  	[sflag:s18] =	ssyncset.done $0x0  }
0x288: {  	[sflag:s18] =	ssyncadd.s32 $0xFFFFFF80  }
0x289: {  	_ =	swait.ge [sflag:s18], $0x80  }
0x28a: {  	[sflag:s18] =	ssyncset.done $0x0  }
0x28b: {  	[sflag:s18] =	ssyncadd.s32 $0xFFFFFF80  }
0x28c: {  	_ =	swait.ge [sflag:s18], $0x80  }
0x28d: {  	[sflag:s18] =	ssyncset.done $0x0  }
0x28e: {  	[sflag:s18] =	ssyncadd.s32 $0xFFFFFF80  }
0x28f: {  	_ =	swait.ge [sflag:s18], $0x80  }
0x290: {  	[sflag:s18] =	ssyncset.done $0x0  }
0x291: {  	[sflag:s18] =	ssyncadd.s32 $0xFFFFFF80  }
0x292: {  	_ =	swait.ge [sflag:s18], $0x80  }
0x293: {  	[sflag:s18] =	ssyncset.done $0x0  }
0x294: {  	[sflag:s18] =	ssyncadd.s32 $0xFFFFFF80  }
0x295: {  	_ =	swait.ge [sflag:s18], $0x80  }
0x296: {  	[sflag:s18] =	ssyncset.done $0x0  }
0x297: {  	[sflag:s18] =	ssyncadd.s32 $0xFFFFFF80  }
0x298: {  	_ =	swait.ge [sflag:s18], $0x80  }
0x299: {  	[sflag:s18] =	ssyncset.done $0x0  }
0x29a: {  	[sflag:s18] =	ssyncadd.s32 $0xFFFFFF80  }
0x29b: {  	_ =	swait.ge [sflag:s18], $0x80  }
0x29c: {  	[sflag:s18] =	ssyncset.done $0x0  }
0x29d: {  	[sflag:s18] =	ssyncadd.s32 $0xFFFFFF80  }
0x29e: {  	_ =	swait.ge [sflag:s19], $0x80  }
0x29f: {  	[sflag:s19] =	ssyncset.done $0x0  }
0x2a0: {  	[sflag:s19] =	ssyncadd.s32 $0xFFFFFF80  }
0x2a1: {  	_ =	swait.ge [sflag:s19], $0x80  }
0x2a2: {  	[sflag:s19] =	ssyncset.done $0x0  }
0x2a3: {  	[sflag:s19] =	ssyncadd.s32 $0xFFFFFF80  }
0x2a4: {  	_ =	swait.ge [sflag:s19], $0x80  }
0x2a5: {  	[sflag:s19] =	ssyncset.done $0x0  }
0x2a6: {  	[sflag:s19] =	ssyncadd.s32 $0xFFFFFF80  }
0x2a7: {  	_ =	swait.ge [sflag:s19], $0x80  }
0x2a8: {  	[sflag:s19] =	ssyncset.done $0x0  }
0x2a9: {  	[sflag:s19] =	ssyncadd.s32 $0xFFFFFF80  }
0x2aa: {  	_ =	swait.ge [sflag:s19], $0x80  }
0x2ab: {  	[sflag:s19] =	ssyncset.done $0x0  }
0x2ac: {  	[sflag:s19] =	ssyncadd.s32 $0xFFFFFF80  }
0x2ad: {  	_ =	swait.ge [sflag:s19], $0x80  }
0x2ae: {  	[sflag:s19] =	ssyncset.done $0x0  }
0x2af: {  	[sflag:s19] =	ssyncadd.s32 $0xFFFFFF80  }
0x2b0: {  	_ =	swait.ge [sflag:s19], $0x80  }
0x2b1: {  	[sflag:s19] =	ssyncset.done $0x0  }
0x2b2: {  	[sflag:s19] =	ssyncadd.s32 $0xFFFFFF80  }
0x2b3: {  	_ =	swait.ge [sflag:s19], $0x80  }
0x2b4: {  	[sflag:s19] =	ssyncset.done $0x0  }
0x2b5: {  	[sflag:s19] =	ssyncadd.s32 $0xFFFFFF80  }
0x2b6: {  	_ =	swait.ge [sflag:s16], $0x80  }
0x2b7: {  	[sflag:s16] =	ssyncset.done $0x0  }
0x2b8: {  	[sflag:s16] =	ssyncadd.s32 $0xFFFFFF80  }
0x2b9: {  	_ =	swait.ge [sflag:s16], $0x80  }
0x2ba: {  	[sflag:s16] =	ssyncset.done $0x0  }
0x2bb: {  	[sflag:s16] =	ssyncadd.s32 $0xFFFFFF80  }
0x2bc: {  	_ =	swait.ge [sflag:s16], $0x80  }
0x2bd: {  	[sflag:s16] =	ssyncset.done $0x0  }
0x2be: {  	[sflag:s16] =	ssyncadd.s32 $0xFFFFFF80  }
0x2bf: {  	_ =	swait.ge [sflag:s16], $0x80  }
0x2c0: {  	[sflag:s16] =	ssyncset.done $0x0  }
0x2c1: {  	[sflag:s16] =	ssyncadd.s32 $0xFFFFFF80  }
0x2c2: {  	_ =	swait.ge [sflag:s16], $0x80  }
0x2c3: {  	[sflag:s16] =	ssyncset.done $0x0  }
0x2c4: {  	[sflag:s16] =	ssyncadd.s32 $0xFFFFFF80  }
0x2c5: {  	_ =	swait.ge [sflag:s16], $0x80  }
0x2c6: {  	[sflag:s16] =	ssyncset.done $0x0  }
0x2c7: {  	[sflag:s16] =	ssyncadd.s32 $0xFFFFFF80  }
0x2c8: {  	_ =	swait.ge [sflag:s16], $0x80  }
0x2c9: {  	[sflag:s16] =	ssyncset.done $0x0  }
0x2ca: {  	[sflag:s16] =	ssyncadd.s32 $0xFFFFFF80  }
0x2cb: {  	_ =	swait.ge [sflag:s16], $0x80  }
0x2cc: {  	[sflag:s16] =	ssyncset.done $0x0  }
0x2cd: {  	[sflag:s16] =	ssyncadd.s32 $0xFFFFFF80  }
0x2ce: {  	s21 =	simm.s32 $0x0;
	v0 =	vld [tilespmem:$0x4800]  }
0x2cf: {  	v4 =	vld [tilespmem:s21+$0x2200]  }
0x2d0: {  	v1 =	vld [tilespmem:s21+$0x400]  }
0x2d1: {  	v2 =	vld [tilespmem:s21+$0x2400]  }
0x2d2: {  	v3 =	vld [tilespmem:s21+$0x600]  }
0x2d3: {  	v5 =	vld [tilespmem:s21+$0x2600]  }
0x2d4: {  	v6 =	vld [tilespmem:s21+$0x800]  }
0x2d5: {  	v7 =	vld [tilespmem:s21+$0x2800]  }
0x2d6: {  	v8 =	vld [tilespmem:s21+$0xA00]  }
0x2d7: {  	v9 =	vld [tilespmem:s21+$0x2A00]  }
0x2d8: {  	v1 =	vmul.f32 v2, v1;
	v2 =	vmul.f32 v5, v3;
	v3 =	vld [tilespmem:s21+$0xC00]  }
0x2d9: {  	v5 =	vld [tilespmem:s21+$0x2C00]  }
0x2da: {  	v1 =	vadd.f32 v2, v1;
	v2 =	vmul.f32 v7, v6;
	v6 =	vld [tilespmem:s21+$0xE00]  }
0x2db: {  	v7 =	vld [tilespmem:s21+$0x2E00]  }
0x2dc: {  	v1 =	vadd.f32 v2, v1;
	v2 =	vmul.f32 v9, v8;
	v8 =	vld [tilespmem:s21+$0x1000]  }
0x2dd: {  	v9 =	vld [tilespmem:s21+$0x3000]  }
0x2de: {  	v1 =	vadd.f32 v2, v1;
	v2 =	vmul.f32 v5, v3;
	v3 =	vld [tilespmem:s21+$0x1200]  }
0x2df: {  	v5 =	vld [tilespmem:s21+$0x3200]  }
0x2e0: {  	v1 =	vadd.f32 v2, v1;
	v2 =	vmul.f32 v7, v6;
	v6 =	vld [tilespmem:s21+$0x1400]  }
0x2e1: {  	v7 =	vld [tilespmem:s21+$0x3400]  }
0x2e2: {  	v1 =	vadd.f32 v2, v1;
	v2 =	vmul.f32 v9, v8;
	v8 =	vld [tilespmem:s21+$0x1600]  }
0x2e3: {  	v9 =	vld [tilespmem:s21+$0x3600]  }
0x2e4: {  	v1 =	vadd.f32 v2, v1;
	v2 =	vmul.f32 v5, v3;
	v3 =	vld [tilespmem:s21+$0x1800]  }
0x2e5: {  	v5 =	vld [tilespmem:s21+$0x3800]  }
0x2e6: {  	v1 =	vadd.f32 v2, v1;
	v2 =	vmul.f32 v7, v6;
	v6 =	vld [tilespmem:s21+$0x1A00]  }
0x2e7: {  	v7 =	vld [tilespmem:s21+$0x3A00]  }
0x2e8: {  	v1 =	vadd.f32 v2, v1;
	v2 =	vmul.f32 v9, v8;
	v8 =	vld [tilespmem:s21+$0x1C00]  }
0x2e9: {  	v9 =	vld [tilespmem:s21+$0x3C00]  }
0x2ea: {  	v1 =	vadd.f32 v2, v1;
	v2 =	vmul.f32 v5, v3;
	v3 =	vld [tilespmem:s21+$0x1E00]  }
0x2eb: {  	v5 =	vld [tilespmem:s21+$0x3E00]  }
0x2ec: {  	v10 =	vld [tilespmem:s21+$0x4000];
	v1 =	vadd.f32 v2, v1;
	v2 =	vmul.f32 v7, v6  }
0x2ed: {  	v7 =	vld [tilespmem:s21+$0x2000]  }
0x2ee: {  	v11 =	vld [tilespmem:s21+$0x4400];
	v1 =	vadd.f32 v2, v1;
	v2 =	vmul.f32 v9, v8  }
0x2ef: {  	v9 =	vld [tilespmem:s21+$0x4200]  }
0x2f0: {  	s23 =	simm.s32 $0x10;
	v3 =	vmul.f32 v5, v3;
	v8 =	vadd.f32 v2, v1;
	v2 =	vld [tilespmem:s21+$0x4600]  }
0x2f1: {  	v1 =	vld [tilespmem:s23+$0x2200]  }
0x2f2: {  	v6 =	vld [tilespmem:s23+$0x400];
	v5 =	vmul.f32 v10, v7;
	v3 =	vadd.f32 v3, v8  }
0x2f3: {  	v7 =	vld [tilespmem:s23+$0x2400]  }
0x2f4: {  	s24 =	simm.s32 $0x80;
	v8 =	vld [tilespmem:s23+$0x600];
	v4 =	vmul.f32 v9, v4;
	v3 =	vadd.f32 v5, v3;
	v5 =	vadd.f32 v11, v0  }
.LBB2_2:
0x2f5: {  	p0 =	sne.s32 s24, $0x7C0;
	v9 =	vld [tilespmem:s23+$0x2600]  }
0x2f6: {  	v10 =	vld [tilespmem:s23+$0x800];
	v3 =	vadd.f32 v4, v3;
	v2 =	vadd.f32 v2, v5;
	v4 =	vmov v1  }
0x2f7: {  	v1 =	vld [tilespmem:s23+$0x2800]  }
0x2f8: {  	v5 =	vld [tilespmem:s23+$0xA00];
	v2 =	vadd.f32 v2, v3  }
0x2f9: {  	v3 =	vld [tilespmem:s23+$0x2A00]  }
0x2fa: {  	v6 =	vmul.f32 v7, v6;
	v7 =	vmul.f32 v9, v8;
	v8 =	vld [tilespmem:s23+$0xC00];
	v2 =	vsub.f32 $0.0e+00, v2  }
0x2fb: {  	v9 =	vld [tilespmem:s23+$0x2C00]  }
0x2fc: {  	v6 =	vadd.f32 v7, v6;
	v1 =	vmul.f32 v1, v10;
	v7 =	vld [tilespmem:s23+$0xE00];
	v2 =	vmul.f32 $1.442695020e+00, v2  }
0x2fd: {  	v10 =	vld [tilespmem:s23+$0x2E00]  }
0x2fe: {  	v1 =	vadd.f32 v1, v6;
	v3 =	vmul.f32 v3, v5;
	v5 =	vld [tilespmem:s23+$0x1000];
	(erf) = vpow2.f32 v2  }
0x2ff: {  	v2 =	vld [tilespmem:s23+$0x3000]  }
0x300: {  	v1 =	vadd.f32 v3, v1;
	v3 =	vmul.f32 v9, v8;
	v6 =	vld [tilespmem:s23+$0x1200]  }
0x301: {  	v8 =	vld [tilespmem:s23+$0x3200]  }
0x302: {  	v1 =	vadd.f32 v3, v1;
	v3 =	vmul.f32 v10, v7;
	v7 =	vld [tilespmem:s23+$0x1400]  }
0x303: {  	v9 =	vld [tilespmem:s23+$0x3400]  }
0x304: {  	v1 =	vadd.f32 v3, v1;
	v2 =	vmul.f32 v2, v5;
	v3 =	vld [tilespmem:s23+$0x1600]  }
0x305: {  	v5 =	vld [tilespmem:s23+$0x3600]  }
0x306: {  	v1 =	vadd.f32 v2, v1;
	v2 =	vmul.f32 v8, v6;
	v6 =	vld [tilespmem:s23+$0x1800]  }
0x307: {  	v8 =	vld [tilespmem:s23+$0x3800];
	v10 =	vpop (erf)  }
0x308: {  	v1 =	vadd.f32 v2, v1;
	v2 =	vmul.f32 v9, v7;
	v7 =	vld [tilespmem:s23+$0x1A00];
	v9 =	vadd.f32 $1.000000000e+00, v10  }
0x309: {  	v10 =	vld [tilespmem:s23+$0x3A00]  }
0x30a: {  	v1 =	vadd.f32 v2, v1;
	v2 =	vmul.f32 v5, v3;
	v3 =	vld [tilespmem:s23+$0x1C00];
	(erf) = vrcp.f32 v9  }
0x30b: {  	v5 =	vld [tilespmem:s23+$0x3C00]  }
0x30c: {  	v1 =	vadd.f32 v2, v1;
	v2 =	vmul.f32 v8, v6;
	v6 =	vld [tilespmem:s23+$0x1E00]  }
0x30d: {  	v8 =	vld [tilespmem:s23+$0x3E00]  }
0x30e: {  	v1 =	vadd.f32 v2, v1;
	v2 =	vmul.f32 v10, v7;
	v7 =	vld [tilespmem:s23+$0x2000]  }
0x30f: {  	v9 =	vld [tilespmem:s23+$0x4000]  }
0x310: {  	v1 =	vadd.f32 v2, v1;
	v2 =	vmul.f32 v5, v3;
	v5 =	vld [tilespmem:s23+$0x4200]  }
0x311: {  	v10 =	vld [tilespmem:s23+$0x4400]  }
.Ltmp0:
0x312: {  	s25 =	sshra.s32 s24, $0x2;
	v3 =	vadd.f32 v2, v1;
	v8 =	vmul.f32 v8, v6;
	v2 =	vld [tilespmem:s23+$0x4600];
	(pc) =	sbr.rel @p0 .LBB2_2-.Ltmp0, $4  }
0x313: {  	v1 =	vld [tilespmem:s25+$0x2200];
	v11 =	vpop (erf)  }
0x314: {  	v6 =	vld [tilespmem:s25+$0x400];
	v3 =	vadd.f32 v8, v3;
	v9 =	vmul.f32 v9, v7;
	[tilespmem:s21+$0x4810] =	vst v11;
	s21 =	smov.u32 s23;
	s23 =	smov.u32 s25  }
0x315: {  	v7 =	vld [tilespmem:s23+$0x2400]  }
0x316: {  	s24 =	sadd.s32 $0x40, s24;
	v4 =	vmul.f32 v5, v4;
	v8 =	vld [tilespmem:s23+$0x600];
	v3 =	vadd.f32 v9, v3;
	v5 =	vadd.f32 v10, v0  }
0x317: {  	v9 =	vld [tilespmem:s23+$0x2600]  }
0x318: {  	v10 =	vld [tilespmem:s23+$0x800]  }
0x319: {  	v11 =	vld [tilespmem:s23+$0x2800]  }
0x31a: {  	v12 =	vld [tilespmem:s23+$0xA00]  }
0x31b: {  	v13 =	vld [tilespmem:s23+$0x2A00]  }
0x31c: {  	v23 =	vld [tilespmem:s23+$0xC00];
	v6 =	vmul.f32 v7, v6;
	v22 =	vmul.f32 v9, v8  }
0x31d: {  	v24 =	vld [tilespmem:s23+$0x2C00]  }
0x31e: {  	v26 =	vld [tilespmem:s23+$0xE00];
	v25 =	vmul.f32 v11, v10;
	v6 =	vadd.f32 v22, v6  }
0x31f: {  	v27 =	vld [tilespmem:s23+$0x2E00]  }
0x320: {  	v29 =	vld [tilespmem:s23+$0x1000];
	v28 =	vmul.f32 v13, v12;
	v6 =	vadd.f32 v25, v6  }
0x321: {  	v30 =	vld [tilespmem:s23+$0x3000]  }
0x322: {  	v32 =	vld [tilespmem:s23+$0x1200];
	v31 =	vmul.f32 v24, v23;
	v6 =	vadd.f32 v28, v6  }
0x323: {  	v33 =	vld [tilespmem:s23+$0x3200]  }
0x324: {  	v35 =	vld [tilespmem:s23+$0x1400];
	v34 =	vmul.f32 v27, v26;
	v6 =	vadd.f32 v31, v6  }
0x325: {  	v36 =	vld [tilespmem:s23+$0x3400]  }
0x326: {  	v38 =	vld [tilespmem:s23+$0x1600];
	v37 =	vmul.f32 v30, v29;
	v6 =	vadd.f32 v34, v6  }
0x327: {  	v39 =	vld [tilespmem:s23+$0x3600]  }
0x328: {  	v41 =	vld [tilespmem:s23+$0x1800];
	v40 =	vmul.f32 v33, v32;
	v6 =	vadd.f32 v37, v6  }
0x329: {  	v42 =	vld [tilespmem:s23+$0x3800]  }
0x32a: {  	v44 =	vld [tilespmem:s23+$0x1A00];
	v43 =	vmul.f32 v36, v35;
	v6 =	vadd.f32 v40, v6  }
0x32b: {  	v45 =	vld [tilespmem:s23+$0x3A00]  }
0x32c: {  	v47 =	vld [tilespmem:s23+$0x1C00];
	v46 =	vmul.f32 v39, v38;
	v6 =	vadd.f32 v43, v6  }
0x32d: {  	v48 =	vld [tilespmem:s23+$0x3C00];
	v3 =	vadd.f32 v4, v3;
	v2 =	vadd.f32 v2, v5  }
0x32e: {  	v51 =	vld [tilespmem:s23+$0x1E00];
	v50 =	vmul.f32 v42, v41;
	v49 =	vadd.f32 v46, v6  }
0x32f: {  	v52 =	vld [tilespmem:s23+$0x3E00];
	v2 =	vadd.f32 v2, v3  }
0x330: {  	v54 =	vld [tilespmem:s23+$0x2000];
	v53 =	vmul.f32 v45, v44;
	v5 =	vadd.f32 v50, v49  }
0x331: {  	v55 =	vld [tilespmem:s23+$0x4000];
	v2 =	vsub.f32 $0.0e+00, v2  }
0x332: {  	v56 =	vld [tilespmem:s23+$0x4200];
	v4 =	vmul.f32 v48, v47;
	v5 =	vadd.f32 v53, v5  }
0x333: {  	v57 =	vld [tilespmem:s23+$0x4400];
	v2 =	vmul.f32 $1.442695020e+00, v2  }
0x334: {  	v3 =	vmul.f32 v52, v51;
	v4 =	vadd.f32 v4, v5  }
0x335: {  	v58 =	vld [tilespmem:s23+$0x4600];
	(erf) = vpow2.f32 v2  }
0x336: {  	v59 =	vmul.f32 v55, v54;
	v3 =	vadd.f32 v3, v4;
	_ =	sdelay $0x1  }
0x337: {  	v1 =	vmul.f32 v56, v1;
	v0 =	vadd.f32 v57, v0;
	v3 =	vadd.f32 v59, v3;
	_ =	sdelay $0x1  }
0x338: {  	v0 =	vadd.f32 v58, v0;
	v1 =	vadd.f32 v1, v3;
	_ =	sdelay $0x1  }
0x339: {  	v0 =	vadd.f32 v0, v1;
	_ =	sdelay $0x1  }
0x33a: {  	v60 =	vpop (erf);
	v0 =	vsub.f32 $0.0e+00, v0  }
0x33b: {  	v1 =	vadd.f32 $1.000000000e+00, v60  }
0x33c: {  	v0 =	vmul.f32 $1.442695020e+00, v0  }
0x33d: {  	(erf) = vrcp.f32 v1  }
0x33e: {  	(erf) = vpow2.f32 v0;
	_ =	sdelay $0x7  }
0x33f: {  	v61 =	vpop (erf)  }
0x340: {  	v62 =	vpop (erf)  }
0x341: {  	v1 =	vadd.f32 $1.000000000e+00, v62;
	_ =	sdelay $0x1  }
0x342: {  	(erf) = vrcp.f32 v1;
	_ =	sdelay $0x8  }
0x343: {  	[tilespmem:s21+$0x4810] =	vst v61;
	v63 =	vpop (erf)  }
0x344: {  	s24 =	simm.s32 $0x4810;
	[tilespmem:s23+$0x4810] =	vst v63;
	s23 =	rddreg [dreg:$0x1d]  }
0x345: {  	[hbm4b:s23+s2] =	stream.linear.scatter [tilespmem:s24], [sflag:$0x5], $0x200, $0x38;
	[tilespmem:$0x4A10] =	vst v63  }
0x346: {  	_ =	swait.ge [sflag:s7], $0x200  }
0x347: {  	s20 =	sadd.s32 $0x1, s20;
	s25 =	rddreg [dreg:$0x1e]  }
0x348: {  	p0 =	sne.s32 s20, s25  }
.Ltmp1:
0x349: {  	_ = 	snop;
	(pc) =	sbr.rel @p0 .LBB2_1-.Ltmp1, $3  }
0x34a: {  	_ =	sdelay $0x1  }
0x34b: {  	[sflag:s7] =	ssyncset.done $0x0  }
0x34c: {  	[sflag:s7] =	ssyncadd.s32 $0xFFFFFE00  }
0x34d: {  	_ =	sfence.sel $0x180000  }
0x34e: {  	[bflag:$0x0] =	sbarrier.arrive $0xFFFF  }
0x34f: {  	_ =	strace $0x90000047  }
0x350: {  	s0 =	stileid.u32;
	[bflag:$0x2] =	sbarrier.arrive $0xFFFF  }
0x351: {  	p0 =	sne.s32 s0, $0x0;
	s0 =	rddreg [dreg:$0x5]  }
0x352: {  	s0 =	sadd.s32 @!p0 $0x100000, s0  }
0x353: {  	[sflag:s0] =	ssyncadd.tile.s32 @!p0 $0x1;
	_ =	shalt  }
.Lfunc_end2:
_tile_overlayer_lowered:
.L_overlay_start_2:
0x354: {  	(tag) =	ssettag $0x2  }
0x355: {  	s0 =	rddreg [dreg:$0x0];
	s2 =	stileid.u32  }
0x356: {  	s1 =	rddreg [dreg:$0x1];
	p0 =	sne.s32 s2, $0x0  }
0x357: {  	s3 =	rddreg [dreg:$0x2];
	[bflag:$0x3] =	sbarrier.arrive $0xFFFF;
	s2 =	simm.s32 @!p0 $0x1C05  }
0x358: {  	[timem:s3], [sflag:s2] =	dma.local @!p0 [hbm:s0], s1  }
0x359: {  	s0 =	simm.s32 @!p0 $0x5  }
0x35a: {  	_ =	swait.ge @!p0 [sflag:s0], s1  }
0x35b: {  	s1 =	ssub.s32 @!p0 $0x0, s1;
	[sflag:s0] =	ssyncset.done @!p0 $0x0  }
0x35c: {  	[sflag:s0] =	ssyncadd.s32 @!p0 s1  }
0x35d: {  	[bflag:$0x3] =	sbarrier.arrive $0xFFFF  }
0x35e: {  	_ =	shalt  }

</sc_bundles>
